<compile_context>
chip_gen: v7x
topology: tpu7x:2x2x1
jax: 0.10.2.dev20260603
libtpu: 0.0.44.dev20260713+nightly
codegen_flags: <defaults>
</compile_context>

<pallas_src>
import functools

import jax
import jax.numpy as jnp
from jax import lax
from jax.experimental import pallas as pl
from jax.experimental.pallas import tpu as pltpu
from jax.experimental.pallas import tpu_sc as plsc

F = 16
W8 = 8
SUB = 512
K = 1
NCORES = 2
NSUB = 16
NTILES = NCORES * NSUB
BT = 4000

_SC_PARAMS = pltpu.CompilerParams(use_tc_tiling_on_sc=False)
_MESH = dict(core_axis_name="c", subcore_axis_name="s")



def _agg_body(n_chunks, rpt, w,
              z_hbm, row_hbm, col_hbm, zeros_hbm, out,
              row_v, col_v, bufs, acc, isem,
              gsem0, gsem1, gsem2, ssem0, ssem1, ssem2):
    c = lax.axis_index("c")
    s = lax.axis_index("s")
    wid = s * NCORES + c
    pltpu.sync_copy(zeros_hbm, acc.at[pl.ds(s * rpt, rpt)])
    plsc.subcore_barrier()
    base = wid * n_chunks
    dummy = z_hbm.at[pl.ds(0, SUB)]
    idummy = row_hbm.at[0]

    def fire_idx(g):
        gc = jnp.minimum(g, n_chunks - 1)
        m = lax.rem(gc, 4)
        pltpu.async_copy(row_hbm.at[base + gc], row_v.at[m], isem)
        pltpu.async_copy(col_hbm.at[base + gc], col_v.at[m], isem)

    fire_idx(0)

    gsems = (gsem0, gsem1, gsem2)
    ssems = (ssem0, ssem1, ssem2)

    def it(g, carry):
        p = lax.rem(g, 3)

        def stage(pp):
            qq = (pp + 2) % 3

            @pl.when(jnp.logical_and(g >= 3, g < n_chunks))
            def _():
                pltpu.make_async_copy(dummy, bufs.at[pp], ssems[pp]).wait()

            @pl.when(g < n_chunks)
            def _():
                pltpu.make_async_copy(idummy, row_v.at[0], isem).wait()
                pltpu.make_async_copy(idummy, col_v.at[0], isem).wait()
                pltpu.async_copy(z_hbm.at[row_v.at[lax.rem(g, 4)]],
                                 bufs.at[pp], gsems[pp])
                fire_idx(g + 1)

            @pl.when(g >= 1)
            def _():
                pltpu.make_async_copy(dummy, bufs.at[qq], gsems[qq]).wait()
                pltpu.async_copy(bufs.at[qq],
                                 acc.at[col_v.at[lax.rem(g - 1, 4)]],
                                 ssems[qq], add=True)

        @pl.when(p == 0)
        def _():
            stage(0)

        @pl.when(p == 1)
        def _():
            stage(1)

        @pl.when(p == 2)
        def _():
            stage(2)
        return carry

    lax.fori_loop(0, n_chunks + 1, it, 0)
    pltpu.make_async_copy(idummy, row_v.at[0], isem).wait()
    pltpu.make_async_copy(idummy, col_v.at[0], isem).wait()
    pltpu.make_async_copy(dummy, bufs.at[0], ssem0).wait()
    pltpu.make_async_copy(dummy, bufs.at[1], ssem1).wait()
    pltpu.make_async_copy(dummy, bufs.at[2], ssem2).wait()
    plsc.subcore_barrier()
    pltpu.sync_copy(acc.at[pl.ds(s * rpt, rpt)],
                    out.at[c, pl.ds(s * rpt, rpt)])


def _agg_call(z, row2, col2, zeros, n_chunks, rpt):
    w = z.shape[1]
    n_pad = rpt * NSUB
    return pl.kernel(
        functools.partial(_agg_body, n_chunks, rpt, w),
        out_type=jax.ShapeDtypeStruct((NCORES, n_pad, w), jnp.float32),
        mesh=plsc.VectorSubcoreMesh(**_MESH),
        compiler_params=_SC_PARAMS,
        scratch_types=[
            pltpu.VMEM((4, SUB), jnp.int32),
            pltpu.VMEM((4, SUB), jnp.int32),
            pltpu.VMEM((3, SUB, w), jnp.float32),
            pltpu.VMEM_SHARED((n_pad, w), jnp.float32),
            pltpu.SemaphoreType.DMA,
            pltpu.SemaphoreType.DMA,
            pltpu.SemaphoreType.DMA,
            pltpu.SemaphoreType.DMA,
            pltpu.SemaphoreType.DMA,
            pltpu.SemaphoreType.DMA,
            pltpu.SemaphoreType.DMA,
        ],
    )(z, row2, col2, zeros)


def _deg_body(n_chunks, rpt,
              col_hbm, zeros_hbm, ones_hbm, out,
              col_v, ones_v, acc, isem, ssem0, ssem1, ssem2, ssem3):
    c = lax.axis_index("c")
    s = lax.axis_index("s")
    wid = s * NCORES + c
    pltpu.sync_copy(zeros_hbm, acc.at[pl.ds(s * rpt, rpt)])
    pltpu.sync_copy(ones_hbm, ones_v)
    plsc.subcore_barrier()
    base = wid * n_chunks
    idummy = col_hbm.at[0]
    ssems = (ssem0, ssem1, ssem2, ssem3)

    def fire_idx(g):
        gc = jnp.minimum(g, n_chunks - 1)
        pltpu.async_copy(col_hbm.at[base + gc], col_v.at[lax.rem(gc, 4)], isem)

    fire_idx(0)

    def it(g, carry):
        p = lax.rem(g, 4)

        def stage(pp):
            @pl.when(g >= 3)
            def _():
                pltpu.make_async_copy(ones_hbm, ones_v,
                                      ssems[(pp + 1) % 4]).wait()
            pltpu.make_async_copy(idummy, col_v.at[0], isem).wait()
            pltpu.async_copy(ones_v, acc.at[col_v.at[pp]], ssems[pp], add=True)
            fire_idx(g + 1)

        for pp in range(4):
            @pl.when(p == pp)
            def _(pp=pp):
                stage(pp)
        return carry

    lax.fori_loop(0, n_chunks, it, 0)
    pltpu.make_async_copy(idummy, col_v.at[0], isem).wait()
    for pp in ((n_chunks - 3) % 4, (n_chunks - 2) % 4, (n_chunks - 1) % 4):
        pltpu.make_async_copy(ones_hbm, ones_v, ssems[pp]).wait()
    plsc.subcore_barrier()
    pltpu.sync_copy(acc.at[pl.ds(s * rpt, rpt)],
                    out.at[c, pl.ds(s * rpt, rpt)])


def _deg_call(col2, zeros16, ones16, n_chunks, rpt):
    n_pad = rpt * NSUB
    return pl.kernel(
        functools.partial(_deg_body, n_chunks, rpt),
        out_type=jax.ShapeDtypeStruct((NCORES, n_pad, F), jnp.float32),
        mesh=plsc.VectorSubcoreMesh(**_MESH),
        compiler_params=_SC_PARAMS,
        scratch_types=[
            pltpu.VMEM((4, SUB), jnp.int32),
            pltpu.VMEM((SUB, F), jnp.float32),
            pltpu.VMEM_SHARED((n_pad, F), jnp.float32),
            pltpu.SemaphoreType.DMA,
            pltpu.SemaphoreType.DMA,
            pltpu.SemaphoreType.DMA,
            pltpu.SemaphoreType.DMA,
            pltpu.SemaphoreType.DMA,
        ],
    )(col2, zeros16, ones16)



BP = 512


def _dense1_body(d0, d1, xp_ref, dis_ref, z_ref):
    dis = lax.rsqrt(d0[0] + d1[0] + 1.0)
    dis_ref[...] = dis
    z_ref[...] = xp_ref[...] * dis


def _dense1(dp, xp):
    m = xp.shape[0]
    grid = (-(-m // BP),)
    return pl.pallas_call(
        _dense1_body,
        grid=grid,
        in_specs=[
            pl.BlockSpec((1, BP, 128), lambda i: (0, i, 0)),
            pl.BlockSpec((1, BP, 128), lambda i: (1, i, 0)),
            pl.BlockSpec((BP, 128), lambda i: (i, 0)),
        ],
        out_specs=[
            pl.BlockSpec((BP, 128), lambda i: (i, 0)),
            pl.BlockSpec((BP, 128), lambda i: (i, 0)),
        ],
        out_shape=[
            jax.ShapeDtypeStruct((m, 128), jnp.float32),
            jax.ShapeDtypeStruct((m, 128), jnp.float32),
        ],
    )(dp, dp, xp)


def _dense2_body(s0, s1, z, dis, w1_ref, b1_ref, w2_ref, zn_ref):
    dd = dis[...]
    g = dd * (s0[0] + s1[0] + z[...])
    h1 = jnp.maximum(jnp.dot(g, w1_ref[...],
                             preferred_element_type=jnp.float32) + b1_ref[...],
                     0.0)
    zn_ref[...] = jnp.dot(h1, w2_ref[...],
                          preferred_element_type=jnp.float32) * dd


def _dense2(sp, z, dis, w1bd, b1t, w2bd):
    m = z.shape[0]
    grid = (-(-m // BP),)
    return pl.pallas_call(
        _dense2_body,
        grid=grid,
        in_specs=[
            pl.BlockSpec((1, BP, 128), lambda i: (0, i, 0)),
            pl.BlockSpec((1, BP, 128), lambda i: (1, i, 0)),
            pl.BlockSpec((BP, 128), lambda i: (i, 0)),
            pl.BlockSpec((BP, 128), lambda i: (i, 0)),
            pl.BlockSpec((128, 128), lambda i: (0, 0)),
            pl.BlockSpec((1, 128), lambda i: (0, 0)),
            pl.BlockSpec((128, 128), lambda i: (0, 0)),
        ],
        out_specs=pl.BlockSpec((BP, 128), lambda i: (i, 0)),
        out_shape=jax.ShapeDtypeStruct((m, 128), jnp.float32),
    )(sp, sp, z, dis, w1bd, b1t, w2bd)


def _mid_body(s0, s1, z, dis, b_ref, w_ref, zn_ref):
    dd = dis[...]
    h = jnp.maximum(dd * (s0[0] + s1[0] + z[...]) + b_ref[...], 0.0)
    zn_ref[...] = jnp.dot(h, w_ref[...],
                          preferred_element_type=jnp.float32) * dd


def _mid(sp, z, dis, bt, wbd):
    m = z.shape[0]
    grid = (-(-m // BP),)
    return pl.pallas_call(
        _mid_body,
        grid=grid,
        in_specs=[
            pl.BlockSpec((1, BP, 128), lambda i: (0, i, 0)),
            pl.BlockSpec((1, BP, 128), lambda i: (1, i, 0)),
            pl.BlockSpec((BP, 128), lambda i: (i, 0)),
            pl.BlockSpec((BP, 128), lambda i: (i, 0)),
            pl.BlockSpec((1, 128), lambda i: (0, 0)),
            pl.BlockSpec((128, 128), lambda i: (0, 0)),
        ],
        out_specs=pl.BlockSpec((BP, 128), lambda i: (i, 0)),
        out_shape=jax.ShapeDtypeStruct((m, 128), jnp.float32),
    )(sp, sp, z, dis, bt, wbd)


def _final_body(s0, s1, z, dis, b4t_ref, p0_ref, p1_ref, o_ref):
    g = dis[...] * (s0[0] + s1[0] + z[...]) + b4t_ref[...]
    h0 = jnp.dot(g, p0_ref[...], preferred_element_type=jnp.float32)
    h1 = jnp.dot(g, p1_ref[...], preferred_element_type=jnp.float32)
    m = jnp.maximum(h0, h1)
    lse = m + jnp.log(jnp.exp(h0 - m) + jnp.exp(h1 - m))
    o_ref[...] = g - lse


def _final(sp, z, dis, b4t, p0, p1):
    m = z.shape[0]
    grid = (-(-m // BP),)
    return pl.pallas_call(
        _final_body,
        grid=grid,
        in_specs=[
            pl.BlockSpec((1, BP, 128), lambda i: (0, i, 0)),
            pl.BlockSpec((1, BP, 128), lambda i: (1, i, 0)),
            pl.BlockSpec((BP, 128), lambda i: (i, 0)),
            pl.BlockSpec((BP, 128), lambda i: (i, 0)),
            pl.BlockSpec((1, 128), lambda i: (0, 0)),
            pl.BlockSpec((128, 128), lambda i: (0, 0)),
            pl.BlockSpec((128, 128), lambda i: (0, 0)),
        ],
        out_specs=pl.BlockSpec((BP, 128), lambda i: (i, 0)),
        out_shape=jax.ShapeDtypeStruct((m, 128), jnp.float32),
    )(sp, sp, z, dis, b4t, p0, p1)



def kernel(x, edge_index, edge_attr, W1, b1, W2, b2, W3, b3, W4, b4):
    n = x.shape[0]
    e = edge_index.shape[1]
    assert n % BT == 0 and n % NSUB == 0

    row = edge_index[0].astype(jnp.int32)
    col = edge_index[1].astype(jnp.int32)

    ch = NTILES * SUB * K
    n_chunks = -(-e // ch)
    n_chunks += n_chunks % 2
    e_pad = n_chunks * ch
    padn = e_pad - e
    rpt = (-(-(n + 1) // NSUB) + 7) // 8 * 8
    n_pad = rpt * NSUB
    if padn:
        row = jnp.concatenate([row, jnp.zeros((padn,), jnp.int32)])
        spread = n + jnp.arange(padn, dtype=jnp.int32) % (n_pad - n)
        col = jnp.concatenate([col, spread])
    row2 = row.reshape(-1, SUB)
    col2 = col.reshape(-1, SUB)

    zeros16 = jnp.zeros((rpt, F), jnp.float32)
    ones16 = jnp.ones((SUB, F), jnp.float32)
    ident = jnp.eye(8, dtype=jnp.float32)
    xp = jnp.pad(x, ((0, 0), (0, F - x.shape[1]))).reshape(n // 8, 128)
    w1bd = jnp.kron(ident, jnp.pad(W1, ((0, F - W1.shape[0]), (0, 0))))
    w2bd = jnp.kron(ident, W2)
    w3bd = jnp.kron(ident, W3)
    w4bd = jnp.kron(ident, jnp.pad(W4, ((0, 0), (0, F - W4.shape[1]))))
    b1t = jnp.tile(b1, 8).reshape(1, 128)
    b2t = jnp.tile(b2, 8).reshape(1, 128)
    b3t = jnp.tile(b3, 8).reshape(1, 128)
    mp = n_pad // 8

    def packed(a):
        return a.reshape(NCORES, mp, 128)

    degp = _deg_call(col2, zeros16, ones16, n_chunks, rpt)
    dis_p, z1p = _dense1(packed(degp), xp)
    s1 = _agg_call(z1p.reshape(n, F), row2, col2, zeros16, n_chunks, rpt)
    z2p = _dense2(packed(s1), z1p, dis_p, w1bd, b1t, w2bd)
    s2 = _agg_call(z2p.reshape(n, F), row2, col2, zeros16, n_chunks, rpt)
    z3p = _mid(packed(s2), z2p, dis_p, b2t, w3bd)
    s3 = _agg_call(z3p.reshape(n, F), row2, col2, zeros16, n_chunks, rpt)
    z4p = _mid(packed(s3), z3p, dis_p, b3t, w4bd)
    s4 = _agg_call(z4p.reshape(n, F), row2, col2, zeros16, n_chunks, rpt)
    b4t = jnp.tile(jnp.pad(b4, (0, F - b4.shape[0])), 8).reshape(1, 128)
    sel0 = jnp.zeros((F, F), jnp.float32).at[0, :].set(1.0)
    sel1 = jnp.zeros((F, F), jnp.float32).at[1, :].set(1.0)
    outp = _final(packed(s4), z4p, dis_p,
                  b4t, jnp.kron(ident, sel0), jnp.kron(ident, sel1))
    return outp.reshape(n, F)[:, 0:2]

# --- scband reference (transcript-rebuilt; emitter-appended) ---
"""Pipeline reference for scband-net-66108136620670 (READ-ONLY COPY).

The authoritative reference and input builder live on the scoring server;
editing this copy changes nothing except your own understanding.
"""

import jax, jax.numpy as jnp
import numpy as np

N = 100000

def gcn_conv(x, edge_index, W, b):
    row = edge_index[0]
    col = edge_index[1]
    loop = jnp.arange(N, dtype=edge_index.dtype)
    row = jnp.concatenate([row, loop])
    col = jnp.concatenate([col, loop])
    xw = x @ W
    ones = jnp.ones(col.shape[0], dtype=xw.dtype)
    deg = jax.ops.segment_sum(ones, col, num_segments=N)
    deg_inv_sqrt = jnp.where(deg > 0, deg ** -0.5, 0.0)
    norm = deg_inv_sqrt[row] * deg_inv_sqrt[col]
    msg = xw[row] * norm[:, None]
    out = jax.ops.segment_sum(msg, col, num_segments=N)
    return out + b

def setup_inputs(seed: int = 0) -> dict:
    key = jax.random.key(seed)
    ks = jax.random.split(key, 12)
    x = jax.random.normal(ks[0], (N, 4), dtype=jnp.float32)
    edge_index = jax.random.randint(ks[1], (2, 3200000), 0, N, dtype=jnp.int64)
    edge_attr = jax.random.uniform(ks[2], (3200000,), dtype=jnp.float32)
    def glorot(k, fan_in, fan_out):
        s = (6.0 / (fan_in + fan_out)) ** 0.5
        return jax.random.uniform(k, (fan_in, fan_out), minval=-s, maxval=s, dtype=jnp.float32)
    return {
        'x': x, 'edge_index': edge_index, 'edge_attr': edge_attr,
        'W1': glorot(ks[3], 4, 16), 'b1': jnp.zeros((16,), jnp.float32),
        'W2': glorot(ks[4], 16, 16), 'b2': jnp.zeros((16,), jnp.float32),
        'W3': glorot(ks[5], 16, 16), 'b3': jnp.zeros((16,), jnp.float32),
        'W4': glorot(ks[6], 16, 2), 'b4': jnp.zeros((2,), jnp.float32),
    }

def reference(x, edge_index, edge_attr, W1, b1, W2, b2, W3, b3, W4, b4):
    # edge_attr is read by the torch forward but unused by the convs
    h = jax.nn.relu(gcn_conv(x, edge_index, W1, b1))
    # dropout is identity in eval mode
    h = jax.nn.relu(gcn_conv(h, edge_index, W2, b2))
    h = jax.nn.relu(gcn_conv(h, edge_index, W3, b3))
    h = gcn_conv(h, edge_index, W4, b4)
    return jax.nn.log_softmax(h, axis=1)

if __name__ == "__main__":
    import jax
    _d = setup_inputs()
    print(jax.jit(kernel)(*tuple(_d.values())))

</pallas_src>

<mosaic_0001>
#map = affine_map<(d0, d1) -> (0, 0)>
#map1 = affine_map<(d0, d1) -> (0, 0, 0)>
module attributes {stable_mosaic.version = 14 : i64} {
  func.func @_agg_body(%arg0: i32, %arg1: i32, %arg2: memref<100000x16xf32, #tpu.memory_space<hbm>>, %arg3: memref<6272x512xi32, #tpu.memory_space<hbm>>, %arg4: memref<6272x512xi32, #tpu.memory_space<hbm>>, %arg5: memref<6256x16xf32, #tpu.memory_space<hbm>>, %arg6: memref<2x100096x16xf32, #tpu.memory_space<hbm>>, %arg7: memref<4x512xi32, #tpu.memory_space<vmem>>, %arg8: memref<4x512xi32, #tpu.memory_space<vmem>>, %arg9: memref<3x512x16xf32, #tpu.memory_space<vmem>>, %arg10: memref<100096x16xf32, #tpu.memory_space<vmem_shared>>, %arg11: memref<!tpu.dma_semaphore, #tpu.memory_space<semaphore_mem>>, %arg12: memref<!tpu.dma_semaphore, #tpu.memory_space<semaphore_mem>>, %arg13: memref<!tpu.dma_semaphore, #tpu.memory_space<semaphore_mem>>, %arg14: memref<!tpu.dma_semaphore, #tpu.memory_space<semaphore_mem>>, %arg15: memref<!tpu.dma_semaphore, #tpu.memory_space<semaphore_mem>>, %arg16: memref<!tpu.dma_semaphore, #tpu.memory_space<semaphore_mem>>, %arg17: memref<!tpu.dma_semaphore, #tpu.memory_space<semaphore_mem>>) attributes {dimension_semantics = [#tpu.dimension_semantics<core_parallel>, #tpu.dimension_semantics<subcore_parallel>], iteration_bounds = array<i64: 2, 16>, scalar_prefetch = 0 : i64, scratch_operands = 11 : i64, tpu.core_type = #tpu.core_type<sc_vector_subcore>, window_params = [{transform_indices = #map}, {transform_indices = #map}, {transform_indices = #map}, {transform_indices = #map}, {transform_indices = #map1}]} {
    %mul3A = arith.constant 2 : i32
    %mul3A_0 = arith.muli %arg1, %mul3A : i32
    %add3A = arith.addi %mul3A_0, %arg0 : i32
    %mul3A_1 = arith.constant 6256 : i32
    %mul3A_2 = arith.muli %arg1, %mul3A_1 : i32
    "tpu.region"() ({
      %run_scoped3A = tpu.sem_alloc : memref<!tpu.dma_semaphore, #tpu.memory_space<semaphore_mem>>
      %dma_start3A_116 = arith.constant 0 : i32
      %dma_start3A_117 = tpu.memref_slice %arg10[%mul3A_2, %dma_start3A_116] : memref<100096x16xf32, #tpu.memory_space<vmem_shared>> -> memref<6256x16xf32, #tpu.memory_space<vmem_shared>>
      tpu.enqueue_dma source(%arg5 : memref<6256x16xf32, #tpu.memory_space<hbm>>) target(%dma_start3A_117 : memref<6256x16xf32, #tpu.memory_space<vmem_shared>>) target_semaphore(%run_scoped3A : memref<!tpu.dma_semaphore, #tpu.memory_space<semaphore_mem>>)
      %dma_wait3A_118 = arith.constant 0 : i32
      %dma_wait3A_119 = tpu.memref_slice %arg10[%mul3A_2, %dma_wait3A_118] : memref<100096x16xf32, #tpu.memory_space<vmem_shared>> -> memref<6256x16xf32, #tpu.memory_space<vmem_shared>>
      tpu.wait_dma2 semaphore(%run_scoped3A : memref<!tpu.dma_semaphore, #tpu.memory_space<semaphore_mem>>) src(%arg5 : memref<6256x16xf32, #tpu.memory_space<hbm>>) dst(%dma_wait3A_119 : memref<6256x16xf32, #tpu.memory_space<vmem_shared>>)
      tpu.yield
    }) : () -> ()
    %barrier3A = arith.constant 0 : index
    tpu.barrier barrier_id(%barrier3A)
    %mul3A_3 = arith.constant 196 : i32
    %mul3A_4 = arith.muli %add3A, %mul3A_3 : i32
    %min3A = arith.constant 0 : i32
    %min3A_5 = arith.constant 195 : i32
    %min3A_6 = arith.minsi %min3A, %min3A_5 : i32
    %rem3A = arith.constant 4 : i32
    %rem3A_7 = arith.remsi %min3A_6, %rem3A : i32
    %add3A_8 = arith.addi %mul3A_4, %min3A_6 : i32
    %dma_start3A = arith.constant 0 : i32
    %dma_start3A_9 = tpu.memref_slice %arg7[%rem3A_7, %dma_start3A] : memref<4x512xi32, #tpu.memory_space<vmem>> -> memref<1x512xi32, #tpu.memory_space<vmem>>
    %dma_start3A_10 = tpu.memref_squeeze %dma_start3A_9 : memref<1x512xi32, #tpu.memory_space<vmem>> -> memref<512xi32, #tpu.memory_space<vmem>>
    %dma_start3A_11 = arith.constant 0 : i32
    %dma_start3A_12 = tpu.memref_slice %arg3[%add3A_8, %dma_start3A_11] : memref<6272x512xi32, #tpu.memory_space<hbm>> -> memref<1x512xi32, #tpu.memory_space<hbm>>
    %dma_start3A_13 = tpu.memref_squeeze %dma_start3A_12 : memref<1x512xi32, #tpu.memory_space<hbm>> -> memref<512xi32, #tpu.memory_space<hbm>>
    %dma_start3A_14 = arith.constant 0 : i32
    %dma_start3A_15 = tpu.memref_slice %arg7[%rem3A_7, %dma_start3A_14] : memref<4x512xi32, #tpu.memory_space<vmem>> -> memref<1x512xi32, #tpu.memory_space<vmem>>
    %dma_start3A_16 = tpu.memref_squeeze %dma_start3A_15 : memref<1x512xi32, #tpu.memory_space<vmem>> -> memref<512xi32, #tpu.memory_space<vmem>>
    %dma_start3A_17 = arith.constant 0 : i32
    %dma_start3A_18 = tpu.memref_slice %arg3[%add3A_8, %dma_start3A_17] : memref<6272x512xi32, #tpu.memory_space<hbm>> -> memref<1x512xi32, #tpu.memory_space<hbm>>
    %dma_start3A_19 = tpu.memref_squeeze %dma_start3A_18 : memref<1x512xi32, #tpu.memory_space<hbm>> -> memref<512xi32, #tpu.memory_space<hbm>>
    tpu.enqueue_dma source(%dma_start3A_19 : memref<512xi32, #tpu.memory_space<hbm>>) target(%dma_start3A_16 : memref<512xi32, #tpu.memory_space<vmem>>) target_semaphore(%arg11 : memref<!tpu.dma_semaphore, #tpu.memory_space<semaphore_mem>>)
    %add3A_20 = arith.addi %mul3A_4, %min3A_6 : i32
    %dma_start3A_21 = arith.constant 0 : i32
    %dma_start3A_22 = tpu.memref_slice %arg8[%rem3A_7, %dma_start3A_21] : memref<4x512xi32, #tpu.memory_space<vmem>> -> memref<1x512xi32, #tpu.memory_space<vmem>>
    %dma_start3A_23 = tpu.memref_squeeze %dma_start3A_22 : memref<1x512xi32, #tpu.memory_space<vmem>> -> memref<512xi32, #tpu.memory_space<vmem>>
    %dma_start3A_24 = arith.constant 0 : i32
    %dma_start3A_25 = tpu.memref_slice %arg4[%add3A_20, %dma_start3A_24] : memref<6272x512xi32, #tpu.memory_space<hbm>> -> memref<1x512xi32, #tpu.memory_space<hbm>>
    %dma_start3A_26 = tpu.memref_squeeze %dma_start3A_25 : memref<1x512xi32, #tpu.memory_space<hbm>> -> memref<512xi32, #tpu.memory_space<hbm>>
    %dma_start3A_27 = arith.constant 0 : i32
    %dma_start3A_28 = tpu.memref_slice %arg8[%rem3A_7, %dma_start3A_27] : memref<4x512xi32, #tpu.memory_space<vmem>> -> memref<1x512xi32, #tpu.memory_space<vmem>>
    %dma_start3A_29 = tpu.memref_squeeze %dma_start3A_28 : memref<1x512xi32, #tpu.memory_space<vmem>> -> memref<512xi32, #tpu.memory_space<vmem>>
    %dma_start3A_30 = arith.constant 0 : i32
    %dma_start3A_31 = tpu.memref_slice %arg4[%add3A_20, %dma_start3A_30] : memref<6272x512xi32, #tpu.memory_space<hbm>> -> memref<1x512xi32, #tpu.memory_space<hbm>>
    %dma_start3A_32 = tpu.memref_squeeze %dma_start3A_31 : memref<1x512xi32, #tpu.memory_space<hbm>> -> memref<512xi32, #tpu.memory_space<hbm>>
    tpu.enqueue_dma source(%dma_start3A_32 : memref<512xi32, #tpu.memory_space<hbm>>) target(%dma_start3A_29 : memref<512xi32, #tpu.memory_space<vmem>>) target_semaphore(%arg11 : memref<!tpu.dma_semaphore, #tpu.memory_space<semaphore_mem>>)
    %scan3A = arith.constant 0 : i32
    %scan3A_33 = arith.constant 0 : i32
    %scan3A_34 = arith.constant 0 : i32
    %scan3A_35 = arith.constant 197 : i32
    %scan3A_36 = arith.addi %scan3A_34, %scan3A_35 : i32
    %scan3A_37 = arith.constant 1 : i32
    scf.for %scan3A_116 = %scan3A_34 to %scan3A_36 step %scan3A_37  : i32 {
      %rem3A_117 = arith.constant 3 : i32
      %rem3A_118 = arith.remsi %scan3A_116, %rem3A_117 : i32
      %eq3A = arith.constant 0 : i32
      %eq3A_119 = arith.cmpi eq, %rem3A_118, %eq3A : i32
      %convert_element_type3A = arith.extui %eq3A_119 : i1 to i32
      %cond3A = arith.constant 0 : i32
      %cond3A_120 = arith.cmpi ne, %convert_element_type3A, %cond3A : i32
      scf.if %cond3A_120 {
        %ge3A = arith.constant 3 : i32
        %ge3A_131 = arith.cmpi sge, %scan3A_116, %ge3A : i32
        %lt3A = arith.constant 196 : i32
        %lt3A_132 = arith.cmpi slt, %scan3A_116, %lt3A : i32
        %and3A = arith.andi %ge3A_131, %lt3A_132 : i1
        %convert_element_type3A_133 = arith.extui %and3A : i1 to i32
        %cond3A_134 = arith.constant 0 : i32
        %cond3A_135 = arith.cmpi ne, %convert_element_type3A_133, %cond3A_134 : i32
        scf.if %cond3A_135 {
          %dma_wait3A_146 = arith.constant 0 : i32
          %dma_wait3A_147 = arith.constant 0 : i32
          %dma_wait3A_148 = arith.constant 0 : i32
          %dma_wait3A_149 = tpu.memref_slice %arg9[%dma_wait3A_146, %dma_wait3A_147, %dma_wait3A_148] : memref<3x512x16xf32, #tpu.memory_space<vmem>> -> memref<1x512x16xf32, #tpu.memory_space<vmem>>
          %dma_wait3A_150 = tpu.memref_squeeze %dma_wait3A_149 : memref<1x512x16xf32, #tpu.memory_space<vmem>> -> memref<512x16xf32, #tpu.memory_space<vmem>>
          %dma_wait3A_151 = arith.constant 0 : i32
          %dma_wait3A_152 = arith.constant 0 : i32
          %dma_wait3A_153 = tpu.memref_slice %arg2[%dma_wait3A_151, %dma_wait3A_152] : memref<100000x16xf32, #tpu.memory_space<hbm>> -> memref<512x16xf32, #tpu.memory_space<hbm>>
          %dma_wait3A_154 = arith.constant 0 : i32
          %dma_wait3A_155 = arith.constant 0 : i32
          %dma_wait3A_156 = tpu.memref_slice %arg9[%dma_wait3A_146, %dma_wait3A_154, %dma_wait3A_155] : memref<3x512x16xf32, #tpu.memory_space<vmem>> -> memref<1x512x16xf32, #tpu.memory_space<vmem>>
          %dma_wait3A_157 = tpu.memref_squeeze %dma_wait3A_156 : memref<1x512x16xf32, #tpu.memory_space<vmem>> -> memref<512x16xf32, #tpu.memory_space<vmem>>
          %dma_wait3A_158 = arith.constant 0 : i32
          %dma_wait3A_159 = arith.constant 0 : i32
          %dma_wait3A_160 = tpu.memref_slice %arg2[%dma_wait3A_158, %dma_wait3A_159] : memref<100000x16xf32, #tpu.memory_space<hbm>> -> memref<512x16xf32, #tpu.memory_space<hbm>>
          tpu.wait_dma2 semaphore(%arg15 : memref<!tpu.dma_semaphore, #tpu.memory_space<semaphore_mem>>) src(%dma_wait3A_160 : memref<512x16xf32, #tpu.memory_space<hbm>>) dst(%dma_wait3A_157 : memref<512x16xf32, #tpu.memory_space<vmem>>)
        } else {
        }
        %lt3A_136 = arith.constant 196 : i32
        %lt3A_137 = arith.cmpi slt, %scan3A_116, %lt3A_136 : i32
        %convert_element_type3A_138 = arith.extui %lt3A_137 : i1 to i32
        %cond3A_139 = arith.constant 0 : i32
        %cond3A_140 = arith.cmpi ne, %convert_element_type3A_138, %cond3A_139 : i32
        scf.if %cond3A_140 {
          %dma_wait3A_146 = arith.constant 0 : i32
          %dma_wait3A_147 = arith.constant 0 : i32
          %dma_wait3A_148 = tpu.memref_slice %arg7[%dma_wait3A_146, %dma_wait3A_147] : memref<4x512xi32, #tpu.memory_space<vmem>> -> memref<1x512xi32, #tpu.memory_space<vmem>>
          %dma_wait3A_149 = tpu.memref_squeeze %dma_wait3A_148 : memref<1x512xi32, #tpu.memory_space<vmem>> -> memref<512xi32, #tpu.memory_space<vmem>>
          %dma_wait3A_150 = arith.constant 0 : i32
          %dma_wait3A_151 = tpu.memref_slice %arg3[%scan3A_33, %dma_wait3A_150] : memref<6272x512xi32, #tpu.memory_space<hbm>> -> memref<1x512xi32, #tpu.memory_space<hbm>>
          %dma_wait3A_152 = tpu.memref_squeeze %dma_wait3A_151 : memref<1x512xi32, #tpu.memory_space<hbm>> -> memref<512xi32, #tpu.memory_space<hbm>>
          %dma_wait3A_153 = arith.constant 0 : i32
          %dma_wait3A_154 = tpu.memref_slice %arg7[%dma_wait3A_146, %dma_wait3A_153] : memref<4x512xi32, #tpu.memory_space<vmem>> -> memref<1x512xi32, #tpu.memory_space<vmem>>
          %dma_wait3A_155 = tpu.memref_squeeze %dma_wait3A_154 : memref<1x512xi32, #tpu.memory_space<vmem>> -> memref<512xi32, #tpu.memory_space<vmem>>
          %dma_wait3A_156 = arith.constant 0 : i32
          %dma_wait3A_157 = tpu.memref_slice %arg3[%scan3A_33, %dma_wait3A_156] : memref<6272x512xi32, #tpu.memory_space<hbm>> -> memref<1x512xi32, #tpu.memory_space<hbm>>
          %dma_wait3A_158 = tpu.memref_squeeze %dma_wait3A_157 : memref<1x512xi32, #tpu.memory_space<hbm>> -> memref<512xi32, #tpu.memory_space<hbm>>
          tpu.wait_dma2 semaphore(%arg11 : memref<!tpu.dma_semaphore, #tpu.memory_space<semaphore_mem>>) src(%dma_wait3A_158 : memref<512xi32, #tpu.memory_space<hbm>>) dst(%dma_wait3A_155 : memref<512xi32, #tpu.memory_space<vmem>>)
          %dma_wait3A_159 = arith.constant 0 : i32
          %dma_wait3A_160 = arith.constant 0 : i32
          %dma_wait3A_161 = tpu.memref_slice %arg8[%dma_wait3A_159, %dma_wait3A_160] : memref<4x512xi32, #tpu.memory_space<vmem>> -> memref<1x512xi32, #tpu.memory_space<vmem>>
          %dma_wait3A_162 = tpu.memref_squeeze %dma_wait3A_161 : memref<1x512xi32, #tpu.memory_space<vmem>> -> memref<512xi32, #tpu.memory_space<vmem>>
          %dma_wait3A_163 = arith.constant 0 : i32
          %dma_wait3A_164 = tpu.memref_slice %arg3[%scan3A_33, %dma_wait3A_163] : memref<6272x512xi32, #tpu.memory_space<hbm>> -> memref<1x512xi32, #tpu.memory_space<hbm>>
          %dma_wait3A_165 = tpu.memref_squeeze %dma_wait3A_164 : memref<1x512xi32, #tpu.memory_space<hbm>> -> memref<512xi32, #tpu.memory_space<hbm>>
          %dma_wait3A_166 = arith.constant 0 : i32
          %dma_wait3A_167 = tpu.memref_slice %arg8[%dma_wait3A_159, %dma_wait3A_166] : memref<4x512xi32, #tpu.memory_space<vmem>> -> memref<1x512xi32, #tpu.memory_space<vmem>>
          %dma_wait3A_168 = tpu.memref_squeeze %dma_wait3A_167 : memref<1x512xi32, #tpu.memory_space<vmem>> -> memref<512xi32, #tpu.memory_space<vmem>>
          %dma_wait3A_169 = arith.constant 0 : i32
          %dma_wait3A_170 = tpu.memref_slice %arg3[%scan3A_33, %dma_wait3A_169] : memref<6272x512xi32, #tpu.memory_space<hbm>> -> memref<1x512xi32, #tpu.memory_space<hbm>>
          %dma_wait3A_171 = tpu.memref_squeeze %dma_wait3A_170 : memref<1x512xi32, #tpu.memory_space<hbm>> -> memref<512xi32, #tpu.memory_space<hbm>>
          tpu.wait_dma2 semaphore(%arg11 : memref<!tpu.dma_semaphore, #tpu.memory_space<semaphore_mem>>) src(%dma_wait3A_171 : memref<512xi32, #tpu.memory_space<hbm>>) dst(%dma_wait3A_168 : memref<512xi32, #tpu.memory_space<vmem>>)
          %rem3A_172 = arith.constant 4 : i32
          %rem3A_173 = arith.remsi %scan3A_116, %rem3A_172 : i32
          %dma_start3A_174 = arith.constant 0 : i32
          %dma_start3A_175 = arith.constant 0 : i32
          %dma_start3A_176 = arith.constant 0 : i32
          %dma_start3A_177 = tpu.memref_slice %arg9[%dma_start3A_174, %dma_start3A_175, %dma_start3A_176] : memref<3x512x16xf32, #tpu.memory_space<vmem>> -> memref<1x512x16xf32, #tpu.memory_space<vmem>>
          %dma_start3A_178 = tpu.memref_squeeze %dma_start3A_177 : memref<1x512x16xf32, #tpu.memory_space<vmem>> -> memref<512x16xf32, #tpu.memory_space<vmem>>
          %dma_start3A_179 = arith.constant 0 : i32
          %dma_start3A_180 = tpu.memref_slice %arg7[%rem3A_173, %dma_start3A_179] : memref<4x512xi32, #tpu.memory_space<vmem>> -> memref<1x512xi32, #tpu.memory_space<vmem>>
          %dma_start3A_181 = tpu.memref_squeeze %dma_start3A_180 : memref<1x512xi32, #tpu.memory_space<vmem>> -> memref<512xi32, #tpu.memory_space<vmem>>
          %dma_start3A_182 = arith.constant 0 : i32
          %dma_start3A_183 = arith.constant 0 : i32
          %dma_start3A_184 = tpu.memref_slice %arg2[%dma_start3A_182, %dma_start3A_183] : memref<100000x16xf32, #tpu.memory_space<hbm>> -> memref<100000x16xf32, #tpu.memory_space<hbm>>
          tpu.enqueue_indirect_dma source(%dma_start3A_184 : memref<100000x16xf32, #tpu.memory_space<hbm>>) target(%dma_start3A_178 : memref<512x16xf32, #tpu.memory_space<vmem>>) offsets(%dma_start3A_181 : memref<512xi32, #tpu.memory_space<vmem>>) semaphore(%arg12 : memref<!tpu.dma_semaphore, #tpu.memory_space<semaphore_mem>>)
          %add3A_185 = arith.constant 1 : i32
          %add3A_186 = arith.addi %scan3A_116, %add3A_185 : i32
          %min3A_187 = arith.constant 195 : i32
          %min3A_188 = arith.minsi %add3A_186, %min3A_187 : i32
          %rem3A_189 = arith.constant 4 : i32
          %rem3A_190 = arith.remsi %min3A_188, %rem3A_189 : i32
          %add3A_191 = arith.addi %mul3A_4, %min3A_188 : i32
          %dma_start3A_192 = arith.constant 0 : i32
          %dma_start3A_193 = tpu.memref_slice %arg7[%rem3A_190, %dma_start3A_192] : memref<4x512xi32, #tpu.memory_space<vmem>> -> memref<1x512xi32, #tpu.memory_space<vmem>>
          %dma_start3A_194 = tpu.memref_squeeze %dma_start3A_193 : memref<1x512xi32, #tpu.memory_space<vmem>> -> memref<512xi32, #tpu.memory_space<vmem>>
          %dma_start3A_195 = arith.constant 0 : i32
          %dma_start3A_196 = tpu.memref_slice %arg3[%add3A_191, %dma_start3A_195] : memref<6272x512xi32, #tpu.memory_space<hbm>> -> memref<1x512xi32, #tpu.memory_space<hbm>>
          %dma_start3A_197 = tpu.memref_squeeze %dma_start3A_196 : memref<1x512xi32, #tpu.memory_space<hbm>> -> memref<512xi32, #tpu.memory_space<hbm>>
          %dma_start3A_198 = arith.constant 0 : i32
          %dma_start3A_199 = tpu.memref_slice %arg7[%rem3A_190, %dma_start3A_198] : memref<4x512xi32, #tpu.memory_space<vmem>> -> memref<1x512xi32, #tpu.memory_space<vmem>>
          %dma_start3A_200 = tpu.memref_squeeze %dma_start3A_199 : memref<1x512xi32, #tpu.memory_space<vmem>> -> memref<512xi32, #tpu.memory_space<vmem>>
          %dma_start3A_201 = arith.constant 0 : i32
          %dma_start3A_202 = tpu.memref_slice %arg3[%add3A_191, %dma_start3A_201] : memref<6272x512xi32, #tpu.memory_space<hbm>> -> memref<1x512xi32, #tpu.memory_space<hbm>>
          %dma_start3A_203 = tpu.memref_squeeze %dma_start3A_202 : memref<1x512xi32, #tpu.memory_space<hbm>> -> memref<512xi32, #tpu.memory_space<hbm>>
          tpu.enqueue_dma source(%dma_start3A_203 : memref<512xi32, #tpu.memory_space<hbm>>) target(%dma_start3A_200 : memref<512xi32, #tpu.memory_space<vmem>>) target_semaphore(%arg11 : memref<!tpu.dma_semaphore, #tpu.memory_space<semaphore_mem>>)
          %add3A_204 = arith.addi %mul3A_4, %min3A_188 : i32
          %dma_start3A_205 = arith.constant 0 : i32
          %dma_start3A_206 = tpu.memref_slice %arg8[%rem3A_190, %dma_start3A_205] : memref<4x512xi32, #tpu.memory_space<vmem>> -> memref<1x512xi32, #tpu.memory_space<vmem>>
          %dma_start3A_207 = tpu.memref_squeeze %dma_start3A_206 : memref<1x512xi32, #tpu.memory_space<vmem>> -> memref<512xi32, #tpu.memory_space<vmem>>
          %dma_start3A_208 = arith.constant 0 : i32
          %dma_start3A_209 = tpu.memref_slice %arg4[%add3A_204, %dma_start3A_208] : memref<6272x512xi32, #tpu.memory_space<hbm>> -> memref<1x512xi32, #tpu.memory_space<hbm>>
          %dma_start3A_210 = tpu.memref_squeeze %dma_start3A_209 : memref<1x512xi32, #tpu.memory_space<hbm>> -> memref<512xi32, #tpu.memory_space<hbm>>
          %dma_start3A_211 = arith.constant 0 : i32
          %dma_start3A_212 = tpu.memref_slice %arg8[%rem3A_190, %dma_start3A_211] : memref<4x512xi32, #tpu.memory_space<vmem>> -> memref<1x512xi32, #tpu.memory_space<vmem>>
          %dma_start3A_213 = tpu.memref_squeeze %dma_start3A_212 : memref<1x512xi32, #tpu.memory_space<vmem>> -> memref<512xi32, #tpu.memory_space<vmem>>
          %dma_start3A_214 = arith.constant 0 : i32
          %dma_start3A_215 = tpu.memref_slice %arg4[%add3A_204, %dma_start3A_214] : memref<6272x512xi32, #tpu.memory_space<hbm>> -> memref<1x512xi32, #tpu.memory_space<hbm>>
          %dma_start3A_216 = tpu.memref_squeeze %dma_start3A_215 : memref<1x512xi32, #tpu.memory_space<hbm>> -> memref<512xi32, #tpu.memory_space<hbm>>
          tpu.enqueue_dma source(%dma_start3A_216 : memref<512xi32, #tpu.memory_space<hbm>>) target(%dma_start3A_213 : memref<512xi32, #tpu.memory_space<vmem>>) target_semaphore(%arg11 : memref<!tpu.dma_semaphore, #tpu.memory_space<semaphore_mem>>)
        } else {
        }
        %ge3A_141 = arith.constant 1 : i32
        %ge3A_142 = arith.cmpi sge, %scan3A_116, %ge3A_141 : i32
        %convert_element_type3A_143 = arith.extui %ge3A_142 : i1 to i32
        %cond3A_144 = arith.constant 0 : i32
        %cond3A_145 = arith.cmpi ne, %convert_element_type3A_143, %cond3A_144 : i32
        scf.if %cond3A_145 {
          %dma_wait3A_146 = arith.constant 2 : i32
          %dma_wait3A_147 = arith.constant 0 : i32
          %dma_wait3A_148 = arith.constant 0 : i32
          %dma_wait3A_149 = tpu.memref_slice %arg9[%dma_wait3A_146, %dma_wait3A_147, %dma_wait3A_148] : memref<3x512x16xf32, #tpu.memory_space<vmem>> -> memref<1x512x16xf32, #tpu.memory_space<vmem>>
          %dma_wait3A_150 = tpu.memref_squeeze %dma_wait3A_149 : memref<1x512x16xf32, #tpu.memory_space<vmem>> -> memref<512x16xf32, #tpu.memory_space<vmem>>
          %dma_wait3A_151 = arith.constant 0 : i32
          %dma_wait3A_152 = arith.constant 0 : i32
          %dma_wait3A_153 = tpu.memref_slice %arg2[%dma_wait3A_151, %dma_wait3A_152] : memref<100000x16xf32, #tpu.memory_space<hbm>> -> memref<512x16xf32, #tpu.memory_space<hbm>>
          %dma_wait3A_154 = arith.constant 0 : i32
          %dma_wait3A_155 = arith.constant 0 : i32
          %dma_wait3A_156 = tpu.memref_slice %arg9[%dma_wait3A_146, %dma_wait3A_154, %dma_wait3A_155] : memref<3x512x16xf32, #tpu.memory_space<vmem>> -> memref<1x512x16xf32, #tpu.memory_space<vmem>>
          %dma_wait3A_157 = tpu.memref_squeeze %dma_wait3A_156 : memref<1x512x16xf32, #tpu.memory_space<vmem>> -> memref<512x16xf32, #tpu.memory_space<vmem>>
          %dma_wait3A_158 = arith.constant 0 : i32
          %dma_wait3A_159 = arith.constant 0 : i32
          %dma_wait3A_160 = tpu.memref_slice %arg2[%dma_wait3A_158, %dma_wait3A_159] : memref<100000x16xf32, #tpu.memory_space<hbm>> -> memref<512x16xf32, #tpu.memory_space<hbm>>
          tpu.wait_dma2 semaphore(%arg14 : memref<!tpu.dma_semaphore, #tpu.memory_space<semaphore_mem>>) src(%dma_wait3A_160 : memref<512x16xf32, #tpu.memory_space<hbm>>) dst(%dma_wait3A_157 : memref<512x16xf32, #tpu.memory_space<vmem>>)
          %sub3A = arith.constant 1 : i32
          %sub3A_161 = arith.subi %scan3A_116, %sub3A : i32
          %rem3A_162 = arith.constant 4 : i32
          %rem3A_163 = arith.remsi %sub3A_161, %rem3A_162 : i32
          %dma_start3A_164 = arith.constant 2 : i32
          %dma_start3A_165 = arith.constant 0 : i32
          %dma_start3A_166 = arith.constant 0 : i32
          %dma_start3A_167 = tpu.memref_slice %arg9[%dma_start3A_164, %dma_start3A_165, %dma_start3A_166] : memref<3x512x16xf32, #tpu.memory_space<vmem>> -> memref<1x512x16xf32, #tpu.memory_space<vmem>>
          %dma_start3A_168 = tpu.memref_squeeze %dma_start3A_167 : memref<1x512x16xf32, #tpu.memory_space<vmem>> -> memref<512x16xf32, #tpu.memory_space<vmem>>
          %dma_start3A_169 = arith.constant 0 : i32
          %dma_start3A_170 = tpu.memref_slice %arg8[%rem3A_163, %dma_start3A_169] : memref<4x512xi32, #tpu.memory_space<vmem>> -> memref<1x512xi32, #tpu.memory_space<vmem>>
          %dma_start3A_171 = tpu.memref_squeeze %dma_start3A_170 : memref<1x512xi32, #tpu.memory_space<vmem>> -> memref<512xi32, #tpu.memory_space<vmem>>
          %dma_start3A_172 = arith.constant 0 : i32
          %dma_start3A_173 = arith.constant 0 : i32
          %dma_start3A_174 = tpu.memref_slice %arg10[%dma_start3A_172, %dma_start3A_173] : memref<100096x16xf32, #tpu.memory_space<vmem_shared>> -> memref<100096x16xf32, #tpu.memory_space<vmem_shared>>
          tpu.enqueue_indirect_dma source(%dma_start3A_168 : memref<512x16xf32, #tpu.memory_space<vmem>>) target(%dma_start3A_174 : memref<100096x16xf32, #tpu.memory_space<vmem_shared>>) offsets(%dma_start3A_171 : memref<512xi32, #tpu.memory_space<vmem>>) semaphore(%arg17 : memref<!tpu.dma_semaphore, #tpu.memory_space<semaphore_mem>>) {add = true}
        } else {
        }
      } else {
      }
      %eq3A_121 = arith.constant 1 : i32
      %eq3A_122 = arith.cmpi eq, %rem3A_118, %eq3A_121 : i32
      %convert_element_type3A_123 = arith.extui %eq3A_122 : i1 to i32
      %cond3A_124 = arith.constant 0 : i32
      %cond3A_125 = arith.cmpi ne, %convert_element_type3A_123, %cond3A_124 : i32
      scf.if %cond3A_125 {
        %ge3A = arith.constant 3 : i32
        %ge3A_131 = arith.cmpi sge, %scan3A_116, %ge3A : i32
        %lt3A = arith.constant 196 : i32
        %lt3A_132 = arith.cmpi slt, %scan3A_116, %lt3A : i32
        %and3A = arith.andi %ge3A_131, %lt3A_132 : i1
        %convert_element_type3A_133 = arith.extui %and3A : i1 to i32
        %cond3A_134 = arith.constant 0 : i32
        %cond3A_135 = arith.cmpi ne, %convert_element_type3A_133, %cond3A_134 : i32
        scf.if %cond3A_135 {
          %dma_wait3A_146 = arith.constant 1 : i32
          %dma_wait3A_147 = arith.constant 0 : i32
          %dma_wait3A_148 = arith.constant 0 : i32
          %dma_wait3A_149 = tpu.memref_slice %arg9[%dma_wait3A_146, %dma_wait3A_147, %dma_wait3A_148] : memref<3x512x16xf32, #tpu.memory_space<vmem>> -> memref<1x512x16xf32, #tpu.memory_space<vmem>>
          %dma_wait3A_150 = tpu.memref_squeeze %dma_wait3A_149 : memref<1x512x16xf32, #tpu.memory_space<vmem>> -> memref<512x16xf32, #tpu.memory_space<vmem>>
          %dma_wait3A_151 = arith.constant 0 : i32
          %dma_wait3A_152 = arith.constant 0 : i32
          %dma_wait3A_153 = tpu.memref_slice %arg2[%dma_wait3A_151, %dma_wait3A_152] : memref<100000x16xf32, #tpu.memory_space<hbm>> -> memref<512x16xf32, #tpu.memory_space<hbm>>
          %dma_wait3A_154 = arith.constant 0 : i32
          %dma_wait3A_155 = arith.constant 0 : i32
          %dma_wait3A_156 = tpu.memref_slice %arg9[%dma_wait3A_146, %dma_wait3A_154, %dma_wait3A_155] : memref<3x512x16xf32, #tpu.memory_space<vmem>> -> memref<1x512x16xf32, #tpu.memory_space<vmem>>
          %dma_wait3A_157 = tpu.memref_squeeze %dma_wait3A_156 : memref<1x512x16xf32, #tpu.memory_space<vmem>> -> memref<512x16xf32, #tpu.memory_space<vmem>>
          %dma_wait3A_158 = arith.constant 0 : i32
          %dma_wait3A_159 = arith.constant 0 : i32
          %dma_wait3A_160 = tpu.memref_slice %arg2[%dma_wait3A_158, %dma_wait3A_159] : memref<100000x16xf32, #tpu.memory_space<hbm>> -> memref<512x16xf32, #tpu.memory_space<hbm>>
          tpu.wait_dma2 semaphore(%arg16 : memref<!tpu.dma_semaphore, #tpu.memory_space<semaphore_mem>>) src(%dma_wait3A_160 : memref<512x16xf32, #tpu.memory_space<hbm>>) dst(%dma_wait3A_157 : memref<512x16xf32, #tpu.memory_space<vmem>>)
        } else {
        }
        %lt3A_136 = arith.constant 196 : i32
        %lt3A_137 = arith.cmpi slt, %scan3A_116, %lt3A_136 : i32
        %convert_element_type3A_138 = arith.extui %lt3A_137 : i1 to i32
        %cond3A_139 = arith.constant 0 : i32
        %cond3A_140 = arith.cmpi ne, %convert_element_type3A_138, %cond3A_139 : i32
        scf.if %cond3A_140 {
          %dma_wait3A_146 = arith.constant 0 : i32
          %dma_wait3A_147 = arith.constant 0 : i32
          %dma_wait3A_148 = tpu.memref_slice %arg7[%dma_wait3A_146, %dma_wait3A_147] : memref<4x512xi32, #tpu.memory_space<vmem>> -> memref<1x512xi32, #tpu.memory_space<vmem>>
          %dma_wait3A_149 = tpu.memref_squeeze %dma_wait3A_148 : memref<1x512xi32, #tpu.memory_space<vmem>> -> memref<512xi32, #tpu.memory_space<vmem>>
          %dma_wait3A_150 = arith.constant 0 : i32
          %dma_wait3A_151 = tpu.memref_slice %arg3[%scan3A_33, %dma_wait3A_150] : memref<6272x512xi32, #tpu.memory_space<hbm>> -> memref<1x512xi32, #tpu.memory_space<hbm>>
          %dma_wait3A_152 = tpu.memref_squeeze %dma_wait3A_151 : memref<1x512xi32, #tpu.memory_space<hbm>> -> memref<512xi32, #tpu.memory_space<hbm>>
          %dma_wait3A_153 = arith.constant 0 : i32
          %dma_wait3A_154 = tpu.memref_slice %arg7[%dma_wait3A_146, %dma_wait3A_153] : memref<4x512xi32, #tpu.memory_space<vmem>> -> memref<1x512xi32, #tpu.memory_space<vmem>>
          %dma_wait3A_155 = tpu.memref_squeeze %dma_wait3A_154 : memref<1x512xi32, #tpu.memory_space<vmem>> -> memref<512xi32, #tpu.memory_space<vmem>>
          %dma_wait3A_156 = arith.constant 0 : i32
          %dma_wait3A_157 = tpu.memref_slice %arg3[%scan3A_33, %dma_wait3A_156] : memref<6272x512xi32, #tpu.memory_space<hbm>> -> memref<1x512xi32, #tpu.memory_space<hbm>>
          %dma_wait3A_158 = tpu.memref_squeeze %dma_wait3A_157 : memref<1x512xi32, #tpu.memory_space<hbm>> -> memref<512xi32, #tpu.memory_space<hbm>>
          tpu.wait_dma2 semaphore(%arg11 : memref<!tpu.dma_semaphore, #tpu.memory_space<semaphore_mem>>) src(%dma_wait3A_158 : memref<512xi32, #tpu.memory_space<hbm>>) dst(%dma_wait3A_155 : memref<512xi32, #tpu.memory_space<vmem>>)
          %dma_wait3A_159 = arith.constant 0 : i32
          %dma_wait3A_160 = arith.constant 0 : i32
          %dma_wait3A_161 = tpu.memref_slice %arg8[%dma_wait3A_159, %dma_wait3A_160] : memref<4x512xi32, #tpu.memory_space<vmem>> -> memref<1x512xi32, #tpu.memory_space<vmem>>
          %dma_wait3A_162 = tpu.memref_squeeze %dma_wait3A_161 : memref<1x512xi32, #tpu.memory_space<vmem>> -> memref<512xi32, #tpu.memory_space<vmem>>
          %dma_wait3A_163 = arith.constant 0 : i32
          %dma_wait3A_164 = tpu.memref_slice %arg3[%scan3A_33, %dma_wait3A_163] : memref<6272x512xi32, #tpu.memory_space<hbm>> -> memref<1x512xi32, #tpu.memory_space<hbm>>
          %dma_wait3A_165 = tpu.memref_squeeze %dma_wait3A_164 : memref<1x512xi32, #tpu.memory_space<hbm>> -> memref<512xi32, #tpu.memory_space<hbm>>
          %dma_wait3A_166 = arith.constant 0 : i32
          %dma_wait3A_167 = tpu.memref_slice %arg8[%dma_wait3A_159, %dma_wait3A_166] : memref<4x512xi32, #tpu.memory_space<vmem>> -> memref<1x512xi32, #tpu.memory_space<vmem>>
          %dma_wait3A_168 = tpu.memref_squeeze %dma_wait3A_167 : memref<1x512xi32, #tpu.memory_space<vmem>> -> memref<512xi32, #tpu.memory_space<vmem>>
          %dma_wait3A_169 = arith.constant 0 : i32
          %dma_wait3A_170 = tpu.memref_slice %arg3[%scan3A_33, %dma_wait3A_169] : memref<6272x512xi32, #tpu.memory_space<hbm>> -> memref<1x512xi32, #tpu.memory_space<hbm>>
          %dma_wait3A_171 = tpu.memref_squeeze %dma_wait3A_170 : memref<1x512xi32, #tpu.memory_space<hbm>> -> memref<512xi32, #tpu.memory_space<hbm>>
          tpu.wait_dma2 semaphore(%arg11 : memref<!tpu.dma_semaphore, #tpu.memory_space<semaphore_mem>>) src(%dma_wait3A_171 : memref<512xi32, #tpu.memory_space<hbm>>) dst(%dma_wait3A_168 : memref<512xi32, #tpu.memory_space<vmem>>)
          %rem3A_172 = arith.constant 4 : i32
          %rem3A_173 = arith.remsi %scan3A_116, %rem3A_172 : i32
          %dma_start3A_174 = arith.constant 1 : i32
          %dma_start3A_175 = arith.constant 0 : i32
          %dma_start3A_176 = arith.constant 0 : i32
          %dma_start3A_177 = tpu.memref_slice %arg9[%dma_start3A_174, %dma_start3A_175, %dma_start3A_176] : memref<3x512x16xf32, #tpu.memory_space<vmem>> -> memref<1x512x16xf32, #tpu.memory_space<vmem>>
          %dma_start3A_178 = tpu.memref_squeeze %dma_start3A_177 : memref<1x512x16xf32, #tpu.memory_space<vmem>> -> memref<512x16xf32, #tpu.memory_space<vmem>>
          %dma_start3A_179 = arith.constant 0 : i32
          %dma_start3A_180 = tpu.memref_slice %arg7[%rem3A_173, %dma_start3A_179] : memref<4x512xi32, #tpu.memory_space<vmem>> -> memref<1x512xi32, #tpu.memory_space<vmem>>
          %dma_start3A_181 = tpu.memref_squeeze %dma_start3A_180 : memref<1x512xi32, #tpu.memory_space<vmem>> -> memref<512xi32, #tpu.memory_space<vmem>>
          %dma_start3A_182 = arith.constant 0 : i32
          %dma_start3A_183 = arith.constant 0 : i32
          %dma_start3A_184 = tpu.memref_slice %arg2[%dma_start3A_182, %dma_start3A_183] : memref<100000x16xf32, #tpu.memory_space<hbm>> -> memref<100000x16xf32, #tpu.memory_space<hbm>>
          tpu.enqueue_indirect_dma source(%dma_start3A_184 : memref<100000x16xf32, #tpu.memory_space<hbm>>) target(%dma_start3A_178 : memref<512x16xf32, #tpu.memory_space<vmem>>) offsets(%dma_start3A_181 : memref<512xi32, #tpu.memory_space<vmem>>) semaphore(%arg13 : memref<!tpu.dma_semaphore, #tpu.memory_space<semaphore_mem>>)
          %add3A_185 = arith.constant 1 : i32
          %add3A_186 = arith.addi %scan3A_116, %add3A_185 : i32
          %min3A_187 = arith.constant 195 : i32
          %min3A_188 = arith.minsi %add3A_186, %min3A_187 : i32
          %rem3A_189 = arith.constant 4 : i32
          %rem3A_190 = arith.remsi %min3A_188, %rem3A_189 : i32
          %add3A_191 = arith.addi %mul3A_4, %min3A_188 : i32
          %dma_start3A_192 = arith.constant 0 : i32
          %dma_start3A_193 = tpu.memref_slice %arg7[%rem3A_190, %dma_start3A_192] : memref<4x512xi32, #tpu.memory_space<vmem>> -> memref<1x512xi32, #tpu.memory_space<vmem>>
          %dma_start3A_194 = tpu.memref_squeeze %dma_start3A_193 : memref<1x512xi32, #tpu.memory_space<vmem>> -> memref<512xi32, #tpu.memory_space<vmem>>
          %dma_start3A_195 = arith.constant 0 : i32
          %dma_start3A_196 = tpu.memref_slice %arg3[%add3A_191, %dma_start3A_195] : memref<6272x512xi32, #tpu.memory_space<hbm>> -> memref<1x512xi32, #tpu.memory_space<hbm>>
          %dma_start3A_197 = tpu.memref_squeeze %dma_start3A_196 : memref<1x512xi32, #tpu.memory_space<hbm>> -> memref<512xi32, #tpu.memory_space<hbm>>
          %dma_start3A_198 = arith.constant 0 : i32
          %dma_start3A_199 = tpu.memref_slice %arg7[%rem3A_190, %dma_start3A_198] : memref<4x512xi32, #tpu.memory_space<vmem>> -> memref<1x512xi32, #tpu.memory_space<vmem>>
          %dma_start3A_200 = tpu.memref_squeeze %dma_start3A_199 : memref<1x512xi32, #tpu.memory_space<vmem>> -> memref<512xi32, #tpu.memory_space<vmem>>
          %dma_start3A_201 = arith.constant 0 : i32
          %dma_start3A_202 = tpu.memref_slice %arg3[%add3A_191, %dma_start3A_201] : memref<6272x512xi32, #tpu.memory_space<hbm>> -> memref<1x512xi32, #tpu.memory_space<hbm>>
          %dma_start3A_203 = tpu.memref_squeeze %dma_start3A_202 : memref<1x512xi32, #tpu.memory_space<hbm>> -> memref<512xi32, #tpu.memory_space<hbm>>
          tpu.enqueue_dma source(%dma_start3A_203 : memref<512xi32, #tpu.memory_space<hbm>>) target(%dma_start3A_200 : memref<512xi32, #tpu.memory_space<vmem>>) target_semaphore(%arg11 : memref<!tpu.dma_semaphore, #tpu.memory_space<semaphore_mem>>)
          %add3A_204 = arith.addi %mul3A_4, %min3A_188 : i32
          %dma_start3A_205 = arith.constant 0 : i32
          %dma_start3A_206 = tpu.memref_slice %arg8[%rem3A_190, %dma_start3A_205] : memref<4x512xi32, #tpu.memory_space<vmem>> -> memref<1x512xi32, #tpu.memory_space<vmem>>
          %dma_start3A_207 = tpu.memref_squeeze %dma_start3A_206 : memref<1x512xi32, #tpu.memory_space<vmem>> -> memref<512xi32, #tpu.memory_space<vmem>>
          %dma_start3A_208 = arith.constant 0 : i32
          %dma_start3A_209 = tpu.memref_slice %arg4[%add3A_204, %dma_start3A_208] : memref<6272x512xi32, #tpu.memory_space<hbm>> -> memref<1x512xi32, #tpu.memory_space<hbm>>
          %dma_start3A_210 = tpu.memref_squeeze %dma_start3A_209 : memref<1x512xi32, #tpu.memory_space<hbm>> -> memref<512xi32, #tpu.memory_space<hbm>>
          %dma_start3A_211 = arith.constant 0 : i32
          %dma_start3A_212 = tpu.memref_slice %arg8[%rem3A_190, %dma_start3A_211] : memref<4x512xi32, #tpu.memory_space<vmem>> -> memref<1x512xi32, #tpu.memory_space<vmem>>
          %dma_start3A_213 = tpu.memref_squeeze %dma_start3A_212 : memref<1x512xi32, #tpu.memory_space<vmem>> -> memref<512xi32, #tpu.memory_space<vmem>>
          %dma_start3A_214 = arith.constant 0 : i32
          %dma_start3A_215 = tpu.memref_slice %arg4[%add3A_204, %dma_start3A_214] : memref<6272x512xi32, #tpu.memory_space<hbm>> -> memref<1x512xi32, #tpu.memory_space<hbm>>
          %dma_start3A_216 = tpu.memref_squeeze %dma_start3A_215 : memref<1x512xi32, #tpu.memory_space<hbm>> -> memref<512xi32, #tpu.memory_space<hbm>>
          tpu.enqueue_dma source(%dma_start3A_216 : memref<512xi32, #tpu.memory_space<hbm>>) target(%dma_start3A_213 : memref<512xi32, #tpu.memory_space<vmem>>) target_semaphore(%arg11 : memref<!tpu.dma_semaphore, #tpu.memory_space<semaphore_mem>>)
        } else {
        }
        %ge3A_141 = arith.constant 1 : i32
        %ge3A_142 = arith.cmpi sge, %scan3A_116, %ge3A_141 : i32
        %convert_element_type3A_143 = arith.extui %ge3A_142 : i1 to i32
        %cond3A_144 = arith.constant 0 : i32
        %cond3A_145 = arith.cmpi ne, %convert_element_type3A_143, %cond3A_144 : i32
        scf.if %cond3A_145 {
          %dma_wait3A_146 = arith.constant 0 : i32
          %dma_wait3A_147 = arith.constant 0 : i32
          %dma_wait3A_148 = arith.constant 0 : i32
          %dma_wait3A_149 = tpu.memref_slice %arg9[%dma_wait3A_146, %dma_wait3A_147, %dma_wait3A_148] : memref<3x512x16xf32, #tpu.memory_space<vmem>> -> memref<1x512x16xf32, #tpu.memory_space<vmem>>
          %dma_wait3A_150 = tpu.memref_squeeze %dma_wait3A_149 : memref<1x512x16xf32, #tpu.memory_space<vmem>> -> memref<512x16xf32, #tpu.memory_space<vmem>>
          %dma_wait3A_151 = arith.constant 0 : i32
          %dma_wait3A_152 = arith.constant 0 : i32
          %dma_wait3A_153 = tpu.memref_slice %arg2[%dma_wait3A_151, %dma_wait3A_152] : memref<100000x16xf32, #tpu.memory_space<hbm>> -> memref<512x16xf32, #tpu.memory_space<hbm>>
          %dma_wait3A_154 = arith.constant 0 : i32
          %dma_wait3A_155 = arith.constant 0 : i32
          %dma_wait3A_156 = tpu.memref_slice %arg9[%dma_wait3A_146, %dma_wait3A_154, %dma_wait3A_155] : memref<3x512x16xf32, #tpu.memory_space<vmem>> -> memref<1x512x16xf32, #tpu.memory_space<vmem>>
          %dma_wait3A_157 = tpu.memref_squeeze %dma_wait3A_156 : memref<1x512x16xf32, #tpu.memory_space<vmem>> -> memref<512x16xf32, #tpu.memory_space<vmem>>
          %dma_wait3A_158 = arith.constant 0 : i32
          %dma_wait3A_159 = arith.constant 0 : i32
          %dma_wait3A_160 = tpu.memref_slice %arg2[%dma_wait3A_158, %dma_wait3A_159] : memref<100000x16xf32, #tpu.memory_space<hbm>> -> memref<512x16xf32, #tpu.memory_space<hbm>>
          tpu.wait_dma2 semaphore(%arg12 : memref<!tpu.dma_semaphore, #tpu.memory_space<semaphore_mem>>) src(%dma_wait3A_160 : memref<512x16xf32, #tpu.memory_space<hbm>>) dst(%dma_wait3A_157 : memref<512x16xf32, #tpu.memory_space<vmem>>)
          %sub3A = arith.constant 1 : i32
          %sub3A_161 = arith.subi %scan3A_116, %sub3A : i32
          %rem3A_162 = arith.constant 4 : i32
          %rem3A_163 = arith.remsi %sub3A_161, %rem3A_162 : i32
          %dma_start3A_164 = arith.constant 0 : i32
          %dma_start3A_165 = arith.constant 0 : i32
          %dma_start3A_166 = arith.constant 0 : i32
          %dma_start3A_167 = tpu.memref_slice %arg9[%dma_start3A_164, %dma_start3A_165, %dma_start3A_166] : memref<3x512x16xf32, #tpu.memory_space<vmem>> -> memref<1x512x16xf32, #tpu.memory_space<vmem>>
          %dma_start3A_168 = tpu.memref_squeeze %dma_start3A_167 : memref<1x512x16xf32, #tpu.memory_space<vmem>> -> memref<512x16xf32, #tpu.memory_space<vmem>>
          %dma_start3A_169 = arith.constant 0 : i32
          %dma_start3A_170 = tpu.memref_slice %arg8[%rem3A_163, %dma_start3A_169] : memref<4x512xi32, #tpu.memory_space<vmem>> -> memref<1x512xi32, #tpu.memory_space<vmem>>
          %dma_start3A_171 = tpu.memref_squeeze %dma_start3A_170 : memref<1x512xi32, #tpu.memory_space<vmem>> -> memref<512xi32, #tpu.memory_space<vmem>>
          %dma_start3A_172 = arith.constant 0 : i32
          %dma_start3A_173 = arith.constant 0 : i32
          %dma_start3A_174 = tpu.memref_slice %arg10[%dma_start3A_172, %dma_start3A_173] : memref<100096x16xf32, #tpu.memory_space<vmem_shared>> -> memref<100096x16xf32, #tpu.memory_space<vmem_shared>>
          tpu.enqueue_indirect_dma source(%dma_start3A_168 : memref<512x16xf32, #tpu.memory_space<vmem>>) target(%dma_start3A_174 : memref<100096x16xf32, #tpu.memory_space<vmem_shared>>) offsets(%dma_start3A_171 : memref<512xi32, #tpu.memory_space<vmem>>) semaphore(%arg15 : memref<!tpu.dma_semaphore, #tpu.memory_space<semaphore_mem>>) {add = true}
        } else {
        }
      } else {
      }
      %eq3A_126 = arith.constant 2 : i32
      %eq3A_127 = arith.cmpi eq, %rem3A_118, %eq3A_126 : i32
      %convert_element_type3A_128 = arith.extui %eq3A_127 : i1 to i32
      %cond3A_129 = arith.constant 0 : i32
      %cond3A_130 = arith.cmpi ne, %convert_element_type3A_128, %cond3A_129 : i32
      scf.if %cond3A_130 {
        %ge3A = arith.constant 3 : i32
        %ge3A_131 = arith.cmpi sge, %scan3A_116, %ge3A : i32
        %lt3A = arith.constant 196 : i32
        %lt3A_132 = arith.cmpi slt, %scan3A_116, %lt3A : i32
        %and3A = arith.andi %ge3A_131, %lt3A_132 : i1
        %convert_element_type3A_133 = arith.extui %and3A : i1 to i32
        %cond3A_134 = arith.constant 0 : i32
        %cond3A_135 = arith.cmpi ne, %convert_element_type3A_133, %cond3A_134 : i32
        scf.if %cond3A_135 {
          %dma_wait3A_146 = arith.constant 2 : i32
          %dma_wait3A_147 = arith.constant 0 : i32
          %dma_wait3A_148 = arith.constant 0 : i32
          %dma_wait3A_149 = tpu.memref_slice %arg9[%dma_wait3A_146, %dma_wait3A_147, %dma_wait3A_148] : memref<3x512x16xf32, #tpu.memory_space<vmem>> -> memref<1x512x16xf32, #tpu.memory_space<vmem>>
          %dma_wait3A_150 = tpu.memref_squeeze %dma_wait3A_149 : memref<1x512x16xf32, #tpu.memory_space<vmem>> -> memref<512x16xf32, #tpu.memory_space<vmem>>
          %dma_wait3A_151 = arith.constant 0 : i32
          %dma_wait3A_152 = arith.constant 0 : i32
          %dma_wait3A_153 = tpu.memref_slice %arg2[%dma_wait3A_151, %dma_wait3A_152] : memref<100000x16xf32, #tpu.memory_space<hbm>> -> memref<512x16xf32, #tpu.memory_space<hbm>>
          %dma_wait3A_154 = arith.constant 0 : i32
          %dma_wait3A_155 = arith.constant 0 : i32
          %dma_wait3A_156 = tpu.memref_slice %arg9[%dma_wait3A_146, %dma_wait3A_154, %dma_wait3A_155] : memref<3x512x16xf32, #tpu.memory_space<vmem>> -> memref<1x512x16xf32, #tpu.memory_space<vmem>>
          %dma_wait3A_157 = tpu.memref_squeeze %dma_wait3A_156 : memref<1x512x16xf32, #tpu.memory_space<vmem>> -> memref<512x16xf32, #tpu.memory_space<vmem>>
          %dma_wait3A_158 = arith.constant 0 : i32
          %dma_wait3A_159 = arith.constant 0 : i32
          %dma_wait3A_160 = tpu.memref_slice %arg2[%dma_wait3A_158, %dma_wait3A_159] : memref<100000x16xf32, #tpu.memory_space<hbm>> -> memref<512x16xf32, #tpu.memory_space<hbm>>
          tpu.wait_dma2 semaphore(%arg17 : memref<!tpu.dma_semaphore, #tpu.memory_space<semaphore_mem>>) src(%dma_wait3A_160 : memref<512x16xf32, #tpu.memory_space<hbm>>) dst(%dma_wait3A_157 : memref<512x16xf32, #tpu.memory_space<vmem>>)
        } else {
        }
        %lt3A_136 = arith.constant 196 : i32
        %lt3A_137 = arith.cmpi slt, %scan3A_116, %lt3A_136 : i32
        %convert_element_type3A_138 = arith.extui %lt3A_137 : i1 to i32
        %cond3A_139 = arith.constant 0 : i32
        %cond3A_140 = arith.cmpi ne, %convert_element_type3A_138, %cond3A_139 : i32
        scf.if %cond3A_140 {
          %dma_wait3A_146 = arith.constant 0 : i32
          %dma_wait3A_147 = arith.constant 0 : i32
          %dma_wait3A_148 = tpu.memref_slice %arg7[%dma_wait3A_146, %dma_wait3A_147] : memref<4x512xi32, #tpu.memory_space<vmem>> -> memref<1x512xi32, #tpu.memory_space<vmem>>
          %dma_wait3A_149 = tpu.memref_squeeze %dma_wait3A_148 : memref<1x512xi32, #tpu.memory_space<vmem>> -> memref<512xi32, #tpu.memory_space<vmem>>
          %dma_wait3A_150 = arith.constant 0 : i32
          %dma_wait3A_151 = tpu.memref_slice %arg3[%scan3A_33, %dma_wait3A_150] : memref<6272x512xi32, #tpu.memory_space<hbm>> -> memref<1x512xi32, #tpu.memory_space<hbm>>
          %dma_wait3A_152 = tpu.memref_squeeze %dma_wait3A_151 : memref<1x512xi32, #tpu.memory_space<hbm>> -> memref<512xi32, #tpu.memory_space<hbm>>
          %dma_wait3A_153 = arith.constant 0 : i32
          %dma_wait3A_154 = tpu.memref_slice %arg7[%dma_wait3A_146, %dma_wait3A_153] : memref<4x512xi32, #tpu.memory_space<vmem>> -> memref<1x512xi32, #tpu.memory_space<vmem>>
          %dma_wait3A_155 = tpu.memref_squeeze %dma_wait3A_154 : memref<1x512xi32, #tpu.memory_space<vmem>> -> memref<512xi32, #tpu.memory_space<vmem>>
          %dma_wait3A_156 = arith.constant 0 : i32
          %dma_wait3A_157 = tpu.memref_slice %arg3[%scan3A_33, %dma_wait3A_156] : memref<6272x512xi32, #tpu.memory_space<hbm>> -> memref<1x512xi32, #tpu.memory_space<hbm>>
          %dma_wait3A_158 = tpu.memref_squeeze %dma_wait3A_157 : memref<1x512xi32, #tpu.memory_space<hbm>> -> memref<512xi32, #tpu.memory_space<hbm>>
          tpu.wait_dma2 semaphore(%arg11 : memref<!tpu.dma_semaphore, #tpu.memory_space<semaphore_mem>>) src(%dma_wait3A_158 : memref<512xi32, #tpu.memory_space<hbm>>) dst(%dma_wait3A_155 : memref<512xi32, #tpu.memory_space<vmem>>)
          %dma_wait3A_159 = arith.constant 0 : i32
          %dma_wait3A_160 = arith.constant 0 : i32
          %dma_wait3A_161 = tpu.memref_slice %arg8[%dma_wait3A_159, %dma_wait3A_160] : memref<4x512xi32, #tpu.memory_space<vmem>> -> memref<1x512xi32, #tpu.memory_space<vmem>>
          %dma_wait3A_162 = tpu.memref_squeeze %dma_wait3A_161 : memref<1x512xi32, #tpu.memory_space<vmem>> -> memref<512xi32, #tpu.memory_space<vmem>>
          %dma_wait3A_163 = arith.constant 0 : i32
          %dma_wait3A_164 = tpu.memref_slice %arg3[%scan3A_33, %dma_wait3A_163] : memref<6272x512xi32, #tpu.memory_space<hbm>> -> memref<1x512xi32, #tpu.memory_space<hbm>>
          %dma_wait3A_165 = tpu.memref_squeeze %dma_wait3A_164 : memref<1x512xi32, #tpu.memory_space<hbm>> -> memref<512xi32, #tpu.memory_space<hbm>>
          %dma_wait3A_166 = arith.constant 0 : i32
          %dma_wait3A_167 = tpu.memref_slice %arg8[%dma_wait3A_159, %dma_wait3A_166] : memref<4x512xi32, #tpu.memory_space<vmem>> -> memref<1x512xi32, #tpu.memory_space<vmem>>
          %dma_wait3A_168 = tpu.memref_squeeze %dma_wait3A_167 : memref<1x512xi32, #tpu.memory_space<vmem>> -> memref<512xi32, #tpu.memory_space<vmem>>
          %dma_wait3A_169 = arith.constant 0 : i32
          %dma_wait3A_170 = tpu.memref_slice %arg3[%scan3A_33, %dma_wait3A_169] : memref<6272x512xi32, #tpu.memory_space<hbm>> -> memref<1x512xi32, #tpu.memory_space<hbm>>
          %dma_wait3A_171 = tpu.memref_squeeze %dma_wait3A_170 : memref<1x512xi32, #tpu.memory_space<hbm>> -> memref<512xi32, #tpu.memory_space<hbm>>
          tpu.wait_dma2 semaphore(%arg11 : memref<!tpu.dma_semaphore, #tpu.memory_space<semaphore_mem>>) src(%dma_wait3A_171 : memref<512xi32, #tpu.memory_space<hbm>>) dst(%dma_wait3A_168 : memref<512xi32, #tpu.memory_space<vmem>>)
          %rem3A_172 = arith.constant 4 : i32
          %rem3A_173 = arith.remsi %scan3A_116, %rem3A_172 : i32
          %dma_start3A_174 = arith.constant 2 : i32
          %dma_start3A_175 = arith.constant 0 : i32
          %dma_start3A_176 = arith.constant 0 : i32
          %dma_start3A_177 = tpu.memref_slice %arg9[%dma_start3A_174, %dma_start3A_175, %dma_start3A_176] : memref<3x512x16xf32, #tpu.memory_space<vmem>> -> memref<1x512x16xf32, #tpu.memory_space<vmem>>
          %dma_start3A_178 = tpu.memref_squeeze %dma_start3A_177 : memref<1x512x16xf32, #tpu.memory_space<vmem>> -> memref<512x16xf32, #tpu.memory_space<vmem>>
          %dma_start3A_179 = arith.constant 0 : i32
          %dma_start3A_180 = tpu.memref_slice %arg7[%rem3A_173, %dma_start3A_179] : memref<4x512xi32, #tpu.memory_space<vmem>> -> memref<1x512xi32, #tpu.memory_space<vmem>>
          %dma_start3A_181 = tpu.memref_squeeze %dma_start3A_180 : memref<1x512xi32, #tpu.memory_space<vmem>> -> memref<512xi32, #tpu.memory_space<vmem>>
          %dma_start3A_182 = arith.constant 0 : i32
          %dma_start3A_183 = arith.constant 0 : i32
          %dma_start3A_184 = tpu.memref_slice %arg2[%dma_start3A_182, %dma_start3A_183] : memref<100000x16xf32, #tpu.memory_space<hbm>> -> memref<100000x16xf32, #tpu.memory_space<hbm>>
          tpu.enqueue_indirect_dma source(%dma_start3A_184 : memref<100000x16xf32, #tpu.memory_space<hbm>>) target(%dma_start3A_178 : memref<512x16xf32, #tpu.memory_space<vmem>>) offsets(%dma_start3A_181 : memref<512xi32, #tpu.memory_space<vmem>>) semaphore(%arg14 : memref<!tpu.dma_semaphore, #tpu.memory_space<semaphore_mem>>)
          %add3A_185 = arith.constant 1 : i32
          %add3A_186 = arith.addi %scan3A_116, %add3A_185 : i32
          %min3A_187 = arith.constant 195 : i32
          %min3A_188 = arith.minsi %add3A_186, %min3A_187 : i32
          %rem3A_189 = arith.constant 4 : i32
          %rem3A_190 = arith.remsi %min3A_188, %rem3A_189 : i32
          %add3A_191 = arith.addi %mul3A_4, %min3A_188 : i32
          %dma_start3A_192 = arith.constant 0 : i32
          %dma_start3A_193 = tpu.memref_slice %arg7[%rem3A_190, %dma_start3A_192] : memref<4x512xi32, #tpu.memory_space<vmem>> -> memref<1x512xi32, #tpu.memory_space<vmem>>
          %dma_start3A_194 = tpu.memref_squeeze %dma_start3A_193 : memref<1x512xi32, #tpu.memory_space<vmem>> -> memref<512xi32, #tpu.memory_space<vmem>>
          %dma_start3A_195 = arith.constant 0 : i32
          %dma_start3A_196 = tpu.memref_slice %arg3[%add3A_191, %dma_start3A_195] : memref<6272x512xi32, #tpu.memory_space<hbm>> -> memref<1x512xi32, #tpu.memory_space<hbm>>
          %dma_start3A_197 = tpu.memref_squeeze %dma_start3A_196 : memref<1x512xi32, #tpu.memory_space<hbm>> -> memref<512xi32, #tpu.memory_space<hbm>>
          %dma_start3A_198 = arith.constant 0 : i32
          %dma_start3A_199 = tpu.memref_slice %arg7[%rem3A_190, %dma_start3A_198] : memref<4x512xi32, #tpu.memory_space<vmem>> -> memref<1x512xi32, #tpu.memory_space<vmem>>
          %dma_start3A_200 = tpu.memref_squeeze %dma_start3A_199 : memref<1x512xi32, #tpu.memory_space<vmem>> -> memref<512xi32, #tpu.memory_space<vmem>>
          %dma_start3A_201 = arith.constant 0 : i32
          %dma_start3A_202 = tpu.memref_slice %arg3[%add3A_191, %dma_start3A_201] : memref<6272x512xi32, #tpu.memory_space<hbm>> -> memref<1x512xi32, #tpu.memory_space<hbm>>
          %dma_start3A_203 = tpu.memref_squeeze %dma_start3A_202 : memref<1x512xi32, #tpu.memory_space<hbm>> -> memref<512xi32, #tpu.memory_space<hbm>>
          tpu.enqueue_dma source(%dma_start3A_203 : memref<512xi32, #tpu.memory_space<hbm>>) target(%dma_start3A_200 : memref<512xi32, #tpu.memory_space<vmem>>) target_semaphore(%arg11 : memref<!tpu.dma_semaphore, #tpu.memory_space<semaphore_mem>>)
          %add3A_204 = arith.addi %mul3A_4, %min3A_188 : i32
          %dma_start3A_205 = arith.constant 0 : i32
          %dma_start3A_206 = tpu.memref_slice %arg8[%rem3A_190, %dma_start3A_205] : memref<4x512xi32, #tpu.memory_space<vmem>> -> memref<1x512xi32, #tpu.memory_space<vmem>>
          %dma_start3A_207 = tpu.memref_squeeze %dma_start3A_206 : memref<1x512xi32, #tpu.memory_space<vmem>> -> memref<512xi32, #tpu.memory_space<vmem>>
          %dma_start3A_208 = arith.constant 0 : i32
          %dma_start3A_209 = tpu.memref_slice %arg4[%add3A_204, %dma_start3A_208] : memref<6272x512xi32, #tpu.memory_space<hbm>> -> memref<1x512xi32, #tpu.memory_space<hbm>>
          %dma_start3A_210 = tpu.memref_squeeze %dma_start3A_209 : memref<1x512xi32, #tpu.memory_space<hbm>> -> memref<512xi32, #tpu.memory_space<hbm>>
          %dma_start3A_211 = arith.constant 0 : i32
          %dma_start3A_212 = tpu.memref_slice %arg8[%rem3A_190, %dma_start3A_211] : memref<4x512xi32, #tpu.memory_space<vmem>> -> memref<1x512xi32, #tpu.memory_space<vmem>>
          %dma_start3A_213 = tpu.memref_squeeze %dma_start3A_212 : memref<1x512xi32, #tpu.memory_space<vmem>> -> memref<512xi32, #tpu.memory_space<vmem>>
          %dma_start3A_214 = arith.constant 0 : i32
          %dma_start3A_215 = tpu.memref_slice %arg4[%add3A_204, %dma_start3A_214] : memref<6272x512xi32, #tpu.memory_space<hbm>> -> memref<1x512xi32, #tpu.memory_space<hbm>>
          %dma_start3A_216 = tpu.memref_squeeze %dma_start3A_215 : memref<1x512xi32, #tpu.memory_space<hbm>> -> memref<512xi32, #tpu.memory_space<hbm>>
          tpu.enqueue_dma source(%dma_start3A_216 : memref<512xi32, #tpu.memory_space<hbm>>) target(%dma_start3A_213 : memref<512xi32, #tpu.memory_space<vmem>>) target_semaphore(%arg11 : memref<!tpu.dma_semaphore, #tpu.memory_space<semaphore_mem>>)
        } else {
        }
        %ge3A_141 = arith.constant 1 : i32
        %ge3A_142 = arith.cmpi sge, %scan3A_116, %ge3A_141 : i32
        %convert_element_type3A_143 = arith.extui %ge3A_142 : i1 to i32
        %cond3A_144 = arith.constant 0 : i32
        %cond3A_145 = arith.cmpi ne, %convert_element_type3A_143, %cond3A_144 : i32
        scf.if %cond3A_145 {
          %dma_wait3A_146 = arith.constant 1 : i32
          %dma_wait3A_147 = arith.constant 0 : i32
          %dma_wait3A_148 = arith.constant 0 : i32
          %dma_wait3A_149 = tpu.memref_slice %arg9[%dma_wait3A_146, %dma_wait3A_147, %dma_wait3A_148] : memref<3x512x16xf32, #tpu.memory_space<vmem>> -> memref<1x512x16xf32, #tpu.memory_space<vmem>>
          %dma_wait3A_150 = tpu.memref_squeeze %dma_wait3A_149 : memref<1x512x16xf32, #tpu.memory_space<vmem>> -> memref<512x16xf32, #tpu.memory_space<vmem>>
          %dma_wait3A_151 = arith.constant 0 : i32
          %dma_wait3A_152 = arith.constant 0 : i32
          %dma_wait3A_153 = tpu.memref_slice %arg2[%dma_wait3A_151, %dma_wait3A_152] : memref<100000x16xf32, #tpu.memory_space<hbm>> -> memref<512x16xf32, #tpu.memory_space<hbm>>
          %dma_wait3A_154 = arith.constant 0 : i32
          %dma_wait3A_155 = arith.constant 0 : i32
          %dma_wait3A_156 = tpu.memref_slice %arg9[%dma_wait3A_146, %dma_wait3A_154, %dma_wait3A_155] : memref<3x512x16xf32, #tpu.memory_space<vmem>> -> memref<1x512x16xf32, #tpu.memory_space<vmem>>
          %dma_wait3A_157 = tpu.memref_squeeze %dma_wait3A_156 : memref<1x512x16xf32, #tpu.memory_space<vmem>> -> memref<512x16xf32, #tpu.memory_space<vmem>>
          %dma_wait3A_158 = arith.constant 0 : i32
          %dma_wait3A_159 = arith.constant 0 : i32
          %dma_wait3A_160 = tpu.memref_slice %arg2[%dma_wait3A_158, %dma_wait3A_159] : memref<100000x16xf32, #tpu.memory_space<hbm>> -> memref<512x16xf32, #tpu.memory_space<hbm>>
          tpu.wait_dma2 semaphore(%arg13 : memref<!tpu.dma_semaphore, #tpu.memory_space<semaphore_mem>>) src(%dma_wait3A_160 : memref<512x16xf32, #tpu.memory_space<hbm>>) dst(%dma_wait3A_157 : memref<512x16xf32, #tpu.memory_space<vmem>>)
          %sub3A = arith.constant 1 : i32
          %sub3A_161 = arith.subi %scan3A_116, %sub3A : i32
          %rem3A_162 = arith.constant 4 : i32
          %rem3A_163 = arith.remsi %sub3A_161, %rem3A_162 : i32
          %dma_start3A_164 = arith.constant 1 : i32
          %dma_start3A_165 = arith.constant 0 : i32
          %dma_start3A_166 = arith.constant 0 : i32
          %dma_start3A_167 = tpu.memref_slice %arg9[%dma_start3A_164, %dma_start3A_165, %dma_start3A_166] : memref<3x512x16xf32, #tpu.memory_space<vmem>> -> memref<1x512x16xf32, #tpu.memory_space<vmem>>
          %dma_start3A_168 = tpu.memref_squeeze %dma_start3A_167 : memref<1x512x16xf32, #tpu.memory_space<vmem>> -> memref<512x16xf32, #tpu.memory_space<vmem>>
          %dma_start3A_169 = arith.constant 0 : i32
          %dma_start3A_170 = tpu.memref_slice %arg8[%rem3A_163, %dma_start3A_169] : memref<4x512xi32, #tpu.memory_space<vmem>> -> memref<1x512xi32, #tpu.memory_space<vmem>>
          %dma_start3A_171 = tpu.memref_squeeze %dma_start3A_170 : memref<1x512xi32, #tpu.memory_space<vmem>> -> memref<512xi32, #tpu.memory_space<vmem>>
          %dma_start3A_172 = arith.constant 0 : i32
          %dma_start3A_173 = arith.constant 0 : i32
          %dma_start3A_174 = tpu.memref_slice %arg10[%dma_start3A_172, %dma_start3A_173] : memref<100096x16xf32, #tpu.memory_space<vmem_shared>> -> memref<100096x16xf32, #tpu.memory_space<vmem_shared>>
          tpu.enqueue_indirect_dma source(%dma_start3A_168 : memref<512x16xf32, #tpu.memory_space<vmem>>) target(%dma_start3A_174 : memref<100096x16xf32, #tpu.memory_space<vmem_shared>>) offsets(%dma_start3A_171 : memref<512xi32, #tpu.memory_space<vmem>>) semaphore(%arg16 : memref<!tpu.dma_semaphore, #tpu.memory_space<semaphore_mem>>) {add = true}
        } else {
        }
      } else {
      }
    }
    %scan3A_38 = arith.constant 197 : i32
    %dma_wait3A = arith.constant 0 : i32
    %dma_wait3A_39 = arith.constant 0 : i32
    %dma_wait3A_40 = arith.constant 0 : i32
    %dma_wait3A_41 = tpu.memref_slice %arg7[%dma_wait3A_39, %dma_wait3A_40] : memref<4x512xi32, #tpu.memory_space<vmem>> -> memref<1x512xi32, #tpu.memory_space<vmem>>
    %dma_wait3A_42 = tpu.memref_squeeze %dma_wait3A_41 : memref<1x512xi32, #tpu.memory_space<vmem>> -> memref<512xi32, #tpu.memory_space<vmem>>
    %dma_wait3A_43 = arith.constant 0 : i32
    %dma_wait3A_44 = tpu.memref_slice %arg3[%dma_wait3A, %dma_wait3A_43] : memref<6272x512xi32, #tpu.memory_space<hbm>> -> memref<1x512xi32, #tpu.memory_space<hbm>>
    %dma_wait3A_45 = tpu.memref_squeeze %dma_wait3A_44 : memref<1x512xi32, #tpu.memory_space<hbm>> -> memref<512xi32, #tpu.memory_space<hbm>>
    %dma_wait3A_46 = arith.constant 0 : i32
    %dma_wait3A_47 = tpu.memref_slice %arg7[%dma_wait3A_39, %dma_wait3A_46] : memref<4x512xi32, #tpu.memory_space<vmem>> -> memref<1x512xi32, #tpu.memory_space<vmem>>
    %dma_wait3A_48 = tpu.memref_squeeze %dma_wait3A_47 : memref<1x512xi32, #tpu.memory_space<vmem>> -> memref<512xi32, #tpu.memory_space<vmem>>
    %dma_wait3A_49 = arith.constant 0 : i32
    %dma_wait3A_50 = tpu.memref_slice %arg3[%dma_wait3A, %dma_wait3A_49] : memref<6272x512xi32, #tpu.memory_space<hbm>> -> memref<1x512xi32, #tpu.memory_space<hbm>>
    %dma_wait3A_51 = tpu.memref_squeeze %dma_wait3A_50 : memref<1x512xi32, #tpu.memory_space<hbm>> -> memref<512xi32, #tpu.memory_space<hbm>>
    tpu.wait_dma2 semaphore(%arg11 : memref<!tpu.dma_semaphore, #tpu.memory_space<semaphore_mem>>) src(%dma_wait3A_51 : memref<512xi32, #tpu.memory_space<hbm>>) dst(%dma_wait3A_48 : memref<512xi32, #tpu.memory_space<vmem>>)
    %dma_wait3A_52 = arith.constant 0 : i32
    %dma_wait3A_53 = arith.constant 0 : i32
    %dma_wait3A_54 = arith.constant 0 : i32
    %dma_wait3A_55 = tpu.memref_slice %arg8[%dma_wait3A_53, %dma_wait3A_54] : memref<4x512xi32, #tpu.memory_space<vmem>> -> memref<1x512xi32, #tpu.memory_space<vmem>>
    %dma_wait3A_56 = tpu.memref_squeeze %dma_wait3A_55 : memref<1x512xi32, #tpu.memory_space<vmem>> -> memref<512xi32, #tpu.memory_space<vmem>>
    %dma_wait3A_57 = arith.constant 0 : i32
    %dma_wait3A_58 = tpu.memref_slice %arg3[%dma_wait3A_52, %dma_wait3A_57] : memref<6272x512xi32, #tpu.memory_space<hbm>> -> memref<1x512xi32, #tpu.memory_space<hbm>>
    %dma_wait3A_59 = tpu.memref_squeeze %dma_wait3A_58 : memref<1x512xi32, #tpu.memory_space<hbm>> -> memref<512xi32, #tpu.memory_space<hbm>>
    %dma_wait3A_60 = arith.constant 0 : i32
    %dma_wait3A_61 = tpu.memref_slice %arg8[%dma_wait3A_53, %dma_wait3A_60] : memref<4x512xi32, #tpu.memory_space<vmem>> -> memref<1x512xi32, #tpu.memory_space<vmem>>
    %dma_wait3A_62 = tpu.memref_squeeze %dma_wait3A_61 : memref<1x512xi32, #tpu.memory_space<vmem>> -> memref<512xi32, #tpu.memory_space<vmem>>
    %dma_wait3A_63 = arith.constant 0 : i32
    %dma_wait3A_64 = tpu.memref_slice %arg3[%dma_wait3A_52, %dma_wait3A_63] : memref<6272x512xi32, #tpu.memory_space<hbm>> -> memref<1x512xi32, #tpu.memory_space<hbm>>
    %dma_wait3A_65 = tpu.memref_squeeze %dma_wait3A_64 : memref<1x512xi32, #tpu.memory_space<hbm>> -> memref<512xi32, #tpu.memory_space<hbm>>
    tpu.wait_dma2 semaphore(%arg11 : memref<!tpu.dma_semaphore, #tpu.memory_space<semaphore_mem>>) src(%dma_wait3A_65 : memref<512xi32, #tpu.memory_space<hbm>>) dst(%dma_wait3A_62 : memref<512xi32, #tpu.memory_space<vmem>>)
    %dma_wait3A_66 = arith.constant 0 : i32
    %dma_wait3A_67 = arith.constant 0 : i32
    %dma_wait3A_68 = arith.constant 0 : i32
    %dma_wait3A_69 = tpu.memref_slice %arg9[%dma_wait3A_66, %dma_wait3A_67, %dma_wait3A_68] : memref<3x512x16xf32, #tpu.memory_space<vmem>> -> memref<1x512x16xf32, #tpu.memory_space<vmem>>
    %dma_wait3A_70 = tpu.memref_squeeze %dma_wait3A_69 : memref<1x512x16xf32, #tpu.memory_space<vmem>> -> memref<512x16xf32, #tpu.memory_space<vmem>>
    %dma_wait3A_71 = arith.constant 0 : i32
    %dma_wait3A_72 = arith.constant 0 : i32
    %dma_wait3A_73 = tpu.memref_slice %arg2[%dma_wait3A_71, %dma_wait3A_72] : memref<100000x16xf32, #tpu.memory_space<hbm>> -> memref<512x16xf32, #tpu.memory_space<hbm>>
    %dma_wait3A_74 = arith.constant 0 : i32
    %dma_wait3A_75 = arith.constant 0 : i32
    %dma_wait3A_76 = tpu.memref_slice %arg9[%dma_wait3A_66, %dma_wait3A_74, %dma_wait3A_75] : memref<3x512x16xf32, #tpu.memory_space<vmem>> -> memref<1x512x16xf32, #tpu.memory_space<vmem>>
    %dma_wait3A_77 = tpu.memref_squeeze %dma_wait3A_76 : memref<1x512x16xf32, #tpu.memory_space<vmem>> -> memref<512x16xf32, #tpu.memory_space<vmem>>
    %dma_wait3A_78 = arith.constant 0 : i32
    %dma_wait3A_79 = arith.constant 0 : i32
    %dma_wait3A_80 = tpu.memref_slice %arg2[%dma_wait3A_78, %dma_wait3A_79] : memref<100000x16xf32, #tpu.memory_space<hbm>> -> memref<512x16xf32, #tpu.memory_space<hbm>>
    tpu.wait_dma2 semaphore(%arg15 : memref<!tpu.dma_semaphore, #tpu.memory_space<semaphore_mem>>) src(%dma_wait3A_80 : memref<512x16xf32, #tpu.memory_space<hbm>>) dst(%dma_wait3A_77 : memref<512x16xf32, #tpu.memory_space<vmem>>)
    %dma_wait3A_81 = arith.constant 1 : i32
    %dma_wait3A_82 = arith.constant 0 : i32
    %dma_wait3A_83 = arith.constant 0 : i32
    %dma_wait3A_84 = tpu.memref_slice %arg9[%dma_wait3A_81, %dma_wait3A_82, %dma_wait3A_83] : memref<3x512x16xf32, #tpu.memory_space<vmem>> -> memref<1x512x16xf32, #tpu.memory_space<vmem>>
    %dma_wait3A_85 = tpu.memref_squeeze %dma_wait3A_84 : memref<1x512x16xf32, #tpu.memory_space<vmem>> -> memref<512x16xf32, #tpu.memory_space<vmem>>
    %dma_wait3A_86 = arith.constant 0 : i32
    %dma_wait3A_87 = arith.constant 0 : i32
    %dma_wait3A_88 = tpu.memref_slice %arg2[%dma_wait3A_86, %dma_wait3A_87] : memref<100000x16xf32, #tpu.memory_space<hbm>> -> memref<512x16xf32, #tpu.memory_space<hbm>>
    %dma_wait3A_89 = arith.constant 0 : i32
    %dma_wait3A_90 = arith.constant 0 : i32
    %dma_wait3A_91 = tpu.memref_slice %arg9[%dma_wait3A_81, %dma_wait3A_89, %dma_wait3A_90] : memref<3x512x16xf32, #tpu.memory_space<vmem>> -> memref<1x512x16xf32, #tpu.memory_space<vmem>>
    %dma_wait3A_92 = tpu.memref_squeeze %dma_wait3A_91 : memref<1x512x16xf32, #tpu.memory_space<vmem>> -> memref<512x16xf32, #tpu.memory_space<vmem>>
    %dma_wait3A_93 = arith.constant 0 : i32
    %dma_wait3A_94 = arith.constant 0 : i32
    %dma_wait3A_95 = tpu.memref_slice %arg2[%dma_wait3A_93, %dma_wait3A_94] : memref<100000x16xf32, #tpu.memory_space<hbm>> -> memref<512x16xf32, #tpu.memory_space<hbm>>
    tpu.wait_dma2 semaphore(%arg16 : memref<!tpu.dma_semaphore, #tpu.memory_space<semaphore_mem>>) src(%dma_wait3A_95 : memref<512x16xf32, #tpu.memory_space<hbm>>) dst(%dma_wait3A_92 : memref<512x16xf32, #tpu.memory_space<vmem>>)
    %dma_wait3A_96 = arith.constant 2 : i32
    %dma_wait3A_97 = arith.constant 0 : i32
    %dma_wait3A_98 = arith.constant 0 : i32
    %dma_wait3A_99 = tpu.memref_slice %arg9[%dma_wait3A_96, %dma_wait3A_97, %dma_wait3A_98] : memref<3x512x16xf32, #tpu.memory_space<vmem>> -> memref<1x512x16xf32, #tpu.memory_space<vmem>>
    %dma_wait3A_100 = tpu.memref_squeeze %dma_wait3A_99 : memref<1x512x16xf32, #tpu.memory_space<vmem>> -> memref<512x16xf32, #tpu.memory_space<vmem>>
    %dma_wait3A_101 = arith.constant 0 : i32
    %dma_wait3A_102 = arith.constant 0 : i32
    %dma_wait3A_103 = tpu.memref_slice %arg2[%dma_wait3A_101, %dma_wait3A_102] : memref<100000x16xf32, #tpu.memory_space<hbm>> -> memref<512x16xf32, #tpu.memory_space<hbm>>
    %dma_wait3A_104 = arith.constant 0 : i32
    %dma_wait3A_105 = arith.constant 0 : i32
    %dma_wait3A_106 = tpu.memref_slice %arg9[%dma_wait3A_96, %dma_wait3A_104, %dma_wait3A_105] : memref<3x512x16xf32, #tpu.memory_space<vmem>> -> memref<1x512x16xf32, #tpu.memory_space<vmem>>
    %dma_wait3A_107 = tpu.memref_squeeze %dma_wait3A_106 : memref<1x512x16xf32, #tpu.memory_space<vmem>> -> memref<512x16xf32, #tpu.memory_space<vmem>>
    %dma_wait3A_108 = arith.constant 0 : i32
    %dma_wait3A_109 = arith.constant 0 : i32
    %dma_wait3A_110 = tpu.memref_slice %arg2[%dma_wait3A_108, %dma_wait3A_109] : memref<100000x16xf32, #tpu.memory_space<hbm>> -> memref<512x16xf32, #tpu.memory_space<hbm>>
    tpu.wait_dma2 semaphore(%arg17 : memref<!tpu.dma_semaphore, #tpu.memory_space<semaphore_mem>>) src(%dma_wait3A_110 : memref<512x16xf32, #tpu.memory_space<hbm>>) dst(%dma_wait3A_107 : memref<512x16xf32, #tpu.memory_space<vmem>>)
    %barrier3A_111 = arith.constant 0 : index
    tpu.barrier barrier_id(%barrier3A_111)
    %mul3A_112 = arith.constant 6256 : i32
    %mul3A_113 = arith.muli %arg1, %mul3A_112 : i32
    %mul3A_114 = arith.constant 6256 : i32
    %mul3A_115 = arith.muli %arg1, %mul3A_114 : i32
    "tpu.region"() ({
      %run_scoped3A = tpu.sem_alloc : memref<!tpu.dma_semaphore, #tpu.memory_space<semaphore_mem>>
      %dma_start3A_116 = arith.constant 0 : i32
      %dma_start3A_117 = tpu.memref_slice %arg6[%arg0, %mul3A_115, %dma_start3A_116] : memref<2x100096x16xf32, #tpu.memory_space<hbm>> -> memref<1x6256x16xf32, #tpu.memory_space<hbm>>
      %dma_start3A_118 = tpu.memref_squeeze %dma_start3A_117 : memref<1x6256x16xf32, #tpu.memory_space<hbm>> -> memref<6256x16xf32, #tpu.memory_space<hbm>>
      %dma_start3A_119 = arith.constant 0 : i32
      %dma_start3A_120 = tpu.memref_slice %arg10[%mul3A_113, %dma_start3A_119] : memref<100096x16xf32, #tpu.memory_space<vmem_shared>> -> memref<6256x16xf32, #tpu.memory_space<vmem_shared>>
      tpu.enqueue_dma source(%dma_start3A_120 : memref<6256x16xf32, #tpu.memory_space<vmem_shared>>) target(%dma_start3A_118 : memref<6256x16xf32, #tpu.memory_space<hbm>>) target_semaphore(%run_scoped3A : memref<!tpu.dma_semaphore, #tpu.memory_space<semaphore_mem>>)
      %dma_wait3A_121 = arith.constant 0 : i32
      %dma_wait3A_122 = tpu.memref_slice %arg6[%arg0, %mul3A_115, %dma_wait3A_121] : memref<2x100096x16xf32, #tpu.memory_space<hbm>> -> memref<1x6256x16xf32, #tpu.memory_space<hbm>>
      %dma_wait3A_123 = tpu.memref_squeeze %dma_wait3A_122 : memref<1x6256x16xf32, #tpu.memory_space<hbm>> -> memref<6256x16xf32, #tpu.memory_space<hbm>>
      %dma_wait3A_124 = arith.constant 0 : i32
      %dma_wait3A_125 = tpu.memref_slice %arg10[%mul3A_113, %dma_wait3A_124] : memref<100096x16xf32, #tpu.memory_space<vmem_shared>> -> memref<6256x16xf32, #tpu.memory_space<vmem_shared>>
      tpu.wait_dma2 semaphore(%run_scoped3A : memref<!tpu.dma_semaphore, #tpu.memory_space<semaphore_mem>>) src(%dma_wait3A_125 : memref<6256x16xf32, #tpu.memory_space<vmem_shared>>) dst(%dma_wait3A_123 : memref<6256x16xf32, #tpu.memory_space<hbm>>)
      tpu.yield
    }) : () -> ()
    return
  }
}

#map = affine_map<(d0, d1) -> (0, 0)>
#map1 = affine_map<(d0, d1) -> (0, 0, 0)>
module attributes {stable_mosaic.version = 14 : i64} {
  func.func @_agg_body(%arg0: i32, %arg1: i32, %arg2: memref<100000x16xf32, #tpu.memory_space<hbm>>, %arg3: memref<6272x512xi32, #tpu.memory_space<hbm>>, %arg4: memref<6272x512xi32, #tpu.memory_space<hbm>>, %arg5: memref<6256x16xf32, #tpu.memory_space<hbm>>, %arg6: memref<2x100096x16xf32, #tpu.memory_space<hbm>>, %arg7: memref<4x512xi32, #tpu.memory_space<vmem>>, %arg8: memref<4x512xi32, #tpu.memory_space<vmem>>, %arg9: memref<3x512x16xf32, #tpu.memory_space<vmem>>, %arg10: memref<100096x16xf32, #tpu.memory_space<vmem_shared>>, %arg11: memref<!tpu.dma_semaphore, #tpu.memory_space<semaphore_mem>>, %arg12: memref<!tpu.dma_semaphore, #tpu.memory_space<semaphore_mem>>, %arg13: memref<!tpu.dma_semaphore, #tpu.memory_space<semaphore_mem>>, %arg14: memref<!tpu.dma_semaphore, #tpu.memory_space<semaphore_mem>>, %arg15: memref<!tpu.dma_semaphore, #tpu.memory_space<semaphore_mem>>, %arg16: memref<!tpu.dma_semaphore, #tpu.memory_space<semaphore_mem>>, %arg17: memref<!tpu.dma_semaphore, #tpu.memory_space<semaphore_mem>>) attributes {dimension_semantics = [#tpu.dimension_semantics<core_parallel>, #tpu.dimension_semantics<subcore_parallel>], iteration_bounds = array<i64: 2, 16>, scalar_prefetch = 0 : i64, scratch_operands = 11 : i64, tpu.core_type = #tpu.core_type<sc_vector_subcore>, window_params = [{transform_indices = #map}, {transform_indices = #map}, {transform_indices = #map}, {transform_indices = #map}, {transform_indices = #map1}]} {
    %mul3A = arith.constant 2 : i32
    %mul3A_0 = arith.muli %arg1, %mul3A : i32
    %add3A = arith.addi %mul3A_0, %arg0 : i32
    %mul3A_1 = arith.constant 6256 : i32
    %mul3A_2 = arith.muli %arg1, %mul3A_1 : i32
    "tpu.region"() ({
      %run_scoped3A = tpu.sem_alloc : memref<!tpu.dma_semaphore, #tpu.memory_space<semaphore_mem>>
      %dma_start3A_116 = arith.constant 0 : i32
      %dma_start3A_117 = tpu.memref_slice %arg10[%mul3A_2, %dma_start3A_116] : memref<100096x16xf32, #tpu.memory_space<vmem_shared>> -> memref<6256x16xf32, #tpu.memory_space<vmem_shared>>
      tpu.enqueue_dma source(%arg5 : memref<6256x16xf32, #tpu.memory_space<hbm>>) target(%dma_start3A_117 : memref<6256x16xf32, #tpu.memory_space<vmem_shared>>) target_semaphore(%run_scoped3A : memref<!tpu.dma_semaphore, #tpu.memory_space<semaphore_mem>>)
      %dma_wait3A_118 = arith.constant 0 : i32
      %dma_wait3A_119 = tpu.memref_slice %arg10[%mul3A_2, %dma_wait3A_118] : memref<100096x16xf32, #tpu.memory_space<vmem_shared>> -> memref<6256x16xf32, #tpu.memory_space<vmem_shared>>
      tpu.wait_dma2 semaphore(%run_scoped3A : memref<!tpu.dma_semaphore, #tpu.memory_space<semaphore_mem>>) src(%arg5 : memref<6256x16xf32, #tpu.memory_space<hbm>>) dst(%dma_wait3A_119 : memref<6256x16xf32, #tpu.memory_space<vmem_shared>>)
      tpu.yield
    }) : () -> ()
    %barrier3A = arith.constant 0 : index
    tpu.barrier barrier_id(%barrier3A)
    %mul3A_3 = arith.constant 196 : i32
    %mul3A_4 = arith.muli %add3A, %mul3A_3 : i32
    %min3A = arith.constant 0 : i32
    %min3A_5 = arith.constant 195 : i32
    %min3A_6 = arith.minsi %min3A, %min3A_5 : i32
    %rem3A = arith.constant 4 : i32
    %rem3A_7 = arith.remsi %min3A_6, %rem3A : i32
    %add3A_8 = arith.addi %mul3A_4, %min3A_6 : i32
    %dma_start3A = arith.constant 0 : i32
    %dma_start3A_9 = tpu.memref_slice %arg7[%rem3A_7, %dma_start3A] : memref<4x512xi32, #tpu.memory_space<vmem>> -> memref<1x512xi32, #tpu.memory_space<vmem>>
    %dma_start3A_10 = tpu.memref_squeeze %dma_start3A_9 : memref<1x512xi32, #tpu.memory_space<vmem>> -> memref<512xi32, #tpu.memory_space<vmem>>
    %dma_start3A_11 = arith.constant 0 : i32
    %dma_start3A_12 = tpu.memref_slice %arg3[%add3A_8, %dma_start3A_11] : memref<6272x512xi32, #tpu.memory_space<hbm>> -> memref<1x512xi32, #tpu.memory_space<hbm>>
    %dma_start3A_13 = tpu.memref_squeeze %dma_start3A_12 : memref<1x512xi32, #tpu.memory_space<hbm>> -> memref<512xi32, #tpu.memory_space<hbm>>
    %dma_start3A_14 = arith.constant 0 : i32
    %dma_start3A_15 = tpu.memref_slice %arg7[%rem3A_7, %dma_start3A_14] : memref<4x512xi32, #tpu.memory_space<vmem>> -> memref<1x512xi32, #tpu.memory_space<vmem>>
    %dma_start3A_16 = tpu.memref_squeeze %dma_start3A_15 : memref<1x512xi32, #tpu.memory_space<vmem>> -> memref<512xi32, #tpu.memory_space<vmem>>
    %dma_start3A_17 = arith.constant 0 : i32
    %dma_start3A_18 = tpu.memref_slice %arg3[%add3A_8, %dma_start3A_17] : memref<6272x512xi32, #tpu.memory_space<hbm>> -> memref<1x512xi32, #tpu.memory_space<hbm>>
    %dma_start3A_19 = tpu.memref_squeeze %dma_start3A_18 : memref<1x512xi32, #tpu.memory_space<hbm>> -> memref<512xi32, #tpu.memory_space<hbm>>
    tpu.enqueue_dma source(%dma_start3A_19 : memref<512xi32, #tpu.memory_space<hbm>>) target(%dma_start3A_16 : memref<512xi32, #tpu.memory_space<vmem>>) target_semaphore(%arg11 : memref<!tpu.dma_semaphore, #tpu.memory_space<semaphore_mem>>)
    %add3A_20 = arith.addi %mul3A_4, %min3A_6 : i32
    %dma_start3A_21 = arith.constant 0 : i32
    %dma_start3A_22 = tpu.memref_slice %arg8[%rem3A_7, %dma_start3A_21] : memref<4x512xi32, #tpu.memory_space<vmem>> -> memref<1x512xi32, #tpu.memory_space<vmem>>
    %dma_start3A_23 = tpu.memref_squeeze %dma_start3A_22 : memref<1x512xi32, #tpu.memory_space<vmem>> -> memref<512xi32, #tpu.memory_space<vmem>>
    %dma_start3A_24 = arith.constant 0 : i32
    %dma_start3A_25 = tpu.memref_slice %arg4[%add3A_20, %dma_start3A_24] : memref<6272x512xi32, #tpu.memory_space<hbm>> -> memref<1x512xi32, #tpu.memory_space<hbm>>
    %dma_start3A_26 = tpu.memref_squeeze %dma_start3A_25 : memref<1x512xi32, #tpu.memory_space<hbm>> -> memref<512xi32, #tpu.memory_space<hbm>>
    %dma_start3A_27 = arith.constant 0 : i32
    %dma_start3A_28 = tpu.memref_slice %arg8[%rem3A_7, %dma_start3A_27] : memref<4x512xi32, #tpu.memory_space<vmem>> -> memref<1x512xi32, #tpu.memory_space<vmem>>
    %dma_start3A_29 = tpu.memref_squeeze %dma_start3A_28 : memref<1x512xi32, #tpu.memory_space<vmem>> -> memref<512xi32, #tpu.memory_space<vmem>>
    %dma_start3A_30 = arith.constant 0 : i32
    %dma_start3A_31 = tpu.memref_slice %arg4[%add3A_20, %dma_start3A_30] : memref<6272x512xi32, #tpu.memory_space<hbm>> -> memref<1x512xi32, #tpu.memory_space<hbm>>
    %dma_start3A_32 = tpu.memref_squeeze %dma_start3A_31 : memref<1x512xi32, #tpu.memory_space<hbm>> -> memref<512xi32, #tpu.memory_space<hbm>>
    tpu.enqueue_dma source(%dma_start3A_32 : memref<512xi32, #tpu.memory_space<hbm>>) target(%dma_start3A_29 : memref<512xi32, #tpu.memory_space<vmem>>) target_semaphore(%arg11 : memref<!tpu.dma_semaphore, #tpu.memory_space<semaphore_mem>>)
    %scan3A = arith.constant 0 : i32
    %scan3A_33 = arith.constant 0 : i32
    %scan3A_34 = arith.constant 0 : i32
    %scan3A_35 = arith.constant 197 : i32
    %scan3A_36 = arith.addi %scan3A_34, %scan3A_35 : i32
    %scan3A_37 = arith.constant 1 : i32
    scf.for %scan3A_116 = %scan3A_34 to %scan3A_36 step %scan3A_37  : i32 {
      %rem3A_117 = arith.constant 3 : i32
      %rem3A_118 = arith.remsi %scan3A_116, %rem3A_117 : i32
      %eq3A = arith.constant 0 : i32
      %eq3A_119 = arith.cmpi eq, %rem3A_118, %eq3A : i32
      %convert_element_type3A = arith.extui %eq3A_119 : i1 to i32
      %cond3A = arith.constant 0 : i32
      %cond3A_120 = arith.cmpi ne, %convert_element_type3A, %cond3A : i32
      scf.if %cond3A_120 {
        %ge3A = arith.constant 3 : i32
        %ge3A_131 = arith.cmpi sge, %scan3A_116, %ge3A : i32
        %lt3A = arith.constant 196 : i32
        %lt3A_132 = arith.cmpi slt, %scan3A_116, %lt3A : i32
        %and3A = arith.andi %ge3A_131, %lt3A_132 : i1
        %convert_element_type3A_133 = arith.extui %and3A : i1 to i32
        %cond3A_134 = arith.constant 0 : i32
        %cond3A_135 = arith.cmpi ne, %convert_element_type3A_133, %cond3A_134 : i32
        scf.if %cond3A_135 {
          %dma_wait3A_146 = arith.constant 0 : i32
          %dma_wait3A_147 = arith.constant 0 : i32
          %dma_wait3A_148 = arith.constant 0 : i32
          %dma_wait3A_149 = tpu.memref_slice %arg9[%dma_wait3A_146, %dma_wait3A_147, %dma_wait3A_148] : memref<3x512x16xf32, #tpu.memory_space<vmem>> -> memref<1x512x16xf32, #tpu.memory_space<vmem>>
          %dma_wait3A_150 = tpu.memref_squeeze %dma_wait3A_149 : memref<1x512x16xf32, #tpu.memory_space<vmem>> -> memref<512x16xf32, #tpu.memory_space<vmem>>
          %dma_wait3A_151 = arith.constant 0 : i32
          %dma_wait3A_152 = arith.constant 0 : i32
          %dma_wait3A_153 = tpu.memref_slice %arg2[%dma_wait3A_151, %dma_wait3A_152] : memref<100000x16xf32, #tpu.memory_space<hbm>> -> memref<512x16xf32, #tpu.memory_space<hbm>>
          %dma_wait3A_154 = arith.constant 0 : i32
          %dma_wait3A_155 = arith.constant 0 : i32
          %dma_wait3A_156 = tpu.memref_slice %arg9[%dma_wait3A_146, %dma_wait3A_154, %dma_wait3A_155] : memref<3x512x16xf32, #tpu.memory_space<vmem>> -> memref<1x512x16xf32, #tpu.memory_space<vmem>>
          %dma_wait3A_157 = tpu.memref_squeeze %dma_wait3A_156 : memref<1x512x16xf32, #tpu.memory_space<vmem>> -> memref<512x16xf32, #tpu.memory_space<vmem>>
          %dma_wait3A_158 = arith.constant 0 : i32
          %dma_wait3A_159 = arith.constant 0 : i32
          %dma_wait3A_160 = tpu.memref_slice %arg2[%dma_wait3A_158, %dma_wait3A_159] : memref<100000x16xf32, #tpu.memory_space<hbm>> -> memref<512x16xf32, #tpu.memory_space<hbm>>
          tpu.wait_dma2 semaphore(%arg15 : memref<!tpu.dma_semaphore, #tpu.memory_space<semaphore_mem>>) src(%dma_wait3A_160 : memref<512x16xf32, #tpu.memory_space<hbm>>) dst(%dma_wait3A_157 : memref<512x16xf32, #tpu.memory_space<vmem>>)
        } else {
        }
        %lt3A_136 = arith.constant 196 : i32
        %lt3A_137 = arith.cmpi slt, %scan3A_116, %lt3A_136 : i32
        %convert_element_type3A_138 = arith.extui %lt3A_137 : i1 to i32
        %cond3A_139 = arith.constant 0 : i32
        %cond3A_140 = arith.cmpi ne, %convert_element_type3A_138, %cond3A_139 : i32
        scf.if %cond3A_140 {
          %dma_wait3A_146 = arith.constant 0 : i32
          %dma_wait3A_147 = arith.constant 0 : i32
          %dma_wait3A_148 = tpu.memref_slice %arg7[%dma_wait3A_146, %dma_wait3A_147] : memref<4x512xi32, #tpu.memory_space<vmem>> -> memref<1x512xi32, #tpu.memory_space<vmem>>
          %dma_wait3A_149 = tpu.memref_squeeze %dma_wait3A_148 : memref<1x512xi32, #tpu.memory_space<vmem>> -> memref<512xi32, #tpu.memory_space<vmem>>
          %dma_wait3A_150 = arith.constant 0 : i32
          %dma_wait3A_151 = tpu.memref_slice %arg3[%scan3A_33, %dma_wait3A_150] : memref<6272x512xi32, #tpu.memory_space<hbm>> -> memref<1x512xi32, #tpu.memory_space<hbm>>
          %dma_wait3A_152 = tpu.memref_squeeze %dma_wait3A_151 : memref<1x512xi32, #tpu.memory_space<hbm>> -> memref<512xi32, #tpu.memory_space<hbm>>
          %dma_wait3A_153 = arith.constant 0 : i32
          %dma_wait3A_154 = tpu.memref_slice %arg7[%dma_wait3A_146, %dma_wait3A_153] : memref<4x512xi32, #tpu.memory_space<vmem>> -> memref<1x512xi32, #tpu.memory_space<vmem>>
          %dma_wait3A_155 = tpu.memref_squeeze %dma_wait3A_154 : memref<1x512xi32, #tpu.memory_space<vmem>> -> memref<512xi32, #tpu.memory_space<vmem>>
          %dma_wait3A_156 = arith.constant 0 : i32
          %dma_wait3A_157 = tpu.memref_slice %arg3[%scan3A_33, %dma_wait3A_156] : memref<6272x512xi32, #tpu.memory_space<hbm>> -> memref<1x512xi32, #tpu.memory_space<hbm>>
          %dma_wait3A_158 = tpu.memref_squeeze %dma_wait3A_157 : memref<1x512xi32, #tpu.memory_space<hbm>> -> memref<512xi32, #tpu.memory_space<hbm>>
          tpu.wait_dma2 semaphore(%arg11 : memref<!tpu.dma_semaphore, #tpu.memory_space<semaphore_mem>>) src(%dma_wait3A_158 : memref<512xi32, #tpu.memory_space<hbm>>) dst(%dma_wait3A_155 : memref<512xi32, #tpu.memory_space<vmem>>)
          %dma_wait3A_159 = arith.constant 0 : i32
          %dma_wait3A_160 = arith.constant 0 : i32
          %dma_wait3A_161 = tpu.memref_slice %arg8[%dma_wait3A_159, %dma_wait3A_160] : memref<4x512xi32, #tpu.memory_space<vmem>> -> memref<1x512xi32, #tpu.memory_space<vmem>>
          %dma_wait3A_162 = tpu.memref_squeeze %dma_wait3A_161 : memref<1x512xi32, #tpu.memory_space<vmem>> -> memref<512xi32, #tpu.memory_space<vmem>>
          %dma_wait3A_163 = arith.constant 0 : i32
          %dma_wait3A_164 = tpu.memref_slice %arg3[%scan3A_33, %dma_wait3A_163] : memref<6272x512xi32, #tpu.memory_space<hbm>> -> memref<1x512xi32, #tpu.memory_space<hbm>>
          %dma_wait3A_165 = tpu.memref_squeeze %dma_wait3A_164 : memref<1x512xi32, #tpu.memory_space<hbm>> -> memref<512xi32, #tpu.memory_space<hbm>>
          %dma_wait3A_166 = arith.constant 0 : i32
          %dma_wait3A_167 = tpu.memref_slice %arg8[%dma_wait3A_159, %dma_wait3A_166] : memref<4x512xi32, #tpu.memory_space<vmem>> -> memref<1x512xi32, #tpu.memory_space<vmem>>
          %dma_wait3A_168 = tpu.memref_squeeze %dma_wait3A_167 : memref<1x512xi32, #tpu.memory_space<vmem>> -> memref<512xi32, #tpu.memory_space<vmem>>
          %dma_wait3A_169 = arith.constant 0 : i32
          %dma_wait3A_170 = tpu.memref_slice %arg3[%scan3A_33, %dma_wait3A_169] : memref<6272x512xi32, #tpu.memory_space<hbm>> -> memref<1x512xi32, #tpu.memory_space<hbm>>
          %dma_wait3A_171 = tpu.memref_squeeze %dma_wait3A_170 : memref<1x512xi32, #tpu.memory_space<hbm>> -> memref<512xi32, #tpu.memory_space<hbm>>
          tpu.wait_dma2 semaphore(%arg11 : memref<!tpu.dma_semaphore, #tpu.memory_space<semaphore_mem>>) src(%dma_wait3A_171 : memref<512xi32, #tpu.memory_space<hbm>>) dst(%dma_wait3A_168 : memref<512xi32, #tpu.memory_space<vmem>>)
          %rem3A_172 = arith.constant 4 : i32
          %rem3A_173 = arith.remsi %scan3A_116, %rem3A_172 : i32
          %dma_start3A_174 = arith.constant 0 : i32
          %dma_start3A_175 = arith.constant 0 : i32
          %dma_start3A_176 = arith.constant 0 : i32
          %dma_start3A_177 = tpu.memref_slice %arg9[%dma_start3A_174, %dma_start3A_175, %dma_start3A_176] : memref<3x512x16xf32, #tpu.memory_space<vmem>> -> memref<1x512x16xf32, #tpu.memory_space<vmem>>
          %dma_start3A_178 = tpu.memref_squeeze %dma_start3A_177 : memref<1x512x16xf32, #tpu.memory_space<vmem>> -> memref<512x16xf32, #tpu.memory_space<vmem>>
          %dma_start3A_179 = arith.constant 0 : i32
          %dma_start3A_180 = tpu.memref_slice %arg7[%rem3A_173, %dma_start3A_179] : memref<4x512xi32, #tpu.memory_space<vmem>> -> memref<1x512xi32, #tpu.memory_space<vmem>>
          %dma_start3A_181 = tpu.memref_squeeze %dma_start3A_180 : memref<1x512xi32, #tpu.memory_space<vmem>> -> memref<512xi32, #tpu.memory_space<vmem>>
          %dma_start3A_182 = arith.constant 0 : i32
          %dma_start3A_183 = arith.constant 0 : i32
          %dma_start3A_184 = tpu.memref_slice %arg2[%dma_start3A_182, %dma_start3A_183] : memref<100000x16xf32, #tpu.memory_space<hbm>> -> memref<100000x16xf32, #tpu.memory_space<hbm>>
          tpu.enqueue_indirect_dma source(%dma_start3A_184 : memref<100000x16xf32, #tpu.memory_space<hbm>>) target(%dma_start3A_178 : memref<512x16xf32, #tpu.memory_space<vmem>>) offsets(%dma_start3A_181 : memref<512xi32, #tpu.memory_space<vmem>>) semaphore(%arg12 : memref<!tpu.dma_semaphore, #tpu.memory_space<semaphore_mem>>)
          %add3A_185 = arith.constant 1 : i32
          %add3A_186 = arith.addi %scan3A_116, %add3A_185 : i32
          %min3A_187 = arith.constant 195 : i32
          %min3A_188 = arith.minsi %add3A_186, %min3A_187 : i32
          %rem3A_189 = arith.constant 4 : i32
          %rem3A_190 = arith.remsi %min3A_188, %rem3A_189 : i32
          %add3A_191 = arith.addi %mul3A_4, %min3A_188 : i32
          %dma_start3A_192 = arith.constant 0 : i32
          %dma_start3A_193 = tpu.memref_slice %arg7[%rem3A_190, %dma_start3A_192] : memref<4x512xi32, #tpu.memory_space<vmem>> -> memref<1x512xi32, #tpu.memory_space<vmem>>
          %dma_start3A_194 = tpu.memref_squeeze %dma_start3A_193 : memref<1x512xi32, #tpu.memory_space<vmem>> -> memref<512xi32, #tpu.memory_space<vmem>>
          %dma_start3A_195 = arith.constant 0 : i32
          %dma_start3A_196 = tpu.memref_slice %arg3[%add3A_191, %dma_start3A_195] : memref<6272x512xi32, #tpu.memory_space<hbm>> -> memref<1x512xi32, #tpu.memory_space<hbm>>
          %dma_start3A_197 = tpu.memref_squeeze %dma_start3A_196 : memref<1x512xi32, #tpu.memory_space<hbm>> -> memref<512xi32, #tpu.memory_space<hbm>>
          %dma_start3A_198 = arith.constant 0 : i32
          %dma_start3A_199 = tpu.memref_slice %arg7[%rem3A_190, %dma_start3A_198] : memref<4x512xi32, #tpu.memory_space<vmem>> -> memref<1x512xi32, #tpu.memory_space<vmem>>
          %dma_start3A_200 = tpu.memref_squeeze %dma_start3A_199 : memref<1x512xi32, #tpu.memory_space<vmem>> -> memref<512xi32, #tpu.memory_space<vmem>>
          %dma_start3A_201 = arith.constant 0 : i32
          %dma_start3A_202 = tpu.memref_slice %arg3[%add3A_191, %dma_start3A_201] : memref<6272x512xi32, #tpu.memory_space<hbm>> -> memref<1x512xi32, #tpu.memory_space<hbm>>
          %dma_start3A_203 = tpu.memref_squeeze %dma_start3A_202 : memref<1x512xi32, #tpu.memory_space<hbm>> -> memref<512xi32, #tpu.memory_space<hbm>>
          tpu.enqueue_dma source(%dma_start3A_203 : memref<512xi32, #tpu.memory_space<hbm>>) target(%dma_start3A_200 : memref<512xi32, #tpu.memory_space<vmem>>) target_semaphore(%arg11 : memref<!tpu.dma_semaphore, #tpu.memory_space<semaphore_mem>>)
          %add3A_204 = arith.addi %mul3A_4, %min3A_188 : i32
          %dma_start3A_205 = arith.constant 0 : i32
          %dma_start3A_206 = tpu.memref_slice %arg8[%rem3A_190, %dma_start3A_205] : memref<4x512xi32, #tpu.memory_space<vmem>> -> memref<1x512xi32, #tpu.memory_space<vmem>>
          %dma_start3A_207 = tpu.memref_squeeze %dma_start3A_206 : memref<1x512xi32, #tpu.memory_space<vmem>> -> memref<512xi32, #tpu.memory_space<vmem>>
          %dma_start3A_208 = arith.constant 0 : i32
          %dma_start3A_209 = tpu.memref_slice %arg4[%add3A_204, %dma_start3A_208] : memref<6272x512xi32, #tpu.memory_space<hbm>> -> memref<1x512xi32, #tpu.memory_space<hbm>>
          %dma_start3A_210 = tpu.memref_squeeze %dma_start3A_209 : memref<1x512xi32, #tpu.memory_space<hbm>> -> memref<512xi32, #tpu.memory_space<hbm>>
          %dma_start3A_211 = arith.constant 0 : i32
          %dma_start3A_212 = tpu.memref_slice %arg8[%rem3A_190, %dma_start3A_211] : memref<4x512xi32, #tpu.memory_space<vmem>> -> memref<1x512xi32, #tpu.memory_space<vmem>>
          %dma_start3A_213 = tpu.memref_squeeze %dma_start3A_212 : memref<1x512xi32, #tpu.memory_space<vmem>> -> memref<512xi32, #tpu.memory_space<vmem>>
          %dma_start3A_214 = arith.constant 0 : i32
          %dma_start3A_215 = tpu.memref_slice %arg4[%add3A_204, %dma_start3A_214] : memref<6272x512xi32, #tpu.memory_space<hbm>> -> memref<1x512xi32, #tpu.memory_space<hbm>>
          %dma_start3A_216 = tpu.memref_squeeze %dma_start3A_215 : memref<1x512xi32, #tpu.memory_space<hbm>> -> memref<512xi32, #tpu.memory_space<hbm>>
          tpu.enqueue_dma source(%dma_start3A_216 : memref<512xi32, #tpu.memory_space<hbm>>) target(%dma_start3A_213 : memref<512xi32, #tpu.memory_space<vmem>>) target_semaphore(%arg11 : memref<!tpu.dma_semaphore, #tpu.memory_space<semaphore_mem>>)
        } else {
        }
        %ge3A_141 = arith.constant 1 : i32
        %ge3A_142 = arith.cmpi sge, %scan3A_116, %ge3A_141 : i32
        %convert_element_type3A_143 = arith.extui %ge3A_142 : i1 to i32
        %cond3A_144 = arith.constant 0 : i32
        %cond3A_145 = arith.cmpi ne, %convert_element_type3A_143, %cond3A_144 : i32
        scf.if %cond3A_145 {
          %dma_wait3A_146 = arith.constant 2 : i32
          %dma_wait3A_147 = arith.constant 0 : i32
          %dma_wait3A_148 = arith.constant 0 : i32
          %dma_wait3A_149 = tpu.memref_slice %arg9[%dma_wait3A_146, %dma_wait3A_147, %dma_wait3A_148] : memref<3x512x16xf32, #tpu.memory_space<vmem>> -> memref<1x512x16xf32, #tpu.memory_space<vmem>>
          %dma_wait3A_150 = tpu.memref_squeeze %dma_wait3A_149 : memref<1x512x16xf32, #tpu.memory_space<vmem>> -> memref<512x16xf32, #tpu.memory_space<vmem>>
          %dma_wait3A_151 = arith.constant 0 : i32
          %dma_wait3A_152 = arith.constant 0 : i32
          %dma_wait3A_153 = tpu.memref_slice %arg2[%dma_wait3A_151, %dma_wait3A_152] : memref<100000x16xf32, #tpu.memory_space<hbm>> -> memref<512x16xf32, #tpu.memory_space<hbm>>
          %dma_wait3A_154 = arith.constant 0 : i32
          %dma_wait3A_155 = arith.constant 0 : i32
          %dma_wait3A_156 = tpu.memref_slice %arg9[%dma_wait3A_146, %dma_wait3A_154, %dma_wait3A_155] : memref<3x512x16xf32, #tpu.memory_space<vmem>> -> memref<1x512x16xf32, #tpu.memory_space<vmem>>
          %dma_wait3A_157 = tpu.memref_squeeze %dma_wait3A_156 : memref<1x512x16xf32, #tpu.memory_space<vmem>> -> memref<512x16xf32, #tpu.memory_space<vmem>>
          %dma_wait3A_158 = arith.constant 0 : i32
          %dma_wait3A_159 = arith.constant 0 : i32
          %dma_wait3A_160 = tpu.memref_slice %arg2[%dma_wait3A_158, %dma_wait3A_159] : memref<100000x16xf32, #tpu.memory_space<hbm>> -> memref<512x16xf32, #tpu.memory_space<hbm>>
          tpu.wait_dma2 semaphore(%arg14 : memref<!tpu.dma_semaphore, #tpu.memory_space<semaphore_mem>>) src(%dma_wait3A_160 : memref<512x16xf32, #tpu.memory_space<hbm>>) dst(%dma_wait3A_157 : memref<512x16xf32, #tpu.memory_space<vmem>>)
          %sub3A = arith.constant 1 : i32
          %sub3A_161 = arith.subi %scan3A_116, %sub3A : i32
          %rem3A_162 = arith.constant 4 : i32
          %rem3A_163 = arith.remsi %sub3A_161, %rem3A_162 : i32
          %dma_start3A_164 = arith.constant 2 : i32
          %dma_start3A_165 = arith.constant 0 : i32
          %dma_start3A_166 = arith.constant 0 : i32
          %dma_start3A_167 = tpu.memref_slice %arg9[%dma_start3A_164, %dma_start3A_165, %dma_start3A_166] : memref<3x512x16xf32, #tpu.memory_space<vmem>> -> memref<1x512x16xf32, #tpu.memory_space<vmem>>
          %dma_start3A_168 = tpu.memref_squeeze %dma_start3A_167 : memref<1x512x16xf32, #tpu.memory_space<vmem>> -> memref<512x16xf32, #tpu.memory_space<vmem>>
          %dma_start3A_169 = arith.constant 0 : i32
          %dma_start3A_170 = tpu.memref_slice %arg8[%rem3A_163, %dma_start3A_169] : memref<4x512xi32, #tpu.memory_space<vmem>> -> memref<1x512xi32, #tpu.memory_space<vmem>>
          %dma_start3A_171 = tpu.memref_squeeze %dma_start3A_170 : memref<1x512xi32, #tpu.memory_space<vmem>> -> memref<512xi32, #tpu.memory_space<vmem>>
          %dma_start3A_172 = arith.constant 0 : i32
          %dma_start3A_173 = arith.constant 0 : i32
          %dma_start3A_174 = tpu.memref_slice %arg10[%dma_start3A_172, %dma_start3A_173] : memref<100096x16xf32, #tpu.memory_space<vmem_shared>> -> memref<100096x16xf32, #tpu.memory_space<vmem_shared>>
          tpu.enqueue_indirect_dma source(%dma_start3A_168 : memref<512x16xf32, #tpu.memory_space<vmem>>) target(%dma_start3A_174 : memref<100096x16xf32, #tpu.memory_space<vmem_shared>>) offsets(%dma_start3A_171 : memref<512xi32, #tpu.memory_space<vmem>>) semaphore(%arg17 : memref<!tpu.dma_semaphore, #tpu.memory_space<semaphore_mem>>) {add = true}
        } else {
        }
      } else {
      }
      %eq3A_121 = arith.constant 1 : i32
      %eq3A_122 = arith.cmpi eq, %rem3A_118, %eq3A_121 : i32
      %convert_element_type3A_123 = arith.extui %eq3A_122 : i1 to i32
      %cond3A_124 = arith.constant 0 : i32
      %cond3A_125 = arith.cmpi ne, %convert_element_type3A_123, %cond3A_124 : i32
      scf.if %cond3A_125 {
        %ge3A = arith.constant 3 : i32
        %ge3A_131 = arith.cmpi sge, %scan3A_116, %ge3A : i32
        %lt3A = arith.constant 196 : i32
        %lt3A_132 = arith.cmpi slt, %scan3A_116, %lt3A : i32
        %and3A = arith.andi %ge3A_131, %lt3A_132 : i1
        %convert_element_type3A_133 = arith.extui %and3A : i1 to i32
        %cond3A_134 = arith.constant 0 : i32
        %cond3A_135 = arith.cmpi ne, %convert_element_type3A_133, %cond3A_134 : i32
        scf.if %cond3A_135 {
          %dma_wait3A_146 = arith.constant 1 : i32
          %dma_wait3A_147 = arith.constant 0 : i32
          %dma_wait3A_148 = arith.constant 0 : i32
          %dma_wait3A_149 = tpu.memref_slice %arg9[%dma_wait3A_146, %dma_wait3A_147, %dma_wait3A_148] : memref<3x512x16xf32, #tpu.memory_space<vmem>> -> memref<1x512x16xf32, #tpu.memory_space<vmem>>
          %dma_wait3A_150 = tpu.memref_squeeze %dma_wait3A_149 : memref<1x512x16xf32, #tpu.memory_space<vmem>> -> memref<512x16xf32, #tpu.memory_space<vmem>>
          %dma_wait3A_151 = arith.constant 0 : i32
          %dma_wait3A_152 = arith.constant 0 : i32
          %dma_wait3A_153 = tpu.memref_slice %arg2[%dma_wait3A_151, %dma_wait3A_152] : memref<100000x16xf32, #tpu.memory_space<hbm>> -> memref<512x16xf32, #tpu.memory_space<hbm>>
          %dma_wait3A_154 = arith.constant 0 : i32
          %dma_wait3A_155 = arith.constant 0 : i32
          %dma_wait3A_156 = tpu.memref_slice %arg9[%dma_wait3A_146, %dma_wait3A_154, %dma_wait3A_155] : memref<3x512x16xf32, #tpu.memory_space<vmem>> -> memref<1x512x16xf32, #tpu.memory_space<vmem>>
          %dma_wait3A_157 = tpu.memref_squeeze %dma_wait3A_156 : memref<1x512x16xf32, #tpu.memory_space<vmem>> -> memref<512x16xf32, #tpu.memory_space<vmem>>
          %dma_wait3A_158 = arith.constant 0 : i32
          %dma_wait3A_159 = arith.constant 0 : i32
          %dma_wait3A_160 = tpu.memref_slice %arg2[%dma_wait3A_158, %dma_wait3A_159] : memref<100000x16xf32, #tpu.memory_space<hbm>> -> memref<512x16xf32, #tpu.memory_space<hbm>>
          tpu.wait_dma2 semaphore(%arg16 : memref<!tpu.dma_semaphore, #tpu.memory_space<semaphore_mem>>) src(%dma_wait3A_160 : memref<512x16xf32, #tpu.memory_space<hbm>>) dst(%dma_wait3A_157 : memref<512x16xf32, #tpu.memory_space<vmem>>)
        } else {
        }
        %lt3A_136 = arith.constant 196 : i32
        %lt3A_137 = arith.cmpi slt, %scan3A_116, %lt3A_136 : i32
        %convert_element_type3A_138 = arith.extui %lt3A_137 : i1 to i32
        %cond3A_139 = arith.constant 0 : i32
        %cond3A_140 = arith.cmpi ne, %convert_element_type3A_138, %cond3A_139 : i32
        scf.if %cond3A_140 {
          %dma_wait3A_146 = arith.constant 0 : i32
          %dma_wait3A_147 = arith.constant 0 : i32
          %dma_wait3A_148 = tpu.memref_slice %arg7[%dma_wait3A_146, %dma_wait3A_147] : memref<4x512xi32, #tpu.memory_space<vmem>> -> memref<1x512xi32, #tpu.memory_space<vmem>>
          %dma_wait3A_149 = tpu.memref_squeeze %dma_wait3A_148 : memref<1x512xi32, #tpu.memory_space<vmem>> -> memref<512xi32, #tpu.memory_space<vmem>>
          %dma_wait3A_150 = arith.constant 0 : i32
          %dma_wait3A_151 = tpu.memref_slice %arg3[%scan3A_33, %dma_wait3A_150] : memref<6272x512xi32, #tpu.memory_space<hbm>> -> memref<1x512xi32, #tpu.memory_space<hbm>>
          %dma_wait3A_152 = tpu.memref_squeeze %dma_wait3A_151 : memref<1x512xi32, #tpu.memory_space<hbm>> -> memref<512xi32, #tpu.memory_space<hbm>>
          %dma_wait3A_153 = arith.constant 0 : i32
          %dma_wait3A_154 = tpu.memref_slice %arg7[%dma_wait3A_146, %dma_wait3A_153] : memref<4x512xi32, #tpu.memory_space<vmem>> -> memref<1x512xi32, #tpu.memory_space<vmem>>
          %dma_wait3A_155 = tpu.memref_squeeze %dma_wait3A_154 : memref<1x512xi32, #tpu.memory_space<vmem>> -> memref<512xi32, #tpu.memory_space<vmem>>
          %dma_wait3A_156 = arith.constant 0 : i32
          %dma_wait3A_157 = tpu.memref_slice %arg3[%scan3A_33, %dma_wait3A_156] : memref<6272x512xi32, #tpu.memory_space<hbm>> -> memref<1x512xi32, #tpu.memory_space<hbm>>
          %dma_wait3A_158 = tpu.memref_squeeze %dma_wait3A_157 : memref<1x512xi32, #tpu.memory_space<hbm>> -> memref<512xi32, #tpu.memory_space<hbm>>
          tpu.wait_dma2 semaphore(%arg11 : memref<!tpu.dma_semaphore, #tpu.memory_space<semaphore_mem>>) src(%dma_wait3A_158 : memref<512xi32, #tpu.memory_space<hbm>>) dst(%dma_wait3A_155 : memref<512xi32, #tpu.memory_space<vmem>>)
          %dma_wait3A_159 = arith.constant 0 : i32
          %dma_wait3A_160 = arith.constant 0 : i32
          %dma_wait3A_161 = tpu.memref_slice %arg8[%dma_wait3A_159, %dma_wait3A_160] : memref<4x512xi32, #tpu.memory_space<vmem>> -> memref<1x512xi32, #tpu.memory_space<vmem>>
          %dma_wait3A_162 = tpu.memref_squeeze %dma_wait3A_161 : memref<1x512xi32, #tpu.memory_space<vmem>> -> memref<512xi32, #tpu.memory_space<vmem>>
          %dma_wait3A_163 = arith.constant 0 : i32
          %dma_wait3A_164 = tpu.memref_slice %arg3[%scan3A_33, %dma_wait3A_163] : memref<6272x512xi32, #tpu.memory_space<hbm>> -> memref<1x512xi32, #tpu.memory_space<hbm>>
          %dma_wait3A_165 = tpu.memref_squeeze %dma_wait3A_164 : memref<1x512xi32, #tpu.memory_space<hbm>> -> memref<512xi32, #tpu.memory_space<hbm>>
          %dma_wait3A_166 = arith.constant 0 : i32
          %dma_wait3A_167 = tpu.memref_slice %arg8[%dma_wait3A_159, %dma_wait3A_166] : memref<4x512xi32, #tpu.memory_space<vmem>> -> memref<1x512xi32, #tpu.memory_space<vmem>>
          %dma_wait3A_168 = tpu.memref_squeeze %dma_wait3A_167 : memref<1x512xi32, #tpu.memory_space<vmem>> -> memref<512xi32, #tpu.memory_space<vmem>>
          %dma_wait3A_169 = arith.constant 0 : i32
          %dma_wait3A_170 = tpu.memref_slice %arg3[%scan3A_33, %dma_wait3A_169] : memref<6272x512xi32, #tpu.memory_space<hbm>> -> memref<1x512xi32, #tpu.memory_space<hbm>>
          %dma_wait3A_171 = tpu.memref_squeeze %dma_wait3A_170 : memref<1x512xi32, #tpu.memory_space<hbm>> -> memref<512xi32, #tpu.memory_space<hbm>>
          tpu.wait_dma2 semaphore(%arg11 : memref<!tpu.dma_semaphore, #tpu.memory_space<semaphore_mem>>) src(%dma_wait3A_171 : memref<512xi32, #tpu.memory_space<hbm>>) dst(%dma_wait3A_168 : memref<512xi32, #tpu.memory_space<vmem>>)
          %rem3A_172 = arith.constant 4 : i32
          %rem3A_173 = arith.remsi %scan3A_116, %rem3A_172 : i32
          %dma_start3A_174 = arith.constant 1 : i32
          %dma_start3A_175 = arith.constant 0 : i32
          %dma_start3A_176 = arith.constant 0 : i32
          %dma_start3A_177 = tpu.memref_slice %arg9[%dma_start3A_174, %dma_start3A_175, %dma_start3A_176] : memref<3x512x16xf32, #tpu.memory_space<vmem>> -> memref<1x512x16xf32, #tpu.memory_space<vmem>>
          %dma_start3A_178 = tpu.memref_squeeze %dma_start3A_177 : memref<1x512x16xf32, #tpu.memory_space<vmem>> -> memref<512x16xf32, #tpu.memory_space<vmem>>
          %dma_start3A_179 = arith.constant 0 : i32
          %dma_start3A_180 = tpu.memref_slice %arg7[%rem3A_173, %dma_start3A_179] : memref<4x512xi32, #tpu.memory_space<vmem>> -> memref<1x512xi32, #tpu.memory_space<vmem>>
          %dma_start3A_181 = tpu.memref_squeeze %dma_start3A_180 : memref<1x512xi32, #tpu.memory_space<vmem>> -> memref<512xi32, #tpu.memory_space<vmem>>
          %dma_start3A_182 = arith.constant 0 : i32
          %dma_start3A_183 = arith.constant 0 : i32
          %dma_start3A_184 = tpu.memref_slice %arg2[%dma_start3A_182, %dma_start3A_183] : memref<100000x16xf32, #tpu.memory_space<hbm>> -> memref<100000x16xf32, #tpu.memory_space<hbm>>
          tpu.enqueue_indirect_dma source(%dma_start3A_184 : memref<100000x16xf32, #tpu.memory_space<hbm>>) target(%dma_start3A_178 : memref<512x16xf32, #tpu.memory_space<vmem>>) offsets(%dma_start3A_181 : memref<512xi32, #tpu.memory_space<vmem>>) semaphore(%arg13 : memref<!tpu.dma_semaphore, #tpu.memory_space<semaphore_mem>>)
          %add3A_185 = arith.constant 1 : i32
          %add3A_186 = arith.addi %scan3A_116, %add3A_185 : i32
          %min3A_187 = arith.constant 195 : i32
          %min3A_188 = arith.minsi %add3A_186, %min3A_187 : i32
          %rem3A_189 = arith.constant 4 : i32
          %rem3A_190 = arith.remsi %min3A_188, %rem3A_189 : i32
          %add3A_191 = arith.addi %mul3A_4, %min3A_188 : i32
          %dma_start3A_192 = arith.constant 0 : i32
          %dma_start3A_193 = tpu.memref_slice %arg7[%rem3A_190, %dma_start3A_192] : memref<4x512xi32, #tpu.memory_space<vmem>> -> memref<1x512xi32, #tpu.memory_space<vmem>>
          %dma_start3A_194 = tpu.memref_squeeze %dma_start3A_193 : memref<1x512xi32, #tpu.memory_space<vmem>> -> memref<512xi32, #tpu.memory_space<vmem>>
          %dma_start3A_195 = arith.constant 0 : i32
          %dma_start3A_196 = tpu.memref_slice %arg3[%add3A_191, %dma_start3A_195] : memref<6272x512xi32, #tpu.memory_space<hbm>> -> memref<1x512xi32, #tpu.memory_space<hbm>>
          %dma_start3A_197 = tpu.memref_squeeze %dma_start3A_196 : memref<1x512xi32, #tpu.memory_space<hbm>> -> memref<512xi32, #tpu.memory_space<hbm>>
          %dma_start3A_198 = arith.constant 0 : i32
          %dma_start3A_199 = tpu.memref_slice %arg7[%rem3A_190, %dma_start3A_198] : memref<4x512xi32, #tpu.memory_space<vmem>> -> memref<1x512xi32, #tpu.memory_space<vmem>>
          %dma_start3A_200 = tpu.memref_squeeze %dma_start3A_199 : memref<1x512xi32, #tpu.memory_space<vmem>> -> memref<512xi32, #tpu.memory_space<vmem>>
          %dma_start3A_201 = arith.constant 0 : i32
          %dma_start3A_202 = tpu.memref_slice %arg3[%add3A_191, %dma_start3A_201] : memref<6272x512xi32, #tpu.memory_space<hbm>> -> memref<1x512xi32, #tpu.memory_space<hbm>>
          %dma_start3A_203 = tpu.memref_squeeze %dma_start3A_202 : memref<1x512xi32, #tpu.memory_space<hbm>> -> memref<512xi32, #tpu.memory_space<hbm>>
          tpu.enqueue_dma source(%dma_start3A_203 : memref<512xi32, #tpu.memory_space<hbm>>) target(%dma_start3A_200 : memref<512xi32, #tpu.memory_space<vmem>>) target_semaphore(%arg11 : memref<!tpu.dma_semaphore, #tpu.memory_space<semaphore_mem>>)
          %add3A_204 = arith.addi %mul3A_4, %min3A_188 : i32
          %dma_start3A_205 = arith.constant 0 : i32
          %dma_start3A_206 = tpu.memref_slice %arg8[%rem3A_190, %dma_start3A_205] : memref<4x512xi32, #tpu.memory_space<vmem>> -> memref<1x512xi32, #tpu.memory_space<vmem>>
          %dma_start3A_207 = tpu.memref_squeeze %dma_start3A_206 : memref<1x512xi32, #tpu.memory_space<vmem>> -> memref<512xi32, #tpu.memory_space<vmem>>
          %dma_start3A_208 = arith.constant 0 : i32
          %dma_start3A_209 = tpu.memref_slice %arg4[%add3A_204, %dma_start3A_208] : memref<6272x512xi32, #tpu.memory_space<hbm>> -> memref<1x512xi32, #tpu.memory_space<hbm>>
          %dma_start3A_210 = tpu.memref_squeeze %dma_start3A_209 : memref<1x512xi32, #tpu.memory_space<hbm>> -> memref<512xi32, #tpu.memory_space<hbm>>
          %dma_start3A_211 = arith.constant 0 : i32
          %dma_start3A_212 = tpu.memref_slice %arg8[%rem3A_190, %dma_start3A_211] : memref<4x512xi32, #tpu.memory_space<vmem>> -> memref<1x512xi32, #tpu.memory_space<vmem>>
          %dma_start3A_213 = tpu.memref_squeeze %dma_start3A_212 : memref<1x512xi32, #tpu.memory_space<vmem>> -> memref<512xi32, #tpu.memory_space<vmem>>
          %dma_start3A_214 = arith.constant 0 : i32
          %dma_start3A_215 = tpu.memref_slice %arg4[%add3A_204, %dma_start3A_214] : memref<6272x512xi32, #tpu.memory_space<hbm>> -> memref<1x512xi32, #tpu.memory_space<hbm>>
          %dma_start3A_216 = tpu.memref_squeeze %dma_start3A_215 : memref<1x512xi32, #tpu.memory_space<hbm>> -> memref<512xi32, #tpu.memory_space<hbm>>
          tpu.enqueue_dma source(%dma_start3A_216 : memref<512xi32, #tpu.memory_space<hbm>>) target(%dma_start3A_213 : memref<512xi32, #tpu.memory_space<vmem>>) target_semaphore(%arg11 : memref<!tpu.dma_semaphore, #tpu.memory_space<semaphore_mem>>)
        } else {
        }
        %ge3A_141 = arith.constant 1 : i32
        %ge3A_142 = arith.cmpi sge, %scan3A_116, %ge3A_141 : i32
        %convert_element_type3A_143 = arith.extui %ge3A_142 : i1 to i32
        %cond3A_144 = arith.constant 0 : i32
        %cond3A_145 = arith.cmpi ne, %convert_element_type3A_143, %cond3A_144 : i32
        scf.if %cond3A_145 {
          %dma_wait3A_146 = arith.constant 0 : i32
          %dma_wait3A_147 = arith.constant 0 : i32
          %dma_wait3A_148 = arith.constant 0 : i32
          %dma_wait3A_149 = tpu.memref_slice %arg9[%dma_wait3A_146, %dma_wait3A_147, %dma_wait3A_148] : memref<3x512x16xf32, #tpu.memory_space<vmem>> -> memref<1x512x16xf32, #tpu.memory_space<vmem>>
          %dma_wait3A_150 = tpu.memref_squeeze %dma_wait3A_149 : memref<1x512x16xf32, #tpu.memory_space<vmem>> -> memref<512x16xf32, #tpu.memory_space<vmem>>
          %dma_wait3A_151 = arith.constant 0 : i32
          %dma_wait3A_152 = arith.constant 0 : i32
          %dma_wait3A_153 = tpu.memref_slice %arg2[%dma_wait3A_151, %dma_wait3A_152] : memref<100000x16xf32, #tpu.memory_space<hbm>> -> memref<512x16xf32, #tpu.memory_space<hbm>>
          %dma_wait3A_154 = arith.constant 0 : i32
          %dma_wait3A_155 = arith.constant 0 : i32
          %dma_wait3A_156 = tpu.memref_slice %arg9[%dma_wait3A_146, %dma_wait3A_154, %dma_wait3A_155] : memref<3x512x16xf32, #tpu.memory_space<vmem>> -> memref<1x512x16xf32, #tpu.memory_space<vmem>>
          %dma_wait3A_157 = tpu.memref_squeeze %dma_wait3A_156 : memref<1x512x16xf32, #tpu.memory_space<vmem>> -> memref<512x16xf32, #tpu.memory_space<vmem>>
          %dma_wait3A_158 = arith.constant 0 : i32
          %dma_wait3A_159 = arith.constant 0 : i32
          %dma_wait3A_160 = tpu.memref_slice %arg2[%dma_wait3A_158, %dma_wait3A_159] : memref<100000x16xf32, #tpu.memory_space<hbm>> -> memref<512x16xf32, #tpu.memory_space<hbm>>
          tpu.wait_dma2 semaphore(%arg12 : memref<!tpu.dma_semaphore, #tpu.memory_space<semaphore_mem>>) src(%dma_wait3A_160 : memref<512x16xf32, #tpu.memory_space<hbm>>) dst(%dma_wait3A_157 : memref<512x16xf32, #tpu.memory_space<vmem>>)
          %sub3A = arith.constant 1 : i32
          %sub3A_161 = arith.subi %scan3A_116, %sub3A : i32
          %rem3A_162 = arith.constant 4 : i32
          %rem3A_163 = arith.remsi %sub3A_161, %rem3A_162 : i32
          %dma_start3A_164 = arith.constant 0 : i32
          %dma_start3A_165 = arith.constant 0 : i32
          %dma_start3A_166 = arith.constant 0 : i32
          %dma_start3A_167 = tpu.memref_slice %arg9[%dma_start3A_164, %dma_start3A_165, %dma_start3A_166] : memref<3x512x16xf32, #tpu.memory_space<vmem>> -> memref<1x512x16xf32, #tpu.memory_space<vmem>>
          %dma_start3A_168 = tpu.memref_squeeze %dma_start3A_167 : memref<1x512x16xf32, #tpu.memory_space<vmem>> -> memref<512x16xf32, #tpu.memory_space<vmem>>
          %dma_start3A_169 = arith.constant 0 : i32
          %dma_start3A_170 = tpu.memref_slice %arg8[%rem3A_163, %dma_start3A_169] : memref<4x512xi32, #tpu.memory_space<vmem>> -> memref<1x512xi32, #tpu.memory_space<vmem>>
          %dma_start3A_171 = tpu.memref_squeeze %dma_start3A_170 : memref<1x512xi32, #tpu.memory_space<vmem>> -> memref<512xi32, #tpu.memory_space<vmem>>
          %dma_start3A_172 = arith.constant 0 : i32
          %dma_start3A_173 = arith.constant 0 : i32
          %dma_start3A_174 = tpu.memref_slice %arg10[%dma_start3A_172, %dma_start3A_173] : memref<100096x16xf32, #tpu.memory_space<vmem_shared>> -> memref<100096x16xf32, #tpu.memory_space<vmem_shared>>
          tpu.enqueue_indirect_dma source(%dma_start3A_168 : memref<512x16xf32, #tpu.memory_space<vmem>>) target(%dma_start3A_174 : memref<100096x16xf32, #tpu.memory_space<vmem_shared>>) offsets(%dma_start3A_171 : memref<512xi32, #tpu.memory_space<vmem>>) semaphore(%arg15 : memref<!tpu.dma_semaphore, #tpu.memory_space<semaphore_mem>>) {add = true}
        } else {
        }
      } else {
      }
      %eq3A_126 = arith.constant 2 : i32
      %eq3A_127 = arith.cmpi eq, %rem3A_118, %eq3A_126 : i32
      %convert_element_type3A_128 = arith.extui %eq3A_127 : i1 to i32
      %cond3A_129 = arith.constant 0 : i32
      %cond3A_130 = arith.cmpi ne, %convert_element_type3A_128, %cond3A_129 : i32
      scf.if %cond3A_130 {
        %ge3A = arith.constant 3 : i32
        %ge3A_131 = arith.cmpi sge, %scan3A_116, %ge3A : i32
        %lt3A = arith.constant 196 : i32
        %lt3A_132 = arith.cmpi slt, %scan3A_116, %lt3A : i32
        %and3A = arith.andi %ge3A_131, %lt3A_132 : i1
        %convert_element_type3A_133 = arith.extui %and3A : i1 to i32
        %cond3A_134 = arith.constant 0 : i32
        %cond3A_135 = arith.cmpi ne, %convert_element_type3A_133, %cond3A_134 : i32
        scf.if %cond3A_135 {
          %dma_wait3A_146 = arith.constant 2 : i32
          %dma_wait3A_147 = arith.constant 0 : i32
          %dma_wait3A_148 = arith.constant 0 : i32
          %dma_wait3A_149 = tpu.memref_slice %arg9[%dma_wait3A_146, %dma_wait3A_147, %dma_wait3A_148] : memref<3x512x16xf32, #tpu.memory_space<vmem>> -> memref<1x512x16xf32, #tpu.memory_space<vmem>>
          %dma_wait3A_150 = tpu.memref_squeeze %dma_wait3A_149 : memref<1x512x16xf32, #tpu.memory_space<vmem>> -> memref<512x16xf32, #tpu.memory_space<vmem>>
          %dma_wait3A_151 = arith.constant 0 : i32
          %dma_wait3A_152 = arith.constant 0 : i32
          %dma_wait3A_153 = tpu.memref_slice %arg2[%dma_wait3A_151, %dma_wait3A_152] : memref<100000x16xf32, #tpu.memory_space<hbm>> -> memref<512x16xf32, #tpu.memory_space<hbm>>
          %dma_wait3A_154 = arith.constant 0 : i32
          %dma_wait3A_155 = arith.constant 0 : i32
          %dma_wait3A_156 = tpu.memref_slice %arg9[%dma_wait3A_146, %dma_wait3A_154, %dma_wait3A_155] : memref<3x512x16xf32, #tpu.memory_space<vmem>> -> memref<1x512x16xf32, #tpu.memory_space<vmem>>
          %dma_wait3A_157 = tpu.memref_squeeze %dma_wait3A_156 : memref<1x512x16xf32, #tpu.memory_space<vmem>> -> memref<512x16xf32, #tpu.memory_space<vmem>>
          %dma_wait3A_158 = arith.constant 0 : i32
          %dma_wait3A_159 = arith.constant 0 : i32
          %dma_wait3A_160 = tpu.memref_slice %arg2[%dma_wait3A_158, %dma_wait3A_159] : memref<100000x16xf32, #tpu.memory_space<hbm>> -> memref<512x16xf32, #tpu.memory_space<hbm>>
          tpu.wait_dma2 semaphore(%arg17 : memref<!tpu.dma_semaphore, #tpu.memory_space<semaphore_mem>>) src(%dma_wait3A_160 : memref<512x16xf32, #tpu.memory_space<hbm>>) dst(%dma_wait3A_157 : memref<512x16xf32, #tpu.memory_space<vmem>>)
        } else {
        }
        %lt3A_136 = arith.constant 196 : i32
        %lt3A_137 = arith.cmpi slt, %scan3A_116, %lt3A_136 : i32
        %convert_element_type3A_138 = arith.extui %lt3A_137 : i1 to i32
        %cond3A_139 = arith.constant 0 : i32
        %cond3A_140 = arith.cmpi ne, %convert_element_type3A_138, %cond3A_139 : i32
        scf.if %cond3A_140 {
          %dma_wait3A_146 = arith.constant 0 : i32
          %dma_wait3A_147 = arith.constant 0 : i32
          %dma_wait3A_148 = tpu.memref_slice %arg7[%dma_wait3A_146, %dma_wait3A_147] : memref<4x512xi32, #tpu.memory_space<vmem>> -> memref<1x512xi32, #tpu.memory_space<vmem>>
          %dma_wait3A_149 = tpu.memref_squeeze %dma_wait3A_148 : memref<1x512xi32, #tpu.memory_space<vmem>> -> memref<512xi32, #tpu.memory_space<vmem>>
          %dma_wait3A_150 = arith.constant 0 : i32
          %dma_wait3A_151 = tpu.memref_slice %arg3[%scan3A_33, %dma_wait3A_150] : memref<6272x512xi32, #tpu.memory_space<hbm>> -> memref<1x512xi32, #tpu.memory_space<hbm>>
          %dma_wait3A_152 = tpu.memref_squeeze %dma_wait3A_151 : memref<1x512xi32, #tpu.memory_space<hbm>> -> memref<512xi32, #tpu.memory_space<hbm>>
          %dma_wait3A_153 = arith.constant 0 : i32
          %dma_wait3A_154 = tpu.memref_slice %arg7[%dma_wait3A_146, %dma_wait3A_153] : memref<4x512xi32, #tpu.memory_space<vmem>> -> memref<1x512xi32, #tpu.memory_space<vmem>>
          %dma_wait3A_155 = tpu.memref_squeeze %dma_wait3A_154 : memref<1x512xi32, #tpu.memory_space<vmem>> -> memref<512xi32, #tpu.memory_space<vmem>>
          %dma_wait3A_156 = arith.constant 0 : i32
          %dma_wait3A_157 = tpu.memref_slice %arg3[%scan3A_33, %dma_wait3A_156] : memref<6272x512xi32, #tpu.memory_space<hbm>> -> memref<1x512xi32, #tpu.memory_space<hbm>>
          %dma_wait3A_158 = tpu.memref_squeeze %dma_wait3A_157 : memref<1x512xi32, #tpu.memory_space<hbm>> -> memref<512xi32, #tpu.memory_space<hbm>>
          tpu.wait_dma2 semaphore(%arg11 : memref<!tpu.dma_semaphore, #tpu.memory_space<semaphore_mem>>) src(%dma_wait3A_158 : memref<512xi32, #tpu.memory_space<hbm>>) dst(%dma_wait3A_155 : memref<512xi32, #tpu.memory_space<vmem>>)
          %dma_wait3A_159 = arith.constant 0 : i32
          %dma_wait3A_160 = arith.constant 0 : i32
          %dma_wait3A_161 = tpu.memref_slice %arg8[%dma_wait3A_159, %dma_wait3A_160] : memref<4x512xi32, #tpu.memory_space<vmem>> -> memref<1x512xi32, #tpu.memory_space<vmem>>
          %dma_wait3A_162 = tpu.memref_squeeze %dma_wait3A_161 : memref<1x512xi32, #tpu.memory_space<vmem>> -> memref<512xi32, #tpu.memory_space<vmem>>
          %dma_wait3A_163 = arith.constant 0 : i32
          %dma_wait3A_164 = tpu.memref_slice %arg3[%scan3A_33, %dma_wait3A_163] : memref<6272x512xi32, #tpu.memory_space<hbm>> -> memref<1x512xi32, #tpu.memory_space<hbm>>
          %dma_wait3A_165 = tpu.memref_squeeze %dma_wait3A_164 : memref<1x512xi32, #tpu.memory_space<hbm>> -> memref<512xi32, #tpu.memory_space<hbm>>
          %dma_wait3A_166 = arith.constant 0 : i32
          %dma_wait3A_167 = tpu.memref_slice %arg8[%dma_wait3A_159, %dma_wait3A_166] : memref<4x512xi32, #tpu.memory_space<vmem>> -> memref<1x512xi32, #tpu.memory_space<vmem>>
          %dma_wait3A_168 = tpu.memref_squeeze %dma_wait3A_167 : memref<1x512xi32, #tpu.memory_space<vmem>> -> memref<512xi32, #tpu.memory_space<vmem>>
          %dma_wait3A_169 = arith.constant 0 : i32
          %dma_wait3A_170 = tpu.memref_slice %arg3[%scan3A_33, %dma_wait3A_169] : memref<6272x512xi32, #tpu.memory_space<hbm>> -> memref<1x512xi32, #tpu.memory_space<hbm>>
          %dma_wait3A_171 = tpu.memref_squeeze %dma_wait3A_170 : memref<1x512xi32, #tpu.memory_space<hbm>> -> memref<512xi32, #tpu.memory_space<hbm>>
          tpu.wait_dma2 semaphore(%arg11 : memref<!tpu.dma_semaphore, #tpu.memory_space<semaphore_mem>>) src(%dma_wait3A_171 : memref<512xi32, #tpu.memory_space<hbm>>) dst(%dma_wait3A_168 : memref<512xi32, #tpu.memory_space<vmem>>)
          %rem3A_172 = arith.constant 4 : i32
          %rem3A_173 = arith.remsi %scan3A_116, %rem3A_172 : i32
          %dma_start3A_174 = arith.constant 2 : i32
          %dma_start3A_175 = arith.constant 0 : i32
          %dma_start3A_176 = arith.constant 0 : i32
          %dma_start3A_177 = tpu.memref_slice %arg9[%dma_start3A_174, %dma_start3A_175, %dma_start3A_176] : memref<3x512x16xf32, #tpu.memory_space<vmem>> -> memref<1x512x16xf32, #tpu.memory_space<vmem>>
          %dma_start3A_178 = tpu.memref_squeeze %dma_start3A_177 : memref<1x512x16xf32, #tpu.memory_space<vmem>> -> memref<512x16xf32, #tpu.memory_space<vmem>>
          %dma_start3A_179 = arith.constant 0 : i32
          %dma_start3A_180 = tpu.memref_slice %arg7[%rem3A_173, %dma_start3A_179] : memref<4x512xi32, #tpu.memory_space<vmem>> -> memref<1x512xi32, #tpu.memory_space<vmem>>
          %dma_start3A_181 = tpu.memref_squeeze %dma_start3A_180 : memref<1x512xi32, #tpu.memory_space<vmem>> -> memref<512xi32, #tpu.memory_space<vmem>>
          %dma_start3A_182 = arith.constant 0 : i32
          %dma_start3A_183 = arith.constant 0 : i32
          %dma_start3A_184 = tpu.memref_slice %arg2[%dma_start3A_182, %dma_start3A_183] : memref<100000x16xf32, #tpu.memory_space<hbm>> -> memref<100000x16xf32, #tpu.memory_space<hbm>>
          tpu.enqueue_indirect_dma source(%dma_start3A_184 : memref<100000x16xf32, #tpu.memory_space<hbm>>) target(%dma_start3A_178 : memref<512x16xf32, #tpu.memory_space<vmem>>) offsets(%dma_start3A_181 : memref<512xi32, #tpu.memory_space<vmem>>) semaphore(%arg14 : memref<!tpu.dma_semaphore, #tpu.memory_space<semaphore_mem>>)
          %add3A_185 = arith.constant 1 : i32
          %add3A_186 = arith.addi %scan3A_116, %add3A_185 : i32
          %min3A_187 = arith.constant 195 : i32
          %min3A_188 = arith.minsi %add3A_186, %min3A_187 : i32
          %rem3A_189 = arith.constant 4 : i32
          %rem3A_190 = arith.remsi %min3A_188, %rem3A_189 : i32
          %add3A_191 = arith.addi %mul3A_4, %min3A_188 : i32
          %dma_start3A_192 = arith.constant 0 : i32
          %dma_start3A_193 = tpu.memref_slice %arg7[%rem3A_190, %dma_start3A_192] : memref<4x512xi32, #tpu.memory_space<vmem>> -> memref<1x512xi32, #tpu.memory_space<vmem>>
          %dma_start3A_194 = tpu.memref_squeeze %dma_start3A_193 : memref<1x512xi32, #tpu.memory_space<vmem>> -> memref<512xi32, #tpu.memory_space<vmem>>
          %dma_start3A_195 = arith.constant 0 : i32
          %dma_start3A_196 = tpu.memref_slice %arg3[%add3A_191, %dma_start3A_195] : memref<6272x512xi32, #tpu.memory_space<hbm>> -> memref<1x512xi32, #tpu.memory_space<hbm>>
          %dma_start3A_197 = tpu.memref_squeeze %dma_start3A_196 : memref<1x512xi32, #tpu.memory_space<hbm>> -> memref<512xi32, #tpu.memory_space<hbm>>
          %dma_start3A_198 = arith.constant 0 : i32
          %dma_start3A_199 = tpu.memref_slice %arg7[%rem3A_190, %dma_start3A_198] : memref<4x512xi32, #tpu.memory_space<vmem>> -> memref<1x512xi32, #tpu.memory_space<vmem>>
          %dma_start3A_200 = tpu.memref_squeeze %dma_start3A_199 : memref<1x512xi32, #tpu.memory_space<vmem>> -> memref<512xi32, #tpu.memory_space<vmem>>
          %dma_start3A_201 = arith.constant 0 : i32
          %dma_start3A_202 = tpu.memref_slice %arg3[%add3A_191, %dma_start3A_201] : memref<6272x512xi32, #tpu.memory_space<hbm>> -> memref<1x512xi32, #tpu.memory_space<hbm>>
          %dma_start3A_203 = tpu.memref_squeeze %dma_start3A_202 : memref<1x512xi32, #tpu.memory_space<hbm>> -> memref<512xi32, #tpu.memory_space<hbm>>
          tpu.enqueue_dma source(%dma_start3A_203 : memref<512xi32, #tpu.memory_space<hbm>>) target(%dma_start3A_200 : memref<512xi32, #tpu.memory_space<vmem>>) target_semaphore(%arg11 : memref<!tpu.dma_semaphore, #tpu.memory_space<semaphore_mem>>)
          %add3A_204 = arith.addi %mul3A_4, %min3A_188 : i32
          %dma_start3A_205 = arith.constant 0 : i32
          %dma_start3A_206 = tpu.memref_slice %arg8[%rem3A_190, %dma_start3A_205] : memref<4x512xi32, #tpu.memory_space<vmem>> -> memref<1x512xi32, #tpu.memory_space<vmem>>
          %dma_start3A_207 = tpu.memref_squeeze %dma_start3A_206 : memref<1x512xi32, #tpu.memory_space<vmem>> -> memref<512xi32, #tpu.memory_space<vmem>>
          %dma_start3A_208 = arith.constant 0 : i32
          %dma_start3A_209 = tpu.memref_slice %arg4[%add3A_204, %dma_start3A_208] : memref<6272x512xi32, #tpu.memory_space<hbm>> -> memref<1x512xi32, #tpu.memory_space<hbm>>
          %dma_start3A_210 = tpu.memref_squeeze %dma_start3A_209 : memref<1x512xi32, #tpu.memory_space<hbm>> -> memref<512xi32, #tpu.memory_space<hbm>>
          %dma_start3A_211 = arith.constant 0 : i32
          %dma_start3A_212 = tpu.memref_slice %arg8[%rem3A_190, %dma_start3A_211] : memref<4x512xi32, #tpu.memory_space<vmem>> -> memref<1x512xi32, #tpu.memory_space<vmem>>
          %dma_start3A_213 = tpu.memref_squeeze %dma_start3A_212 : memref<1x512xi32, #tpu.memory_space<vmem>> -> memref<512xi32, #tpu.memory_space<vmem>>
          %dma_start3A_214 = arith.constant 0 : i32
          %dma_start3A_215 = tpu.memref_slice %arg4[%add3A_204, %dma_start3A_214] : memref<6272x512xi32, #tpu.memory_space<hbm>> -> memref<1x512xi32, #tpu.memory_space<hbm>>
          %dma_start3A_216 = tpu.memref_squeeze %dma_start3A_215 : memref<1x512xi32, #tpu.memory_space<hbm>> -> memref<512xi32, #tpu.memory_space<hbm>>
          tpu.enqueue_dma source(%dma_start3A_216 : memref<512xi32, #tpu.memory_space<hbm>>) target(%dma_start3A_213 : memref<512xi32, #tpu.memory_space<vmem>>) target_semaphore(%arg11 : memref<!tpu.dma_semaphore, #tpu.memory_space<semaphore_mem>>)
        } else {
        }
        %ge3A_141 = arith.constant 1 : i32
        %ge3A_142 = arith.cmpi sge, %scan3A_116, %ge3A_141 : i32
        %convert_element_type3A_143 = arith.extui %ge3A_142 : i1 to i32
        %cond3A_144 = arith.constant 0 : i32
        %cond3A_145 = arith.cmpi ne, %convert_element_type3A_143, %cond3A_144 : i32
        scf.if %cond3A_145 {
          %dma_wait3A_146 = arith.constant 1 : i32
          %dma_wait3A_147 = arith.constant 0 : i32
          %dma_wait3A_148 = arith.constant 0 : i32
          %dma_wait3A_149 = tpu.memref_slice %arg9[%dma_wait3A_146, %dma_wait3A_147, %dma_wait3A_148] : memref<3x512x16xf32, #tpu.memory_space<vmem>> -> memref<1x512x16xf32, #tpu.memory_space<vmem>>
          %dma_wait3A_150 = tpu.memref_squeeze %dma_wait3A_149 : memref<1x512x16xf32, #tpu.memory_space<vmem>> -> memref<512x16xf32, #tpu.memory_space<vmem>>
          %dma_wait3A_151 = arith.constant 0 : i32
          %dma_wait3A_152 = arith.constant 0 : i32
          %dma_wait3A_153 = tpu.memref_slice %arg2[%dma_wait3A_151, %dma_wait3A_152] : memref<100000x16xf32, #tpu.memory_space<hbm>> -> memref<512x16xf32, #tpu.memory_space<hbm>>
          %dma_wait3A_154 = arith.constant 0 : i32
          %dma_wait3A_155 = arith.constant 0 : i32
          %dma_wait3A_156 = tpu.memref_slice %arg9[%dma_wait3A_146, %dma_wait3A_154, %dma_wait3A_155] : memref<3x512x16xf32, #tpu.memory_space<vmem>> -> memref<1x512x16xf32, #tpu.memory_space<vmem>>
          %dma_wait3A_157 = tpu.memref_squeeze %dma_wait3A_156 : memref<1x512x16xf32, #tpu.memory_space<vmem>> -> memref<512x16xf32, #tpu.memory_space<vmem>>
          %dma_wait3A_158 = arith.constant 0 : i32
          %dma_wait3A_159 = arith.constant 0 : i32
          %dma_wait3A_160 = tpu.memref_slice %arg2[%dma_wait3A_158, %dma_wait3A_159] : memref<100000x16xf32, #tpu.memory_space<hbm>> -> memref<512x16xf32, #tpu.memory_space<hbm>>
          tpu.wait_dma2 semaphore(%arg13 : memref<!tpu.dma_semaphore, #tpu.memory_space<semaphore_mem>>) src(%dma_wait3A_160 : memref<512x16xf32, #tpu.memory_space<hbm>>) dst(%dma_wait3A_157 : memref<512x16xf32, #tpu.memory_space<vmem>>)
          %sub3A = arith.constant 1 : i32
          %sub3A_161 = arith.subi %scan3A_116, %sub3A : i32
          %rem3A_162 = arith.constant 4 : i32
          %rem3A_163 = arith.remsi %sub3A_161, %rem3A_162 : i32
          %dma_start3A_164 = arith.constant 1 : i32
          %dma_start3A_165 = arith.constant 0 : i32
          %dma_start3A_166 = arith.constant 0 : i32
          %dma_start3A_167 = tpu.memref_slice %arg9[%dma_start3A_164, %dma_start3A_165, %dma_start3A_166] : memref<3x512x16xf32, #tpu.memory_space<vmem>> -> memref<1x512x16xf32, #tpu.memory_space<vmem>>
          %dma_start3A_168 = tpu.memref_squeeze %dma_start3A_167 : memref<1x512x16xf32, #tpu.memory_space<vmem>> -> memref<512x16xf32, #tpu.memory_space<vmem>>
          %dma_start3A_169 = arith.constant 0 : i32
          %dma_start3A_170 = tpu.memref_slice %arg8[%rem3A_163, %dma_start3A_169] : memref<4x512xi32, #tpu.memory_space<vmem>> -> memref<1x512xi32, #tpu.memory_space<vmem>>
          %dma_start3A_171 = tpu.memref_squeeze %dma_start3A_170 : memref<1x512xi32, #tpu.memory_space<vmem>> -> memref<512xi32, #tpu.memory_space<vmem>>
          %dma_start3A_172 = arith.constant 0 : i32
          %dma_start3A_173 = arith.constant 0 : i32
          %dma_start3A_174 = tpu.memref_slice %arg10[%dma_start3A_172, %dma_start3A_173] : memref<100096x16xf32, #tpu.memory_space<vmem_shared>> -> memref<100096x16xf32, #tpu.memory_space<vmem_shared>>
          tpu.enqueue_indirect_dma source(%dma_start3A_168 : memref<512x16xf32, #tpu.memory_space<vmem>>) target(%dma_start3A_174 : memref<100096x16xf32, #tpu.memory_space<vmem_shared>>) offsets(%dma_start3A_171 : memref<512xi32, #tpu.memory_space<vmem>>) semaphore(%arg16 : memref<!tpu.dma_semaphore, #tpu.memory_space<semaphore_mem>>) {add = true}
        } else {
        }
      } else {
      }
    }
    %scan3A_38 = arith.constant 197 : i32
    %dma_wait3A = arith.constant 0 : i32
    %dma_wait3A_39 = arith.constant 0 : i32
    %dma_wait3A_40 = arith.constant 0 : i32
    %dma_wait3A_41 = tpu.memref_slice %arg7[%dma_wait3A_39, %dma_wait3A_40] : memref<4x512xi32, #tpu.memory_space<vmem>> -> memref<1x512xi32, #tpu.memory_space<vmem>>
    %dma_wait3A_42 = tpu.memref_squeeze %dma_wait3A_41 : memref<1x512xi32, #tpu.memory_space<vmem>> -> memref<512xi32, #tpu.memory_space<vmem>>
    %dma_wait3A_43 = arith.constant 0 : i32
    %dma_wait3A_44 = tpu.memref_slice %arg3[%dma_wait3A, %dma_wait3A_43] : memref<6272x512xi32, #tpu.memory_space<hbm>> -> memref<1x512xi32, #tpu.memory_space<hbm>>
    %dma_wait3A_45 = tpu.memref_squeeze %dma_wait3A_44 : memref<1x512xi32, #tpu.memory_space<hbm>> -> memref<512xi32, #tpu.memory_space<hbm>>
    %dma_wait3A_46 = arith.constant 0 : i32
    %dma_wait3A_47 = tpu.memref_slice %arg7[%dma_wait3A_39, %dma_wait3A_46] : memref<4x512xi32, #tpu.memory_space<vmem>> -> memref<1x512xi32, #tpu.memory_space<vmem>>
    %dma_wait3A_48 = tpu.memref_squeeze %dma_wait3A_47 : memref<1x512xi32, #tpu.memory_space<vmem>> -> memref<512xi32, #tpu.memory_space<vmem>>
    %dma_wait3A_49 = arith.constant 0 : i32
    %dma_wait3A_50 = tpu.memref_slice %arg3[%dma_wait3A, %dma_wait3A_49] : memref<6272x512xi32, #tpu.memory_space<hbm>> -> memref<1x512xi32, #tpu.memory_space<hbm>>
    %dma_wait3A_51 = tpu.memref_squeeze %dma_wait3A_50 : memref<1x512xi32, #tpu.memory_space<hbm>> -> memref<512xi32, #tpu.memory_space<hbm>>
    tpu.wait_dma2 semaphore(%arg11 : memref<!tpu.dma_semaphore, #tpu.memory_space<semaphore_mem>>) src(%dma_wait3A_51 : memref<512xi32, #tpu.memory_space<hbm>>) dst(%dma_wait3A_48 : memref<512xi32, #tpu.memory_space<vmem>>)
    %dma_wait3A_52 = arith.constant 0 : i32
    %dma_wait3A_53 = arith.constant 0 : i32
    %dma_wait3A_54 = arith.constant 0 : i32
    %dma_wait3A_55 = tpu.memref_slice %arg8[%dma_wait3A_53, %dma_wait3A_54] : memref<4x512xi32, #tpu.memory_space<vmem>> -> memref<1x512xi32, #tpu.memory_space<vmem>>
    %dma_wait3A_56 = tpu.memref_squeeze %dma_wait3A_55 : memref<1x512xi32, #tpu.memory_space<vmem>> -> memref<512xi32, #tpu.memory_space<vmem>>
    %dma_wait3A_57 = arith.constant 0 : i32
    %dma_wait3A_58 = tpu.memref_slice %arg3[%dma_wait3A_52, %dma_wait3A_57] : memref<6272x512xi32, #tpu.memory_space<hbm>> -> memref<1x512xi32, #tpu.memory_space<hbm>>
    %dma_wait3A_59 = tpu.memref_squeeze %dma_wait3A_58 : memref<1x512xi32, #tpu.memory_space<hbm>> -> memref<512xi32, #tpu.memory_space<hbm>>
    %dma_wait3A_60 = arith.constant 0 : i32
    %dma_wait3A_61 = tpu.memref_slice %arg8[%dma_wait3A_53, %dma_wait3A_60] : memref<4x512xi32, #tpu.memory_space<vmem>> -> memref<1x512xi32, #tpu.memory_space<vmem>>
    %dma_wait3A_62 = tpu.memref_squeeze %dma_wait3A_61 : memref<1x512xi32, #tpu.memory_space<vmem>> -> memref<512xi32, #tpu.memory_space<vmem>>
    %dma_wait3A_63 = arith.constant 0 : i32
    %dma_wait3A_64 = tpu.memref_slice %arg3[%dma_wait3A_52, %dma_wait3A_63] : memref<6272x512xi32, #tpu.memory_space<hbm>> -> memref<1x512xi32, #tpu.memory_space<hbm>>
    %dma_wait3A_65 = tpu.memref_squeeze %dma_wait3A_64 : memref<1x512xi32, #tpu.memory_space<hbm>> -> memref<512xi32, #tpu.memory_space<hbm>>
    tpu.wait_dma2 semaphore(%arg11 : memref<!tpu.dma_semaphore, #tpu.memory_space<semaphore_mem>>) src(%dma_wait3A_65 : memref<512xi32, #tpu.memory_space<hbm>>) dst(%dma_wait3A_62 : memref<512xi32, #tpu.memory_space<vmem>>)
    %dma_wait3A_66 = arith.constant 0 : i32
    %dma_wait3A_67 = arith.constant 0 : i32
    %dma_wait3A_68 = arith.constant 0 : i32
    %dma_wait3A_69 = tpu.memref_slice %arg9[%dma_wait3A_66, %dma_wait3A_67, %dma_wait3A_68] : memref<3x512x16xf32, #tpu.memory_space<vmem>> -> memref<1x512x16xf32, #tpu.memory_space<vmem>>
    %dma_wait3A_70 = tpu.memref_squeeze %dma_wait3A_69 : memref<1x512x16xf32, #tpu.memory_space<vmem>> -> memref<512x16xf32, #tpu.memory_space<vmem>>
    %dma_wait3A_71 = arith.constant 0 : i32
    %dma_wait3A_72 = arith.constant 0 : i32
    %dma_wait3A_73 = tpu.memref_slice %arg2[%dma_wait3A_71, %dma_wait3A_72] : memref<100000x16xf32, #tpu.memory_space<hbm>> -> memref<512x16xf32, #tpu.memory_space<hbm>>
    %dma_wait3A_74 = arith.constant 0 : i32
    %dma_wait3A_75 = arith.constant 0 : i32
    %dma_wait3A_76 = tpu.memref_slice %arg9[%dma_wait3A_66, %dma_wait3A_74, %dma_wait3A_75] : memref<3x512x16xf32, #tpu.memory_space<vmem>> -> memref<1x512x16xf32, #tpu.memory_space<vmem>>
    %dma_wait3A_77 = tpu.memref_squeeze %dma_wait3A_76 : memref<1x512x16xf32, #tpu.memory_space<vmem>> -> memref<512x16xf32, #tpu.memory_space<vmem>>
    %dma_wait3A_78 = arith.constant 0 : i32
    %dma_wait3A_79 = arith.constant 0 : i32
    %dma_wait3A_80 = tpu.memref_slice %arg2[%dma_wait3A_78, %dma_wait3A_79] : memref<100000x16xf32, #tpu.memory_space<hbm>> -> memref<512x16xf32, #tpu.memory_space<hbm>>
    tpu.wait_dma2 semaphore(%arg15 : memref<!tpu.dma_semaphore, #tpu.memory_space<semaphore_mem>>) src(%dma_wait3A_80 : memref<512x16xf32, #tpu.memory_space<hbm>>) dst(%dma_wait3A_77 : memref<512x16xf32, #tpu.memory_space<vmem>>)
    %dma_wait3A_81 = arith.constant 1 : i32
    %dma_wait3A_82 = arith.constant 0 : i32
    %dma_wait3A_83 = arith.constant 0 : i32
    %dma_wait3A_84 = tpu.memref_slice %arg9[%dma_wait3A_81, %dma_wait3A_82, %dma_wait3A_83] : memref<3x512x16xf32, #tpu.memory_space<vmem>> -> memref<1x512x16xf32, #tpu.memory_space<vmem>>
    %dma_wait3A_85 = tpu.memref_squeeze %dma_wait3A_84 : memref<1x512x16xf32, #tpu.memory_space<vmem>> -> memref<512x16xf32, #tpu.memory_space<vmem>>
    %dma_wait3A_86 = arith.constant 0 : i32
    %dma_wait3A_87 = arith.constant 0 : i32
    %dma_wait3A_88 = tpu.memref_slice %arg2[%dma_wait3A_86, %dma_wait3A_87] : memref<100000x16xf32, #tpu.memory_space<hbm>> -> memref<512x16xf32, #tpu.memory_space<hbm>>
    %dma_wait3A_89 = arith.constant 0 : i32
    %dma_wait3A_90 = arith.constant 0 : i32
    %dma_wait3A_91 = tpu.memref_slice %arg9[%dma_wait3A_81, %dma_wait3A_89, %dma_wait3A_90] : memref<3x512x16xf32, #tpu.memory_space<vmem>> -> memref<1x512x16xf32, #tpu.memory_space<vmem>>
    %dma_wait3A_92 = tpu.memref_squeeze %dma_wait3A_91 : memref<1x512x16xf32, #tpu.memory_space<vmem>> -> memref<512x16xf32, #tpu.memory_space<vmem>>
    %dma_wait3A_93 = arith.constant 0 : i32
    %dma_wait3A_94 = arith.constant 0 : i32
    %dma_wait3A_95 = tpu.memref_slice %arg2[%dma_wait3A_93, %dma_wait3A_94] : memref<100000x16xf32, #tpu.memory_space<hbm>> -> memref<512x16xf32, #tpu.memory_space<hbm>>
    tpu.wait_dma2 semaphore(%arg16 : memref<!tpu.dma_semaphore, #tpu.memory_space<semaphore_mem>>) src(%dma_wait3A_95 : memref<512x16xf32, #tpu.memory_space<hbm>>) dst(%dma_wait3A_92 : memref<512x16xf32, #tpu.memory_space<vmem>>)
    %dma_wait3A_96 = arith.constant 2 : i32
    %dma_wait3A_97 = arith.constant 0 : i32
    %dma_wait3A_98 = arith.constant 0 : i32
    %dma_wait3A_99 = tpu.memref_slice %arg9[%dma_wait3A_96, %dma_wait3A_97, %dma_wait3A_98] : memref<3x512x16xf32, #tpu.memory_space<vmem>> -> memref<1x512x16xf32, #tpu.memory_space<vmem>>
    %dma_wait3A_100 = tpu.memref_squeeze %dma_wait3A_99 : memref<1x512x16xf32, #tpu.memory_space<vmem>> -> memref<512x16xf32, #tpu.memory_space<vmem>>
    %dma_wait3A_101 = arith.constant 0 : i32
    %dma_wait3A_102 = arith.constant 0 : i32
    %dma_wait3A_103 = tpu.memref_slice %arg2[%dma_wait3A_101, %dma_wait3A_102] : memref<100000x16xf32, #tpu.memory_space<hbm>> -> memref<512x16xf32, #tpu.memory_space<hbm>>
    %dma_wait3A_104 = arith.constant 0 : i32
    %dma_wait3A_105 = arith.constant 0 : i32
    %dma_wait3A_106 = tpu.memref_slice %arg9[%dma_wait3A_96, %dma_wait3A_104, %dma_wait3A_105] : memref<3x512x16xf32, #tpu.memory_space<vmem>> -> memref<1x512x16xf32, #tpu.memory_space<vmem>>
    %dma_wait3A_107 = tpu.memref_squeeze %dma_wait3A_106 : memref<1x512x16xf32, #tpu.memory_space<vmem>> -> memref<512x16xf32, #tpu.memory_space<vmem>>
    %dma_wait3A_108 = arith.constant 0 : i32
    %dma_wait3A_109 = arith.constant 0 : i32
    %dma_wait3A_110 = tpu.memref_slice %arg2[%dma_wait3A_108, %dma_wait3A_109] : memref<100000x16xf32, #tpu.memory_space<hbm>> -> memref<512x16xf32, #tpu.memory_space<hbm>>
    tpu.wait_dma2 semaphore(%arg17 : memref<!tpu.dma_semaphore, #tpu.memory_space<semaphore_mem>>) src(%dma_wait3A_110 : memref<512x16xf32, #tpu.memory_space<hbm>>) dst(%dma_wait3A_107 : memref<512x16xf32, #tpu.memory_space<vmem>>)
    %barrier3A_111 = arith.constant 0 : index
    tpu.barrier barrier_id(%barrier3A_111)
    %mul3A_112 = arith.constant 6256 : i32
    %mul3A_113 = arith.muli %arg1, %mul3A_112 : i32
    %mul3A_114 = arith.constant 6256 : i32
    %mul3A_115 = arith.muli %arg1, %mul3A_114 : i32
    "tpu.region"() ({
      %run_scoped3A = tpu.sem_alloc : memref<!tpu.dma_semaphore, #tpu.memory_space<semaphore_mem>>
      %dma_start3A_116 = arith.constant 0 : i32
      %dma_start3A_117 = tpu.memref_slice %arg6[%arg0, %mul3A_115, %dma_start3A_116] : memref<2x100096x16xf32, #tpu.memory_space<hbm>> -> memref<1x6256x16xf32, #tpu.memory_space<hbm>>
      %dma_start3A_118 = tpu.memref_squeeze %dma_start3A_117 : memref<1x6256x16xf32, #tpu.memory_space<hbm>> -> memref<6256x16xf32, #tpu.memory_space<hbm>>
      %dma_start3A_119 = arith.constant 0 : i32
      %dma_start3A_120 = tpu.memref_slice %arg10[%mul3A_113, %dma_start3A_119] : memref<100096x16xf32, #tpu.memory_space<vmem_shared>> -> memref<6256x16xf32, #tpu.memory_space<vmem_shared>>
      tpu.enqueue_dma source(%dma_start3A_120 : memref<6256x16xf32, #tpu.memory_space<vmem_shared>>) target(%dma_start3A_118 : memref<6256x16xf32, #tpu.memory_space<hbm>>) target_semaphore(%run_scoped3A : memref<!tpu.dma_semaphore, #tpu.memory_space<semaphore_mem>>)
      %dma_wait3A_121 = arith.constant 0 : i32
      %dma_wait3A_122 = tpu.memref_slice %arg6[%arg0, %mul3A_115, %dma_wait3A_121] : memref<2x100096x16xf32, #tpu.memory_space<hbm>> -> memref<1x6256x16xf32, #tpu.memory_space<hbm>>
      %dma_wait3A_123 = tpu.memref_squeeze %dma_wait3A_122 : memref<1x6256x16xf32, #tpu.memory_space<hbm>> -> memref<6256x16xf32, #tpu.memory_space<hbm>>
      %dma_wait3A_124 = arith.constant 0 : i32
      %dma_wait3A_125 = tpu.memref_slice %arg10[%mul3A_113, %dma_wait3A_124] : memref<100096x16xf32, #tpu.memory_space<vmem_shared>> -> memref<6256x16xf32, #tpu.memory_space<vmem_shared>>
      tpu.wait_dma2 semaphore(%run_scoped3A : memref<!tpu.dma_semaphore, #tpu.memory_space<semaphore_mem>>) src(%dma_wait3A_125 : memref<6256x16xf32, #tpu.memory_space<vmem_shared>>) dst(%dma_wait3A_123 : memref<6256x16xf32, #tpu.memory_space<hbm>>)
      tpu.yield
    }) : () -> ()
    return
  }
}

#map = affine_map<(d0, d1) -> (0, 0)>
#map1 = affine_map<(d0, d1) -> (0, 0, 0)>
module attributes {stable_mosaic.version = 14 : i64} {
  func.func @_agg_body(%arg0: i32, %arg1: i32, %arg2: memref<100000x16xf32, #tpu.memory_space<hbm>>, %arg3: memref<6272x512xi32, #tpu.memory_space<hbm>>, %arg4: memref<6272x512xi32, #tpu.memory_space<hbm>>, %arg5: memref<6256x16xf32, #tpu.memory_space<hbm>>, %arg6: memref<2x100096x16xf32, #tpu.memory_space<hbm>>, %arg7: memref<4x512xi32, #tpu.memory_space<vmem>>, %arg8: memref<4x512xi32, #tpu.memory_space<vmem>>, %arg9: memref<3x512x16xf32, #tpu.memory_space<vmem>>, %arg10: memref<100096x16xf32, #tpu.memory_space<vmem_shared>>, %arg11: memref<!tpu.dma_semaphore, #tpu.memory_space<semaphore_mem>>, %arg12: memref<!tpu.dma_semaphore, #tpu.memory_space<semaphore_mem>>, %arg13: memref<!tpu.dma_semaphore, #tpu.memory_space<semaphore_mem>>, %arg14: memref<!tpu.dma_semaphore, #tpu.memory_space<semaphore_mem>>, %arg15: memref<!tpu.dma_semaphore, #tpu.memory_space<semaphore_mem>>, %arg16: memref<!tpu.dma_semaphore, #tpu.memory_space<semaphore_mem>>, %arg17: memref<!tpu.dma_semaphore, #tpu.memory_space<semaphore_mem>>) attributes {dimension_semantics = [#tpu.dimension_semantics<core_parallel>, #tpu.dimension_semantics<subcore_parallel>], iteration_bounds = array<i64: 2, 16>, scalar_prefetch = 0 : i64, scratch_operands = 11 : i64, tpu.core_type = #tpu.core_type<sc_vector_subcore>, window_params = [{transform_indices = #map}, {transform_indices = #map}, {transform_indices = #map}, {transform_indices = #map}, {transform_indices = #map1}]} {
    %mul3A = arith.constant 2 : i32
    %mul3A_0 = arith.muli %arg1, %mul3A : i32
    %add3A = arith.addi %mul3A_0, %arg0 : i32
    %mul3A_1 = arith.constant 6256 : i32
    %mul3A_2 = arith.muli %arg1, %mul3A_1 : i32
    "tpu.region"() ({
      %run_scoped3A = tpu.sem_alloc : memref<!tpu.dma_semaphore, #tpu.memory_space<semaphore_mem>>
      %dma_start3A_116 = arith.constant 0 : i32
      %dma_start3A_117 = tpu.memref_slice %arg10[%mul3A_2, %dma_start3A_116] : memref<100096x16xf32, #tpu.memory_space<vmem_shared>> -> memref<6256x16xf32, #tpu.memory_space<vmem_shared>>
      tpu.enqueue_dma source(%arg5 : memref<6256x16xf32, #tpu.memory_space<hbm>>) target(%dma_start3A_117 : memref<6256x16xf32, #tpu.memory_space<vmem_shared>>) target_semaphore(%run_scoped3A : memref<!tpu.dma_semaphore, #tpu.memory_space<semaphore_mem>>)
      %dma_wait3A_118 = arith.constant 0 : i32
      %dma_wait3A_119 = tpu.memref_slice %arg10[%mul3A_2, %dma_wait3A_118] : memref<100096x16xf32, #tpu.memory_space<vmem_shared>> -> memref<6256x16xf32, #tpu.memory_space<vmem_shared>>
      tpu.wait_dma2 semaphore(%run_scoped3A : memref<!tpu.dma_semaphore, #tpu.memory_space<semaphore_mem>>) src(%arg5 : memref<6256x16xf32, #tpu.memory_space<hbm>>) dst(%dma_wait3A_119 : memref<6256x16xf32, #tpu.memory_space<vmem_shared>>)
      tpu.yield
    }) : () -> ()
    %barrier3A = arith.constant 0 : index
    tpu.barrier barrier_id(%barrier3A)
    %mul3A_3 = arith.constant 196 : i32
    %mul3A_4 = arith.muli %add3A, %mul3A_3 : i32
    %min3A = arith.constant 0 : i32
    %min3A_5 = arith.constant 195 : i32
    %min3A_6 = arith.minsi %min3A, %min3A_5 : i32
    %rem3A = arith.constant 4 : i32
    %rem3A_7 = arith.remsi %min3A_6, %rem3A : i32
    %add3A_8 = arith.addi %mul3A_4, %min3A_6 : i32
    %dma_start3A = arith.constant 0 : i32
    %dma_start3A_9 = tpu.memref_slice %arg7[%rem3A_7, %dma_start3A] : memref<4x512xi32, #tpu.memory_space<vmem>> -> memref<1x512xi32, #tpu.memory_space<vmem>>
    %dma_start3A_10 = tpu.memref_squeeze %dma_start3A_9 : memref<1x512xi32, #tpu.memory_space<vmem>> -> memref<512xi32, #tpu.memory_space<vmem>>
    %dma_start3A_11 = arith.constant 0 : i32
    %dma_start3A_12 = tpu.memref_slice %arg3[%add3A_8, %dma_start3A_11] : memref<6272x512xi32, #tpu.memory_space<hbm>> -> memref<1x512xi32, #tpu.memory_space<hbm>>
    %dma_start3A_13 = tpu.memref_squeeze %dma_start3A_12 : memref<1x512xi32, #tpu.memory_space<hbm>> -> memref<512xi32, #tpu.memory_space<hbm>>
    %dma_start3A_14 = arith.constant 0 : i32
    %dma_start3A_15 = tpu.memref_slice %arg7[%rem3A_7, %dma_start3A_14] : memref<4x512xi32, #tpu.memory_space<vmem>> -> memref<1x512xi32, #tpu.memory_space<vmem>>
    %dma_start3A_16 = tpu.memref_squeeze %dma_start3A_15 : memref<1x512xi32, #tpu.memory_space<vmem>> -> memref<512xi32, #tpu.memory_space<vmem>>
    %dma_start3A_17 = arith.constant 0 : i32
    %dma_start3A_18 = tpu.memref_slice %arg3[%add3A_8, %dma_start3A_17] : memref<6272x512xi32, #tpu.memory_space<hbm>> -> memref<1x512xi32, #tpu.memory_space<hbm>>
    %dma_start3A_19 = tpu.memref_squeeze %dma_start3A_18 : memref<1x512xi32, #tpu.memory_space<hbm>> -> memref<512xi32, #tpu.memory_space<hbm>>
    tpu.enqueue_dma source(%dma_start3A_19 : memref<512xi32, #tpu.memory_space<hbm>>) target(%dma_start3A_16 : memref<512xi32, #tpu.memory_space<vmem>>) target_semaphore(%arg11 : memref<!tpu.dma_semaphore, #tpu.memory_space<semaphore_mem>>)
    %add3A_20 = arith.addi %mul3A_4, %min3A_6 : i32
    %dma_start3A_21 = arith.constant 0 : i32
    %dma_start3A_22 = tpu.memref_slice %arg8[%rem3A_7, %dma_start3A_21] : memref<4x512xi32, #tpu.memory_space<vmem>> -> memref<1x512xi32, #tpu.memory_space<vmem>>
    %dma_start3A_23 = tpu.memref_squeeze %dma_start3A_22 : memref<1x512xi32, #tpu.memory_space<vmem>> -> memref<512xi32, #tpu.memory_space<vmem>>
    %dma_start3A_24 = arith.constant 0 : i32
    %dma_start3A_25 = tpu.memref_slice %arg4[%add3A_20, %dma_start3A_24] : memref<6272x512xi32, #tpu.memory_space<hbm>> -> memref<1x512xi32, #tpu.memory_space<hbm>>
    %dma_start3A_26 = tpu.memref_squeeze %dma_start3A_25 : memref<1x512xi32, #tpu.memory_space<hbm>> -> memref<512xi32, #tpu.memory_space<hbm>>
    %dma_start3A_27 = arith.constant 0 : i32
    %dma_start3A_28 = tpu.memref_slice %arg8[%rem3A_7, %dma_start3A_27] : memref<4x512xi32, #tpu.memory_space<vmem>> -> memref<1x512xi32, #tpu.memory_space<vmem>>
    %dma_start3A_29 = tpu.memref_squeeze %dma_start3A_28 : memref<1x512xi32, #tpu.memory_space<vmem>> -> memref<512xi32, #tpu.memory_space<vmem>>
    %dma_start3A_30 = arith.constant 0 : i32
    %dma_start3A_31 = tpu.memref_slice %arg4[%add3A_20, %dma_start3A_30] : memref<6272x512xi32, #tpu.memory_space<hbm>> -> memref<1x512xi32, #tpu.memory_space<hbm>>
    %dma_start3A_32 = tpu.memref_squeeze %dma_start3A_31 : memref<1x512xi32, #tpu.memory_space<hbm>> -> memref<512xi32, #tpu.memory_space<hbm>>
    tpu.enqueue_dma source(%dma_start3A_32 : memref<512xi32, #tpu.memory_space<hbm>>) target(%dma_start3A_29 : memref<512xi32, #tpu.memory_space<vmem>>) target_semaphore(%arg11 : memref<!tpu.dma_semaphore, #tpu.memory_space<semaphore_mem>>)
    %scan3A = arith.constant 0 : i32
    %scan3A_33 = arith.constant 0 : i32
    %scan3A_34 = arith.constant 0 : i32
    %scan3A_35 = arith.constant 197 : i32
    %scan3A_36 = arith.addi %scan3A_34, %scan3A_35 : i32
    %scan3A_37 = arith.constant 1 : i32
    scf.for %scan3A_116 = %scan3A_34 to %scan3A_36 step %scan3A_37  : i32 {
      %rem3A_117 = arith.constant 3 : i32
      %rem3A_118 = arith.remsi %scan3A_116, %rem3A_117 : i32
      %eq3A = arith.constant 0 : i32
      %eq3A_119 = arith.cmpi eq, %rem3A_118, %eq3A : i32
      %convert_element_type3A = arith.extui %eq3A_119 : i1 to i32
      %cond3A = arith.constant 0 : i32
      %cond3A_120 = arith.cmpi ne, %convert_element_type3A, %cond3A : i32
      scf.if %cond3A_120 {
        %ge3A = arith.constant 3 : i32
        %ge3A_131 = arith.cmpi sge, %scan3A_116, %ge3A : i32
        %lt3A = arith.constant 196 : i32
        %lt3A_132 = arith.cmpi slt, %scan3A_116, %lt3A : i32
        %and3A = arith.andi %ge3A_131, %lt3A_132 : i1
        %convert_element_type3A_133 = arith.extui %and3A : i1 to i32
        %cond3A_134 = arith.constant 0 : i32
        %cond3A_135 = arith.cmpi ne, %convert_element_type3A_133, %cond3A_134 : i32
        scf.if %cond3A_135 {
          %dma_wait3A_146 = arith.constant 0 : i32
          %dma_wait3A_147 = arith.constant 0 : i32
          %dma_wait3A_148 = arith.constant 0 : i32
          %dma_wait3A_149 = tpu.memref_slice %arg9[%dma_wait3A_146, %dma_wait3A_147, %dma_wait3A_148] : memref<3x512x16xf32, #tpu.memory_space<vmem>> -> memref<1x512x16xf32, #tpu.memory_space<vmem>>
          %dma_wait3A_150 = tpu.memref_squeeze %dma_wait3A_149 : memref<1x512x16xf32, #tpu.memory_space<vmem>> -> memref<512x16xf32, #tpu.memory_space<vmem>>
          %dma_wait3A_151 = arith.constant 0 : i32
          %dma_wait3A_152 = arith.constant 0 : i32
          %dma_wait3A_153 = tpu.memref_slice %arg2[%dma_wait3A_151, %dma_wait3A_152] : memref<100000x16xf32, #tpu.memory_space<hbm>> -> memref<512x16xf32, #tpu.memory_space<hbm>>
          %dma_wait3A_154 = arith.constant 0 : i32
          %dma_wait3A_155 = arith.constant 0 : i32
          %dma_wait3A_156 = tpu.memref_slice %arg9[%dma_wait3A_146, %dma_wait3A_154, %dma_wait3A_155] : memref<3x512x16xf32, #tpu.memory_space<vmem>> -> memref<1x512x16xf32, #tpu.memory_space<vmem>>
          %dma_wait3A_157 = tpu.memref_squeeze %dma_wait3A_156 : memref<1x512x16xf32, #tpu.memory_space<vmem>> -> memref<512x16xf32, #tpu.memory_space<vmem>>
          %dma_wait3A_158 = arith.constant 0 : i32
          %dma_wait3A_159 = arith.constant 0 : i32
          %dma_wait3A_160 = tpu.memref_slice %arg2[%dma_wait3A_158, %dma_wait3A_159] : memref<100000x16xf32, #tpu.memory_space<hbm>> -> memref<512x16xf32, #tpu.memory_space<hbm>>
          tpu.wait_dma2 semaphore(%arg15 : memref<!tpu.dma_semaphore, #tpu.memory_space<semaphore_mem>>) src(%dma_wait3A_160 : memref<512x16xf32, #tpu.memory_space<hbm>>) dst(%dma_wait3A_157 : memref<512x16xf32, #tpu.memory_space<vmem>>)
        } else {
        }
        %lt3A_136 = arith.constant 196 : i32
        %lt3A_137 = arith.cmpi slt, %scan3A_116, %lt3A_136 : i32
        %convert_element_type3A_138 = arith.extui %lt3A_137 : i1 to i32
        %cond3A_139 = arith.constant 0 : i32
        %cond3A_140 = arith.cmpi ne, %convert_element_type3A_138, %cond3A_139 : i32
        scf.if %cond3A_140 {
          %dma_wait3A_146 = arith.constant 0 : i32
          %dma_wait3A_147 = arith.constant 0 : i32
          %dma_wait3A_148 = tpu.memref_slice %arg7[%dma_wait3A_146, %dma_wait3A_147] : memref<4x512xi32, #tpu.memory_space<vmem>> -> memref<1x512xi32, #tpu.memory_space<vmem>>
          %dma_wait3A_149 = tpu.memref_squeeze %dma_wait3A_148 : memref<1x512xi32, #tpu.memory_space<vmem>> -> memref<512xi32, #tpu.memory_space<vmem>>
          %dma_wait3A_150 = arith.constant 0 : i32
          %dma_wait3A_151 = tpu.memref_slice %arg3[%scan3A_33, %dma_wait3A_150] : memref<6272x512xi32, #tpu.memory_space<hbm>> -> memref<1x512xi32, #tpu.memory_space<hbm>>
          %dma_wait3A_152 = tpu.memref_squeeze %dma_wait3A_151 : memref<1x512xi32, #tpu.memory_space<hbm>> -> memref<512xi32, #tpu.memory_space<hbm>>
          %dma_wait3A_153 = arith.constant 0 : i32
          %dma_wait3A_154 = tpu.memref_slice %arg7[%dma_wait3A_146, %dma_wait3A_153] : memref<4x512xi32, #tpu.memory_space<vmem>> -> memref<1x512xi32, #tpu.memory_space<vmem>>
          %dma_wait3A_155 = tpu.memref_squeeze %dma_wait3A_154 : memref<1x512xi32, #tpu.memory_space<vmem>> -> memref<512xi32, #tpu.memory_space<vmem>>
          %dma_wait3A_156 = arith.constant 0 : i32
          %dma_wait3A_157 = tpu.memref_slice %arg3[%scan3A_33, %dma_wait3A_156] : memref<6272x512xi32, #tpu.memory_space<hbm>> -> memref<1x512xi32, #tpu.memory_space<hbm>>
          %dma_wait3A_158 = tpu.memref_squeeze %dma_wait3A_157 : memref<1x512xi32, #tpu.memory_space<hbm>> -> memref<512xi32, #tpu.memory_space<hbm>>
          tpu.wait_dma2 semaphore(%arg11 : memref<!tpu.dma_semaphore, #tpu.memory_space<semaphore_mem>>) src(%dma_wait3A_158 : memref<512xi32, #tpu.memory_space<hbm>>) dst(%dma_wait3A_155 : memref<512xi32, #tpu.memory_space<vmem>>)
          %dma_wait3A_159 = arith.constant 0 : i32
          %dma_wait3A_160 = arith.constant 0 : i32
          %dma_wait3A_161 = tpu.memref_slice %arg8[%dma_wait3A_159, %dma_wait3A_160] : memref<4x512xi32, #tpu.memory_space<vmem>> -> memref<1x512xi32, #tpu.memory_space<vmem>>
          %dma_wait3A_162 = tpu.memref_squeeze %dma_wait3A_161 : memref<1x512xi32, #tpu.memory_space<vmem>> -> memref<512xi32, #tpu.memory_space<vmem>>
          %dma_wait3A_163 = arith.constant 0 : i32
          %dma_wait3A_164 = tpu.memref_slice %arg3[%scan3A_33, %dma_wait3A_163] : memref<6272x512xi32, #tpu.memory_space<hbm>> -> memref<1x512xi32, #tpu.memory_space<hbm>>
          %dma_wait3A_165 = tpu.memref_squeeze %dma_wait3A_164 : memref<1x512xi32, #tpu.memory_space<hbm>> -> memref<512xi32, #tpu.memory_space<hbm>>
          %dma_wait3A_166 = arith.constant 0 : i32
          %dma_wait3A_167 = tpu.memref_slice %arg8[%dma_wait3A_159, %dma_wait3A_166] : memref<4x512xi32, #tpu.memory_space<vmem>> -> memref<1x512xi32, #tpu.memory_space<vmem>>
          %dma_wait3A_168 = tpu.memref_squeeze %dma_wait3A_167 : memref<1x512xi32, #tpu.memory_space<vmem>> -> memref<512xi32, #tpu.memory_space<vmem>>
          %dma_wait3A_169 = arith.constant 0 : i32
          %dma_wait3A_170 = tpu.memref_slice %arg3[%scan3A_33, %dma_wait3A_169] : memref<6272x512xi32, #tpu.memory_space<hbm>> -> memref<1x512xi32, #tpu.memory_space<hbm>>
          %dma_wait3A_171 = tpu.memref_squeeze %dma_wait3A_170 : memref<1x512xi32, #tpu.memory_space<hbm>> -> memref<512xi32, #tpu.memory_space<hbm>>
          tpu.wait_dma2 semaphore(%arg11 : memref<!tpu.dma_semaphore, #tpu.memory_space<semaphore_mem>>) src(%dma_wait3A_171 : memref<512xi32, #tpu.memory_space<hbm>>) dst(%dma_wait3A_168 : memref<512xi32, #tpu.memory_space<vmem>>)
          %rem3A_172 = arith.constant 4 : i32
          %rem3A_173 = arith.remsi %scan3A_116, %rem3A_172 : i32
          %dma_start3A_174 = arith.constant 0 : i32
          %dma_start3A_175 = arith.constant 0 : i32
          %dma_start3A_176 = arith.constant 0 : i32
          %dma_start3A_177 = tpu.memref_slice %arg9[%dma_start3A_174, %dma_start3A_175, %dma_start3A_176] : memref<3x512x16xf32, #tpu.memory_space<vmem>> -> memref<1x512x16xf32, #tpu.memory_space<vmem>>
          %dma_start3A_178 = tpu.memref_squeeze %dma_start3A_177 : memref<1x512x16xf32, #tpu.memory_space<vmem>> -> memref<512x16xf32, #tpu.memory_space<vmem>>
          %dma_start3A_179 = arith.constant 0 : i32
          %dma_start3A_180 = tpu.memref_slice %arg7[%rem3A_173, %dma_start3A_179] : memref<4x512xi32, #tpu.memory_space<vmem>> -> memref<1x512xi32, #tpu.memory_space<vmem>>
          %dma_start3A_181 = tpu.memref_squeeze %dma_start3A_180 : memref<1x512xi32, #tpu.memory_space<vmem>> -> memref<512xi32, #tpu.memory_space<vmem>>
          %dma_start3A_182 = arith.constant 0 : i32
          %dma_start3A_183 = arith.constant 0 : i32
          %dma_start3A_184 = tpu.memref_slice %arg2[%dma_start3A_182, %dma_start3A_183] : memref<100000x16xf32, #tpu.memory_space<hbm>> -> memref<100000x16xf32, #tpu.memory_space<hbm>>
          tpu.enqueue_indirect_dma source(%dma_start3A_184 : memref<100000x16xf32, #tpu.memory_space<hbm>>) target(%dma_start3A_178 : memref<512x16xf32, #tpu.memory_space<vmem>>) offsets(%dma_start3A_181 : memref<512xi32, #tpu.memory_space<vmem>>) semaphore(%arg12 : memref<!tpu.dma_semaphore, #tpu.memory_space<semaphore_mem>>)
          %add3A_185 = arith.constant 1 : i32
          %add3A_186 = arith.addi %scan3A_116, %add3A_185 : i32
          %min3A_187 = arith.constant 195 : i32
          %min3A_188 = arith.minsi %add3A_186, %min3A_187 : i32
          %rem3A_189 = arith.constant 4 : i32
          %rem3A_190 = arith.remsi %min3A_188, %rem3A_189 : i32
          %add3A_191 = arith.addi %mul3A_4, %min3A_188 : i32
          %dma_start3A_192 = arith.constant 0 : i32
          %dma_start3A_193 = tpu.memref_slice %arg7[%rem3A_190, %dma_start3A_192] : memref<4x512xi32, #tpu.memory_space<vmem>> -> memref<1x512xi32, #tpu.memory_space<vmem>>
          %dma_start3A_194 = tpu.memref_squeeze %dma_start3A_193 : memref<1x512xi32, #tpu.memory_space<vmem>> -> memref<512xi32, #tpu.memory_space<vmem>>
          %dma_start3A_195 = arith.constant 0 : i32
          %dma_start3A_196 = tpu.memref_slice %arg3[%add3A_191, %dma_start3A_195] : memref<6272x512xi32, #tpu.memory_space<hbm>> -> memref<1x512xi32, #tpu.memory_space<hbm>>
          %dma_start3A_197 = tpu.memref_squeeze %dma_start3A_196 : memref<1x512xi32, #tpu.memory_space<hbm>> -> memref<512xi32, #tpu.memory_space<hbm>>
          %dma_start3A_198 = arith.constant 0 : i32
          %dma_start3A_199 = tpu.memref_slice %arg7[%rem3A_190, %dma_start3A_198] : memref<4x512xi32, #tpu.memory_space<vmem>> -> memref<1x512xi32, #tpu.memory_space<vmem>>
          %dma_start3A_200 = tpu.memref_squeeze %dma_start3A_199 : memref<1x512xi32, #tpu.memory_space<vmem>> -> memref<512xi32, #tpu.memory_space<vmem>>
          %dma_start3A_201 = arith.constant 0 : i32
          %dma_start3A_202 = tpu.memref_slice %arg3[%add3A_191, %dma_start3A_201] : memref<6272x512xi32, #tpu.memory_space<hbm>> -> memref<1x512xi32, #tpu.memory_space<hbm>>
          %dma_start3A_203 = tpu.memref_squeeze %dma_start3A_202 : memref<1x512xi32, #tpu.memory_space<hbm>> -> memref<512xi32, #tpu.memory_space<hbm>>
          tpu.enqueue_dma source(%dma_start3A_203 : memref<512xi32, #tpu.memory_space<hbm>>) target(%dma_start3A_200 : memref<512xi32, #tpu.memory_space<vmem>>) target_semaphore(%arg11 : memref<!tpu.dma_semaphore, #tpu.memory_space<semaphore_mem>>)
          %add3A_204 = arith.addi %mul3A_4, %min3A_188 : i32
          %dma_start3A_205 = arith.constant 0 : i32
          %dma_start3A_206 = tpu.memref_slice %arg8[%rem3A_190, %dma_start3A_205] : memref<4x512xi32, #tpu.memory_space<vmem>> -> memref<1x512xi32, #tpu.memory_space<vmem>>
          %dma_start3A_207 = tpu.memref_squeeze %dma_start3A_206 : memref<1x512xi32, #tpu.memory_space<vmem>> -> memref<512xi32, #tpu.memory_space<vmem>>
          %dma_start3A_208 = arith.constant 0 : i32
          %dma_start3A_209 = tpu.memref_slice %arg4[%add3A_204, %dma_start3A_208] : memref<6272x512xi32, #tpu.memory_space<hbm>> -> memref<1x512xi32, #tpu.memory_space<hbm>>
          %dma_start3A_210 = tpu.memref_squeeze %dma_start3A_209 : memref<1x512xi32, #tpu.memory_space<hbm>> -> memref<512xi32, #tpu.memory_space<hbm>>
          %dma_start3A_211 = arith.constant 0 : i32
          %dma_start3A_212 = tpu.memref_slice %arg8[%rem3A_190, %dma_start3A_211] : memref<4x512xi32, #tpu.memory_space<vmem>> -> memref<1x512xi32, #tpu.memory_space<vmem>>
          %dma_start3A_213 = tpu.memref_squeeze %dma_start3A_212 : memref<1x512xi32, #tpu.memory_space<vmem>> -> memref<512xi32, #tpu.memory_space<vmem>>
          %dma_start3A_214 = arith.constant 0 : i32
          %dma_start3A_215 = tpu.memref_slice %arg4[%add3A_204, %dma_start3A_214] : memref<6272x512xi32, #tpu.memory_space<hbm>> -> memref<1x512xi32, #tpu.memory_space<hbm>>
          %dma_start3A_216 = tpu.memref_squeeze %dma_start3A_215 : memref<1x512xi32, #tpu.memory_space<hbm>> -> memref<512xi32, #tpu.memory_space<hbm>>
          tpu.enqueue_dma source(%dma_start3A_216 : memref<512xi32, #tpu.memory_space<hbm>>) target(%dma_start3A_213 : memref<512xi32, #tpu.memory_space<vmem>>) target_semaphore(%arg11 : memref<!tpu.dma_semaphore, #tpu.memory_space<semaphore_mem>>)
        } else {
        }
        %ge3A_141 = arith.constant 1 : i32
        %ge3A_142 = arith.cmpi sge, %scan3A_116, %ge3A_141 : i32
        %convert_element_type3A_143 = arith.extui %ge3A_142 : i1 to i32
        %cond3A_144 = arith.constant 0 : i32
        %cond3A_145 = arith.cmpi ne, %convert_element_type3A_143, %cond3A_144 : i32
        scf.if %cond3A_145 {
          %dma_wait3A_146 = arith.constant 2 : i32
          %dma_wait3A_147 = arith.constant 0 : i32
          %dma_wait3A_148 = arith.constant 0 : i32
          %dma_wait3A_149 = tpu.memref_slice %arg9[%dma_wait3A_146, %dma_wait3A_147, %dma_wait3A_148] : memref<3x512x16xf32, #tpu.memory_space<vmem>> -> memref<1x512x16xf32, #tpu.memory_space<vmem>>
          %dma_wait3A_150 = tpu.memref_squeeze %dma_wait3A_149 : memref<1x512x16xf32, #tpu.memory_space<vmem>> -> memref<512x16xf32, #tpu.memory_space<vmem>>
          %dma_wait3A_151 = arith.constant 0 : i32
          %dma_wait3A_152 = arith.constant 0 : i32
          %dma_wait3A_153 = tpu.memref_slice %arg2[%dma_wait3A_151, %dma_wait3A_152] : memref<100000x16xf32, #tpu.memory_space<hbm>> -> memref<512x16xf32, #tpu.memory_space<hbm>>
          %dma_wait3A_154 = arith.constant 0 : i32
          %dma_wait3A_155 = arith.constant 0 : i32
          %dma_wait3A_156 = tpu.memref_slice %arg9[%dma_wait3A_146, %dma_wait3A_154, %dma_wait3A_155] : memref<3x512x16xf32, #tpu.memory_space<vmem>> -> memref<1x512x16xf32, #tpu.memory_space<vmem>>
          %dma_wait3A_157 = tpu.memref_squeeze %dma_wait3A_156 : memref<1x512x16xf32, #tpu.memory_space<vmem>> -> memref<512x16xf32, #tpu.memory_space<vmem>>
          %dma_wait3A_158 = arith.constant 0 : i32
          %dma_wait3A_159 = arith.constant 0 : i32
          %dma_wait3A_160 = tpu.memref_slice %arg2[%dma_wait3A_158, %dma_wait3A_159] : memref<100000x16xf32, #tpu.memory_space<hbm>> -> memref<512x16xf32, #tpu.memory_space<hbm>>
          tpu.wait_dma2 semaphore(%arg14 : memref<!tpu.dma_semaphore, #tpu.memory_space<semaphore_mem>>) src(%dma_wait3A_160 : memref<512x16xf32, #tpu.memory_space<hbm>>) dst(%dma_wait3A_157 : memref<512x16xf32, #tpu.memory_space<vmem>>)
          %sub3A = arith.constant 1 : i32
          %sub3A_161 = arith.subi %scan3A_116, %sub3A : i32
          %rem3A_162 = arith.constant 4 : i32
          %rem3A_163 = arith.remsi %sub3A_161, %rem3A_162 : i32
          %dma_start3A_164 = arith.constant 2 : i32
          %dma_start3A_165 = arith.constant 0 : i32
          %dma_start3A_166 = arith.constant 0 : i32
          %dma_start3A_167 = tpu.memref_slice %arg9[%dma_start3A_164, %dma_start3A_165, %dma_start3A_166] : memref<3x512x16xf32, #tpu.memory_space<vmem>> -> memref<1x512x16xf32, #tpu.memory_space<vmem>>
          %dma_start3A_168 = tpu.memref_squeeze %dma_start3A_167 : memref<1x512x16xf32, #tpu.memory_space<vmem>> -> memref<512x16xf32, #tpu.memory_space<vmem>>
          %dma_start3A_169 = arith.constant 0 : i32
          %dma_start3A_170 = tpu.memref_slice %arg8[%rem3A_163, %dma_start3A_169] : memref<4x512xi32, #tpu.memory_space<vmem>> -> memref<1x512xi32, #tpu.memory_space<vmem>>
          %dma_start3A_171 = tpu.memref_squeeze %dma_start3A_170 : memref<1x512xi32, #tpu.memory_space<vmem>> -> memref<512xi32, #tpu.memory_space<vmem>>
          %dma_start3A_172 = arith.constant 0 : i32
          %dma_start3A_173 = arith.constant 0 : i32
          %dma_start3A_174 = tpu.memref_slice %arg10[%dma_start3A_172, %dma_start3A_173] : memref<100096x16xf32, #tpu.memory_space<vmem_shared>> -> memref<100096x16xf32, #tpu.memory_space<vmem_shared>>
          tpu.enqueue_indirect_dma source(%dma_start3A_168 : memref<512x16xf32, #tpu.memory_space<vmem>>) target(%dma_start3A_174 : memref<100096x16xf32, #tpu.memory_space<vmem_shared>>) offsets(%dma_start3A_171 : memref<512xi32, #tpu.memory_space<vmem>>) semaphore(%arg17 : memref<!tpu.dma_semaphore, #tpu.memory_space<semaphore_mem>>) {add = true}
        } else {
        }
      } else {
      }
      %eq3A_121 = arith.constant 1 : i32
      %eq3A_122 = arith.cmpi eq, %rem3A_118, %eq3A_121 : i32
      %convert_element_type3A_123 = arith.extui %eq3A_122 : i1 to i32
      %cond3A_124 = arith.constant 0 : i32
      %cond3A_125 = arith.cmpi ne, %convert_element_type3A_123, %cond3A_124 : i32
      scf.if %cond3A_125 {
        %ge3A = arith.constant 3 : i32
        %ge3A_131 = arith.cmpi sge, %scan3A_116, %ge3A : i32
        %lt3A = arith.constant 196 : i32
        %lt3A_132 = arith.cmpi slt, %scan3A_116, %lt3A : i32
        %and3A = arith.andi %ge3A_131, %lt3A_132 : i1
        %convert_element_type3A_133 = arith.extui %and3A : i1 to i32
        %cond3A_134 = arith.constant 0 : i32
        %cond3A_135 = arith.cmpi ne, %convert_element_type3A_133, %cond3A_134 : i32
        scf.if %cond3A_135 {
          %dma_wait3A_146 = arith.constant 1 : i32
          %dma_wait3A_147 = arith.constant 0 : i32
          %dma_wait3A_148 = arith.constant 0 : i32
          %dma_wait3A_149 = tpu.memref_slice %arg9[%dma_wait3A_146, %dma_wait3A_147, %dma_wait3A_148] : memref<3x512x16xf32, #tpu.memory_space<vmem>> -> memref<1x512x16xf32, #tpu.memory_space<vmem>>
          %dma_wait3A_150 = tpu.memref_squeeze %dma_wait3A_149 : memref<1x512x16xf32, #tpu.memory_space<vmem>> -> memref<512x16xf32, #tpu.memory_space<vmem>>
          %dma_wait3A_151 = arith.constant 0 : i32
          %dma_wait3A_152 = arith.constant 0 : i32
          %dma_wait3A_153 = tpu.memref_slice %arg2[%dma_wait3A_151, %dma_wait3A_152] : memref<100000x16xf32, #tpu.memory_space<hbm>> -> memref<512x16xf32, #tpu.memory_space<hbm>>
          %dma_wait3A_154 = arith.constant 0 : i32
          %dma_wait3A_155 = arith.constant 0 : i32
          %dma_wait3A_156 = tpu.memref_slice %arg9[%dma_wait3A_146, %dma_wait3A_154, %dma_wait3A_155] : memref<3x512x16xf32, #tpu.memory_space<vmem>> -> memref<1x512x16xf32, #tpu.memory_space<vmem>>
          %dma_wait3A_157 = tpu.memref_squeeze %dma_wait3A_156 : memref<1x512x16xf32, #tpu.memory_space<vmem>> -> memref<512x16xf32, #tpu.memory_space<vmem>>
          %dma_wait3A_158 = arith.constant 0 : i32
          %dma_wait3A_159 = arith.constant 0 : i32
          %dma_wait3A_160 = tpu.memref_slice %arg2[%dma_wait3A_158, %dma_wait3A_159] : memref<100000x16xf32, #tpu.memory_space<hbm>> -> memref<512x16xf32, #tpu.memory_space<hbm>>
          tpu.wait_dma2 semaphore(%arg16 : memref<!tpu.dma_semaphore, #tpu.memory_space<semaphore_mem>>) src(%dma_wait3A_160 : memref<512x16xf32, #tpu.memory_space<hbm>>) dst(%dma_wait3A_157 : memref<512x16xf32, #tpu.memory_space<vmem>>)
        } else {
        }
        %lt3A_136 = arith.constant 196 : i32
        %lt3A_137 = arith.cmpi slt, %scan3A_116, %lt3A_136 : i32
        %convert_element_type3A_138 = arith.extui %lt3A_137 : i1 to i32
        %cond3A_139 = arith.constant 0 : i32
        %cond3A_140 = arith.cmpi ne, %convert_element_type3A_138, %cond3A_139 : i32
        scf.if %cond3A_140 {
          %dma_wait3A_146 = arith.constant 0 : i32
          %dma_wait3A_147 = arith.constant 0 : i32
          %dma_wait3A_148 = tpu.memref_slice %arg7[%dma_wait3A_146, %dma_wait3A_147] : memref<4x512xi32, #tpu.memory_space<vmem>> -> memref<1x512xi32, #tpu.memory_space<vmem>>
          %dma_wait3A_149 = tpu.memref_squeeze %dma_wait3A_148 : memref<1x512xi32, #tpu.memory_space<vmem>> -> memref<512xi32, #tpu.memory_space<vmem>>
          %dma_wait3A_150 = arith.constant 0 : i32
          %dma_wait3A_151 = tpu.memref_slice %arg3[%scan3A_33, %dma_wait3A_150] : memref<6272x512xi32, #tpu.memory_space<hbm>> -> memref<1x512xi32, #tpu.memory_space<hbm>>
          %dma_wait3A_152 = tpu.memref_squeeze %dma_wait3A_151 : memref<1x512xi32, #tpu.memory_space<hbm>> -> memref<512xi32, #tpu.memory_space<hbm>>
          %dma_wait3A_153 = arith.constant 0 : i32
          %dma_wait3A_154 = tpu.memref_slice %arg7[%dma_wait3A_146, %dma_wait3A_153] : memref<4x512xi32, #tpu.memory_space<vmem>> -> memref<1x512xi32, #tpu.memory_space<vmem>>
          %dma_wait3A_155 = tpu.memref_squeeze %dma_wait3A_154 : memref<1x512xi32, #tpu.memory_space<vmem>> -> memref<512xi32, #tpu.memory_space<vmem>>
          %dma_wait3A_156 = arith.constant 0 : i32
          %dma_wait3A_157 = tpu.memref_slice %arg3[%scan3A_33, %dma_wait3A_156] : memref<6272x512xi32, #tpu.memory_space<hbm>> -> memref<1x512xi32, #tpu.memory_space<hbm>>
          %dma_wait3A_158 = tpu.memref_squeeze %dma_wait3A_157 : memref<1x512xi32, #tpu.memory_space<hbm>> -> memref<512xi32, #tpu.memory_space<hbm>>
          tpu.wait_dma2 semaphore(%arg11 : memref<!tpu.dma_semaphore, #tpu.memory_space<semaphore_mem>>) src(%dma_wait3A_158 : memref<512xi32, #tpu.memory_space<hbm>>) dst(%dma_wait3A_155 : memref<512xi32, #tpu.memory_space<vmem>>)
          %dma_wait3A_159 = arith.constant 0 : i32
          %dma_wait3A_160 = arith.constant 0 : i32
          %dma_wait3A_161 = tpu.memref_slice %arg8[%dma_wait3A_159, %dma_wait3A_160] : memref<4x512xi32, #tpu.memory_space<vmem>> -> memref<1x512xi32, #tpu.memory_space<vmem>>
          %dma_wait3A_162 = tpu.memref_squeeze %dma_wait3A_161 : memref<1x512xi32, #tpu.memory_space<vmem>> -> memref<512xi32, #tpu.memory_space<vmem>>
          %dma_wait3A_163 = arith.constant 0 : i32
          %dma_wait3A_164 = tpu.memref_slice %arg3[%scan3A_33, %dma_wait3A_163] : memref<6272x512xi32, #tpu.memory_space<hbm>> -> memref<1x512xi32, #tpu.memory_space<hbm>>
          %dma_wait3A_165 = tpu.memref_squeeze %dma_wait3A_164 : memref<1x512xi32, #tpu.memory_space<hbm>> -> memref<512xi32, #tpu.memory_space<hbm>>
          %dma_wait3A_166 = arith.constant 0 : i32
          %dma_wait3A_167 = tpu.memref_slice %arg8[%dma_wait3A_159, %dma_wait3A_166] : memref<4x512xi32, #tpu.memory_space<vmem>> -> memref<1x512xi32, #tpu.memory_space<vmem>>
          %dma_wait3A_168 = tpu.memref_squeeze %dma_wait3A_167 : memref<1x512xi32, #tpu.memory_space<vmem>> -> memref<512xi32, #tpu.memory_space<vmem>>
          %dma_wait3A_169 = arith.constant 0 : i32
          %dma_wait3A_170 = tpu.memref_slice %arg3[%scan3A_33, %dma_wait3A_169] : memref<6272x512xi32, #tpu.memory_space<hbm>> -> memref<1x512xi32, #tpu.memory_space<hbm>>
          %dma_wait3A_171 = tpu.memref_squeeze %dma_wait3A_170 : memref<1x512xi32, #tpu.memory_space<hbm>> -> memref<512xi32, #tpu.memory_space<hbm>>
          tpu.wait_dma2 semaphore(%arg11 : memref<!tpu.dma_semaphore, #tpu.memory_space<semaphore_mem>>) src(%dma_wait3A_171 : memref<512xi32, #tpu.memory_space<hbm>>) dst(%dma_wait3A_168 : memref<512xi32, #tpu.memory_space<vmem>>)
          %rem3A_172 = arith.constant 4 : i32
          %rem3A_173 = arith.remsi %scan3A_116, %rem3A_172 : i32
          %dma_start3A_174 = arith.constant 1 : i32
          %dma_start3A_175 = arith.constant 0 : i32
          %dma_start3A_176 = arith.constant 0 : i32
          %dma_start3A_177 = tpu.memref_slice %arg9[%dma_start3A_174, %dma_start3A_175, %dma_start3A_176] : memref<3x512x16xf32, #tpu.memory_space<vmem>> -> memref<1x512x16xf32, #tpu.memory_space<vmem>>
          %dma_start3A_178 = tpu.memref_squeeze %dma_start3A_177 : memref<1x512x16xf32, #tpu.memory_space<vmem>> -> memref<512x16xf32, #tpu.memory_space<vmem>>
          %dma_start3A_179 = arith.constant 0 : i32
          %dma_start3A_180 = tpu.memref_slice %arg7[%rem3A_173, %dma_start3A_179] : memref<4x512xi32, #tpu.memory_space<vmem>> -> memref<1x512xi32, #tpu.memory_space<vmem>>
          %dma_start3A_181 = tpu.memref_squeeze %dma_start3A_180 : memref<1x512xi32, #tpu.memory_space<vmem>> -> memref<512xi32, #tpu.memory_space<vmem>>
          %dma_start3A_182 = arith.constant 0 : i32
          %dma_start3A_183 = arith.constant 0 : i32
          %dma_start3A_184 = tpu.memref_slice %arg2[%dma_start3A_182, %dma_start3A_183] : memref<100000x16xf32, #tpu.memory_space<hbm>> -> memref<100000x16xf32, #tpu.memory_space<hbm>>
          tpu.enqueue_indirect_dma source(%dma_start3A_184 : memref<100000x16xf32, #tpu.memory_space<hbm>>) target(%dma_start3A_178 : memref<512x16xf32, #tpu.memory_space<vmem>>) offsets(%dma_start3A_181 : memref<512xi32, #tpu.memory_space<vmem>>) semaphore(%arg13 : memref<!tpu.dma_semaphore, #tpu.memory_space<semaphore_mem>>)
          %add3A_185 = arith.constant 1 : i32
          %add3A_186 = arith.addi %scan3A_116, %add3A_185 : i32
          %min3A_187 = arith.constant 195 : i32
          %min3A_188 = arith.minsi %add3A_186, %min3A_187 : i32
          %rem3A_189 = arith.constant 4 : i32
          %rem3A_190 = arith.remsi %min3A_188, %rem3A_189 : i32
          %add3A_191 = arith.addi %mul3A_4, %min3A_188 : i32
          %dma_start3A_192 = arith.constant 0 : i32
          %dma_start3A_193 = tpu.memref_slice %arg7[%rem3A_190, %dma_start3A_192] : memref<4x512xi32, #tpu.memory_space<vmem>> -> memref<1x512xi32, #tpu.memory_space<vmem>>
          %dma_start3A_194 = tpu.memref_squeeze %dma_start3A_193 : memref<1x512xi32, #tpu.memory_space<vmem>> -> memref<512xi32, #tpu.memory_space<vmem>>
          %dma_start3A_195 = arith.constant 0 : i32
          %dma_start3A_196 = tpu.memref_slice %arg3[%add3A_191, %dma_start3A_195] : memref<6272x512xi32, #tpu.memory_space<hbm>> -> memref<1x512xi32, #tpu.memory_space<hbm>>
          %dma_start3A_197 = tpu.memref_squeeze %dma_start3A_196 : memref<1x512xi32, #tpu.memory_space<hbm>> -> memref<512xi32, #tpu.memory_space<hbm>>
          %dma_start3A_198 = arith.constant 0 : i32
          %dma_start3A_199 = tpu.memref_slice %arg7[%rem3A_190, %dma_start3A_198] : memref<4x512xi32, #tpu.memory_space<vmem>> -> memref<1x512xi32, #tpu.memory_space<vmem>>
          %dma_start3A_200 = tpu.memref_squeeze %dma_start3A_199 : memref<1x512xi32, #tpu.memory_space<vmem>> -> memref<512xi32, #tpu.memory_space<vmem>>
          %dma_start3A_201 = arith.constant 0 : i32
          %dma_start3A_202 = tpu.memref_slice %arg3[%add3A_191, %dma_start3A_201] : memref<6272x512xi32, #tpu.memory_space<hbm>> -> memref<1x512xi32, #tpu.memory_space<hbm>>
          %dma_start3A_203 = tpu.memref_squeeze %dma_start3A_202 : memref<1x512xi32, #tpu.memory_space<hbm>> -> memref<512xi32, #tpu.memory_space<hbm>>
          tpu.enqueue_dma source(%dma_start3A_203 : memref<512xi32, #tpu.memory_space<hbm>>) target(%dma_start3A_200 : memref<512xi32, #tpu.memory_space<vmem>>) target_semaphore(%arg11 : memref<!tpu.dma_semaphore, #tpu.memory_space<semaphore_mem>>)
          %add3A_204 = arith.addi %mul3A_4, %min3A_188 : i32
          %dma_start3A_205 = arith.constant 0 : i32
          %dma_start3A_206 = tpu.memref_slice %arg8[%rem3A_190, %dma_start3A_205] : memref<4x512xi32, #tpu.memory_space<vmem>> -> memref<1x512xi32, #tpu.memory_space<vmem>>
          %dma_start3A_207 = tpu.memref_squeeze %dma_start3A_206 : memref<1x512xi32, #tpu.memory_space<vmem>> -> memref<512xi32, #tpu.memory_space<vmem>>
          %dma_start3A_208 = arith.constant 0 : i32
          %dma_start3A_209 = tpu.memref_slice %arg4[%add3A_204, %dma_start3A_208] : memref<6272x512xi32, #tpu.memory_space<hbm>> -> memref<1x512xi32, #tpu.memory_space<hbm>>
          %dma_start3A_210 = tpu.memref_squeeze %dma_start3A_209 : memref<1x512xi32, #tpu.memory_space<hbm>> -> memref<512xi32, #tpu.memory_space<hbm>>
          %dma_start3A_211 = arith.constant 0 : i32
          %dma_start3A_212 = tpu.memref_slice %arg8[%rem3A_190, %dma_start3A_211] : memref<4x512xi32, #tpu.memory_space<vmem>> -> memref<1x512xi32, #tpu.memory_space<vmem>>
          %dma_start3A_213 = tpu.memref_squeeze %dma_start3A_212 : memref<1x512xi32, #tpu.memory_space<vmem>> -> memref<512xi32, #tpu.memory_space<vmem>>
          %dma_start3A_214 = arith.constant 0 : i32
          %dma_start3A_215 = tpu.memref_slice %arg4[%add3A_204, %dma_start3A_214] : memref<6272x512xi32, #tpu.memory_space<hbm>> -> memref<1x512xi32, #tpu.memory_space<hbm>>
          %dma_start3A_216 = tpu.memref_squeeze %dma_start3A_215 : memref<1x512xi32, #tpu.memory_space<hbm>> -> memref<512xi32, #tpu.memory_space<hbm>>
          tpu.enqueue_dma source(%dma_start3A_216 : memref<512xi32, #tpu.memory_space<hbm>>) target(%dma_start3A_213 : memref<512xi32, #tpu.memory_space<vmem>>) target_semaphore(%arg11 : memref<!tpu.dma_semaphore, #tpu.memory_space<semaphore_mem>>)
        } else {
        }
        %ge3A_141 = arith.constant 1 : i32
        %ge3A_142 = arith.cmpi sge, %scan3A_116, %ge3A_141 : i32
        %convert_element_type3A_143 = arith.extui %ge3A_142 : i1 to i32
        %cond3A_144 = arith.constant 0 : i32
        %cond3A_145 = arith.cmpi ne, %convert_element_type3A_143, %cond3A_144 : i32
        scf.if %cond3A_145 {
          %dma_wait3A_146 = arith.constant 0 : i32
          %dma_wait3A_147 = arith.constant 0 : i32
          %dma_wait3A_148 = arith.constant 0 : i32
          %dma_wait3A_149 = tpu.memref_slice %arg9[%dma_wait3A_146, %dma_wait3A_147, %dma_wait3A_148] : memref<3x512x16xf32, #tpu.memory_space<vmem>> -> memref<1x512x16xf32, #tpu.memory_space<vmem>>
          %dma_wait3A_150 = tpu.memref_squeeze %dma_wait3A_149 : memref<1x512x16xf32, #tpu.memory_space<vmem>> -> memref<512x16xf32, #tpu.memory_space<vmem>>
          %dma_wait3A_151 = arith.constant 0 : i32
          %dma_wait3A_152 = arith.constant 0 : i32
          %dma_wait3A_153 = tpu.memref_slice %arg2[%dma_wait3A_151, %dma_wait3A_152] : memref<100000x16xf32, #tpu.memory_space<hbm>> -> memref<512x16xf32, #tpu.memory_space<hbm>>
          %dma_wait3A_154 = arith.constant 0 : i32
          %dma_wait3A_155 = arith.constant 0 : i32
          %dma_wait3A_156 = tpu.memref_slice %arg9[%dma_wait3A_146, %dma_wait3A_154, %dma_wait3A_155] : memref<3x512x16xf32, #tpu.memory_space<vmem>> -> memref<1x512x16xf32, #tpu.memory_space<vmem>>
          %dma_wait3A_157 = tpu.memref_squeeze %dma_wait3A_156 : memref<1x512x16xf32, #tpu.memory_space<vmem>> -> memref<512x16xf32, #tpu.memory_space<vmem>>
          %dma_wait3A_158 = arith.constant 0 : i32
          %dma_wait3A_159 = arith.constant 0 : i32
          %dma_wait3A_160 = tpu.memref_slice %arg2[%dma_wait3A_158, %dma_wait3A_159] : memref<100000x16xf32, #tpu.memory_space<hbm>> -> memref<512x16xf32, #tpu.memory_space<hbm>>
          tpu.wait_dma2 semaphore(%arg12 : memref<!tpu.dma_semaphore, #tpu.memory_space<semaphore_mem>>) src(%dma_wait3A_160 : memref<512x16xf32, #tpu.memory_space<hbm>>) dst(%dma_wait3A_157 : memref<512x16xf32, #tpu.memory_space<vmem>>)
          %sub3A = arith.constant 1 : i32
          %sub3A_161 = arith.subi %scan3A_116, %sub3A : i32
          %rem3A_162 = arith.constant 4 : i32
          %rem3A_163 = arith.remsi %sub3A_161, %rem3A_162 : i32
          %dma_start3A_164 = arith.constant 0 : i32
          %dma_start3A_165 = arith.constant 0 : i32
          %dma_start3A_166 = arith.constant 0 : i32
          %dma_start3A_167 = tpu.memref_slice %arg9[%dma_start3A_164, %dma_start3A_165, %dma_start3A_166] : memref<3x512x16xf32, #tpu.memory_space<vmem>> -> memref<1x512x16xf32, #tpu.memory_space<vmem>>
          %dma_start3A_168 = tpu.memref_squeeze %dma_start3A_167 : memref<1x512x16xf32, #tpu.memory_space<vmem>> -> memref<512x16xf32, #tpu.memory_space<vmem>>
          %dma_start3A_169 = arith.constant 0 : i32
          %dma_start3A_170 = tpu.memref_slice %arg8[%rem3A_163, %dma_start3A_169] : memref<4x512xi32, #tpu.memory_space<vmem>> -> memref<1x512xi32, #tpu.memory_space<vmem>>
          %dma_start3A_171 = tpu.memref_squeeze %dma_start3A_170 : memref<1x512xi32, #tpu.memory_space<vmem>> -> memref<512xi32, #tpu.memory_space<vmem>>
          %dma_start3A_172 = arith.constant 0 : i32
          %dma_start3A_173 = arith.constant 0 : i32
          %dma_start3A_174 = tpu.memref_slice %arg10[%dma_start3A_172, %dma_start3A_173] : memref<100096x16xf32, #tpu.memory_space<vmem_shared>> -> memref<100096x16xf32, #tpu.memory_space<vmem_shared>>
          tpu.enqueue_indirect_dma source(%dma_start3A_168 : memref<512x16xf32, #tpu.memory_space<vmem>>) target(%dma_start3A_174 : memref<100096x16xf32, #tpu.memory_space<vmem_shared>>) offsets(%dma_start3A_171 : memref<512xi32, #tpu.memory_space<vmem>>) semaphore(%arg15 : memref<!tpu.dma_semaphore, #tpu.memory_space<semaphore_mem>>) {add = true}
        } else {
        }
      } else {
      }
      %eq3A_126 = arith.constant 2 : i32
      %eq3A_127 = arith.cmpi eq, %rem3A_118, %eq3A_126 : i32
      %convert_element_type3A_128 = arith.extui %eq3A_127 : i1 to i32
      %cond3A_129 = arith.constant 0 : i32
      %cond3A_130 = arith.cmpi ne, %convert_element_type3A_128, %cond3A_129 : i32
      scf.if %cond3A_130 {
        %ge3A = arith.constant 3 : i32
        %ge3A_131 = arith.cmpi sge, %scan3A_116, %ge3A : i32
        %lt3A = arith.constant 196 : i32
        %lt3A_132 = arith.cmpi slt, %scan3A_116, %lt3A : i32
        %and3A = arith.andi %ge3A_131, %lt3A_132 : i1
        %convert_element_type3A_133 = arith.extui %and3A : i1 to i32
        %cond3A_134 = arith.constant 0 : i32
        %cond3A_135 = arith.cmpi ne, %convert_element_type3A_133, %cond3A_134 : i32
        scf.if %cond3A_135 {
          %dma_wait3A_146 = arith.constant 2 : i32
          %dma_wait3A_147 = arith.constant 0 : i32
          %dma_wait3A_148 = arith.constant 0 : i32
          %dma_wait3A_149 = tpu.memref_slice %arg9[%dma_wait3A_146, %dma_wait3A_147, %dma_wait3A_148] : memref<3x512x16xf32, #tpu.memory_space<vmem>> -> memref<1x512x16xf32, #tpu.memory_space<vmem>>
          %dma_wait3A_150 = tpu.memref_squeeze %dma_wait3A_149 : memref<1x512x16xf32, #tpu.memory_space<vmem>> -> memref<512x16xf32, #tpu.memory_space<vmem>>
          %dma_wait3A_151 = arith.constant 0 : i32
          %dma_wait3A_152 = arith.constant 0 : i32
          %dma_wait3A_153 = tpu.memref_slice %arg2[%dma_wait3A_151, %dma_wait3A_152] : memref<100000x16xf32, #tpu.memory_space<hbm>> -> memref<512x16xf32, #tpu.memory_space<hbm>>
          %dma_wait3A_154 = arith.constant 0 : i32
          %dma_wait3A_155 = arith.constant 0 : i32
          %dma_wait3A_156 = tpu.memref_slice %arg9[%dma_wait3A_146, %dma_wait3A_154, %dma_wait3A_155] : memref<3x512x16xf32, #tpu.memory_space<vmem>> -> memref<1x512x16xf32, #tpu.memory_space<vmem>>
          %dma_wait3A_157 = tpu.memref_squeeze %dma_wait3A_156 : memref<1x512x16xf32, #tpu.memory_space<vmem>> -> memref<512x16xf32, #tpu.memory_space<vmem>>
          %dma_wait3A_158 = arith.constant 0 : i32
          %dma_wait3A_159 = arith.constant 0 : i32
          %dma_wait3A_160 = tpu.memref_slice %arg2[%dma_wait3A_158, %dma_wait3A_159] : memref<100000x16xf32, #tpu.memory_space<hbm>> -> memref<512x16xf32, #tpu.memory_space<hbm>>
          tpu.wait_dma2 semaphore(%arg17 : memref<!tpu.dma_semaphore, #tpu.memory_space<semaphore_mem>>) src(%dma_wait3A_160 : memref<512x16xf32, #tpu.memory_space<hbm>>) dst(%dma_wait3A_157 : memref<512x16xf32, #tpu.memory_space<vmem>>)
        } else {
        }
        %lt3A_136 = arith.constant 196 : i32
        %lt3A_137 = arith.cmpi slt, %scan3A_116, %lt3A_136 : i32
        %convert_element_type3A_138 = arith.extui %lt3A_137 : i1 to i32
        %cond3A_139 = arith.constant 0 : i32
        %cond3A_140 = arith.cmpi ne, %convert_element_type3A_138, %cond3A_139 : i32
        scf.if %cond3A_140 {
          %dma_wait3A_146 = arith.constant 0 : i32
          %dma_wait3A_147 = arith.constant 0 : i32
          %dma_wait3A_148 = tpu.memref_slice %arg7[%dma_wait3A_146, %dma_wait3A_147] : memref<4x512xi32, #tpu.memory_space<vmem>> -> memref<1x512xi32, #tpu.memory_space<vmem>>
          %dma_wait3A_149 = tpu.memref_squeeze %dma_wait3A_148 : memref<1x512xi32, #tpu.memory_space<vmem>> -> memref<512xi32, #tpu.memory_space<vmem>>
          %dma_wait3A_150 = arith.constant 0 : i32
          %dma_wait3A_151 = tpu.memref_slice %arg3[%scan3A_33, %dma_wait3A_150] : memref<6272x512xi32, #tpu.memory_space<hbm>> -> memref<1x512xi32, #tpu.memory_space<hbm>>
          %dma_wait3A_152 = tpu.memref_squeeze %dma_wait3A_151 : memref<1x512xi32, #tpu.memory_space<hbm>> -> memref<512xi32, #tpu.memory_space<hbm>>
          %dma_wait3A_153 = arith.constant 0 : i32
          %dma_wait3A_154 = tpu.memref_slice %arg7[%dma_wait3A_146, %dma_wait3A_153] : memref<4x512xi32, #tpu.memory_space<vmem>> -> memref<1x512xi32, #tpu.memory_space<vmem>>
          %dma_wait3A_155 = tpu.memref_squeeze %dma_wait3A_154 : memref<1x512xi32, #tpu.memory_space<vmem>> -> memref<512xi32, #tpu.memory_space<vmem>>
          %dma_wait3A_156 = arith.constant 0 : i32
          %dma_wait3A_157 = tpu.memref_slice %arg3[%scan3A_33, %dma_wait3A_156] : memref<6272x512xi32, #tpu.memory_space<hbm>> -> memref<1x512xi32, #tpu.memory_space<hbm>>
          %dma_wait3A_158 = tpu.memref_squeeze %dma_wait3A_157 : memref<1x512xi32, #tpu.memory_space<hbm>> -> memref<512xi32, #tpu.memory_space<hbm>>
          tpu.wait_dma2 semaphore(%arg11 : memref<!tpu.dma_semaphore, #tpu.memory_space<semaphore_mem>>) src(%dma_wait3A_158 : memref<512xi32, #tpu.memory_space<hbm>>) dst(%dma_wait3A_155 : memref<512xi32, #tpu.memory_space<vmem>>)
          %dma_wait3A_159 = arith.constant 0 : i32
          %dma_wait3A_160 = arith.constant 0 : i32
          %dma_wait3A_161 = tpu.memref_slice %arg8[%dma_wait3A_159, %dma_wait3A_160] : memref<4x512xi32, #tpu.memory_space<vmem>> -> memref<1x512xi32, #tpu.memory_space<vmem>>
          %dma_wait3A_162 = tpu.memref_squeeze %dma_wait3A_161 : memref<1x512xi32, #tpu.memory_space<vmem>> -> memref<512xi32, #tpu.memory_space<vmem>>
          %dma_wait3A_163 = arith.constant 0 : i32
          %dma_wait3A_164 = tpu.memref_slice %arg3[%scan3A_33, %dma_wait3A_163] : memref<6272x512xi32, #tpu.memory_space<hbm>> -> memref<1x512xi32, #tpu.memory_space<hbm>>
          %dma_wait3A_165 = tpu.memref_squeeze %dma_wait3A_164 : memref<1x512xi32, #tpu.memory_space<hbm>> -> memref<512xi32, #tpu.memory_space<hbm>>
          %dma_wait3A_166 = arith.constant 0 : i32
          %dma_wait3A_167 = tpu.memref_slice %arg8[%dma_wait3A_159, %dma_wait3A_166] : memref<4x512xi32, #tpu.memory_space<vmem>> -> memref<1x512xi32, #tpu.memory_space<vmem>>
          %dma_wait3A_168 = tpu.memref_squeeze %dma_wait3A_167 : memref<1x512xi32, #tpu.memory_space<vmem>> -> memref<512xi32, #tpu.memory_space<vmem>>
          %dma_wait3A_169 = arith.constant 0 : i32
          %dma_wait3A_170 = tpu.memref_slice %arg3[%scan3A_33, %dma_wait3A_169] : memref<6272x512xi32, #tpu.memory_space<hbm>> -> memref<1x512xi32, #tpu.memory_space<hbm>>
          %dma_wait3A_171 = tpu.memref_squeeze %dma_wait3A_170 : memref<1x512xi32, #tpu.memory_space<hbm>> -> memref<512xi32, #tpu.memory_space<hbm>>
          tpu.wait_dma2 semaphore(%arg11 : memref<!tpu.dma_semaphore, #tpu.memory_space<semaphore_mem>>) src(%dma_wait3A_171 : memref<512xi32, #tpu.memory_space<hbm>>) dst(%dma_wait3A_168 : memref<512xi32, #tpu.memory_space<vmem>>)
          %rem3A_172 = arith.constant 4 : i32
          %rem3A_173 = arith.remsi %scan3A_116, %rem3A_172 : i32
          %dma_start3A_174 = arith.constant 2 : i32
          %dma_start3A_175 = arith.constant 0 : i32
          %dma_start3A_176 = arith.constant 0 : i32
          %dma_start3A_177 = tpu.memref_slice %arg9[%dma_start3A_174, %dma_start3A_175, %dma_start3A_176] : memref<3x512x16xf32, #tpu.memory_space<vmem>> -> memref<1x512x16xf32, #tpu.memory_space<vmem>>
          %dma_start3A_178 = tpu.memref_squeeze %dma_start3A_177 : memref<1x512x16xf32, #tpu.memory_space<vmem>> -> memref<512x16xf32, #tpu.memory_space<vmem>>
          %dma_start3A_179 = arith.constant 0 : i32
          %dma_start3A_180 = tpu.memref_slice %arg7[%rem3A_173, %dma_start3A_179] : memref<4x512xi32, #tpu.memory_space<vmem>> -> memref<1x512xi32, #tpu.memory_space<vmem>>
          %dma_start3A_181 = tpu.memref_squeeze %dma_start3A_180 : memref<1x512xi32, #tpu.memory_space<vmem>> -> memref<512xi32, #tpu.memory_space<vmem>>
          %dma_start3A_182 = arith.constant 0 : i32
          %dma_start3A_183 = arith.constant 0 : i32
          %dma_start3A_184 = tpu.memref_slice %arg2[%dma_start3A_182, %dma_start3A_183] : memref<100000x16xf32, #tpu.memory_space<hbm>> -> memref<100000x16xf32, #tpu.memory_space<hbm>>
          tpu.enqueue_indirect_dma source(%dma_start3A_184 : memref<100000x16xf32, #tpu.memory_space<hbm>>) target(%dma_start3A_178 : memref<512x16xf32, #tpu.memory_space<vmem>>) offsets(%dma_start3A_181 : memref<512xi32, #tpu.memory_space<vmem>>) semaphore(%arg14 : memref<!tpu.dma_semaphore, #tpu.memory_space<semaphore_mem>>)
          %add3A_185 = arith.constant 1 : i32
          %add3A_186 = arith.addi %scan3A_116, %add3A_185 : i32
          %min3A_187 = arith.constant 195 : i32
          %min3A_188 = arith.minsi %add3A_186, %min3A_187 : i32
          %rem3A_189 = arith.constant 4 : i32
          %rem3A_190 = arith.remsi %min3A_188, %rem3A_189 : i32
          %add3A_191 = arith.addi %mul3A_4, %min3A_188 : i32
          %dma_start3A_192 = arith.constant 0 : i32
          %dma_start3A_193 = tpu.memref_slice %arg7[%rem3A_190, %dma_start3A_192] : memref<4x512xi32, #tpu.memory_space<vmem>> -> memref<1x512xi32, #tpu.memory_space<vmem>>
          %dma_start3A_194 = tpu.memref_squeeze %dma_start3A_193 : memref<1x512xi32, #tpu.memory_space<vmem>> -> memref<512xi32, #tpu.memory_space<vmem>>
          %dma_start3A_195 = arith.constant 0 : i32
          %dma_start3A_196 = tpu.memref_slice %arg3[%add3A_191, %dma_start3A_195] : memref<6272x512xi32, #tpu.memory_space<hbm>> -> memref<1x512xi32, #tpu.memory_space<hbm>>
          %dma_start3A_197 = tpu.memref_squeeze %dma_start3A_196 : memref<1x512xi32, #tpu.memory_space<hbm>> -> memref<512xi32, #tpu.memory_space<hbm>>
          %dma_start3A_198 = arith.constant 0 : i32
          %dma_start3A_199 = tpu.memref_slice %arg7[%rem3A_190, %dma_start3A_198] : memref<4x512xi32, #tpu.memory_space<vmem>> -> memref<1x512xi32, #tpu.memory_space<vmem>>
          %dma_start3A_200 = tpu.memref_squeeze %dma_start3A_199 : memref<1x512xi32, #tpu.memory_space<vmem>> -> memref<512xi32, #tpu.memory_space<vmem>>
          %dma_start3A_201 = arith.constant 0 : i32
          %dma_start3A_202 = tpu.memref_slice %arg3[%add3A_191, %dma_start3A_201] : memref<6272x512xi32, #tpu.memory_space<hbm>> -> memref<1x512xi32, #tpu.memory_space<hbm>>
          %dma_start3A_203 = tpu.memref_squeeze %dma_start3A_202 : memref<1x512xi32, #tpu.memory_space<hbm>> -> memref<512xi32, #tpu.memory_space<hbm>>
          tpu.enqueue_dma source(%dma_start3A_203 : memref<512xi32, #tpu.memory_space<hbm>>) target(%dma_start3A_200 : memref<512xi32, #tpu.memory_space<vmem>>) target_semaphore(%arg11 : memref<!tpu.dma_semaphore, #tpu.memory_space<semaphore_mem>>)
          %add3A_204 = arith.addi %mul3A_4, %min3A_188 : i32
          %dma_start3A_205 = arith.constant 0 : i32
          %dma_start3A_206 = tpu.memref_slice %arg8[%rem3A_190, %dma_start3A_205] : memref<4x512xi32, #tpu.memory_space<vmem>> -> memref<1x512xi32, #tpu.memory_space<vmem>>
          %dma_start3A_207 = tpu.memref_squeeze %dma_start3A_206 : memref<1x512xi32, #tpu.memory_space<vmem>> -> memref<512xi32, #tpu.memory_space<vmem>>
          %dma_start3A_208 = arith.constant 0 : i32
          %dma_start3A_209 = tpu.memref_slice %arg4[%add3A_204, %dma_start3A_208] : memref<6272x512xi32, #tpu.memory_space<hbm>> -> memref<1x512xi32, #tpu.memory_space<hbm>>
          %dma_start3A_210 = tpu.memref_squeeze %dma_start3A_209 : memref<1x512xi32, #tpu.memory_space<hbm>> -> memref<512xi32, #tpu.memory_space<hbm>>
          %dma_start3A_211 = arith.constant 0 : i32
          %dma_start3A_212 = tpu.memref_slice %arg8[%rem3A_190, %dma_start3A_211] : memref<4x512xi32, #tpu.memory_space<vmem>> -> memref<1x512xi32, #tpu.memory_space<vmem>>
          %dma_start3A_213 = tpu.memref_squeeze %dma_start3A_212 : memref<1x512xi32, #tpu.memory_space<vmem>> -> memref<512xi32, #tpu.memory_space<vmem>>
          %dma_start3A_214 = arith.constant 0 : i32
          %dma_start3A_215 = tpu.memref_slice %arg4[%add3A_204, %dma_start3A_214] : memref<6272x512xi32, #tpu.memory_space<hbm>> -> memref<1x512xi32, #tpu.memory_space<hbm>>
          %dma_start3A_216 = tpu.memref_squeeze %dma_start3A_215 : memref<1x512xi32, #tpu.memory_space<hbm>> -> memref<512xi32, #tpu.memory_space<hbm>>
          tpu.enqueue_dma source(%dma_start3A_216 : memref<512xi32, #tpu.memory_space<hbm>>) target(%dma_start3A_213 : memref<512xi32, #tpu.memory_space<vmem>>) target_semaphore(%arg11 : memref<!tpu.dma_semaphore, #tpu.memory_space<semaphore_mem>>)
        } else {
        }
        %ge3A_141 = arith.constant 1 : i32
        %ge3A_142 = arith.cmpi sge, %scan3A_116, %ge3A_141 : i32
        %convert_element_type3A_143 = arith.extui %ge3A_142 : i1 to i32
        %cond3A_144 = arith.constant 0 : i32
        %cond3A_145 = arith.cmpi ne, %convert_element_type3A_143, %cond3A_144 : i32
        scf.if %cond3A_145 {
          %dma_wait3A_146 = arith.constant 1 : i32
          %dma_wait3A_147 = arith.constant 0 : i32
          %dma_wait3A_148 = arith.constant 0 : i32
          %dma_wait3A_149 = tpu.memref_slice %arg9[%dma_wait3A_146, %dma_wait3A_147, %dma_wait3A_148] : memref<3x512x16xf32, #tpu.memory_space<vmem>> -> memref<1x512x16xf32, #tpu.memory_space<vmem>>
          %dma_wait3A_150 = tpu.memref_squeeze %dma_wait3A_149 : memref<1x512x16xf32, #tpu.memory_space<vmem>> -> memref<512x16xf32, #tpu.memory_space<vmem>>
          %dma_wait3A_151 = arith.constant 0 : i32
          %dma_wait3A_152 = arith.constant 0 : i32
          %dma_wait3A_153 = tpu.memref_slice %arg2[%dma_wait3A_151, %dma_wait3A_152] : memref<100000x16xf32, #tpu.memory_space<hbm>> -> memref<512x16xf32, #tpu.memory_space<hbm>>
          %dma_wait3A_154 = arith.constant 0 : i32
          %dma_wait3A_155 = arith.constant 0 : i32
          %dma_wait3A_156 = tpu.memref_slice %arg9[%dma_wait3A_146, %dma_wait3A_154, %dma_wait3A_155] : memref<3x512x16xf32, #tpu.memory_space<vmem>> -> memref<1x512x16xf32, #tpu.memory_space<vmem>>
          %dma_wait3A_157 = tpu.memref_squeeze %dma_wait3A_156 : memref<1x512x16xf32, #tpu.memory_space<vmem>> -> memref<512x16xf32, #tpu.memory_space<vmem>>
          %dma_wait3A_158 = arith.constant 0 : i32
          %dma_wait3A_159 = arith.constant 0 : i32
          %dma_wait3A_160 = tpu.memref_slice %arg2[%dma_wait3A_158, %dma_wait3A_159] : memref<100000x16xf32, #tpu.memory_space<hbm>> -> memref<512x16xf32, #tpu.memory_space<hbm>>
          tpu.wait_dma2 semaphore(%arg13 : memref<!tpu.dma_semaphore, #tpu.memory_space<semaphore_mem>>) src(%dma_wait3A_160 : memref<512x16xf32, #tpu.memory_space<hbm>>) dst(%dma_wait3A_157 : memref<512x16xf32, #tpu.memory_space<vmem>>)
          %sub3A = arith.constant 1 : i32
          %sub3A_161 = arith.subi %scan3A_116, %sub3A : i32
          %rem3A_162 = arith.constant 4 : i32
          %rem3A_163 = arith.remsi %sub3A_161, %rem3A_162 : i32
          %dma_start3A_164 = arith.constant 1 : i32
          %dma_start3A_165 = arith.constant 0 : i32
          %dma_start3A_166 = arith.constant 0 : i32
          %dma_start3A_167 = tpu.memref_slice %arg9[%dma_start3A_164, %dma_start3A_165, %dma_start3A_166] : memref<3x512x16xf32, #tpu.memory_space<vmem>> -> memref<1x512x16xf32, #tpu.memory_space<vmem>>
          %dma_start3A_168 = tpu.memref_squeeze %dma_start3A_167 : memref<1x512x16xf32, #tpu.memory_space<vmem>> -> memref<512x16xf32, #tpu.memory_space<vmem>>
          %dma_start3A_169 = arith.constant 0 : i32
          %dma_start3A_170 = tpu.memref_slice %arg8[%rem3A_163, %dma_start3A_169] : memref<4x512xi32, #tpu.memory_space<vmem>> -> memref<1x512xi32, #tpu.memory_space<vmem>>
          %dma_start3A_171 = tpu.memref_squeeze %dma_start3A_170 : memref<1x512xi32, #tpu.memory_space<vmem>> -> memref<512xi32, #tpu.memory_space<vmem>>
          %dma_start3A_172 = arith.constant 0 : i32
          %dma_start3A_173 = arith.constant 0 : i32
          %dma_start3A_174 = tpu.memref_slice %arg10[%dma_start3A_172, %dma_start3A_173] : memref<100096x16xf32, #tpu.memory_space<vmem_shared>> -> memref<100096x16xf32, #tpu.memory_space<vmem_shared>>
          tpu.enqueue_indirect_dma source(%dma_start3A_168 : memref<512x16xf32, #tpu.memory_space<vmem>>) target(%dma_start3A_174 : memref<100096x16xf32, #tpu.memory_space<vmem_shared>>) offsets(%dma_start3A_171 : memref<512xi32, #tpu.memory_space<vmem>>) semaphore(%arg16 : memref<!tpu.dma_semaphore, #tpu.memory_space<semaphore_mem>>) {add = true}
        } else {
        }
      } else {
      }
    }
    %scan3A_38 = arith.constant 197 : i32
    %dma_wait3A = arith.constant 0 : i32
    %dma_wait3A_39 = arith.constant 0 : i32
    %dma_wait3A_40 = arith.constant 0 : i32
    %dma_wait3A_41 = tpu.memref_slice %arg7[%dma_wait3A_39, %dma_wait3A_40] : memref<4x512xi32, #tpu.memory_space<vmem>> -> memref<1x512xi32, #tpu.memory_space<vmem>>
    %dma_wait3A_42 = tpu.memref_squeeze %dma_wait3A_41 : memref<1x512xi32, #tpu.memory_space<vmem>> -> memref<512xi32, #tpu.memory_space<vmem>>
    %dma_wait3A_43 = arith.constant 0 : i32
    %dma_wait3A_44 = tpu.memref_slice %arg3[%dma_wait3A, %dma_wait3A_43] : memref<6272x512xi32, #tpu.memory_space<hbm>> -> memref<1x512xi32, #tpu.memory_space<hbm>>
    %dma_wait3A_45 = tpu.memref_squeeze %dma_wait3A_44 : memref<1x512xi32, #tpu.memory_space<hbm>> -> memref<512xi32, #tpu.memory_space<hbm>>
    %dma_wait3A_46 = arith.constant 0 : i32
    %dma_wait3A_47 = tpu.memref_slice %arg7[%dma_wait3A_39, %dma_wait3A_46] : memref<4x512xi32, #tpu.memory_space<vmem>> -> memref<1x512xi32, #tpu.memory_space<vmem>>
    %dma_wait3A_48 = tpu.memref_squeeze %dma_wait3A_47 : memref<1x512xi32, #tpu.memory_space<vmem>> -> memref<512xi32, #tpu.memory_space<vmem>>
    %dma_wait3A_49 = arith.constant 0 : i32
    %dma_wait3A_50 = tpu.memref_slice %arg3[%dma_wait3A, %dma_wait3A_49] : memref<6272x512xi32, #tpu.memory_space<hbm>> -> memref<1x512xi32, #tpu.memory_space<hbm>>
    %dma_wait3A_51 = tpu.memref_squeeze %dma_wait3A_50 : memref<1x512xi32, #tpu.memory_space<hbm>> -> memref<512xi32, #tpu.memory_space<hbm>>
    tpu.wait_dma2 semaphore(%arg11 : memref<!tpu.dma_semaphore, #tpu.memory_space<semaphore_mem>>) src(%dma_wait3A_51 : memref<512xi32, #tpu.memory_space<hbm>>) dst(%dma_wait3A_48 : memref<512xi32, #tpu.memory_space<vmem>>)
    %dma_wait3A_52 = arith.constant 0 : i32
    %dma_wait3A_53 = arith.constant 0 : i32
    %dma_wait3A_54 = arith.constant 0 : i32
    %dma_wait3A_55 = tpu.memref_slice %arg8[%dma_wait3A_53, %dma_wait3A_54] : memref<4x512xi32, #tpu.memory_space<vmem>> -> memref<1x512xi32, #tpu.memory_space<vmem>>
    %dma_wait3A_56 = tpu.memref_squeeze %dma_wait3A_55 : memref<1x512xi32, #tpu.memory_space<vmem>> -> memref<512xi32, #tpu.memory_space<vmem>>
    %dma_wait3A_57 = arith.constant 0 : i32
    %dma_wait3A_58 = tpu.memref_slice %arg3[%dma_wait3A_52, %dma_wait3A_57] : memref<6272x512xi32, #tpu.memory_space<hbm>> -> memref<1x512xi32, #tpu.memory_space<hbm>>
    %dma_wait3A_59 = tpu.memref_squeeze %dma_wait3A_58 : memref<1x512xi32, #tpu.memory_space<hbm>> -> memref<512xi32, #tpu.memory_space<hbm>>
    %dma_wait3A_60 = arith.constant 0 : i32
    %dma_wait3A_61 = tpu.memref_slice %arg8[%dma_wait3A_53, %dma_wait3A_60] : memref<4x512xi32, #tpu.memory_space<vmem>> -> memref<1x512xi32, #tpu.memory_space<vmem>>
    %dma_wait3A_62 = tpu.memref_squeeze %dma_wait3A_61 : memref<1x512xi32, #tpu.memory_space<vmem>> -> memref<512xi32, #tpu.memory_space<vmem>>
    %dma_wait3A_63 = arith.constant 0 : i32
    %dma_wait3A_64 = tpu.memref_slice %arg3[%dma_wait3A_52, %dma_wait3A_63] : memref<6272x512xi32, #tpu.memory_space<hbm>> -> memref<1x512xi32, #tpu.memory_space<hbm>>
    %dma_wait3A_65 = tpu.memref_squeeze %dma_wait3A_64 : memref<1x512xi32, #tpu.memory_space<hbm>> -> memref<512xi32, #tpu.memory_space<hbm>>
    tpu.wait_dma2 semaphore(%arg11 : memref<!tpu.dma_semaphore, #tpu.memory_space<semaphore_mem>>) src(%dma_wait3A_65 : memref<512xi32, #tpu.memory_space<hbm>>) dst(%dma_wait3A_62 : memref<512xi32, #tpu.memory_space<vmem>>)
    %dma_wait3A_66 = arith.constant 0 : i32
    %dma_wait3A_67 = arith.constant 0 : i32
    %dma_wait3A_68 = arith.constant 0 : i32
    %dma_wait3A_69 = tpu.memref_slice %arg9[%dma_wait3A_66, %dma_wait3A_67, %dma_wait3A_68] : memref<3x512x16xf32, #tpu.memory_space<vmem>> -> memref<1x512x16xf32, #tpu.memory_space<vmem>>
    %dma_wait3A_70 = tpu.memref_squeeze %dma_wait3A_69 : memref<1x512x16xf32, #tpu.memory_space<vmem>> -> memref<512x16xf32, #tpu.memory_space<vmem>>
    %dma_wait3A_71 = arith.constant 0 : i32
    %dma_wait3A_72 = arith.constant 0 : i32
    %dma_wait3A_73 = tpu.memref_slice %arg2[%dma_wait3A_71, %dma_wait3A_72] : memref<100000x16xf32, #tpu.memory_space<hbm>> -> memref<512x16xf32, #tpu.memory_space<hbm>>
    %dma_wait3A_74 = arith.constant 0 : i32
    %dma_wait3A_75 = arith.constant 0 : i32
    %dma_wait3A_76 = tpu.memref_slice %arg9[%dma_wait3A_66, %dma_wait3A_74, %dma_wait3A_75] : memref<3x512x16xf32, #tpu.memory_space<vmem>> -> memref<1x512x16xf32, #tpu.memory_space<vmem>>
    %dma_wait3A_77 = tpu.memref_squeeze %dma_wait3A_76 : memref<1x512x16xf32, #tpu.memory_space<vmem>> -> memref<512x16xf32, #tpu.memory_space<vmem>>
    %dma_wait3A_78 = arith.constant 0 : i32
    %dma_wait3A_79 = arith.constant 0 : i32
    %dma_wait3A_80 = tpu.memref_slice %arg2[%dma_wait3A_78, %dma_wait3A_79] : memref<100000x16xf32, #tpu.memory_space<hbm>> -> memref<512x16xf32, #tpu.memory_space<hbm>>
    tpu.wait_dma2 semaphore(%arg15 : memref<!tpu.dma_semaphore, #tpu.memory_space<semaphore_mem>>) src(%dma_wait3A_80 : memref<512x16xf32, #tpu.memory_space<hbm>>) dst(%dma_wait3A_77 : memref<512x16xf32, #tpu.memory_space<vmem>>)
    %dma_wait3A_81 = arith.constant 1 : i32
    %dma_wait3A_82 = arith.constant 0 : i32
    %dma_wait3A_83 = arith.constant 0 : i32
    %dma_wait3A_84 = tpu.memref_slice %arg9[%dma_wait3A_81, %dma_wait3A_82, %dma_wait3A_83] : memref<3x512x16xf32, #tpu.memory_space<vmem>> -> memref<1x512x16xf32, #tpu.memory_space<vmem>>
    %dma_wait3A_85 = tpu.memref_squeeze %dma_wait3A_84 : memref<1x512x16xf32, #tpu.memory_space<vmem>> -> memref<512x16xf32, #tpu.memory_space<vmem>>
    %dma_wait3A_86 = arith.constant 0 : i32
    %dma_wait3A_87 = arith.constant 0 : i32
    %dma_wait3A_88 = tpu.memref_slice %arg2[%dma_wait3A_86, %dma_wait3A_87] : memref<100000x16xf32, #tpu.memory_space<hbm>> -> memref<512x16xf32, #tpu.memory_space<hbm>>
    %dma_wait3A_89 = arith.constant 0 : i32
    %dma_wait3A_90 = arith.constant 0 : i32
    %dma_wait3A_91 = tpu.memref_slice %arg9[%dma_wait3A_81, %dma_wait3A_89, %dma_wait3A_90] : memref<3x512x16xf32, #tpu.memory_space<vmem>> -> memref<1x512x16xf32, #tpu.memory_space<vmem>>
    %dma_wait3A_92 = tpu.memref_squeeze %dma_wait3A_91 : memref<1x512x16xf32, #tpu.memory_space<vmem>> -> memref<512x16xf32, #tpu.memory_space<vmem>>
    %dma_wait3A_93 = arith.constant 0 : i32
    %dma_wait3A_94 = arith.constant 0 : i32
    %dma_wait3A_95 = tpu.memref_slice %arg2[%dma_wait3A_93, %dma_wait3A_94] : memref<100000x16xf32, #tpu.memory_space<hbm>> -> memref<512x16xf32, #tpu.memory_space<hbm>>
    tpu.wait_dma2 semaphore(%arg16 : memref<!tpu.dma_semaphore, #tpu.memory_space<semaphore_mem>>) src(%dma_wait3A_95 : memref<512x16xf32, #tpu.memory_space<hbm>>) dst(%dma_wait3A_92 : memref<512x16xf32, #tpu.memory_space<vmem>>)
    %dma_wait3A_96 = arith.constant 2 : i32
    %dma_wait3A_97 = arith.constant 0 : i32
    %dma_wait3A_98 = arith.constant 0 : i32
    %dma_wait3A_99 = tpu.memref_slice %arg9[%dma_wait3A_96, %dma_wait3A_97, %dma_wait3A_98] : memref<3x512x16xf32, #tpu.memory_space<vmem>> -> memref<1x512x16xf32, #tpu.memory_space<vmem>>
    %dma_wait3A_100 = tpu.memref_squeeze %dma_wait3A_99 : memref<1x512x16xf32, #tpu.memory_space<vmem>> -> memref<512x16xf32, #tpu.memory_space<vmem>>
    %dma_wait3A_101 = arith.constant 0 : i32
    %dma_wait3A_102 = arith.constant 0 : i32
    %dma_wait3A_103 = tpu.memref_slice %arg2[%dma_wait3A_101, %dma_wait3A_102] : memref<100000x16xf32, #tpu.memory_space<hbm>> -> memref<512x16xf32, #tpu.memory_space<hbm>>
    %dma_wait3A_104 = arith.constant 0 : i32
    %dma_wait3A_105 = arith.constant 0 : i32
    %dma_wait3A_106 = tpu.memref_slice %arg9[%dma_wait3A_96, %dma_wait3A_104, %dma_wait3A_105] : memref<3x512x16xf32, #tpu.memory_space<vmem>> -> memref<1x512x16xf32, #tpu.memory_space<vmem>>
    %dma_wait3A_107 = tpu.memref_squeeze %dma_wait3A_106 : memref<1x512x16xf32, #tpu.memory_space<vmem>> -> memref<512x16xf32, #tpu.memory_space<vmem>>
    %dma_wait3A_108 = arith.constant 0 : i32
    %dma_wait3A_109 = arith.constant 0 : i32
    %dma_wait3A_110 = tpu.memref_slice %arg2[%dma_wait3A_108, %dma_wait3A_109] : memref<100000x16xf32, #tpu.memory_space<hbm>> -> memref<512x16xf32, #tpu.memory_space<hbm>>
    tpu.wait_dma2 semaphore(%arg17 : memref<!tpu.dma_semaphore, #tpu.memory_space<semaphore_mem>>) src(%dma_wait3A_110 : memref<512x16xf32, #tpu.memory_space<hbm>>) dst(%dma_wait3A_107 : memref<512x16xf32, #tpu.memory_space<vmem>>)
    %barrier3A_111 = arith.constant 0 : index
    tpu.barrier barrier_id(%barrier3A_111)
    %mul3A_112 = arith.constant 6256 : i32
    %mul3A_113 = arith.muli %arg1, %mul3A_112 : i32
    %mul3A_114 = arith.constant 6256 : i32
    %mul3A_115 = arith.muli %arg1, %mul3A_114 : i32
    "tpu.region"() ({
      %run_scoped3A = tpu.sem_alloc : memref<!tpu.dma_semaphore, #tpu.memory_space<semaphore_mem>>
      %dma_start3A_116 = arith.constant 0 : i32
      %dma_start3A_117 = tpu.memref_slice %arg6[%arg0, %mul3A_115, %dma_start3A_116] : memref<2x100096x16xf32, #tpu.memory_space<hbm>> -> memref<1x6256x16xf32, #tpu.memory_space<hbm>>
      %dma_start3A_118 = tpu.memref_squeeze %dma_start3A_117 : memref<1x6256x16xf32, #tpu.memory_space<hbm>> -> memref<6256x16xf32, #tpu.memory_space<hbm>>
      %dma_start3A_119 = arith.constant 0 : i32
      %dma_start3A_120 = tpu.memref_slice %arg10[%mul3A_113, %dma_start3A_119] : memref<100096x16xf32, #tpu.memory_space<vmem_shared>> -> memref<6256x16xf32, #tpu.memory_space<vmem_shared>>
      tpu.enqueue_dma source(%dma_start3A_120 : memref<6256x16xf32, #tpu.memory_space<vmem_shared>>) target(%dma_start3A_118 : memref<6256x16xf32, #tpu.memory_space<hbm>>) target_semaphore(%run_scoped3A : memref<!tpu.dma_semaphore, #tpu.memory_space<semaphore_mem>>)
      %dma_wait3A_121 = arith.constant 0 : i32
      %dma_wait3A_122 = tpu.memref_slice %arg6[%arg0, %mul3A_115, %dma_wait3A_121] : memref<2x100096x16xf32, #tpu.memory_space<hbm>> -> memref<1x6256x16xf32, #tpu.memory_space<hbm>>
      %dma_wait3A_123 = tpu.memref_squeeze %dma_wait3A_122 : memref<1x6256x16xf32, #tpu.memory_space<hbm>> -> memref<6256x16xf32, #tpu.memory_space<hbm>>
      %dma_wait3A_124 = arith.constant 0 : i32
      %dma_wait3A_125 = tpu.memref_slice %arg10[%mul3A_113, %dma_wait3A_124] : memref<100096x16xf32, #tpu.memory_space<vmem_shared>> -> memref<6256x16xf32, #tpu.memory_space<vmem_shared>>
      tpu.wait_dma2 semaphore(%run_scoped3A : memref<!tpu.dma_semaphore, #tpu.memory_space<semaphore_mem>>) src(%dma_wait3A_125 : memref<6256x16xf32, #tpu.memory_space<vmem_shared>>) dst(%dma_wait3A_123 : memref<6256x16xf32, #tpu.memory_space<hbm>>)
      tpu.yield
    }) : () -> ()
    return
  }
}

#map = affine_map<(d0, d1) -> (0, 0)>
#map1 = affine_map<(d0, d1) -> (0, 0, 0)>
module attributes {stable_mosaic.version = 14 : i64} {
  func.func @_deg_body(%arg0: i32, %arg1: i32, %arg2: memref<6272x512xi32, #tpu.memory_space<hbm>>, %arg3: memref<6256x16xf32, #tpu.memory_space<hbm>>, %arg4: memref<512x16xf32, #tpu.memory_space<hbm>>, %arg5: memref<2x100096x16xf32, #tpu.memory_space<hbm>>, %arg6: memref<4x512xi32, #tpu.memory_space<vmem>>, %arg7: memref<512x16xf32, #tpu.memory_space<vmem>>, %arg8: memref<100096x16xf32, #tpu.memory_space<vmem_shared>>, %arg9: memref<!tpu.dma_semaphore, #tpu.memory_space<semaphore_mem>>, %arg10: memref<!tpu.dma_semaphore, #tpu.memory_space<semaphore_mem>>, %arg11: memref<!tpu.dma_semaphore, #tpu.memory_space<semaphore_mem>>, %arg12: memref<!tpu.dma_semaphore, #tpu.memory_space<semaphore_mem>>, %arg13: memref<!tpu.dma_semaphore, #tpu.memory_space<semaphore_mem>>) attributes {dimension_semantics = [#tpu.dimension_semantics<core_parallel>, #tpu.dimension_semantics<subcore_parallel>], iteration_bounds = array<i64: 2, 16>, scalar_prefetch = 0 : i64, scratch_operands = 8 : i64, tpu.core_type = #tpu.core_type<sc_vector_subcore>, window_params = [{transform_indices = #map}, {transform_indices = #map}, {transform_indices = #map}, {transform_indices = #map1}]} {
    %mul3A = arith.constant 2 : i32
    %mul3A_0 = arith.muli %arg1, %mul3A : i32
    %add3A = arith.addi %mul3A_0, %arg0 : i32
    %mul3A_1 = arith.constant 6256 : i32
    %mul3A_2 = arith.muli %arg1, %mul3A_1 : i32
    "tpu.region"() ({
      %run_scoped3A = tpu.sem_alloc : memref<!tpu.dma_semaphore, #tpu.memory_space<semaphore_mem>>
      %dma_start3A_44 = arith.constant 0 : i32
      %dma_start3A_45 = tpu.memref_slice %arg8[%mul3A_2, %dma_start3A_44] : memref<100096x16xf32, #tpu.memory_space<vmem_shared>> -> memref<6256x16xf32, #tpu.memory_space<vmem_shared>>
      tpu.enqueue_dma source(%arg3 : memref<6256x16xf32, #tpu.memory_space<hbm>>) target(%dma_start3A_45 : memref<6256x16xf32, #tpu.memory_space<vmem_shared>>) target_semaphore(%run_scoped3A : memref<!tpu.dma_semaphore, #tpu.memory_space<semaphore_mem>>)
      %dma_wait3A_46 = arith.constant 0 : i32
      %dma_wait3A_47 = tpu.memref_slice %arg8[%mul3A_2, %dma_wait3A_46] : memref<100096x16xf32, #tpu.memory_space<vmem_shared>> -> memref<6256x16xf32, #tpu.memory_space<vmem_shared>>
      tpu.wait_dma2 semaphore(%run_scoped3A : memref<!tpu.dma_semaphore, #tpu.memory_space<semaphore_mem>>) src(%arg3 : memref<6256x16xf32, #tpu.memory_space<hbm>>) dst(%dma_wait3A_47 : memref<6256x16xf32, #tpu.memory_space<vmem_shared>>)
      tpu.yield
    }) : () -> ()
    "tpu.region"() ({
      %run_scoped3A = tpu.sem_alloc : memref<!tpu.dma_semaphore, #tpu.memory_space<semaphore_mem>>
      tpu.enqueue_dma source(%arg4 : memref<512x16xf32, #tpu.memory_space<hbm>>) target(%arg7 : memref<512x16xf32, #tpu.memory_space<vmem>>) target_semaphore(%run_scoped3A : memref<!tpu.dma_semaphore, #tpu.memory_space<semaphore_mem>>)
      tpu.wait_dma2 semaphore(%run_scoped3A : memref<!tpu.dma_semaphore, #tpu.memory_space<semaphore_mem>>) src(%arg4 : memref<512x16xf32, #tpu.memory_space<hbm>>) dst(%arg7 : memref<512x16xf32, #tpu.memory_space<vmem>>)
      tpu.yield
    }) : () -> ()
    %barrier3A = arith.constant 0 : index
    tpu.barrier barrier_id(%barrier3A)
    %mul3A_3 = arith.constant 196 : i32
    %mul3A_4 = arith.muli %add3A, %mul3A_3 : i32
    %min3A = arith.constant 0 : i32
    %min3A_5 = arith.constant 195 : i32
    %min3A_6 = arith.minsi %min3A, %min3A_5 : i32
    %add3A_7 = arith.addi %mul3A_4, %min3A_6 : i32
    %rem3A = arith.constant 4 : i32
    %rem3A_8 = arith.remsi %min3A_6, %rem3A : i32
    %dma_start3A = arith.constant 0 : i32
    %dma_start3A_9 = tpu.memref_slice %arg6[%rem3A_8, %dma_start3A] : memref<4x512xi32, #tpu.memory_space<vmem>> -> memref<1x512xi32, #tpu.memory_space<vmem>>
    %dma_start3A_10 = tpu.memref_squeeze %dma_start3A_9 : memref<1x512xi32, #tpu.memory_space<vmem>> -> memref<512xi32, #tpu.memory_space<vmem>>
    %dma_start3A_11 = arith.constant 0 : i32
    %dma_start3A_12 = tpu.memref_slice %arg2[%add3A_7, %dma_start3A_11] : memref<6272x512xi32, #tpu.memory_space<hbm>> -> memref<1x512xi32, #tpu.memory_space<hbm>>
    %dma_start3A_13 = tpu.memref_squeeze %dma_start3A_12 : memref<1x512xi32, #tpu.memory_space<hbm>> -> memref<512xi32, #tpu.memory_space<hbm>>
    %dma_start3A_14 = arith.constant 0 : i32
    %dma_start3A_15 = tpu.memref_slice %arg6[%rem3A_8, %dma_start3A_14] : memref<4x512xi32, #tpu.memory_space<vmem>> -> memref<1x512xi32, #tpu.memory_space<vmem>>
    %dma_start3A_16 = tpu.memref_squeeze %dma_start3A_15 : memref<1x512xi32, #tpu.memory_space<vmem>> -> memref<512xi32, #tpu.memory_space<vmem>>
    %dma_start3A_17 = arith.constant 0 : i32
    %dma_start3A_18 = tpu.memref_slice %arg2[%add3A_7, %dma_start3A_17] : memref<6272x512xi32, #tpu.memory_space<hbm>> -> memref<1x512xi32, #tpu.memory_space<hbm>>
    %dma_start3A_19 = tpu.memref_squeeze %dma_start3A_18 : memref<1x512xi32, #tpu.memory_space<hbm>> -> memref<512xi32, #tpu.memory_space<hbm>>
    tpu.enqueue_dma source(%dma_start3A_19 : memref<512xi32, #tpu.memory_space<hbm>>) target(%dma_start3A_16 : memref<512xi32, #tpu.memory_space<vmem>>) target_semaphore(%arg9 : memref<!tpu.dma_semaphore, #tpu.memory_space<semaphore_mem>>)
    %scan3A = arith.constant 0 : i32
    %scan3A_20 = arith.constant 0 : i32
    %scan3A_21 = arith.constant 0 : i32
    %scan3A_22 = arith.constant 196 : i32
    %scan3A_23 = arith.addi %scan3A_21, %scan3A_22 : i32
    %scan3A_24 = arith.constant 1 : i32
    scf.for %scan3A_44 = %scan3A_21 to %scan3A_23 step %scan3A_24  : i32 {
      %rem3A_45 = arith.constant 4 : i32
      %rem3A_46 = arith.remsi %scan3A_44, %rem3A_45 : i32
      %eq3A = arith.constant 0 : i32
      %eq3A_47 = arith.cmpi eq, %rem3A_46, %eq3A : i32
      %convert_element_type3A = arith.extui %eq3A_47 : i1 to i32
      %cond3A = arith.constant 0 : i32
      %cond3A_48 = arith.cmpi ne, %convert_element_type3A, %cond3A : i32
      scf.if %cond3A_48 {
        %ge3A = arith.constant 3 : i32
        %ge3A_64 = arith.cmpi sge, %scan3A_44, %ge3A : i32
        %convert_element_type3A_65 = arith.extui %ge3A_64 : i1 to i32
        %cond3A_66 = arith.constant 0 : i32
        %cond3A_67 = arith.cmpi ne, %convert_element_type3A_65, %cond3A_66 : i32
        scf.if %cond3A_67 {
          tpu.wait_dma2 semaphore(%arg11 : memref<!tpu.dma_semaphore, #tpu.memory_space<semaphore_mem>>) src(%arg4 : memref<512x16xf32, #tpu.memory_space<hbm>>) dst(%arg7 : memref<512x16xf32, #tpu.memory_space<vmem>>)
        } else {
        }
        %dma_wait3A_68 = arith.constant 0 : i32
        %dma_wait3A_69 = arith.constant 0 : i32
        %dma_wait3A_70 = tpu.memref_slice %arg6[%dma_wait3A_68, %dma_wait3A_69] : memref<4x512xi32, #tpu.memory_space<vmem>> -> memref<1x512xi32, #tpu.memory_space<vmem>>
        %dma_wait3A_71 = tpu.memref_squeeze %dma_wait3A_70 : memref<1x512xi32, #tpu.memory_space<vmem>> -> memref<512xi32, #tpu.memory_space<vmem>>
        %dma_wait3A_72 = arith.constant 0 : i32
        %dma_wait3A_73 = tpu.memref_slice %arg2[%scan3A_20, %dma_wait3A_72] : memref<6272x512xi32, #tpu.memory_space<hbm>> -> memref<1x512xi32, #tpu.memory_space<hbm>>
        %dma_wait3A_74 = tpu.memref_squeeze %dma_wait3A_73 : memref<1x512xi32, #tpu.memory_space<hbm>> -> memref<512xi32, #tpu.memory_space<hbm>>
        %dma_wait3A_75 = arith.constant 0 : i32
        %dma_wait3A_76 = tpu.memref_slice %arg6[%dma_wait3A_68, %dma_wait3A_75] : memref<4x512xi32, #tpu.memory_space<vmem>> -> memref<1x512xi32, #tpu.memory_space<vmem>>
        %dma_wait3A_77 = tpu.memref_squeeze %dma_wait3A_76 : memref<1x512xi32, #tpu.memory_space<vmem>> -> memref<512xi32, #tpu.memory_space<vmem>>
        %dma_wait3A_78 = arith.constant 0 : i32
        %dma_wait3A_79 = tpu.memref_slice %arg2[%scan3A_20, %dma_wait3A_78] : memref<6272x512xi32, #tpu.memory_space<hbm>> -> memref<1x512xi32, #tpu.memory_space<hbm>>
        %dma_wait3A_80 = tpu.memref_squeeze %dma_wait3A_79 : memref<1x512xi32, #tpu.memory_space<hbm>> -> memref<512xi32, #tpu.memory_space<hbm>>
        tpu.wait_dma2 semaphore(%arg9 : memref<!tpu.dma_semaphore, #tpu.memory_space<semaphore_mem>>) src(%dma_wait3A_80 : memref<512xi32, #tpu.memory_space<hbm>>) dst(%dma_wait3A_77 : memref<512xi32, #tpu.memory_space<vmem>>)
        %dma_start3A_81 = arith.constant 0 : i32
        %dma_start3A_82 = arith.constant 0 : i32
        %dma_start3A_83 = tpu.memref_slice %arg6[%dma_start3A_81, %dma_start3A_82] : memref<4x512xi32, #tpu.memory_space<vmem>> -> memref<1x512xi32, #tpu.memory_space<vmem>>
        %dma_start3A_84 = tpu.memref_squeeze %dma_start3A_83 : memref<1x512xi32, #tpu.memory_space<vmem>> -> memref<512xi32, #tpu.memory_space<vmem>>
        %dma_start3A_85 = arith.constant 0 : i32
        %dma_start3A_86 = arith.constant 0 : i32
        %dma_start3A_87 = tpu.memref_slice %arg8[%dma_start3A_85, %dma_start3A_86] : memref<100096x16xf32, #tpu.memory_space<vmem_shared>> -> memref<100096x16xf32, #tpu.memory_space<vmem_shared>>
        tpu.enqueue_indirect_dma source(%arg7 : memref<512x16xf32, #tpu.memory_space<vmem>>) target(%dma_start3A_87 : memref<100096x16xf32, #tpu.memory_space<vmem_shared>>) offsets(%dma_start3A_84 : memref<512xi32, #tpu.memory_space<vmem>>) semaphore(%arg10 : memref<!tpu.dma_semaphore, #tpu.memory_space<semaphore_mem>>) {add = true}
        %add3A_88 = arith.constant 1 : i32
        %add3A_89 = arith.addi %scan3A_44, %add3A_88 : i32
        %min3A_90 = arith.constant 195 : i32
        %min3A_91 = arith.minsi %add3A_89, %min3A_90 : i32
        %add3A_92 = arith.addi %mul3A_4, %min3A_91 : i32
        %rem3A_93 = arith.constant 4 : i32
        %rem3A_94 = arith.remsi %min3A_91, %rem3A_93 : i32
        %dma_start3A_95 = arith.constant 0 : i32
        %dma_start3A_96 = tpu.memref_slice %arg6[%rem3A_94, %dma_start3A_95] : memref<4x512xi32, #tpu.memory_space<vmem>> -> memref<1x512xi32, #tpu.memory_space<vmem>>
        %dma_start3A_97 = tpu.memref_squeeze %dma_start3A_96 : memref<1x512xi32, #tpu.memory_space<vmem>> -> memref<512xi32, #tpu.memory_space<vmem>>
        %dma_start3A_98 = arith.constant 0 : i32
        %dma_start3A_99 = tpu.memref_slice %arg2[%add3A_92, %dma_start3A_98] : memref<6272x512xi32, #tpu.memory_space<hbm>> -> memref<1x512xi32, #tpu.memory_space<hbm>>
        %dma_start3A_100 = tpu.memref_squeeze %dma_start3A_99 : memref<1x512xi32, #tpu.memory_space<hbm>> -> memref<512xi32, #tpu.memory_space<hbm>>
        %dma_start3A_101 = arith.constant 0 : i32
        %dma_start3A_102 = tpu.memref_slice %arg6[%rem3A_94, %dma_start3A_101] : memref<4x512xi32, #tpu.memory_space<vmem>> -> memref<1x512xi32, #tpu.memory_space<vmem>>
        %dma_start3A_103 = tpu.memref_squeeze %dma_start3A_102 : memref<1x512xi32, #tpu.memory_space<vmem>> -> memref<512xi32, #tpu.memory_space<vmem>>
        %dma_start3A_104 = arith.constant 0 : i32
        %dma_start3A_105 = tpu.memref_slice %arg2[%add3A_92, %dma_start3A_104] : memref<6272x512xi32, #tpu.memory_space<hbm>> -> memref<1x512xi32, #tpu.memory_space<hbm>>
        %dma_start3A_106 = tpu.memref_squeeze %dma_start3A_105 : memref<1x512xi32, #tpu.memory_space<hbm>> -> memref<512xi32, #tpu.memory_space<hbm>>
        tpu.enqueue_dma source(%dma_start3A_106 : memref<512xi32, #tpu.memory_space<hbm>>) target(%dma_start3A_103 : memref<512xi32, #tpu.memory_space<vmem>>) target_semaphore(%arg9 : memref<!tpu.dma_semaphore, #tpu.memory_space<semaphore_mem>>)
      } else {
      }
      %eq3A_49 = arith.constant 1 : i32
      %eq3A_50 = arith.cmpi eq, %rem3A_46, %eq3A_49 : i32
      %convert_element_type3A_51 = arith.extui %eq3A_50 : i1 to i32
      %cond3A_52 = arith.constant 0 : i32
      %cond3A_53 = arith.cmpi ne, %convert_element_type3A_51, %cond3A_52 : i32
      scf.if %cond3A_53 {
        %ge3A = arith.constant 3 : i32
        %ge3A_64 = arith.cmpi sge, %scan3A_44, %ge3A : i32
        %convert_element_type3A_65 = arith.extui %ge3A_64 : i1 to i32
        %cond3A_66 = arith.constant 0 : i32
        %cond3A_67 = arith.cmpi ne, %convert_element_type3A_65, %cond3A_66 : i32
        scf.if %cond3A_67 {
          tpu.wait_dma2 semaphore(%arg12 : memref<!tpu.dma_semaphore, #tpu.memory_space<semaphore_mem>>) src(%arg4 : memref<512x16xf32, #tpu.memory_space<hbm>>) dst(%arg7 : memref<512x16xf32, #tpu.memory_space<vmem>>)
        } else {
        }
        %dma_wait3A_68 = arith.constant 0 : i32
        %dma_wait3A_69 = arith.constant 0 : i32
        %dma_wait3A_70 = tpu.memref_slice %arg6[%dma_wait3A_68, %dma_wait3A_69] : memref<4x512xi32, #tpu.memory_space<vmem>> -> memref<1x512xi32, #tpu.memory_space<vmem>>
        %dma_wait3A_71 = tpu.memref_squeeze %dma_wait3A_70 : memref<1x512xi32, #tpu.memory_space<vmem>> -> memref<512xi32, #tpu.memory_space<vmem>>
        %dma_wait3A_72 = arith.constant 0 : i32
        %dma_wait3A_73 = tpu.memref_slice %arg2[%scan3A_20, %dma_wait3A_72] : memref<6272x512xi32, #tpu.memory_space<hbm>> -> memref<1x512xi32, #tpu.memory_space<hbm>>
        %dma_wait3A_74 = tpu.memref_squeeze %dma_wait3A_73 : memref<1x512xi32, #tpu.memory_space<hbm>> -> memref<512xi32, #tpu.memory_space<hbm>>
        %dma_wait3A_75 = arith.constant 0 : i32
        %dma_wait3A_76 = tpu.memref_slice %arg6[%dma_wait3A_68, %dma_wait3A_75] : memref<4x512xi32, #tpu.memory_space<vmem>> -> memref<1x512xi32, #tpu.memory_space<vmem>>
        %dma_wait3A_77 = tpu.memref_squeeze %dma_wait3A_76 : memref<1x512xi32, #tpu.memory_space<vmem>> -> memref<512xi32, #tpu.memory_space<vmem>>
        %dma_wait3A_78 = arith.constant 0 : i32
        %dma_wait3A_79 = tpu.memref_slice %arg2[%scan3A_20, %dma_wait3A_78] : memref<6272x512xi32, #tpu.memory_space<hbm>> -> memref<1x512xi32, #tpu.memory_space<hbm>>
        %dma_wait3A_80 = tpu.memref_squeeze %dma_wait3A_79 : memref<1x512xi32, #tpu.memory_space<hbm>> -> memref<512xi32, #tpu.memory_space<hbm>>
        tpu.wait_dma2 semaphore(%arg9 : memref<!tpu.dma_semaphore, #tpu.memory_space<semaphore_mem>>) src(%dma_wait3A_80 : memref<512xi32, #tpu.memory_space<hbm>>) dst(%dma_wait3A_77 : memref<512xi32, #tpu.memory_space<vmem>>)
        %dma_start3A_81 = arith.constant 1 : i32
        %dma_start3A_82 = arith.constant 0 : i32
        %dma_start3A_83 = tpu.memref_slice %arg6[%dma_start3A_81, %dma_start3A_82] : memref<4x512xi32, #tpu.memory_space<vmem>> -> memref<1x512xi32, #tpu.memory_space<vmem>>
        %dma_start3A_84 = tpu.memref_squeeze %dma_start3A_83 : memref<1x512xi32, #tpu.memory_space<vmem>> -> memref<512xi32, #tpu.memory_space<vmem>>
        %dma_start3A_85 = arith.constant 0 : i32
        %dma_start3A_86 = arith.constant 0 : i32
        %dma_start3A_87 = tpu.memref_slice %arg8[%dma_start3A_85, %dma_start3A_86] : memref<100096x16xf32, #tpu.memory_space<vmem_shared>> -> memref<100096x16xf32, #tpu.memory_space<vmem_shared>>
        tpu.enqueue_indirect_dma source(%arg7 : memref<512x16xf32, #tpu.memory_space<vmem>>) target(%dma_start3A_87 : memref<100096x16xf32, #tpu.memory_space<vmem_shared>>) offsets(%dma_start3A_84 : memref<512xi32, #tpu.memory_space<vmem>>) semaphore(%arg11 : memref<!tpu.dma_semaphore, #tpu.memory_space<semaphore_mem>>) {add = true}
        %add3A_88 = arith.constant 1 : i32
        %add3A_89 = arith.addi %scan3A_44, %add3A_88 : i32
        %min3A_90 = arith.constant 195 : i32
        %min3A_91 = arith.minsi %add3A_89, %min3A_90 : i32
        %add3A_92 = arith.addi %mul3A_4, %min3A_91 : i32
        %rem3A_93 = arith.constant 4 : i32
        %rem3A_94 = arith.remsi %min3A_91, %rem3A_93 : i32
        %dma_start3A_95 = arith.constant 0 : i32
        %dma_start3A_96 = tpu.memref_slice %arg6[%rem3A_94, %dma_start3A_95] : memref<4x512xi32, #tpu.memory_space<vmem>> -> memref<1x512xi32, #tpu.memory_space<vmem>>
        %dma_start3A_97 = tpu.memref_squeeze %dma_start3A_96 : memref<1x512xi32, #tpu.memory_space<vmem>> -> memref<512xi32, #tpu.memory_space<vmem>>
        %dma_start3A_98 = arith.constant 0 : i32
        %dma_start3A_99 = tpu.memref_slice %arg2[%add3A_92, %dma_start3A_98] : memref<6272x512xi32, #tpu.memory_space<hbm>> -> memref<1x512xi32, #tpu.memory_space<hbm>>
        %dma_start3A_100 = tpu.memref_squeeze %dma_start3A_99 : memref<1x512xi32, #tpu.memory_space<hbm>> -> memref<512xi32, #tpu.memory_space<hbm>>
        %dma_start3A_101 = arith.constant 0 : i32
        %dma_start3A_102 = tpu.memref_slice %arg6[%rem3A_94, %dma_start3A_101] : memref<4x512xi32, #tpu.memory_space<vmem>> -> memref<1x512xi32, #tpu.memory_space<vmem>>
        %dma_start3A_103 = tpu.memref_squeeze %dma_start3A_102 : memref<1x512xi32, #tpu.memory_space<vmem>> -> memref<512xi32, #tpu.memory_space<vmem>>
        %dma_start3A_104 = arith.constant 0 : i32
        %dma_start3A_105 = tpu.memref_slice %arg2[%add3A_92, %dma_start3A_104] : memref<6272x512xi32, #tpu.memory_space<hbm>> -> memref<1x512xi32, #tpu.memory_space<hbm>>
        %dma_start3A_106 = tpu.memref_squeeze %dma_start3A_105 : memref<1x512xi32, #tpu.memory_space<hbm>> -> memref<512xi32, #tpu.memory_space<hbm>>
        tpu.enqueue_dma source(%dma_start3A_106 : memref<512xi32, #tpu.memory_space<hbm>>) target(%dma_start3A_103 : memref<512xi32, #tpu.memory_space<vmem>>) target_semaphore(%arg9 : memref<!tpu.dma_semaphore, #tpu.memory_space<semaphore_mem>>)
      } else {
      }
      %eq3A_54 = arith.constant 2 : i32
      %eq3A_55 = arith.cmpi eq, %rem3A_46, %eq3A_54 : i32
      %convert_element_type3A_56 = arith.extui %eq3A_55 : i1 to i32
      %cond3A_57 = arith.constant 0 : i32
      %cond3A_58 = arith.cmpi ne, %convert_element_type3A_56, %cond3A_57 : i32
      scf.if %cond3A_58 {
        %ge3A = arith.constant 3 : i32
        %ge3A_64 = arith.cmpi sge, %scan3A_44, %ge3A : i32
        %convert_element_type3A_65 = arith.extui %ge3A_64 : i1 to i32
        %cond3A_66 = arith.constant 0 : i32
        %cond3A_67 = arith.cmpi ne, %convert_element_type3A_65, %cond3A_66 : i32
        scf.if %cond3A_67 {
          tpu.wait_dma2 semaphore(%arg13 : memref<!tpu.dma_semaphore, #tpu.memory_space<semaphore_mem>>) src(%arg4 : memref<512x16xf32, #tpu.memory_space<hbm>>) dst(%arg7 : memref<512x16xf32, #tpu.memory_space<vmem>>)
        } else {
        }
        %dma_wait3A_68 = arith.constant 0 : i32
        %dma_wait3A_69 = arith.constant 0 : i32
        %dma_wait3A_70 = tpu.memref_slice %arg6[%dma_wait3A_68, %dma_wait3A_69] : memref<4x512xi32, #tpu.memory_space<vmem>> -> memref<1x512xi32, #tpu.memory_space<vmem>>
        %dma_wait3A_71 = tpu.memref_squeeze %dma_wait3A_70 : memref<1x512xi32, #tpu.memory_space<vmem>> -> memref<512xi32, #tpu.memory_space<vmem>>
        %dma_wait3A_72 = arith.constant 0 : i32
        %dma_wait3A_73 = tpu.memref_slice %arg2[%scan3A_20, %dma_wait3A_72] : memref<6272x512xi32, #tpu.memory_space<hbm>> -> memref<1x512xi32, #tpu.memory_space<hbm>>
        %dma_wait3A_74 = tpu.memref_squeeze %dma_wait3A_73 : memref<1x512xi32, #tpu.memory_space<hbm>> -> memref<512xi32, #tpu.memory_space<hbm>>
        %dma_wait3A_75 = arith.constant 0 : i32
        %dma_wait3A_76 = tpu.memref_slice %arg6[%dma_wait3A_68, %dma_wait3A_75] : memref<4x512xi32, #tpu.memory_space<vmem>> -> memref<1x512xi32, #tpu.memory_space<vmem>>
        %dma_wait3A_77 = tpu.memref_squeeze %dma_wait3A_76 : memref<1x512xi32, #tpu.memory_space<vmem>> -> memref<512xi32, #tpu.memory_space<vmem>>
        %dma_wait3A_78 = arith.constant 0 : i32
        %dma_wait3A_79 = tpu.memref_slice %arg2[%scan3A_20, %dma_wait3A_78] : memref<6272x512xi32, #tpu.memory_space<hbm>> -> memref<1x512xi32, #tpu.memory_space<hbm>>
        %dma_wait3A_80 = tpu.memref_squeeze %dma_wait3A_79 : memref<1x512xi32, #tpu.memory_space<hbm>> -> memref<512xi32, #tpu.memory_space<hbm>>
        tpu.wait_dma2 semaphore(%arg9 : memref<!tpu.dma_semaphore, #tpu.memory_space<semaphore_mem>>) src(%dma_wait3A_80 : memref<512xi32, #tpu.memory_space<hbm>>) dst(%dma_wait3A_77 : memref<512xi32, #tpu.memory_space<vmem>>)
        %dma_start3A_81 = arith.constant 2 : i32
        %dma_start3A_82 = arith.constant 0 : i32
        %dma_start3A_83 = tpu.memref_slice %arg6[%dma_start3A_81, %dma_start3A_82] : memref<4x512xi32, #tpu.memory_space<vmem>> -> memref<1x512xi32, #tpu.memory_space<vmem>>
        %dma_start3A_84 = tpu.memref_squeeze %dma_start3A_83 : memref<1x512xi32, #tpu.memory_space<vmem>> -> memref<512xi32, #tpu.memory_space<vmem>>
        %dma_start3A_85 = arith.constant 0 : i32
        %dma_start3A_86 = arith.constant 0 : i32
        %dma_start3A_87 = tpu.memref_slice %arg8[%dma_start3A_85, %dma_start3A_86] : memref<100096x16xf32, #tpu.memory_space<vmem_shared>> -> memref<100096x16xf32, #tpu.memory_space<vmem_shared>>
        tpu.enqueue_indirect_dma source(%arg7 : memref<512x16xf32, #tpu.memory_space<vmem>>) target(%dma_start3A_87 : memref<100096x16xf32, #tpu.memory_space<vmem_shared>>) offsets(%dma_start3A_84 : memref<512xi32, #tpu.memory_space<vmem>>) semaphore(%arg12 : memref<!tpu.dma_semaphore, #tpu.memory_space<semaphore_mem>>) {add = true}
        %add3A_88 = arith.constant 1 : i32
        %add3A_89 = arith.addi %scan3A_44, %add3A_88 : i32
        %min3A_90 = arith.constant 195 : i32
        %min3A_91 = arith.minsi %add3A_89, %min3A_90 : i32
        %add3A_92 = arith.addi %mul3A_4, %min3A_91 : i32
        %rem3A_93 = arith.constant 4 : i32
        %rem3A_94 = arith.remsi %min3A_91, %rem3A_93 : i32
        %dma_start3A_95 = arith.constant 0 : i32
        %dma_start3A_96 = tpu.memref_slice %arg6[%rem3A_94, %dma_start3A_95] : memref<4x512xi32, #tpu.memory_space<vmem>> -> memref<1x512xi32, #tpu.memory_space<vmem>>
        %dma_start3A_97 = tpu.memref_squeeze %dma_start3A_96 : memref<1x512xi32, #tpu.memory_space<vmem>> -> memref<512xi32, #tpu.memory_space<vmem>>
        %dma_start3A_98 = arith.constant 0 : i32
        %dma_start3A_99 = tpu.memref_slice %arg2[%add3A_92, %dma_start3A_98] : memref<6272x512xi32, #tpu.memory_space<hbm>> -> memref<1x512xi32, #tpu.memory_space<hbm>>
        %dma_start3A_100 = tpu.memref_squeeze %dma_start3A_99 : memref<1x512xi32, #tpu.memory_space<hbm>> -> memref<512xi32, #tpu.memory_space<hbm>>
        %dma_start3A_101 = arith.constant 0 : i32
        %dma_start3A_102 = tpu.memref_slice %arg6[%rem3A_94, %dma_start3A_101] : memref<4x512xi32, #tpu.memory_space<vmem>> -> memref<1x512xi32, #tpu.memory_space<vmem>>
        %dma_start3A_103 = tpu.memref_squeeze %dma_start3A_102 : memref<1x512xi32, #tpu.memory_space<vmem>> -> memref<512xi32, #tpu.memory_space<vmem>>
        %dma_start3A_104 = arith.constant 0 : i32
        %dma_start3A_105 = tpu.memref_slice %arg2[%add3A_92, %dma_start3A_104] : memref<6272x512xi32, #tpu.memory_space<hbm>> -> memref<1x512xi32, #tpu.memory_space<hbm>>
        %dma_start3A_106 = tpu.memref_squeeze %dma_start3A_105 : memref<1x512xi32, #tpu.memory_space<hbm>> -> memref<512xi32, #tpu.memory_space<hbm>>
        tpu.enqueue_dma source(%dma_start3A_106 : memref<512xi32, #tpu.memory_space<hbm>>) target(%dma_start3A_103 : memref<512xi32, #tpu.memory_space<vmem>>) target_semaphore(%arg9 : memref<!tpu.dma_semaphore, #tpu.memory_space<semaphore_mem>>)
      } else {
      }
      %eq3A_59 = arith.constant 3 : i32
      %eq3A_60 = arith.cmpi eq, %rem3A_46, %eq3A_59 : i32
      %convert_element_type3A_61 = arith.extui %eq3A_60 : i1 to i32
      %cond3A_62 = arith.constant 0 : i32
      %cond3A_63 = arith.cmpi ne, %convert_element_type3A_61, %cond3A_62 : i32
      scf.if %cond3A_63 {
        %ge3A = arith.constant 3 : i32
        %ge3A_64 = arith.cmpi sge, %scan3A_44, %ge3A : i32
        %convert_element_type3A_65 = arith.extui %ge3A_64 : i1 to i32
        %cond3A_66 = arith.constant 0 : i32
        %cond3A_67 = arith.cmpi ne, %convert_element_type3A_65, %cond3A_66 : i32
        scf.if %cond3A_67 {
          tpu.wait_dma2 semaphore(%arg10 : memref<!tpu.dma_semaphore, #tpu.memory_space<semaphore_mem>>) src(%arg4 : memref<512x16xf32, #tpu.memory_space<hbm>>) dst(%arg7 : memref<512x16xf32, #tpu.memory_space<vmem>>)
        } else {
        }
        %dma_wait3A_68 = arith.constant 0 : i32
        %dma_wait3A_69 = arith.constant 0 : i32
        %dma_wait3A_70 = tpu.memref_slice %arg6[%dma_wait3A_68, %dma_wait3A_69] : memref<4x512xi32, #tpu.memory_space<vmem>> -> memref<1x512xi32, #tpu.memory_space<vmem>>
        %dma_wait3A_71 = tpu.memref_squeeze %dma_wait3A_70 : memref<1x512xi32, #tpu.memory_space<vmem>> -> memref<512xi32, #tpu.memory_space<vmem>>
        %dma_wait3A_72 = arith.constant 0 : i32
        %dma_wait3A_73 = tpu.memref_slice %arg2[%scan3A_20, %dma_wait3A_72] : memref<6272x512xi32, #tpu.memory_space<hbm>> -> memref<1x512xi32, #tpu.memory_space<hbm>>
        %dma_wait3A_74 = tpu.memref_squeeze %dma_wait3A_73 : memref<1x512xi32, #tpu.memory_space<hbm>> -> memref<512xi32, #tpu.memory_space<hbm>>
        %dma_wait3A_75 = arith.constant 0 : i32
        %dma_wait3A_76 = tpu.memref_slice %arg6[%dma_wait3A_68, %dma_wait3A_75] : memref<4x512xi32, #tpu.memory_space<vmem>> -> memref<1x512xi32, #tpu.memory_space<vmem>>
        %dma_wait3A_77 = tpu.memref_squeeze %dma_wait3A_76 : memref<1x512xi32, #tpu.memory_space<vmem>> -> memref<512xi32, #tpu.memory_space<vmem>>
        %dma_wait3A_78 = arith.constant 0 : i32
        %dma_wait3A_79 = tpu.memref_slice %arg2[%scan3A_20, %dma_wait3A_78] : memref<6272x512xi32, #tpu.memory_space<hbm>> -> memref<1x512xi32, #tpu.memory_space<hbm>>
        %dma_wait3A_80 = tpu.memref_squeeze %dma_wait3A_79 : memref<1x512xi32, #tpu.memory_space<hbm>> -> memref<512xi32, #tpu.memory_space<hbm>>
        tpu.wait_dma2 semaphore(%arg9 : memref<!tpu.dma_semaphore, #tpu.memory_space<semaphore_mem>>) src(%dma_wait3A_80 : memref<512xi32, #tpu.memory_space<hbm>>) dst(%dma_wait3A_77 : memref<512xi32, #tpu.memory_space<vmem>>)
        %dma_start3A_81 = arith.constant 3 : i32
        %dma_start3A_82 = arith.constant 0 : i32
        %dma_start3A_83 = tpu.memref_slice %arg6[%dma_start3A_81, %dma_start3A_82] : memref<4x512xi32, #tpu.memory_space<vmem>> -> memref<1x512xi32, #tpu.memory_space<vmem>>
        %dma_start3A_84 = tpu.memref_squeeze %dma_start3A_83 : memref<1x512xi32, #tpu.memory_space<vmem>> -> memref<512xi32, #tpu.memory_space<vmem>>
        %dma_start3A_85 = arith.constant 0 : i32
        %dma_start3A_86 = arith.constant 0 : i32
        %dma_start3A_87 = tpu.memref_slice %arg8[%dma_start3A_85, %dma_start3A_86] : memref<100096x16xf32, #tpu.memory_space<vmem_shared>> -> memref<100096x16xf32, #tpu.memory_space<vmem_shared>>
        tpu.enqueue_indirect_dma source(%arg7 : memref<512x16xf32, #tpu.memory_space<vmem>>) target(%dma_start3A_87 : memref<100096x16xf32, #tpu.memory_space<vmem_shared>>) offsets(%dma_start3A_84 : memref<512xi32, #tpu.memory_space<vmem>>) semaphore(%arg13 : memref<!tpu.dma_semaphore, #tpu.memory_space<semaphore_mem>>) {add = true}
        %add3A_88 = arith.constant 1 : i32
        %add3A_89 = arith.addi %scan3A_44, %add3A_88 : i32
        %min3A_90 = arith.constant 195 : i32
        %min3A_91 = arith.minsi %add3A_89, %min3A_90 : i32
        %add3A_92 = arith.addi %mul3A_4, %min3A_91 : i32
        %rem3A_93 = arith.constant 4 : i32
        %rem3A_94 = arith.remsi %min3A_91, %rem3A_93 : i32
        %dma_start3A_95 = arith.constant 0 : i32
        %dma_start3A_96 = tpu.memref_slice %arg6[%rem3A_94, %dma_start3A_95] : memref<4x512xi32, #tpu.memory_space<vmem>> -> memref<1x512xi32, #tpu.memory_space<vmem>>
        %dma_start3A_97 = tpu.memref_squeeze %dma_start3A_96 : memref<1x512xi32, #tpu.memory_space<vmem>> -> memref<512xi32, #tpu.memory_space<vmem>>
        %dma_start3A_98 = arith.constant 0 : i32
        %dma_start3A_99 = tpu.memref_slice %arg2[%add3A_92, %dma_start3A_98] : memref<6272x512xi32, #tpu.memory_space<hbm>> -> memref<1x512xi32, #tpu.memory_space<hbm>>
        %dma_start3A_100 = tpu.memref_squeeze %dma_start3A_99 : memref<1x512xi32, #tpu.memory_space<hbm>> -> memref<512xi32, #tpu.memory_space<hbm>>
        %dma_start3A_101 = arith.constant 0 : i32
        %dma_start3A_102 = tpu.memref_slice %arg6[%rem3A_94, %dma_start3A_101] : memref<4x512xi32, #tpu.memory_space<vmem>> -> memref<1x512xi32, #tpu.memory_space<vmem>>
        %dma_start3A_103 = tpu.memref_squeeze %dma_start3A_102 : memref<1x512xi32, #tpu.memory_space<vmem>> -> memref<512xi32, #tpu.memory_space<vmem>>
        %dma_start3A_104 = arith.constant 0 : i32
        %dma_start3A_105 = tpu.memref_slice %arg2[%add3A_92, %dma_start3A_104] : memref<6272x512xi32, #tpu.memory_space<hbm>> -> memref<1x512xi32, #tpu.memory_space<hbm>>
        %dma_start3A_106 = tpu.memref_squeeze %dma_start3A_105 : memref<1x512xi32, #tpu.memory_space<hbm>> -> memref<512xi32, #tpu.memory_space<hbm>>
        tpu.enqueue_dma source(%dma_start3A_106 : memref<512xi32, #tpu.memory_space<hbm>>) target(%dma_start3A_103 : memref<512xi32, #tpu.memory_space<vmem>>) target_semaphore(%arg9 : memref<!tpu.dma_semaphore, #tpu.memory_space<semaphore_mem>>)
      } else {
      }
    }
    %scan3A_25 = arith.constant 196 : i32
    %dma_wait3A = arith.constant 0 : i32
    %dma_wait3A_26 = arith.constant 0 : i32
    %dma_wait3A_27 = arith.constant 0 : i32
    %dma_wait3A_28 = tpu.memref_slice %arg6[%dma_wait3A_26, %dma_wait3A_27] : memref<4x512xi32, #tpu.memory_space<vmem>> -> memref<1x512xi32, #tpu.memory_space<vmem>>
    %dma_wait3A_29 = tpu.memref_squeeze %dma_wait3A_28 : memref<1x512xi32, #tpu.memory_space<vmem>> -> memref<512xi32, #tpu.memory_space<vmem>>
    %dma_wait3A_30 = arith.constant 0 : i32
    %dma_wait3A_31 = tpu.memref_slice %arg2[%dma_wait3A, %dma_wait3A_30] : memref<6272x512xi32, #tpu.memory_space<hbm>> -> memref<1x512xi32, #tpu.memory_space<hbm>>
    %dma_wait3A_32 = tpu.memref_squeeze %dma_wait3A_31 : memref<1x512xi32, #tpu.memory_space<hbm>> -> memref<512xi32, #tpu.memory_space<hbm>>
    %dma_wait3A_33 = arith.constant 0 : i32
    %dma_wait3A_34 = tpu.memref_slice %arg6[%dma_wait3A_26, %dma_wait3A_33] : memref<4x512xi32, #tpu.memory_space<vmem>> -> memref<1x512xi32, #tpu.memory_space<vmem>>
    %dma_wait3A_35 = tpu.memref_squeeze %dma_wait3A_34 : memref<1x512xi32, #tpu.memory_space<vmem>> -> memref<512xi32, #tpu.memory_space<vmem>>
    %dma_wait3A_36 = arith.constant 0 : i32
    %dma_wait3A_37 = tpu.memref_slice %arg2[%dma_wait3A, %dma_wait3A_36] : memref<6272x512xi32, #tpu.memory_space<hbm>> -> memref<1x512xi32, #tpu.memory_space<hbm>>
    %dma_wait3A_38 = tpu.memref_squeeze %dma_wait3A_37 : memref<1x512xi32, #tpu.memory_space<hbm>> -> memref<512xi32, #tpu.memory_space<hbm>>
    tpu.wait_dma2 semaphore(%arg9 : memref<!tpu.dma_semaphore, #tpu.memory_space<semaphore_mem>>) src(%dma_wait3A_38 : memref<512xi32, #tpu.memory_space<hbm>>) dst(%dma_wait3A_35 : memref<512xi32, #tpu.memory_space<vmem>>)
    tpu.wait_dma2 semaphore(%arg11 : memref<!tpu.dma_semaphore, #tpu.memory_space<semaphore_mem>>) src(%arg4 : memref<512x16xf32, #tpu.memory_space<hbm>>) dst(%arg7 : memref<512x16xf32, #tpu.memory_space<vmem>>)
    tpu.wait_dma2 semaphore(%arg12 : memref<!tpu.dma_semaphore, #tpu.memory_space<semaphore_mem>>) src(%arg4 : memref<512x16xf32, #tpu.memory_space<hbm>>) dst(%arg7 : memref<512x16xf32, #tpu.memory_space<vmem>>)
    tpu.wait_dma2 semaphore(%arg13 : memref<!tpu.dma_semaphore, #tpu.memory_space<semaphore_mem>>) src(%arg4 : memref<512x16xf32, #tpu.memory_space<hbm>>) dst(%arg7 : memref<512x16xf32, #tpu.memory_space<vmem>>)
    %barrier3A_39 = arith.constant 0 : index
    tpu.barrier barrier_id(%barrier3A_39)
    %mul3A_40 = arith.constant 6256 : i32
    %mul3A_41 = arith.muli %arg1, %mul3A_40 : i32
    %mul3A_42 = arith.constant 6256 : i32
    %mul3A_43 = arith.muli %arg1, %mul3A_42 : i32
    "tpu.region"() ({
      %run_scoped3A = tpu.sem_alloc : memref<!tpu.dma_semaphore, #tpu.memory_space<semaphore_mem>>
      %dma_start3A_44 = arith.constant 0 : i32
      %dma_start3A_45 = tpu.memref_slice %arg5[%arg0, %mul3A_43, %dma_start3A_44] : memref<2x100096x16xf32, #tpu.memory_space<hbm>> -> memref<1x6256x16xf32, #tpu.memory_space<hbm>>
      %dma_start3A_46 = tpu.memref_squeeze %dma_start3A_45 : memref<1x6256x16xf32, #tpu.memory_space<hbm>> -> memref<6256x16xf32, #tpu.memory_space<hbm>>
      %dma_start3A_47 = arith.constant 0 : i32
      %dma_start3A_48 = tpu.memref_slice %arg8[%mul3A_41, %dma_start3A_47] : memref<100096x16xf32, #tpu.memory_space<vmem_shared>> -> memref<6256x16xf32, #tpu.memory_space<vmem_shared>>
      tpu.enqueue_dma source(%dma_start3A_48 : memref<6256x16xf32, #tpu.memory_space<vmem_shared>>) target(%dma_start3A_46 : memref<6256x16xf32, #tpu.memory_space<hbm>>) target_semaphore(%run_scoped3A : memref<!tpu.dma_semaphore, #tpu.memory_space<semaphore_mem>>)
      %dma_wait3A_49 = arith.constant 0 : i32
      %dma_wait3A_50 = tpu.memref_slice %arg5[%arg0, %mul3A_43, %dma_wait3A_49] : memref<2x100096x16xf32, #tpu.memory_space<hbm>> -> memref<1x6256x16xf32, #tpu.memory_space<hbm>>
      %dma_wait3A_51 = tpu.memref_squeeze %dma_wait3A_50 : memref<1x6256x16xf32, #tpu.memory_space<hbm>> -> memref<6256x16xf32, #tpu.memory_space<hbm>>
      %dma_wait3A_52 = arith.constant 0 : i32
      %dma_wait3A_53 = tpu.memref_slice %arg8[%mul3A_41, %dma_wait3A_52] : memref<100096x16xf32, #tpu.memory_space<vmem_shared>> -> memref<6256x16xf32, #tpu.memory_space<vmem_shared>>
      tpu.wait_dma2 semaphore(%run_scoped3A : memref<!tpu.dma_semaphore, #tpu.memory_space<semaphore_mem>>) src(%dma_wait3A_53 : memref<6256x16xf32, #tpu.memory_space<vmem_shared>>) dst(%dma_wait3A_51 : memref<6256x16xf32, #tpu.memory_space<hbm>>)
      tpu.yield
    }) : () -> ()
    return
  }
}

#map = affine_map<(d0, d1) -> (0, 0)>
#map1 = affine_map<(d0, d1) -> (0, 0, 0)>
module attributes {stable_mosaic.version = 14 : i64} {
  func.func @_agg_body(%arg0: i32, %arg1: i32, %arg2: memref<100000x16xf32, #tpu.memory_space<hbm>>, %arg3: memref<6272x512xi32, #tpu.memory_space<hbm>>, %arg4: memref<6272x512xi32, #tpu.memory_space<hbm>>, %arg5: memref<6256x16xf32, #tpu.memory_space<hbm>>, %arg6: memref<2x100096x16xf32, #tpu.memory_space<hbm>>, %arg7: memref<4x512xi32, #tpu.memory_space<vmem>>, %arg8: memref<4x512xi32, #tpu.memory_space<vmem>>, %arg9: memref<3x512x16xf32, #tpu.memory_space<vmem>>, %arg10: memref<100096x16xf32, #tpu.memory_space<vmem_shared>>, %arg11: memref<!tpu.dma_semaphore, #tpu.memory_space<semaphore_mem>>, %arg12: memref<!tpu.dma_semaphore, #tpu.memory_space<semaphore_mem>>, %arg13: memref<!tpu.dma_semaphore, #tpu.memory_space<semaphore_mem>>, %arg14: memref<!tpu.dma_semaphore, #tpu.memory_space<semaphore_mem>>, %arg15: memref<!tpu.dma_semaphore, #tpu.memory_space<semaphore_mem>>, %arg16: memref<!tpu.dma_semaphore, #tpu.memory_space<semaphore_mem>>, %arg17: memref<!tpu.dma_semaphore, #tpu.memory_space<semaphore_mem>>) attributes {dimension_semantics = [#tpu.dimension_semantics<core_parallel>, #tpu.dimension_semantics<subcore_parallel>], iteration_bounds = array<i64: 2, 16>, scalar_prefetch = 0 : i64, scratch_operands = 11 : i64, tpu.core_type = #tpu.core_type<sc_vector_subcore>, window_params = [{transform_indices = #map}, {transform_indices = #map}, {transform_indices = #map}, {transform_indices = #map}, {transform_indices = #map1}]} {
    %mul3A = arith.constant 2 : i32
    %mul3A_0 = arith.muli %arg1, %mul3A : i32
    %add3A = arith.addi %mul3A_0, %arg0 : i32
    %mul3A_1 = arith.constant 6256 : i32
    %mul3A_2 = arith.muli %arg1, %mul3A_1 : i32
    "tpu.region"() ({
      %run_scoped3A = tpu.sem_alloc : memref<!tpu.dma_semaphore, #tpu.memory_space<semaphore_mem>>
      %dma_start3A_116 = arith.constant 0 : i32
      %dma_start3A_117 = tpu.memref_slice %arg10[%mul3A_2, %dma_start3A_116] : memref<100096x16xf32, #tpu.memory_space<vmem_shared>> -> memref<6256x16xf32, #tpu.memory_space<vmem_shared>>
      tpu.enqueue_dma source(%arg5 : memref<6256x16xf32, #tpu.memory_space<hbm>>) target(%dma_start3A_117 : memref<6256x16xf32, #tpu.memory_space<vmem_shared>>) target_semaphore(%run_scoped3A : memref<!tpu.dma_semaphore, #tpu.memory_space<semaphore_mem>>)
      %dma_wait3A_118 = arith.constant 0 : i32
      %dma_wait3A_119 = tpu.memref_slice %arg10[%mul3A_2, %dma_wait3A_118] : memref<100096x16xf32, #tpu.memory_space<vmem_shared>> -> memref<6256x16xf32, #tpu.memory_space<vmem_shared>>
      tpu.wait_dma2 semaphore(%run_scoped3A : memref<!tpu.dma_semaphore, #tpu.memory_space<semaphore_mem>>) src(%arg5 : memref<6256x16xf32, #tpu.memory_space<hbm>>) dst(%dma_wait3A_119 : memref<6256x16xf32, #tpu.memory_space<vmem_shared>>)
      tpu.yield
    }) : () -> ()
    %barrier3A = arith.constant 0 : index
    tpu.barrier barrier_id(%barrier3A)
    %mul3A_3 = arith.constant 196 : i32
    %mul3A_4 = arith.muli %add3A, %mul3A_3 : i32
    %min3A = arith.constant 0 : i32
    %min3A_5 = arith.constant 195 : i32
    %min3A_6 = arith.minsi %min3A, %min3A_5 : i32
    %rem3A = arith.constant 4 : i32
    %rem3A_7 = arith.remsi %min3A_6, %rem3A : i32
    %add3A_8 = arith.addi %mul3A_4, %min3A_6 : i32
    %dma_start3A = arith.constant 0 : i32
    %dma_start3A_9 = tpu.memref_slice %arg7[%rem3A_7, %dma_start3A] : memref<4x512xi32, #tpu.memory_space<vmem>> -> memref<1x512xi32, #tpu.memory_space<vmem>>
    %dma_start3A_10 = tpu.memref_squeeze %dma_start3A_9 : memref<1x512xi32, #tpu.memory_space<vmem>> -> memref<512xi32, #tpu.memory_space<vmem>>
    %dma_start3A_11 = arith.constant 0 : i32
    %dma_start3A_12 = tpu.memref_slice %arg3[%add3A_8, %dma_start3A_11] : memref<6272x512xi32, #tpu.memory_space<hbm>> -> memref<1x512xi32, #tpu.memory_space<hbm>>
    %dma_start3A_13 = tpu.memref_squeeze %dma_start3A_12 : memref<1x512xi32, #tpu.memory_space<hbm>> -> memref<512xi32, #tpu.memory_space<hbm>>
    %dma_start3A_14 = arith.constant 0 : i32
    %dma_start3A_15 = tpu.memref_slice %arg7[%rem3A_7, %dma_start3A_14] : memref<4x512xi32, #tpu.memory_space<vmem>> -> memref<1x512xi32, #tpu.memory_space<vmem>>
    %dma_start3A_16 = tpu.memref_squeeze %dma_start3A_15 : memref<1x512xi32, #tpu.memory_space<vmem>> -> memref<512xi32, #tpu.memory_space<vmem>>
    %dma_start3A_17 = arith.constant 0 : i32
    %dma_start3A_18 = tpu.memref_slice %arg3[%add3A_8, %dma_start3A_17] : memref<6272x512xi32, #tpu.memory_space<hbm>> -> memref<1x512xi32, #tpu.memory_space<hbm>>
    %dma_start3A_19 = tpu.memref_squeeze %dma_start3A_18 : memref<1x512xi32, #tpu.memory_space<hbm>> -> memref<512xi32, #tpu.memory_space<hbm>>
    tpu.enqueue_dma source(%dma_start3A_19 : memref<512xi32, #tpu.memory_space<hbm>>) target(%dma_start3A_16 : memref<512xi32, #tpu.memory_space<vmem>>) target_semaphore(%arg11 : memref<!tpu.dma_semaphore, #tpu.memory_space<semaphore_mem>>)
    %add3A_20 = arith.addi %mul3A_4, %min3A_6 : i32
    %dma_start3A_21 = arith.constant 0 : i32
    %dma_start3A_22 = tpu.memref_slice %arg8[%rem3A_7, %dma_start3A_21] : memref<4x512xi32, #tpu.memory_space<vmem>> -> memref<1x512xi32, #tpu.memory_space<vmem>>
    %dma_start3A_23 = tpu.memref_squeeze %dma_start3A_22 : memref<1x512xi32, #tpu.memory_space<vmem>> -> memref<512xi32, #tpu.memory_space<vmem>>
    %dma_start3A_24 = arith.constant 0 : i32
    %dma_start3A_25 = tpu.memref_slice %arg4[%add3A_20, %dma_start3A_24] : memref<6272x512xi32, #tpu.memory_space<hbm>> -> memref<1x512xi32, #tpu.memory_space<hbm>>
    %dma_start3A_26 = tpu.memref_squeeze %dma_start3A_25 : memref<1x512xi32, #tpu.memory_space<hbm>> -> memref<512xi32, #tpu.memory_space<hbm>>
    %dma_start3A_27 = arith.constant 0 : i32
    %dma_start3A_28 = tpu.memref_slice %arg8[%rem3A_7, %dma_start3A_27] : memref<4x512xi32, #tpu.memory_space<vmem>> -> memref<1x512xi32, #tpu.memory_space<vmem>>
    %dma_start3A_29 = tpu.memref_squeeze %dma_start3A_28 : memref<1x512xi32, #tpu.memory_space<vmem>> -> memref<512xi32, #tpu.memory_space<vmem>>
    %dma_start3A_30 = arith.constant 0 : i32
    %dma_start3A_31 = tpu.memref_slice %arg4[%add3A_20, %dma_start3A_30] : memref<6272x512xi32, #tpu.memory_space<hbm>> -> memref<1x512xi32, #tpu.memory_space<hbm>>
    %dma_start3A_32 = tpu.memref_squeeze %dma_start3A_31 : memref<1x512xi32, #tpu.memory_space<hbm>> -> memref<512xi32, #tpu.memory_space<hbm>>
    tpu.enqueue_dma source(%dma_start3A_32 : memref<512xi32, #tpu.memory_space<hbm>>) target(%dma_start3A_29 : memref<512xi32, #tpu.memory_space<vmem>>) target_semaphore(%arg11 : memref<!tpu.dma_semaphore, #tpu.memory_space<semaphore_mem>>)
    %scan3A = arith.constant 0 : i32
    %scan3A_33 = arith.constant 0 : i32
    %scan3A_34 = arith.constant 0 : i32
    %scan3A_35 = arith.constant 197 : i32
    %scan3A_36 = arith.addi %scan3A_34, %scan3A_35 : i32
    %scan3A_37 = arith.constant 1 : i32
    scf.for %scan3A_116 = %scan3A_34 to %scan3A_36 step %scan3A_37  : i32 {
      %rem3A_117 = arith.constant 3 : i32
      %rem3A_118 = arith.remsi %scan3A_116, %rem3A_117 : i32
      %eq3A = arith.constant 0 : i32
      %eq3A_119 = arith.cmpi eq, %rem3A_118, %eq3A : i32
      %convert_element_type3A = arith.extui %eq3A_119 : i1 to i32
      %cond3A = arith.constant 0 : i32
      %cond3A_120 = arith.cmpi ne, %convert_element_type3A, %cond3A : i32
      scf.if %cond3A_120 {
        %ge3A = arith.constant 3 : i32
        %ge3A_131 = arith.cmpi sge, %scan3A_116, %ge3A : i32
        %lt3A = arith.constant 196 : i32
        %lt3A_132 = arith.cmpi slt, %scan3A_116, %lt3A : i32
        %and3A = arith.andi %ge3A_131, %lt3A_132 : i1
        %convert_element_type3A_133 = arith.extui %and3A : i1 to i32
        %cond3A_134 = arith.constant 0 : i32
        %cond3A_135 = arith.cmpi ne, %convert_element_type3A_133, %cond3A_134 : i32
        scf.if %cond3A_135 {
          %dma_wait3A_146 = arith.constant 0 : i32
          %dma_wait3A_147 = arith.constant 0 : i32
          %dma_wait3A_148 = arith.constant 0 : i32
          %dma_wait3A_149 = tpu.memref_slice %arg9[%dma_wait3A_146, %dma_wait3A_147, %dma_wait3A_148] : memref<3x512x16xf32, #tpu.memory_space<vmem>> -> memref<1x512x16xf32, #tpu.memory_space<vmem>>
          %dma_wait3A_150 = tpu.memref_squeeze %dma_wait3A_149 : memref<1x512x16xf32, #tpu.memory_space<vmem>> -> memref<512x16xf32, #tpu.memory_space<vmem>>
          %dma_wait3A_151 = arith.constant 0 : i32
          %dma_wait3A_152 = arith.constant 0 : i32
          %dma_wait3A_153 = tpu.memref_slice %arg2[%dma_wait3A_151, %dma_wait3A_152] : memref<100000x16xf32, #tpu.memory_space<hbm>> -> memref<512x16xf32, #tpu.memory_space<hbm>>
          %dma_wait3A_154 = arith.constant 0 : i32
          %dma_wait3A_155 = arith.constant 0 : i32
          %dma_wait3A_156 = tpu.memref_slice %arg9[%dma_wait3A_146, %dma_wait3A_154, %dma_wait3A_155] : memref<3x512x16xf32, #tpu.memory_space<vmem>> -> memref<1x512x16xf32, #tpu.memory_space<vmem>>
          %dma_wait3A_157 = tpu.memref_squeeze %dma_wait3A_156 : memref<1x512x16xf32, #tpu.memory_space<vmem>> -> memref<512x16xf32, #tpu.memory_space<vmem>>
          %dma_wait3A_158 = arith.constant 0 : i32
          %dma_wait3A_159 = arith.constant 0 : i32
          %dma_wait3A_160 = tpu.memref_slice %arg2[%dma_wait3A_158, %dma_wait3A_159] : memref<100000x16xf32, #tpu.memory_space<hbm>> -> memref<512x16xf32, #tpu.memory_space<hbm>>
          tpu.wait_dma2 semaphore(%arg15 : memref<!tpu.dma_semaphore, #tpu.memory_space<semaphore_mem>>) src(%dma_wait3A_160 : memref<512x16xf32, #tpu.memory_space<hbm>>) dst(%dma_wait3A_157 : memref<512x16xf32, #tpu.memory_space<vmem>>)
        } else {
        }
        %lt3A_136 = arith.constant 196 : i32
        %lt3A_137 = arith.cmpi slt, %scan3A_116, %lt3A_136 : i32
        %convert_element_type3A_138 = arith.extui %lt3A_137 : i1 to i32
        %cond3A_139 = arith.constant 0 : i32
        %cond3A_140 = arith.cmpi ne, %convert_element_type3A_138, %cond3A_139 : i32
        scf.if %cond3A_140 {
          %dma_wait3A_146 = arith.constant 0 : i32
          %dma_wait3A_147 = arith.constant 0 : i32
          %dma_wait3A_148 = tpu.memref_slice %arg7[%dma_wait3A_146, %dma_wait3A_147] : memref<4x512xi32, #tpu.memory_space<vmem>> -> memref<1x512xi32, #tpu.memory_space<vmem>>
          %dma_wait3A_149 = tpu.memref_squeeze %dma_wait3A_148 : memref<1x512xi32, #tpu.memory_space<vmem>> -> memref<512xi32, #tpu.memory_space<vmem>>
          %dma_wait3A_150 = arith.constant 0 : i32
          %dma_wait3A_151 = tpu.memref_slice %arg3[%scan3A_33, %dma_wait3A_150] : memref<6272x512xi32, #tpu.memory_space<hbm>> -> memref<1x512xi32, #tpu.memory_space<hbm>>
          %dma_wait3A_152 = tpu.memref_squeeze %dma_wait3A_151 : memref<1x512xi32, #tpu.memory_space<hbm>> -> memref<512xi32, #tpu.memory_space<hbm>>
          %dma_wait3A_153 = arith.constant 0 : i32
          %dma_wait3A_154 = tpu.memref_slice %arg7[%dma_wait3A_146, %dma_wait3A_153] : memref<4x512xi32, #tpu.memory_space<vmem>> -> memref<1x512xi32, #tpu.memory_space<vmem>>
          %dma_wait3A_155 = tpu.memref_squeeze %dma_wait3A_154 : memref<1x512xi32, #tpu.memory_space<vmem>> -> memref<512xi32, #tpu.memory_space<vmem>>
          %dma_wait3A_156 = arith.constant 0 : i32
          %dma_wait3A_157 = tpu.memref_slice %arg3[%scan3A_33, %dma_wait3A_156] : memref<6272x512xi32, #tpu.memory_space<hbm>> -> memref<1x512xi32, #tpu.memory_space<hbm>>
          %dma_wait3A_158 = tpu.memref_squeeze %dma_wait3A_157 : memref<1x512xi32, #tpu.memory_space<hbm>> -> memref<512xi32, #tpu.memory_space<hbm>>
          tpu.wait_dma2 semaphore(%arg11 : memref<!tpu.dma_semaphore, #tpu.memory_space<semaphore_mem>>) src(%dma_wait3A_158 : memref<512xi32, #tpu.memory_space<hbm>>) dst(%dma_wait3A_155 : memref<512xi32, #tpu.memory_space<vmem>>)
          %dma_wait3A_159 = arith.constant 0 : i32
          %dma_wait3A_160 = arith.constant 0 : i32
          %dma_wait3A_161 = tpu.memref_slice %arg8[%dma_wait3A_159, %dma_wait3A_160] : memref<4x512xi32, #tpu.memory_space<vmem>> -> memref<1x512xi32, #tpu.memory_space<vmem>>
          %dma_wait3A_162 = tpu.memref_squeeze %dma_wait3A_161 : memref<1x512xi32, #tpu.memory_space<vmem>> -> memref<512xi32, #tpu.memory_space<vmem>>
          %dma_wait3A_163 = arith.constant 0 : i32
          %dma_wait3A_164 = tpu.memref_slice %arg3[%scan3A_33, %dma_wait3A_163] : memref<6272x512xi32, #tpu.memory_space<hbm>> -> memref<1x512xi32, #tpu.memory_space<hbm>>
          %dma_wait3A_165 = tpu.memref_squeeze %dma_wait3A_164 : memref<1x512xi32, #tpu.memory_space<hbm>> -> memref<512xi32, #tpu.memory_space<hbm>>
          %dma_wait3A_166 = arith.constant 0 : i32
          %dma_wait3A_167 = tpu.memref_slice %arg8[%dma_wait3A_159, %dma_wait3A_166] : memref<4x512xi32, #tpu.memory_space<vmem>> -> memref<1x512xi32, #tpu.memory_space<vmem>>
          %dma_wait3A_168 = tpu.memref_squeeze %dma_wait3A_167 : memref<1x512xi32, #tpu.memory_space<vmem>> -> memref<512xi32, #tpu.memory_space<vmem>>
          %dma_wait3A_169 = arith.constant 0 : i32
          %dma_wait3A_170 = tpu.memref_slice %arg3[%scan3A_33, %dma_wait3A_169] : memref<6272x512xi32, #tpu.memory_space<hbm>> -> memref<1x512xi32, #tpu.memory_space<hbm>>
          %dma_wait3A_171 = tpu.memref_squeeze %dma_wait3A_170 : memref<1x512xi32, #tpu.memory_space<hbm>> -> memref<512xi32, #tpu.memory_space<hbm>>
          tpu.wait_dma2 semaphore(%arg11 : memref<!tpu.dma_semaphore, #tpu.memory_space<semaphore_mem>>) src(%dma_wait3A_171 : memref<512xi32, #tpu.memory_space<hbm>>) dst(%dma_wait3A_168 : memref<512xi32, #tpu.memory_space<vmem>>)
          %rem3A_172 = arith.constant 4 : i32
          %rem3A_173 = arith.remsi %scan3A_116, %rem3A_172 : i32
          %dma_start3A_174 = arith.constant 0 : i32
          %dma_start3A_175 = arith.constant 0 : i32
          %dma_start3A_176 = arith.constant 0 : i32
          %dma_start3A_177 = tpu.memref_slice %arg9[%dma_start3A_174, %dma_start3A_175, %dma_start3A_176] : memref<3x512x16xf32, #tpu.memory_space<vmem>> -> memref<1x512x16xf32, #tpu.memory_space<vmem>>
          %dma_start3A_178 = tpu.memref_squeeze %dma_start3A_177 : memref<1x512x16xf32, #tpu.memory_space<vmem>> -> memref<512x16xf32, #tpu.memory_space<vmem>>
          %dma_start3A_179 = arith.constant 0 : i32
          %dma_start3A_180 = tpu.memref_slice %arg7[%rem3A_173, %dma_start3A_179] : memref<4x512xi32, #tpu.memory_space<vmem>> -> memref<1x512xi32, #tpu.memory_space<vmem>>
          %dma_start3A_181 = tpu.memref_squeeze %dma_start3A_180 : memref<1x512xi32, #tpu.memory_space<vmem>> -> memref<512xi32, #tpu.memory_space<vmem>>
          %dma_start3A_182 = arith.constant 0 : i32
          %dma_start3A_183 = arith.constant 0 : i32
          %dma_start3A_184 = tpu.memref_slice %arg2[%dma_start3A_182, %dma_start3A_183] : memref<100000x16xf32, #tpu.memory_space<hbm>> -> memref<100000x16xf32, #tpu.memory_space<hbm>>
          tpu.enqueue_indirect_dma source(%dma_start3A_184 : memref<100000x16xf32, #tpu.memory_space<hbm>>) target(%dma_start3A_178 : memref<512x16xf32, #tpu.memory_space<vmem>>) offsets(%dma_start3A_181 : memref<512xi32, #tpu.memory_space<vmem>>) semaphore(%arg12 : memref<!tpu.dma_semaphore, #tpu.memory_space<semaphore_mem>>)
          %add3A_185 = arith.constant 1 : i32
          %add3A_186 = arith.addi %scan3A_116, %add3A_185 : i32
          %min3A_187 = arith.constant 195 : i32
          %min3A_188 = arith.minsi %add3A_186, %min3A_187 : i32
          %rem3A_189 = arith.constant 4 : i32
          %rem3A_190 = arith.remsi %min3A_188, %rem3A_189 : i32
          %add3A_191 = arith.addi %mul3A_4, %min3A_188 : i32
          %dma_start3A_192 = arith.constant 0 : i32
          %dma_start3A_193 = tpu.memref_slice %arg7[%rem3A_190, %dma_start3A_192] : memref<4x512xi32, #tpu.memory_space<vmem>> -> memref<1x512xi32, #tpu.memory_space<vmem>>
          %dma_start3A_194 = tpu.memref_squeeze %dma_start3A_193 : memref<1x512xi32, #tpu.memory_space<vmem>> -> memref<512xi32, #tpu.memory_space<vmem>>
          %dma_start3A_195 = arith.constant 0 : i32
          %dma_start3A_196 = tpu.memref_slice %arg3[%add3A_191, %dma_start3A_195] : memref<6272x512xi32, #tpu.memory_space<hbm>> -> memref<1x512xi32, #tpu.memory_space<hbm>>
          %dma_start3A_197 = tpu.memref_squeeze %dma_start3A_196 : memref<1x512xi32, #tpu.memory_space<hbm>> -> memref<512xi32, #tpu.memory_space<hbm>>
          %dma_start3A_198 = arith.constant 0 : i32
          %dma_start3A_199 = tpu.memref_slice %arg7[%rem3A_190, %dma_start3A_198] : memref<4x512xi32, #tpu.memory_space<vmem>> -> memref<1x512xi32, #tpu.memory_space<vmem>>
          %dma_start3A_200 = tpu.memref_squeeze %dma_start3A_199 : memref<1x512xi32, #tpu.memory_space<vmem>> -> memref<512xi32, #tpu.memory_space<vmem>>
          %dma_start3A_201 = arith.constant 0 : i32
          %dma_start3A_202 = tpu.memref_slice %arg3[%add3A_191, %dma_start3A_201] : memref<6272x512xi32, #tpu.memory_space<hbm>> -> memref<1x512xi32, #tpu.memory_space<hbm>>
          %dma_start3A_203 = tpu.memref_squeeze %dma_start3A_202 : memref<1x512xi32, #tpu.memory_space<hbm>> -> memref<512xi32, #tpu.memory_space<hbm>>
          tpu.enqueue_dma source(%dma_start3A_203 : memref<512xi32, #tpu.memory_space<hbm>>) target(%dma_start3A_200 : memref<512xi32, #tpu.memory_space<vmem>>) target_semaphore(%arg11 : memref<!tpu.dma_semaphore, #tpu.memory_space<semaphore_mem>>)
          %add3A_204 = arith.addi %mul3A_4, %min3A_188 : i32
          %dma_start3A_205 = arith.constant 0 : i32
          %dma_start3A_206 = tpu.memref_slice %arg8[%rem3A_190, %dma_start3A_205] : memref<4x512xi32, #tpu.memory_space<vmem>> -> memref<1x512xi32, #tpu.memory_space<vmem>>
          %dma_start3A_207 = tpu.memref_squeeze %dma_start3A_206 : memref<1x512xi32, #tpu.memory_space<vmem>> -> memref<512xi32, #tpu.memory_space<vmem>>
          %dma_start3A_208 = arith.constant 0 : i32
          %dma_start3A_209 = tpu.memref_slice %arg4[%add3A_204, %dma_start3A_208] : memref<6272x512xi32, #tpu.memory_space<hbm>> -> memref<1x512xi32, #tpu.memory_space<hbm>>
          %dma_start3A_210 = tpu.memref_squeeze %dma_start3A_209 : memref<1x512xi32, #tpu.memory_space<hbm>> -> memref<512xi32, #tpu.memory_space<hbm>>
          %dma_start3A_211 = arith.constant 0 : i32
          %dma_start3A_212 = tpu.memref_slice %arg8[%rem3A_190, %dma_start3A_211] : memref<4x512xi32, #tpu.memory_space<vmem>> -> memref<1x512xi32, #tpu.memory_space<vmem>>
          %dma_start3A_213 = tpu.memref_squeeze %dma_start3A_212 : memref<1x512xi32, #tpu.memory_space<vmem>> -> memref<512xi32, #tpu.memory_space<vmem>>
          %dma_start3A_214 = arith.constant 0 : i32
          %dma_start3A_215 = tpu.memref_slice %arg4[%add3A_204, %dma_start3A_214] : memref<6272x512xi32, #tpu.memory_space<hbm>> -> memref<1x512xi32, #tpu.memory_space<hbm>>
          %dma_start3A_216 = tpu.memref_squeeze %dma_start3A_215 : memref<1x512xi32, #tpu.memory_space<hbm>> -> memref<512xi32, #tpu.memory_space<hbm>>
          tpu.enqueue_dma source(%dma_start3A_216 : memref<512xi32, #tpu.memory_space<hbm>>) target(%dma_start3A_213 : memref<512xi32, #tpu.memory_space<vmem>>) target_semaphore(%arg11 : memref<!tpu.dma_semaphore, #tpu.memory_space<semaphore_mem>>)
        } else {
        }
        %ge3A_141 = arith.constant 1 : i32
        %ge3A_142 = arith.cmpi sge, %scan3A_116, %ge3A_141 : i32
        %convert_element_type3A_143 = arith.extui %ge3A_142 : i1 to i32
        %cond3A_144 = arith.constant 0 : i32
        %cond3A_145 = arith.cmpi ne, %convert_element_type3A_143, %cond3A_144 : i32
        scf.if %cond3A_145 {
          %dma_wait3A_146 = arith.constant 2 : i32
          %dma_wait3A_147 = arith.constant 0 : i32
          %dma_wait3A_148 = arith.constant 0 : i32
          %dma_wait3A_149 = tpu.memref_slice %arg9[%dma_wait3A_146, %dma_wait3A_147, %dma_wait3A_148] : memref<3x512x16xf32, #tpu.memory_space<vmem>> -> memref<1x512x16xf32, #tpu.memory_space<vmem>>
          %dma_wait3A_150 = tpu.memref_squeeze %dma_wait3A_149 : memref<1x512x16xf32, #tpu.memory_space<vmem>> -> memref<512x16xf32, #tpu.memory_space<vmem>>
          %dma_wait3A_151 = arith.constant 0 : i32
          %dma_wait3A_152 = arith.constant 0 : i32
          %dma_wait3A_153 = tpu.memref_slice %arg2[%dma_wait3A_151, %dma_wait3A_152] : memref<100000x16xf32, #tpu.memory_space<hbm>> -> memref<512x16xf32, #tpu.memory_space<hbm>>
          %dma_wait3A_154 = arith.constant 0 : i32
          %dma_wait3A_155 = arith.constant 0 : i32
          %dma_wait3A_156 = tpu.memref_slice %arg9[%dma_wait3A_146, %dma_wait3A_154, %dma_wait3A_155] : memref<3x512x16xf32, #tpu.memory_space<vmem>> -> memref<1x512x16xf32, #tpu.memory_space<vmem>>
          %dma_wait3A_157 = tpu.memref_squeeze %dma_wait3A_156 : memref<1x512x16xf32, #tpu.memory_space<vmem>> -> memref<512x16xf32, #tpu.memory_space<vmem>>
          %dma_wait3A_158 = arith.constant 0 : i32
          %dma_wait3A_159 = arith.constant 0 : i32
          %dma_wait3A_160 = tpu.memref_slice %arg2[%dma_wait3A_158, %dma_wait3A_159] : memref<100000x16xf32, #tpu.memory_space<hbm>> -> memref<512x16xf32, #tpu.memory_space<hbm>>
          tpu.wait_dma2 semaphore(%arg14 : memref<!tpu.dma_semaphore, #tpu.memory_space<semaphore_mem>>) src(%dma_wait3A_160 : memref<512x16xf32, #tpu.memory_space<hbm>>) dst(%dma_wait3A_157 : memref<512x16xf32, #tpu.memory_space<vmem>>)
          %sub3A = arith.constant 1 : i32
          %sub3A_161 = arith.subi %scan3A_116, %sub3A : i32
          %rem3A_162 = arith.constant 4 : i32
          %rem3A_163 = arith.remsi %sub3A_161, %rem3A_162 : i32
          %dma_start3A_164 = arith.constant 2 : i32
          %dma_start3A_165 = arith.constant 0 : i32
          %dma_start3A_166 = arith.constant 0 : i32
          %dma_start3A_167 = tpu.memref_slice %arg9[%dma_start3A_164, %dma_start3A_165, %dma_start3A_166] : memref<3x512x16xf32, #tpu.memory_space<vmem>> -> memref<1x512x16xf32, #tpu.memory_space<vmem>>
          %dma_start3A_168 = tpu.memref_squeeze %dma_start3A_167 : memref<1x512x16xf32, #tpu.memory_space<vmem>> -> memref<512x16xf32, #tpu.memory_space<vmem>>
          %dma_start3A_169 = arith.constant 0 : i32
          %dma_start3A_170 = tpu.memref_slice %arg8[%rem3A_163, %dma_start3A_169] : memref<4x512xi32, #tpu.memory_space<vmem>> -> memref<1x512xi32, #tpu.memory_space<vmem>>
          %dma_start3A_171 = tpu.memref_squeeze %dma_start3A_170 : memref<1x512xi32, #tpu.memory_space<vmem>> -> memref<512xi32, #tpu.memory_space<vmem>>
          %dma_start3A_172 = arith.constant 0 : i32
          %dma_start3A_173 = arith.constant 0 : i32
          %dma_start3A_174 = tpu.memref_slice %arg10[%dma_start3A_172, %dma_start3A_173] : memref<100096x16xf32, #tpu.memory_space<vmem_shared>> -> memref<100096x16xf32, #tpu.memory_space<vmem_shared>>
          tpu.enqueue_indirect_dma source(%dma_start3A_168 : memref<512x16xf32, #tpu.memory_space<vmem>>) target(%dma_start3A_174 : memref<100096x16xf32, #tpu.memory_space<vmem_shared>>) offsets(%dma_start3A_171 : memref<512xi32, #tpu.memory_space<vmem>>) semaphore(%arg17 : memref<!tpu.dma_semaphore, #tpu.memory_space<semaphore_mem>>) {add = true}
        } else {
        }
      } else {
      }
      %eq3A_121 = arith.constant 1 : i32
      %eq3A_122 = arith.cmpi eq, %rem3A_118, %eq3A_121 : i32
      %convert_element_type3A_123 = arith.extui %eq3A_122 : i1 to i32
      %cond3A_124 = arith.constant 0 : i32
      %cond3A_125 = arith.cmpi ne, %convert_element_type3A_123, %cond3A_124 : i32
      scf.if %cond3A_125 {
        %ge3A = arith.constant 3 : i32
        %ge3A_131 = arith.cmpi sge, %scan3A_116, %ge3A : i32
        %lt3A = arith.constant 196 : i32
        %lt3A_132 = arith.cmpi slt, %scan3A_116, %lt3A : i32
        %and3A = arith.andi %ge3A_131, %lt3A_132 : i1
        %convert_element_type3A_133 = arith.extui %and3A : i1 to i32
        %cond3A_134 = arith.constant 0 : i32
        %cond3A_135 = arith.cmpi ne, %convert_element_type3A_133, %cond3A_134 : i32
        scf.if %cond3A_135 {
          %dma_wait3A_146 = arith.constant 1 : i32
          %dma_wait3A_147 = arith.constant 0 : i32
          %dma_wait3A_148 = arith.constant 0 : i32
          %dma_wait3A_149 = tpu.memref_slice %arg9[%dma_wait3A_146, %dma_wait3A_147, %dma_wait3A_148] : memref<3x512x16xf32, #tpu.memory_space<vmem>> -> memref<1x512x16xf32, #tpu.memory_space<vmem>>
          %dma_wait3A_150 = tpu.memref_squeeze %dma_wait3A_149 : memref<1x512x16xf32, #tpu.memory_space<vmem>> -> memref<512x16xf32, #tpu.memory_space<vmem>>
          %dma_wait3A_151 = arith.constant 0 : i32
          %dma_wait3A_152 = arith.constant 0 : i32
          %dma_wait3A_153 = tpu.memref_slice %arg2[%dma_wait3A_151, %dma_wait3A_152] : memref<100000x16xf32, #tpu.memory_space<hbm>> -> memref<512x16xf32, #tpu.memory_space<hbm>>
          %dma_wait3A_154 = arith.constant 0 : i32
          %dma_wait3A_155 = arith.constant 0 : i32
          %dma_wait3A_156 = tpu.memref_slice %arg9[%dma_wait3A_146, %dma_wait3A_154, %dma_wait3A_155] : memref<3x512x16xf32, #tpu.memory_space<vmem>> -> memref<1x512x16xf32, #tpu.memory_space<vmem>>
          %dma_wait3A_157 = tpu.memref_squeeze %dma_wait3A_156 : memref<1x512x16xf32, #tpu.memory_space<vmem>> -> memref<512x16xf32, #tpu.memory_space<vmem>>
          %dma_wait3A_158 = arith.constant 0 : i32
          %dma_wait3A_159 = arith.constant 0 : i32
          %dma_wait3A_160 = tpu.memref_slice %arg2[%dma_wait3A_158, %dma_wait3A_159] : memref<100000x16xf32, #tpu.memory_space<hbm>> -> memref<512x16xf32, #tpu.memory_space<hbm>>
          tpu.wait_dma2 semaphore(%arg16 : memref<!tpu.dma_semaphore, #tpu.memory_space<semaphore_mem>>) src(%dma_wait3A_160 : memref<512x16xf32, #tpu.memory_space<hbm>>) dst(%dma_wait3A_157 : memref<512x16xf32, #tpu.memory_space<vmem>>)
        } else {
        }
        %lt3A_136 = arith.constant 196 : i32
        %lt3A_137 = arith.cmpi slt, %scan3A_116, %lt3A_136 : i32
        %convert_element_type3A_138 = arith.extui %lt3A_137 : i1 to i32
        %cond3A_139 = arith.constant 0 : i32
        %cond3A_140 = arith.cmpi ne, %convert_element_type3A_138, %cond3A_139 : i32
        scf.if %cond3A_140 {
          %dma_wait3A_146 = arith.constant 0 : i32
          %dma_wait3A_147 = arith.constant 0 : i32
          %dma_wait3A_148 = tpu.memref_slice %arg7[%dma_wait3A_146, %dma_wait3A_147] : memref<4x512xi32, #tpu.memory_space<vmem>> -> memref<1x512xi32, #tpu.memory_space<vmem>>
          %dma_wait3A_149 = tpu.memref_squeeze %dma_wait3A_148 : memref<1x512xi32, #tpu.memory_space<vmem>> -> memref<512xi32, #tpu.memory_space<vmem>>
          %dma_wait3A_150 = arith.constant 0 : i32
          %dma_wait3A_151 = tpu.memref_slice %arg3[%scan3A_33, %dma_wait3A_150] : memref<6272x512xi32, #tpu.memory_space<hbm>> -> memref<1x512xi32, #tpu.memory_space<hbm>>
          %dma_wait3A_152 = tpu.memref_squeeze %dma_wait3A_151 : memref<1x512xi32, #tpu.memory_space<hbm>> -> memref<512xi32, #tpu.memory_space<hbm>>
          %dma_wait3A_153 = arith.constant 0 : i32
          %dma_wait3A_154 = tpu.memref_slice %arg7[%dma_wait3A_146, %dma_wait3A_153] : memref<4x512xi32, #tpu.memory_space<vmem>> -> memref<1x512xi32, #tpu.memory_space<vmem>>
          %dma_wait3A_155 = tpu.memref_squeeze %dma_wait3A_154 : memref<1x512xi32, #tpu.memory_space<vmem>> -> memref<512xi32, #tpu.memory_space<vmem>>
          %dma_wait3A_156 = arith.constant 0 : i32
          %dma_wait3A_157 = tpu.memref_slice %arg3[%scan3A_33, %dma_wait3A_156] : memref<6272x512xi32, #tpu.memory_space<hbm>> -> memref<1x512xi32, #tpu.memory_space<hbm>>
          %dma_wait3A_158 = tpu.memref_squeeze %dma_wait3A_157 : memref<1x512xi32, #tpu.memory_space<hbm>> -> memref<512xi32, #tpu.memory_space<hbm>>
          tpu.wait_dma2 semaphore(%arg11 : memref<!tpu.dma_semaphore, #tpu.memory_space<semaphore_mem>>) src(%dma_wait3A_158 : memref<512xi32, #tpu.memory_space<hbm>>) dst(%dma_wait3A_155 : memref<512xi32, #tpu.memory_space<vmem>>)
          %dma_wait3A_159 = arith.constant 0 : i32
          %dma_wait3A_160 = arith.constant 0 : i32
          %dma_wait3A_161 = tpu.memref_slice %arg8[%dma_wait3A_159, %dma_wait3A_160] : memref<4x512xi32, #tpu.memory_space<vmem>> -> memref<1x512xi32, #tpu.memory_space<vmem>>
          %dma_wait3A_162 = tpu.memref_squeeze %dma_wait3A_161 : memref<1x512xi32, #tpu.memory_space<vmem>> -> memref<512xi32, #tpu.memory_space<vmem>>
          %dma_wait3A_163 = arith.constant 0 : i32
          %dma_wait3A_164 = tpu.memref_slice %arg3[%scan3A_33, %dma_wait3A_163] : memref<6272x512xi32, #tpu.memory_space<hbm>> -> memref<1x512xi32, #tpu.memory_space<hbm>>
          %dma_wait3A_165 = tpu.memref_squeeze %dma_wait3A_164 : memref<1x512xi32, #tpu.memory_space<hbm>> -> memref<512xi32, #tpu.memory_space<hbm>>
          %dma_wait3A_166 = arith.constant 0 : i32
          %dma_wait3A_167 = tpu.memref_slice %arg8[%dma_wait3A_159, %dma_wait3A_166] : memref<4x512xi32, #tpu.memory_space<vmem>> -> memref<1x512xi32, #tpu.memory_space<vmem>>
          %dma_wait3A_168 = tpu.memref_squeeze %dma_wait3A_167 : memref<1x512xi32, #tpu.memory_space<vmem>> -> memref<512xi32, #tpu.memory_space<vmem>>
          %dma_wait3A_169 = arith.constant 0 : i32
          %dma_wait3A_170 = tpu.memref_slice %arg3[%scan3A_33, %dma_wait3A_169] : memref<6272x512xi32, #tpu.memory_space<hbm>> -> memref<1x512xi32, #tpu.memory_space<hbm>>
          %dma_wait3A_171 = tpu.memref_squeeze %dma_wait3A_170 : memref<1x512xi32, #tpu.memory_space<hbm>> -> memref<512xi32, #tpu.memory_space<hbm>>
          tpu.wait_dma2 semaphore(%arg11 : memref<!tpu.dma_semaphore, #tpu.memory_space<semaphore_mem>>) src(%dma_wait3A_171 : memref<512xi32, #tpu.memory_space<hbm>>) dst(%dma_wait3A_168 : memref<512xi32, #tpu.memory_space<vmem>>)
          %rem3A_172 = arith.constant 4 : i32
          %rem3A_173 = arith.remsi %scan3A_116, %rem3A_172 : i32
          %dma_start3A_174 = arith.constant 1 : i32
          %dma_start3A_175 = arith.constant 0 : i32
          %dma_start3A_176 = arith.constant 0 : i32
          %dma_start3A_177 = tpu.memref_slice %arg9[%dma_start3A_174, %dma_start3A_175, %dma_start3A_176] : memref<3x512x16xf32, #tpu.memory_space<vmem>> -> memref<1x512x16xf32, #tpu.memory_space<vmem>>
          %dma_start3A_178 = tpu.memref_squeeze %dma_start3A_177 : memref<1x512x16xf32, #tpu.memory_space<vmem>> -> memref<512x16xf32, #tpu.memory_space<vmem>>
          %dma_start3A_179 = arith.constant 0 : i32
          %dma_start3A_180 = tpu.memref_slice %arg7[%rem3A_173, %dma_start3A_179] : memref<4x512xi32, #tpu.memory_space<vmem>> -> memref<1x512xi32, #tpu.memory_space<vmem>>
          %dma_start3A_181 = tpu.memref_squeeze %dma_start3A_180 : memref<1x512xi32, #tpu.memory_space<vmem>> -> memref<512xi32, #tpu.memory_space<vmem>>
          %dma_start3A_182 = arith.constant 0 : i32
          %dma_start3A_183 = arith.constant 0 : i32
          %dma_start3A_184 = tpu.memref_slice %arg2[%dma_start3A_182, %dma_start3A_183] : memref<100000x16xf32, #tpu.memory_space<hbm>> -> memref<100000x16xf32, #tpu.memory_space<hbm>>
          tpu.enqueue_indirect_dma source(%dma_start3A_184 : memref<100000x16xf32, #tpu.memory_space<hbm>>) target(%dma_start3A_178 : memref<512x16xf32, #tpu.memory_space<vmem>>) offsets(%dma_start3A_181 : memref<512xi32, #tpu.memory_space<vmem>>) semaphore(%arg13 : memref<!tpu.dma_semaphore, #tpu.memory_space<semaphore_mem>>)
          %add3A_185 = arith.constant 1 : i32
          %add3A_186 = arith.addi %scan3A_116, %add3A_185 : i32
          %min3A_187 = arith.constant 195 : i32
          %min3A_188 = arith.minsi %add3A_186, %min3A_187 : i32
          %rem3A_189 = arith.constant 4 : i32
          %rem3A_190 = arith.remsi %min3A_188, %rem3A_189 : i32
          %add3A_191 = arith.addi %mul3A_4, %min3A_188 : i32
          %dma_start3A_192 = arith.constant 0 : i32
          %dma_start3A_193 = tpu.memref_slice %arg7[%rem3A_190, %dma_start3A_192] : memref<4x512xi32, #tpu.memory_space<vmem>> -> memref<1x512xi32, #tpu.memory_space<vmem>>
          %dma_start3A_194 = tpu.memref_squeeze %dma_start3A_193 : memref<1x512xi32, #tpu.memory_space<vmem>> -> memref<512xi32, #tpu.memory_space<vmem>>
          %dma_start3A_195 = arith.constant 0 : i32
          %dma_start3A_196 = tpu.memref_slice %arg3[%add3A_191, %dma_start3A_195] : memref<6272x512xi32, #tpu.memory_space<hbm>> -> memref<1x512xi32, #tpu.memory_space<hbm>>
          %dma_start3A_197 = tpu.memref_squeeze %dma_start3A_196 : memref<1x512xi32, #tpu.memory_space<hbm>> -> memref<512xi32, #tpu.memory_space<hbm>>
          %dma_start3A_198 = arith.constant 0 : i32
          %dma_start3A_199 = tpu.memref_slice %arg7[%rem3A_190, %dma_start3A_198] : memref<4x512xi32, #tpu.memory_space<vmem>> -> memref<1x512xi32, #tpu.memory_space<vmem>>
          %dma_start3A_200 = tpu.memref_squeeze %dma_start3A_199 : memref<1x512xi32, #tpu.memory_space<vmem>> -> memref<512xi32, #tpu.memory_space<vmem>>
          %dma_start3A_201 = arith.constant 0 : i32
          %dma_start3A_202 = tpu.memref_slice %arg3[%add3A_191, %dma_start3A_201] : memref<6272x512xi32, #tpu.memory_space<hbm>> -> memref<1x512xi32, #tpu.memory_space<hbm>>
          %dma_start3A_203 = tpu.memref_squeeze %dma_start3A_202 : memref<1x512xi32, #tpu.memory_space<hbm>> -> memref<512xi32, #tpu.memory_space<hbm>>
          tpu.enqueue_dma source(%dma_start3A_203 : memref<512xi32, #tpu.memory_space<hbm>>) target(%dma_start3A_200 : memref<512xi32, #tpu.memory_space<vmem>>) target_semaphore(%arg11 : memref<!tpu.dma_semaphore, #tpu.memory_space<semaphore_mem>>)
          %add3A_204 = arith.addi %mul3A_4, %min3A_188 : i32
          %dma_start3A_205 = arith.constant 0 : i32
          %dma_start3A_206 = tpu.memref_slice %arg8[%rem3A_190, %dma_start3A_205] : memref<4x512xi32, #tpu.memory_space<vmem>> -> memref<1x512xi32, #tpu.memory_space<vmem>>
          %dma_start3A_207 = tpu.memref_squeeze %dma_start3A_206 : memref<1x512xi32, #tpu.memory_space<vmem>> -> memref<512xi32, #tpu.memory_space<vmem>>
          %dma_start3A_208 = arith.constant 0 : i32
          %dma_start3A_209 = tpu.memref_slice %arg4[%add3A_204, %dma_start3A_208] : memref<6272x512xi32, #tpu.memory_space<hbm>> -> memref<1x512xi32, #tpu.memory_space<hbm>>
          %dma_start3A_210 = tpu.memref_squeeze %dma_start3A_209 : memref<1x512xi32, #tpu.memory_space<hbm>> -> memref<512xi32, #tpu.memory_space<hbm>>
          %dma_start3A_211 = arith.constant 0 : i32
          %dma_start3A_212 = tpu.memref_slice %arg8[%rem3A_190, %dma_start3A_211] : memref<4x512xi32, #tpu.memory_space<vmem>> -> memref<1x512xi32, #tpu.memory_space<vmem>>
          %dma_start3A_213 = tpu.memref_squeeze %dma_start3A_212 : memref<1x512xi32, #tpu.memory_space<vmem>> -> memref<512xi32, #tpu.memory_space<vmem>>
          %dma_start3A_214 = arith.constant 0 : i32
          %dma_start3A_215 = tpu.memref_slice %arg4[%add3A_204, %dma_start3A_214] : memref<6272x512xi32, #tpu.memory_space<hbm>> -> memref<1x512xi32, #tpu.memory_space<hbm>>
          %dma_start3A_216 = tpu.memref_squeeze %dma_start3A_215 : memref<1x512xi32, #tpu.memory_space<hbm>> -> memref<512xi32, #tpu.memory_space<hbm>>
          tpu.enqueue_dma source(%dma_start3A_216 : memref<512xi32, #tpu.memory_space<hbm>>) target(%dma_start3A_213 : memref<512xi32, #tpu.memory_space<vmem>>) target_semaphore(%arg11 : memref<!tpu.dma_semaphore, #tpu.memory_space<semaphore_mem>>)
        } else {
        }
        %ge3A_141 = arith.constant 1 : i32
        %ge3A_142 = arith.cmpi sge, %scan3A_116, %ge3A_141 : i32
        %convert_element_type3A_143 = arith.extui %ge3A_142 : i1 to i32
        %cond3A_144 = arith.constant 0 : i32
        %cond3A_145 = arith.cmpi ne, %convert_element_type3A_143, %cond3A_144 : i32
        scf.if %cond3A_145 {
          %dma_wait3A_146 = arith.constant 0 : i32
          %dma_wait3A_147 = arith.constant 0 : i32
          %dma_wait3A_148 = arith.constant 0 : i32
          %dma_wait3A_149 = tpu.memref_slice %arg9[%dma_wait3A_146, %dma_wait3A_147, %dma_wait3A_148] : memref<3x512x16xf32, #tpu.memory_space<vmem>> -> memref<1x512x16xf32, #tpu.memory_space<vmem>>
          %dma_wait3A_150 = tpu.memref_squeeze %dma_wait3A_149 : memref<1x512x16xf32, #tpu.memory_space<vmem>> -> memref<512x16xf32, #tpu.memory_space<vmem>>
          %dma_wait3A_151 = arith.constant 0 : i32
          %dma_wait3A_152 = arith.constant 0 : i32
          %dma_wait3A_153 = tpu.memref_slice %arg2[%dma_wait3A_151, %dma_wait3A_152] : memref<100000x16xf32, #tpu.memory_space<hbm>> -> memref<512x16xf32, #tpu.memory_space<hbm>>
          %dma_wait3A_154 = arith.constant 0 : i32
          %dma_wait3A_155 = arith.constant 0 : i32
          %dma_wait3A_156 = tpu.memref_slice %arg9[%dma_wait3A_146, %dma_wait3A_154, %dma_wait3A_155] : memref<3x512x16xf32, #tpu.memory_space<vmem>> -> memref<1x512x16xf32, #tpu.memory_space<vmem>>
          %dma_wait3A_157 = tpu.memref_squeeze %dma_wait3A_156 : memref<1x512x16xf32, #tpu.memory_space<vmem>> -> memref<512x16xf32, #tpu.memory_space<vmem>>
          %dma_wait3A_158 = arith.constant 0 : i32
          %dma_wait3A_159 = arith.constant 0 : i32
          %dma_wait3A_160 = tpu.memref_slice %arg2[%dma_wait3A_158, %dma_wait3A_159] : memref<100000x16xf32, #tpu.memory_space<hbm>> -> memref<512x16xf32, #tpu.memory_space<hbm>>
          tpu.wait_dma2 semaphore(%arg12 : memref<!tpu.dma_semaphore, #tpu.memory_space<semaphore_mem>>) src(%dma_wait3A_160 : memref<512x16xf32, #tpu.memory_space<hbm>>) dst(%dma_wait3A_157 : memref<512x16xf32, #tpu.memory_space<vmem>>)
          %sub3A = arith.constant 1 : i32
          %sub3A_161 = arith.subi %scan3A_116, %sub3A : i32
          %rem3A_162 = arith.constant 4 : i32
          %rem3A_163 = arith.remsi %sub3A_161, %rem3A_162 : i32
          %dma_start3A_164 = arith.constant 0 : i32
          %dma_start3A_165 = arith.constant 0 : i32
          %dma_start3A_166 = arith.constant 0 : i32
          %dma_start3A_167 = tpu.memref_slice %arg9[%dma_start3A_164, %dma_start3A_165, %dma_start3A_166] : memref<3x512x16xf32, #tpu.memory_space<vmem>> -> memref<1x512x16xf32, #tpu.memory_space<vmem>>
          %dma_start3A_168 = tpu.memref_squeeze %dma_start3A_167 : memref<1x512x16xf32, #tpu.memory_space<vmem>> -> memref<512x16xf32, #tpu.memory_space<vmem>>
          %dma_start3A_169 = arith.constant 0 : i32
          %dma_start3A_170 = tpu.memref_slice %arg8[%rem3A_163, %dma_start3A_169] : memref<4x512xi32, #tpu.memory_space<vmem>> -> memref<1x512xi32, #tpu.memory_space<vmem>>
          %dma_start3A_171 = tpu.memref_squeeze %dma_start3A_170 : memref<1x512xi32, #tpu.memory_space<vmem>> -> memref<512xi32, #tpu.memory_space<vmem>>
          %dma_start3A_172 = arith.constant 0 : i32
          %dma_start3A_173 = arith.constant 0 : i32
          %dma_start3A_174 = tpu.memref_slice %arg10[%dma_start3A_172, %dma_start3A_173] : memref<100096x16xf32, #tpu.memory_space<vmem_shared>> -> memref<100096x16xf32, #tpu.memory_space<vmem_shared>>
          tpu.enqueue_indirect_dma source(%dma_start3A_168 : memref<512x16xf32, #tpu.memory_space<vmem>>) target(%dma_start3A_174 : memref<100096x16xf32, #tpu.memory_space<vmem_shared>>) offsets(%dma_start3A_171 : memref<512xi32, #tpu.memory_space<vmem>>) semaphore(%arg15 : memref<!tpu.dma_semaphore, #tpu.memory_space<semaphore_mem>>) {add = true}
        } else {
        }
      } else {
      }
      %eq3A_126 = arith.constant 2 : i32
      %eq3A_127 = arith.cmpi eq, %rem3A_118, %eq3A_126 : i32
      %convert_element_type3A_128 = arith.extui %eq3A_127 : i1 to i32
      %cond3A_129 = arith.constant 0 : i32
      %cond3A_130 = arith.cmpi ne, %convert_element_type3A_128, %cond3A_129 : i32
      scf.if %cond3A_130 {
        %ge3A = arith.constant 3 : i32
        %ge3A_131 = arith.cmpi sge, %scan3A_116, %ge3A : i32
        %lt3A = arith.constant 196 : i32
        %lt3A_132 = arith.cmpi slt, %scan3A_116, %lt3A : i32
        %and3A = arith.andi %ge3A_131, %lt3A_132 : i1
        %convert_element_type3A_133 = arith.extui %and3A : i1 to i32
        %cond3A_134 = arith.constant 0 : i32
        %cond3A_135 = arith.cmpi ne, %convert_element_type3A_133, %cond3A_134 : i32
        scf.if %cond3A_135 {
          %dma_wait3A_146 = arith.constant 2 : i32
          %dma_wait3A_147 = arith.constant 0 : i32
          %dma_wait3A_148 = arith.constant 0 : i32
          %dma_wait3A_149 = tpu.memref_slice %arg9[%dma_wait3A_146, %dma_wait3A_147, %dma_wait3A_148] : memref<3x512x16xf32, #tpu.memory_space<vmem>> -> memref<1x512x16xf32, #tpu.memory_space<vmem>>
          %dma_wait3A_150 = tpu.memref_squeeze %dma_wait3A_149 : memref<1x512x16xf32, #tpu.memory_space<vmem>> -> memref<512x16xf32, #tpu.memory_space<vmem>>
          %dma_wait3A_151 = arith.constant 0 : i32
          %dma_wait3A_152 = arith.constant 0 : i32
          %dma_wait3A_153 = tpu.memref_slice %arg2[%dma_wait3A_151, %dma_wait3A_152] : memref<100000x16xf32, #tpu.memory_space<hbm>> -> memref<512x16xf32, #tpu.memory_space<hbm>>
          %dma_wait3A_154 = arith.constant 0 : i32
          %dma_wait3A_155 = arith.constant 0 : i32
          %dma_wait3A_156 = tpu.memref_slice %arg9[%dma_wait3A_146, %dma_wait3A_154, %dma_wait3A_155] : memref<3x512x16xf32, #tpu.memory_space<vmem>> -> memref<1x512x16xf32, #tpu.memory_space<vmem>>
          %dma_wait3A_157 = tpu.memref_squeeze %dma_wait3A_156 : memref<1x512x16xf32, #tpu.memory_space<vmem>> -> memref<512x16xf32, #tpu.memory_space<vmem>>
          %dma_wait3A_158 = arith.constant 0 : i32
          %dma_wait3A_159 = arith.constant 0 : i32
          %dma_wait3A_160 = tpu.memref_slice %arg2[%dma_wait3A_158, %dma_wait3A_159] : memref<100000x16xf32, #tpu.memory_space<hbm>> -> memref<512x16xf32, #tpu.memory_space<hbm>>
          tpu.wait_dma2 semaphore(%arg17 : memref<!tpu.dma_semaphore, #tpu.memory_space<semaphore_mem>>) src(%dma_wait3A_160 : memref<512x16xf32, #tpu.memory_space<hbm>>) dst(%dma_wait3A_157 : memref<512x16xf32, #tpu.memory_space<vmem>>)
        } else {
        }
        %lt3A_136 = arith.constant 196 : i32
        %lt3A_137 = arith.cmpi slt, %scan3A_116, %lt3A_136 : i32
        %convert_element_type3A_138 = arith.extui %lt3A_137 : i1 to i32
        %cond3A_139 = arith.constant 0 : i32
        %cond3A_140 = arith.cmpi ne, %convert_element_type3A_138, %cond3A_139 : i32
        scf.if %cond3A_140 {
          %dma_wait3A_146 = arith.constant 0 : i32
          %dma_wait3A_147 = arith.constant 0 : i32
          %dma_wait3A_148 = tpu.memref_slice %arg7[%dma_wait3A_146, %dma_wait3A_147] : memref<4x512xi32, #tpu.memory_space<vmem>> -> memref<1x512xi32, #tpu.memory_space<vmem>>
          %dma_wait3A_149 = tpu.memref_squeeze %dma_wait3A_148 : memref<1x512xi32, #tpu.memory_space<vmem>> -> memref<512xi32, #tpu.memory_space<vmem>>
          %dma_wait3A_150 = arith.constant 0 : i32
          %dma_wait3A_151 = tpu.memref_slice %arg3[%scan3A_33, %dma_wait3A_150] : memref<6272x512xi32, #tpu.memory_space<hbm>> -> memref<1x512xi32, #tpu.memory_space<hbm>>
          %dma_wait3A_152 = tpu.memref_squeeze %dma_wait3A_151 : memref<1x512xi32, #tpu.memory_space<hbm>> -> memref<512xi32, #tpu.memory_space<hbm>>
          %dma_wait3A_153 = arith.constant 0 : i32
          %dma_wait3A_154 = tpu.memref_slice %arg7[%dma_wait3A_146, %dma_wait3A_153] : memref<4x512xi32, #tpu.memory_space<vmem>> -> memref<1x512xi32, #tpu.memory_space<vmem>>
          %dma_wait3A_155 = tpu.memref_squeeze %dma_wait3A_154 : memref<1x512xi32, #tpu.memory_space<vmem>> -> memref<512xi32, #tpu.memory_space<vmem>>
          %dma_wait3A_156 = arith.constant 0 : i32
          %dma_wait3A_157 = tpu.memref_slice %arg3[%scan3A_33, %dma_wait3A_156] : memref<6272x512xi32, #tpu.memory_space<hbm>> -> memref<1x512xi32, #tpu.memory_space<hbm>>
          %dma_wait3A_158 = tpu.memref_squeeze %dma_wait3A_157 : memref<1x512xi32, #tpu.memory_space<hbm>> -> memref<512xi32, #tpu.memory_space<hbm>>
          tpu.wait_dma2 semaphore(%arg11 : memref<!tpu.dma_semaphore, #tpu.memory_space<semaphore_mem>>) src(%dma_wait3A_158 : memref<512xi32, #tpu.memory_space<hbm>>) dst(%dma_wait3A_155 : memref<512xi32, #tpu.memory_space<vmem>>)
          %dma_wait3A_159 = arith.constant 0 : i32
          %dma_wait3A_160 = arith.constant 0 : i32
          %dma_wait3A_161 = tpu.memref_slice %arg8[%dma_wait3A_159, %dma_wait3A_160] : memref<4x512xi32, #tpu.memory_space<vmem>> -> memref<1x512xi32, #tpu.memory_space<vmem>>
          %dma_wait3A_162 = tpu.memref_squeeze %dma_wait3A_161 : memref<1x512xi32, #tpu.memory_space<vmem>> -> memref<512xi32, #tpu.memory_space<vmem>>
          %dma_wait3A_163 = arith.constant 0 : i32
          %dma_wait3A_164 = tpu.memref_slice %arg3[%scan3A_33, %dma_wait3A_163] : memref<6272x512xi32, #tpu.memory_space<hbm>> -> memref<1x512xi32, #tpu.memory_space<hbm>>
          %dma_wait3A_165 = tpu.memref_squeeze %dma_wait3A_164 : memref<1x512xi32, #tpu.memory_space<hbm>> -> memref<512xi32, #tpu.memory_space<hbm>>
          %dma_wait3A_166 = arith.constant 0 : i32
          %dma_wait3A_167 = tpu.memref_slice %arg8[%dma_wait3A_159, %dma_wait3A_166] : memref<4x512xi32, #tpu.memory_space<vmem>> -> memref<1x512xi32, #tpu.memory_space<vmem>>
          %dma_wait3A_168 = tpu.memref_squeeze %dma_wait3A_167 : memref<1x512xi32, #tpu.memory_space<vmem>> -> memref<512xi32, #tpu.memory_space<vmem>>
          %dma_wait3A_169 = arith.constant 0 : i32
          %dma_wait3A_170 = tpu.memref_slice %arg3[%scan3A_33, %dma_wait3A_169] : memref<6272x512xi32, #tpu.memory_space<hbm>> -> memref<1x512xi32, #tpu.memory_space<hbm>>
          %dma_wait3A_171 = tpu.memref_squeeze %dma_wait3A_170 : memref<1x512xi32, #tpu.memory_space<hbm>> -> memref<512xi32, #tpu.memory_space<hbm>>
          tpu.wait_dma2 semaphore(%arg11 : memref<!tpu.dma_semaphore, #tpu.memory_space<semaphore_mem>>) src(%dma_wait3A_171 : memref<512xi32, #tpu.memory_space<hbm>>) dst(%dma_wait3A_168 : memref<512xi32, #tpu.memory_space<vmem>>)
          %rem3A_172 = arith.constant 4 : i32
          %rem3A_173 = arith.remsi %scan3A_116, %rem3A_172 : i32
          %dma_start3A_174 = arith.constant 2 : i32
          %dma_start3A_175 = arith.constant 0 : i32
          %dma_start3A_176 = arith.constant 0 : i32
          %dma_start3A_177 = tpu.memref_slice %arg9[%dma_start3A_174, %dma_start3A_175, %dma_start3A_176] : memref<3x512x16xf32, #tpu.memory_space<vmem>> -> memref<1x512x16xf32, #tpu.memory_space<vmem>>
          %dma_start3A_178 = tpu.memref_squeeze %dma_start3A_177 : memref<1x512x16xf32, #tpu.memory_space<vmem>> -> memref<512x16xf32, #tpu.memory_space<vmem>>
          %dma_start3A_179 = arith.constant 0 : i32
          %dma_start3A_180 = tpu.memref_slice %arg7[%rem3A_173, %dma_start3A_179] : memref<4x512xi32, #tpu.memory_space<vmem>> -> memref<1x512xi32, #tpu.memory_space<vmem>>
          %dma_start3A_181 = tpu.memref_squeeze %dma_start3A_180 : memref<1x512xi32, #tpu.memory_space<vmem>> -> memref<512xi32, #tpu.memory_space<vmem>>
          %dma_start3A_182 = arith.constant 0 : i32
          %dma_start3A_183 = arith.constant 0 : i32
          %dma_start3A_184 = tpu.memref_slice %arg2[%dma_start3A_182, %dma_start3A_183] : memref<100000x16xf32, #tpu.memory_space<hbm>> -> memref<100000x16xf32, #tpu.memory_space<hbm>>
          tpu.enqueue_indirect_dma source(%dma_start3A_184 : memref<100000x16xf32, #tpu.memory_space<hbm>>) target(%dma_start3A_178 : memref<512x16xf32, #tpu.memory_space<vmem>>) offsets(%dma_start3A_181 : memref<512xi32, #tpu.memory_space<vmem>>) semaphore(%arg14 : memref<!tpu.dma_semaphore, #tpu.memory_space<semaphore_mem>>)
          %add3A_185 = arith.constant 1 : i32
          %add3A_186 = arith.addi %scan3A_116, %add3A_185 : i32
          %min3A_187 = arith.constant 195 : i32
          %min3A_188 = arith.minsi %add3A_186, %min3A_187 : i32
          %rem3A_189 = arith.constant 4 : i32
          %rem3A_190 = arith.remsi %min3A_188, %rem3A_189 : i32
          %add3A_191 = arith.addi %mul3A_4, %min3A_188 : i32
          %dma_start3A_192 = arith.constant 0 : i32
          %dma_start3A_193 = tpu.memref_slice %arg7[%rem3A_190, %dma_start3A_192] : memref<4x512xi32, #tpu.memory_space<vmem>> -> memref<1x512xi32, #tpu.memory_space<vmem>>
          %dma_start3A_194 = tpu.memref_squeeze %dma_start3A_193 : memref<1x512xi32, #tpu.memory_space<vmem>> -> memref<512xi32, #tpu.memory_space<vmem>>
          %dma_start3A_195 = arith.constant 0 : i32
          %dma_start3A_196 = tpu.memref_slice %arg3[%add3A_191, %dma_start3A_195] : memref<6272x512xi32, #tpu.memory_space<hbm>> -> memref<1x512xi32, #tpu.memory_space<hbm>>
          %dma_start3A_197 = tpu.memref_squeeze %dma_start3A_196 : memref<1x512xi32, #tpu.memory_space<hbm>> -> memref<512xi32, #tpu.memory_space<hbm>>
          %dma_start3A_198 = arith.constant 0 : i32
          %dma_start3A_199 = tpu.memref_slice %arg7[%rem3A_190, %dma_start3A_198] : memref<4x512xi32, #tpu.memory_space<vmem>> -> memref<1x512xi32, #tpu.memory_space<vmem>>
          %dma_start3A_200 = tpu.memref_squeeze %dma_start3A_199 : memref<1x512xi32, #tpu.memory_space<vmem>> -> memref<512xi32, #tpu.memory_space<vmem>>
          %dma_start3A_201 = arith.constant 0 : i32
          %dma_start3A_202 = tpu.memref_slice %arg3[%add3A_191, %dma_start3A_201] : memref<6272x512xi32, #tpu.memory_space<hbm>> -> memref<1x512xi32, #tpu.memory_space<hbm>>
          %dma_start3A_203 = tpu.memref_squeeze %dma_start3A_202 : memref<1x512xi32, #tpu.memory_space<hbm>> -> memref<512xi32, #tpu.memory_space<hbm>>
          tpu.enqueue_dma source(%dma_start3A_203 : memref<512xi32, #tpu.memory_space<hbm>>) target(%dma_start3A_200 : memref<512xi32, #tpu.memory_space<vmem>>) target_semaphore(%arg11 : memref<!tpu.dma_semaphore, #tpu.memory_space<semaphore_mem>>)
          %add3A_204 = arith.addi %mul3A_4, %min3A_188 : i32
          %dma_start3A_205 = arith.constant 0 : i32
          %dma_start3A_206 = tpu.memref_slice %arg8[%rem3A_190, %dma_start3A_205] : memref<4x512xi32, #tpu.memory_space<vmem>> -> memref<1x512xi32, #tpu.memory_space<vmem>>
          %dma_start3A_207 = tpu.memref_squeeze %dma_start3A_206 : memref<1x512xi32, #tpu.memory_space<vmem>> -> memref<512xi32, #tpu.memory_space<vmem>>
          %dma_start3A_208 = arith.constant 0 : i32
          %dma_start3A_209 = tpu.memref_slice %arg4[%add3A_204, %dma_start3A_208] : memref<6272x512xi32, #tpu.memory_space<hbm>> -> memref<1x512xi32, #tpu.memory_space<hbm>>
          %dma_start3A_210 = tpu.memref_squeeze %dma_start3A_209 : memref<1x512xi32, #tpu.memory_space<hbm>> -> memref<512xi32, #tpu.memory_space<hbm>>
          %dma_start3A_211 = arith.constant 0 : i32
          %dma_start3A_212 = tpu.memref_slice %arg8[%rem3A_190, %dma_start3A_211] : memref<4x512xi32, #tpu.memory_space<vmem>> -> memref<1x512xi32, #tpu.memory_space<vmem>>
          %dma_start3A_213 = tpu.memref_squeeze %dma_start3A_212 : memref<1x512xi32, #tpu.memory_space<vmem>> -> memref<512xi32, #tpu.memory_space<vmem>>
          %dma_start3A_214 = arith.constant 0 : i32
          %dma_start3A_215 = tpu.memref_slice %arg4[%add3A_204, %dma_start3A_214] : memref<6272x512xi32, #tpu.memory_space<hbm>> -> memref<1x512xi32, #tpu.memory_space<hbm>>
          %dma_start3A_216 = tpu.memref_squeeze %dma_start3A_215 : memref<1x512xi32, #tpu.memory_space<hbm>> -> memref<512xi32, #tpu.memory_space<hbm>>
          tpu.enqueue_dma source(%dma_start3A_216 : memref<512xi32, #tpu.memory_space<hbm>>) target(%dma_start3A_213 : memref<512xi32, #tpu.memory_space<vmem>>) target_semaphore(%arg11 : memref<!tpu.dma_semaphore, #tpu.memory_space<semaphore_mem>>)
        } else {
        }
        %ge3A_141 = arith.constant 1 : i32
        %ge3A_142 = arith.cmpi sge, %scan3A_116, %ge3A_141 : i32
        %convert_element_type3A_143 = arith.extui %ge3A_142 : i1 to i32
        %cond3A_144 = arith.constant 0 : i32
        %cond3A_145 = arith.cmpi ne, %convert_element_type3A_143, %cond3A_144 : i32
        scf.if %cond3A_145 {
          %dma_wait3A_146 = arith.constant 1 : i32
          %dma_wait3A_147 = arith.constant 0 : i32
          %dma_wait3A_148 = arith.constant 0 : i32
          %dma_wait3A_149 = tpu.memref_slice %arg9[%dma_wait3A_146, %dma_wait3A_147, %dma_wait3A_148] : memref<3x512x16xf32, #tpu.memory_space<vmem>> -> memref<1x512x16xf32, #tpu.memory_space<vmem>>
          %dma_wait3A_150 = tpu.memref_squeeze %dma_wait3A_149 : memref<1x512x16xf32, #tpu.memory_space<vmem>> -> memref<512x16xf32, #tpu.memory_space<vmem>>
          %dma_wait3A_151 = arith.constant 0 : i32
          %dma_wait3A_152 = arith.constant 0 : i32
          %dma_wait3A_153 = tpu.memref_slice %arg2[%dma_wait3A_151, %dma_wait3A_152] : memref<100000x16xf32, #tpu.memory_space<hbm>> -> memref<512x16xf32, #tpu.memory_space<hbm>>
          %dma_wait3A_154 = arith.constant 0 : i32
          %dma_wait3A_155 = arith.constant 0 : i32
          %dma_wait3A_156 = tpu.memref_slice %arg9[%dma_wait3A_146, %dma_wait3A_154, %dma_wait3A_155] : memref<3x512x16xf32, #tpu.memory_space<vmem>> -> memref<1x512x16xf32, #tpu.memory_space<vmem>>
          %dma_wait3A_157 = tpu.memref_squeeze %dma_wait3A_156 : memref<1x512x16xf32, #tpu.memory_space<vmem>> -> memref<512x16xf32, #tpu.memory_space<vmem>>
          %dma_wait3A_158 = arith.constant 0 : i32
          %dma_wait3A_159 = arith.constant 0 : i32
          %dma_wait3A_160 = tpu.memref_slice %arg2[%dma_wait3A_158, %dma_wait3A_159] : memref<100000x16xf32, #tpu.memory_space<hbm>> -> memref<512x16xf32, #tpu.memory_space<hbm>>
          tpu.wait_dma2 semaphore(%arg13 : memref<!tpu.dma_semaphore, #tpu.memory_space<semaphore_mem>>) src(%dma_wait3A_160 : memref<512x16xf32, #tpu.memory_space<hbm>>) dst(%dma_wait3A_157 : memref<512x16xf32, #tpu.memory_space<vmem>>)
          %sub3A = arith.constant 1 : i32
          %sub3A_161 = arith.subi %scan3A_116, %sub3A : i32
          %rem3A_162 = arith.constant 4 : i32
          %rem3A_163 = arith.remsi %sub3A_161, %rem3A_162 : i32
          %dma_start3A_164 = arith.constant 1 : i32
          %dma_start3A_165 = arith.constant 0 : i32
          %dma_start3A_166 = arith.constant 0 : i32
          %dma_start3A_167 = tpu.memref_slice %arg9[%dma_start3A_164, %dma_start3A_165, %dma_start3A_166] : memref<3x512x16xf32, #tpu.memory_space<vmem>> -> memref<1x512x16xf32, #tpu.memory_space<vmem>>
          %dma_start3A_168 = tpu.memref_squeeze %dma_start3A_167 : memref<1x512x16xf32, #tpu.memory_space<vmem>> -> memref<512x16xf32, #tpu.memory_space<vmem>>
          %dma_start3A_169 = arith.constant 0 : i32
          %dma_start3A_170 = tpu.memref_slice %arg8[%rem3A_163, %dma_start3A_169] : memref<4x512xi32, #tpu.memory_space<vmem>> -> memref<1x512xi32, #tpu.memory_space<vmem>>
          %dma_start3A_171 = tpu.memref_squeeze %dma_start3A_170 : memref<1x512xi32, #tpu.memory_space<vmem>> -> memref<512xi32, #tpu.memory_space<vmem>>
          %dma_start3A_172 = arith.constant 0 : i32
          %dma_start3A_173 = arith.constant 0 : i32
          %dma_start3A_174 = tpu.memref_slice %arg10[%dma_start3A_172, %dma_start3A_173] : memref<100096x16xf32, #tpu.memory_space<vmem_shared>> -> memref<100096x16xf32, #tpu.memory_space<vmem_shared>>
          tpu.enqueue_indirect_dma source(%dma_start3A_168 : memref<512x16xf32, #tpu.memory_space<vmem>>) target(%dma_start3A_174 : memref<100096x16xf32, #tpu.memory_space<vmem_shared>>) offsets(%dma_start3A_171 : memref<512xi32, #tpu.memory_space<vmem>>) semaphore(%arg16 : memref<!tpu.dma_semaphore, #tpu.memory_space<semaphore_mem>>) {add = true}
        } else {
        }
      } else {
      }
    }
    %scan3A_38 = arith.constant 197 : i32
    %dma_wait3A = arith.constant 0 : i32
    %dma_wait3A_39 = arith.constant 0 : i32
    %dma_wait3A_40 = arith.constant 0 : i32
    %dma_wait3A_41 = tpu.memref_slice %arg7[%dma_wait3A_39, %dma_wait3A_40] : memref<4x512xi32, #tpu.memory_space<vmem>> -> memref<1x512xi32, #tpu.memory_space<vmem>>
    %dma_wait3A_42 = tpu.memref_squeeze %dma_wait3A_41 : memref<1x512xi32, #tpu.memory_space<vmem>> -> memref<512xi32, #tpu.memory_space<vmem>>
    %dma_wait3A_43 = arith.constant 0 : i32
    %dma_wait3A_44 = tpu.memref_slice %arg3[%dma_wait3A, %dma_wait3A_43] : memref<6272x512xi32, #tpu.memory_space<hbm>> -> memref<1x512xi32, #tpu.memory_space<hbm>>
    %dma_wait3A_45 = tpu.memref_squeeze %dma_wait3A_44 : memref<1x512xi32, #tpu.memory_space<hbm>> -> memref<512xi32, #tpu.memory_space<hbm>>
    %dma_wait3A_46 = arith.constant 0 : i32
    %dma_wait3A_47 = tpu.memref_slice %arg7[%dma_wait3A_39, %dma_wait3A_46] : memref<4x512xi32, #tpu.memory_space<vmem>> -> memref<1x512xi32, #tpu.memory_space<vmem>>
    %dma_wait3A_48 = tpu.memref_squeeze %dma_wait3A_47 : memref<1x512xi32, #tpu.memory_space<vmem>> -> memref<512xi32, #tpu.memory_space<vmem>>
    %dma_wait3A_49 = arith.constant 0 : i32
    %dma_wait3A_50 = tpu.memref_slice %arg3[%dma_wait3A, %dma_wait3A_49] : memref<6272x512xi32, #tpu.memory_space<hbm>> -> memref<1x512xi32, #tpu.memory_space<hbm>>
    %dma_wait3A_51 = tpu.memref_squeeze %dma_wait3A_50 : memref<1x512xi32, #tpu.memory_space<hbm>> -> memref<512xi32, #tpu.memory_space<hbm>>
    tpu.wait_dma2 semaphore(%arg11 : memref<!tpu.dma_semaphore, #tpu.memory_space<semaphore_mem>>) src(%dma_wait3A_51 : memref<512xi32, #tpu.memory_space<hbm>>) dst(%dma_wait3A_48 : memref<512xi32, #tpu.memory_space<vmem>>)
    %dma_wait3A_52 = arith.constant 0 : i32
    %dma_wait3A_53 = arith.constant 0 : i32
    %dma_wait3A_54 = arith.constant 0 : i32
    %dma_wait3A_55 = tpu.memref_slice %arg8[%dma_wait3A_53, %dma_wait3A_54] : memref<4x512xi32, #tpu.memory_space<vmem>> -> memref<1x512xi32, #tpu.memory_space<vmem>>
    %dma_wait3A_56 = tpu.memref_squeeze %dma_wait3A_55 : memref<1x512xi32, #tpu.memory_space<vmem>> -> memref<512xi32, #tpu.memory_space<vmem>>
    %dma_wait3A_57 = arith.constant 0 : i32
    %dma_wait3A_58 = tpu.memref_slice %arg3[%dma_wait3A_52, %dma_wait3A_57] : memref<6272x512xi32, #tpu.memory_space<hbm>> -> memref<1x512xi32, #tpu.memory_space<hbm>>
    %dma_wait3A_59 = tpu.memref_squeeze %dma_wait3A_58 : memref<1x512xi32, #tpu.memory_space<hbm>> -> memref<512xi32, #tpu.memory_space<hbm>>
    %dma_wait3A_60 = arith.constant 0 : i32
    %dma_wait3A_61 = tpu.memref_slice %arg8[%dma_wait3A_53, %dma_wait3A_60] : memref<4x512xi32, #tpu.memory_space<vmem>> -> memref<1x512xi32, #tpu.memory_space<vmem>>
    %dma_wait3A_62 = tpu.memref_squeeze %dma_wait3A_61 : memref<1x512xi32, #tpu.memory_space<vmem>> -> memref<512xi32, #tpu.memory_space<vmem>>
    %dma_wait3A_63 = arith.constant 0 : i32
    %dma_wait3A_64 = tpu.memref_slice %arg3[%dma_wait3A_52, %dma_wait3A_63] : memref<6272x512xi32, #tpu.memory_space<hbm>> -> memref<1x512xi32, #tpu.memory_space<hbm>>
    %dma_wait3A_65 = tpu.memref_squeeze %dma_wait3A_64 : memref<1x512xi32, #tpu.memory_space<hbm>> -> memref<512xi32, #tpu.memory_space<hbm>>
    tpu.wait_dma2 semaphore(%arg11 : memref<!tpu.dma_semaphore, #tpu.memory_space<semaphore_mem>>) src(%dma_wait3A_65 : memref<512xi32, #tpu.memory_space<hbm>>) dst(%dma_wait3A_62 : memref<512xi32, #tpu.memory_space<vmem>>)
    %dma_wait3A_66 = arith.constant 0 : i32
    %dma_wait3A_67 = arith.constant 0 : i32
    %dma_wait3A_68 = arith.constant 0 : i32
    %dma_wait3A_69 = tpu.memref_slice %arg9[%dma_wait3A_66, %dma_wait3A_67, %dma_wait3A_68] : memref<3x512x16xf32, #tpu.memory_space<vmem>> -> memref<1x512x16xf32, #tpu.memory_space<vmem>>
    %dma_wait3A_70 = tpu.memref_squeeze %dma_wait3A_69 : memref<1x512x16xf32, #tpu.memory_space<vmem>> -> memref<512x16xf32, #tpu.memory_space<vmem>>
    %dma_wait3A_71 = arith.constant 0 : i32
    %dma_wait3A_72 = arith.constant 0 : i32
    %dma_wait3A_73 = tpu.memref_slice %arg2[%dma_wait3A_71, %dma_wait3A_72] : memref<100000x16xf32, #tpu.memory_space<hbm>> -> memref<512x16xf32, #tpu.memory_space<hbm>>
    %dma_wait3A_74 = arith.constant 0 : i32
    %dma_wait3A_75 = arith.constant 0 : i32
    %dma_wait3A_76 = tpu.memref_slice %arg9[%dma_wait3A_66, %dma_wait3A_74, %dma_wait3A_75] : memref<3x512x16xf32, #tpu.memory_space<vmem>> -> memref<1x512x16xf32, #tpu.memory_space<vmem>>
    %dma_wait3A_77 = tpu.memref_squeeze %dma_wait3A_76 : memref<1x512x16xf32, #tpu.memory_space<vmem>> -> memref<512x16xf32, #tpu.memory_space<vmem>>
    %dma_wait3A_78 = arith.constant 0 : i32
    %dma_wait3A_79 = arith.constant 0 : i32
    %dma_wait3A_80 = tpu.memref_slice %arg2[%dma_wait3A_78, %dma_wait3A_79] : memref<100000x16xf32, #tpu.memory_space<hbm>> -> memref<512x16xf32, #tpu.memory_space<hbm>>
    tpu.wait_dma2 semaphore(%arg15 : memref<!tpu.dma_semaphore, #tpu.memory_space<semaphore_mem>>) src(%dma_wait3A_80 : memref<512x16xf32, #tpu.memory_space<hbm>>) dst(%dma_wait3A_77 : memref<512x16xf32, #tpu.memory_space<vmem>>)
    %dma_wait3A_81 = arith.constant 1 : i32
    %dma_wait3A_82 = arith.constant 0 : i32
    %dma_wait3A_83 = arith.constant 0 : i32
    %dma_wait3A_84 = tpu.memref_slice %arg9[%dma_wait3A_81, %dma_wait3A_82, %dma_wait3A_83] : memref<3x512x16xf32, #tpu.memory_space<vmem>> -> memref<1x512x16xf32, #tpu.memory_space<vmem>>
    %dma_wait3A_85 = tpu.memref_squeeze %dma_wait3A_84 : memref<1x512x16xf32, #tpu.memory_space<vmem>> -> memref<512x16xf32, #tpu.memory_space<vmem>>
    %dma_wait3A_86 = arith.constant 0 : i32
    %dma_wait3A_87 = arith.constant 0 : i32
    %dma_wait3A_88 = tpu.memref_slice %arg2[%dma_wait3A_86, %dma_wait3A_87] : memref<100000x16xf32, #tpu.memory_space<hbm>> -> memref<512x16xf32, #tpu.memory_space<hbm>>
    %dma_wait3A_89 = arith.constant 0 : i32
    %dma_wait3A_90 = arith.constant 0 : i32
    %dma_wait3A_91 = tpu.memref_slice %arg9[%dma_wait3A_81, %dma_wait3A_89, %dma_wait3A_90] : memref<3x512x16xf32, #tpu.memory_space<vmem>> -> memref<1x512x16xf32, #tpu.memory_space<vmem>>
    %dma_wait3A_92 = tpu.memref_squeeze %dma_wait3A_91 : memref<1x512x16xf32, #tpu.memory_space<vmem>> -> memref<512x16xf32, #tpu.memory_space<vmem>>
    %dma_wait3A_93 = arith.constant 0 : i32
    %dma_wait3A_94 = arith.constant 0 : i32
    %dma_wait3A_95 = tpu.memref_slice %arg2[%dma_wait3A_93, %dma_wait3A_94] : memref<100000x16xf32, #tpu.memory_space<hbm>> -> memref<512x16xf32, #tpu.memory_space<hbm>>
    tpu.wait_dma2 semaphore(%arg16 : memref<!tpu.dma_semaphore, #tpu.memory_space<semaphore_mem>>) src(%dma_wait3A_95 : memref<512x16xf32, #tpu.memory_space<hbm>>) dst(%dma_wait3A_92 : memref<512x16xf32, #tpu.memory_space<vmem>>)
    %dma_wait3A_96 = arith.constant 2 : i32
    %dma_wait3A_97 = arith.constant 0 : i32
    %dma_wait3A_98 = arith.constant 0 : i32
    %dma_wait3A_99 = tpu.memref_slice %arg9[%dma_wait3A_96, %dma_wait3A_97, %dma_wait3A_98] : memref<3x512x16xf32, #tpu.memory_space<vmem>> -> memref<1x512x16xf32, #tpu.memory_space<vmem>>
    %dma_wait3A_100 = tpu.memref_squeeze %dma_wait3A_99 : memref<1x512x16xf32, #tpu.memory_space<vmem>> -> memref<512x16xf32, #tpu.memory_space<vmem>>
    %dma_wait3A_101 = arith.constant 0 : i32
    %dma_wait3A_102 = arith.constant 0 : i32
    %dma_wait3A_103 = tpu.memref_slice %arg2[%dma_wait3A_101, %dma_wait3A_102] : memref<100000x16xf32, #tpu.memory_space<hbm>> -> memref<512x16xf32, #tpu.memory_space<hbm>>
    %dma_wait3A_104 = arith.constant 0 : i32
    %dma_wait3A_105 = arith.constant 0 : i32
    %dma_wait3A_106 = tpu.memref_slice %arg9[%dma_wait3A_96, %dma_wait3A_104, %dma_wait3A_105] : memref<3x512x16xf32, #tpu.memory_space<vmem>> -> memref<1x512x16xf32, #tpu.memory_space<vmem>>
    %dma_wait3A_107 = tpu.memref_squeeze %dma_wait3A_106 : memref<1x512x16xf32, #tpu.memory_space<vmem>> -> memref<512x16xf32, #tpu.memory_space<vmem>>
    %dma_wait3A_108 = arith.constant 0 : i32
    %dma_wait3A_109 = arith.constant 0 : i32
    %dma_wait3A_110 = tpu.memref_slice %arg2[%dma_wait3A_108, %dma_wait3A_109] : memref<100000x16xf32, #tpu.memory_space<hbm>> -> memref<512x16xf32, #tpu.memory_space<hbm>>
    tpu.wait_dma2 semaphore(%arg17 : memref<!tpu.dma_semaphore, #tpu.memory_space<semaphore_mem>>) src(%dma_wait3A_110 : memref<512x16xf32, #tpu.memory_space<hbm>>) dst(%dma_wait3A_107 : memref<512x16xf32, #tpu.memory_space<vmem>>)
    %barrier3A_111 = arith.constant 0 : index
    tpu.barrier barrier_id(%barrier3A_111)
    %mul3A_112 = arith.constant 6256 : i32
    %mul3A_113 = arith.muli %arg1, %mul3A_112 : i32
    %mul3A_114 = arith.constant 6256 : i32
    %mul3A_115 = arith.muli %arg1, %mul3A_114 : i32
    "tpu.region"() ({
      %run_scoped3A = tpu.sem_alloc : memref<!tpu.dma_semaphore, #tpu.memory_space<semaphore_mem>>
      %dma_start3A_116 = arith.constant 0 : i32
      %dma_start3A_117 = tpu.memref_slice %arg6[%arg0, %mul3A_115, %dma_start3A_116] : memref<2x100096x16xf32, #tpu.memory_space<hbm>> -> memref<1x6256x16xf32, #tpu.memory_space<hbm>>
      %dma_start3A_118 = tpu.memref_squeeze %dma_start3A_117 : memref<1x6256x16xf32, #tpu.memory_space<hbm>> -> memref<6256x16xf32, #tpu.memory_space<hbm>>
      %dma_start3A_119 = arith.constant 0 : i32
      %dma_start3A_120 = tpu.memref_slice %arg10[%mul3A_113, %dma_start3A_119] : memref<100096x16xf32, #tpu.memory_space<vmem_shared>> -> memref<6256x16xf32, #tpu.memory_space<vmem_shared>>
      tpu.enqueue_dma source(%dma_start3A_120 : memref<6256x16xf32, #tpu.memory_space<vmem_shared>>) target(%dma_start3A_118 : memref<6256x16xf32, #tpu.memory_space<hbm>>) target_semaphore(%run_scoped3A : memref<!tpu.dma_semaphore, #tpu.memory_space<semaphore_mem>>)
      %dma_wait3A_121 = arith.constant 0 : i32
      %dma_wait3A_122 = tpu.memref_slice %arg6[%arg0, %mul3A_115, %dma_wait3A_121] : memref<2x100096x16xf32, #tpu.memory_space<hbm>> -> memref<1x6256x16xf32, #tpu.memory_space<hbm>>
      %dma_wait3A_123 = tpu.memref_squeeze %dma_wait3A_122 : memref<1x6256x16xf32, #tpu.memory_space<hbm>> -> memref<6256x16xf32, #tpu.memory_space<hbm>>
      %dma_wait3A_124 = arith.constant 0 : i32
      %dma_wait3A_125 = tpu.memref_slice %arg10[%mul3A_113, %dma_wait3A_124] : memref<100096x16xf32, #tpu.memory_space<vmem_shared>> -> memref<6256x16xf32, #tpu.memory_space<vmem_shared>>
      tpu.wait_dma2 semaphore(%run_scoped3A : memref<!tpu.dma_semaphore, #tpu.memory_space<semaphore_mem>>) src(%dma_wait3A_125 : memref<6256x16xf32, #tpu.memory_space<vmem_shared>>) dst(%dma_wait3A_123 : memref<6256x16xf32, #tpu.memory_space<hbm>>)
      tpu.yield
    }) : () -> ()
    return
  }
}

module attributes {stable_mosaic.version = 14 : i64} {
  func.func @_dense1_body(%arg0: i32, %arg1: memref<1x512x128xf32, #tpu.memory_space<vmem>>, %arg2: memref<1x512x128xf32, #tpu.memory_space<vmem>>, %arg3: memref<512x128xf32, #tpu.memory_space<vmem>>, %arg4: memref<512x128xf32, #tpu.memory_space<vmem>>, %arg5: memref<512x128xf32, #tpu.memory_space<vmem>>) attributes {dimension_semantics = [#tpu.dimension_semantics<arbitrary>], iteration_bounds = array<i64: 25>, scalar_prefetch = 0 : i64, scratch_operands = 0 : i64, tpu.core_type = #tpu.core_type<tc>, window_params = [{transform_indices = @transform_0, window_bounds = array<i64: 1, 512, 128>}, {transform_indices = @transform_1, window_bounds = array<i64: 1, 512, 128>}, {transform_indices = @transform_2, window_bounds = array<i64: 512, 128>}, {transform_indices = @transform_3, window_bounds = array<i64: 512, 128>}, {transform_indices = @transform_4, window_bounds = array<i64: 512, 128>}]} {
    %get3A = arith.constant 0 : index
    %get3A_0 = arith.constant 0 : index
    %get3A_1 = arith.constant 0 : index
    %get3A_2 = vector.load %arg1[%get3A, %get3A_0, %get3A_1] : memref<1x512x128xf32, #tpu.memory_space<vmem>>, vector<1x512x128xf32>
    %get3A_3 = vector.shape_cast %get3A_2 : vector<1x512x128xf32> to vector<512x128xf32>
    %get3A_4 = arith.constant 0 : index
    %get3A_5 = arith.constant 0 : index
    %get3A_6 = arith.constant 0 : index
    %get3A_7 = vector.load %arg2[%get3A_4, %get3A_5, %get3A_6] : memref<1x512x128xf32, #tpu.memory_space<vmem>>, vector<1x512x128xf32>
    %get3A_8 = vector.shape_cast %get3A_7 : vector<1x512x128xf32> to vector<512x128xf32>
    %add3A = arith.addf %get3A_3, %get3A_8 : vector<512x128xf32>
    %add3A_9 = arith.constant 1.000000e+00 : f32
    %add3A_10 = vector.broadcast %add3A_9 : f32 to vector<512x128xf32>
    %add3A_11 = arith.addf %add3A, %add3A_10 : vector<512x128xf32>
    %rsqrt3A = math.rsqrt %add3A_11 : vector<512x128xf32>
    %swap3A = arith.constant 0 : index
    %swap3A_12 = arith.constant 0 : index
    %swap3A_13 = vector.load %arg4[%swap3A, %swap3A_12] : memref<512x128xf32, #tpu.memory_space<vmem>>, vector<512x128xf32>
    tpu.vector_store %arg4[%swap3A, %swap3A_12], %rsqrt3A {strides = array<i32>} : memref<512x128xf32, #tpu.memory_space<vmem>>, vector<512x128xf32>,
    %get3A_14 = arith.constant 0 : index
    %get3A_15 = arith.constant 0 : index
    %get3A_16 = vector.load %arg3[%get3A_14, %get3A_15] : memref<512x128xf32, #tpu.memory_space<vmem>>, vector<512x128xf32>
    %mul3A = arith.mulf %get3A_16, %rsqrt3A : vector<512x128xf32>
    %swap3A_17 = arith.constant 0 : index
    %swap3A_18 = arith.constant 0 : index
    %swap3A_19 = vector.load %arg5[%swap3A_17, %swap3A_18] : memref<512x128xf32, #tpu.memory_space<vmem>>, vector<512x128xf32>
    tpu.vector_store %arg5[%swap3A_17, %swap3A_18], %mul3A {strides = array<i32>} : memref<512x128xf32, #tpu.memory_space<vmem>>, vector<512x128xf32>,
    return
  }
  func.func @transform_0(%arg0: i32) -> (i32, i32, i32) {
    %c0_i32 = arith.constant 0 : i32
    %c0_i32_0 = arith.constant 0 : i32
    %c0_i32_1 = arith.constant 0 : i32
    return %c0_i32, %arg0, %c0_i32_0 : i32, i32, i32
  }
  func.func @transform_1(%arg0: i32) -> (i32, i32, i32) {
    %c1_i32 = arith.constant 1 : i32
    %c0_i32 = arith.constant 0 : i32
    %c0_i32_0 = arith.constant 0 : i32
    return %c1_i32, %arg0, %c0_i32 : i32, i32, i32
  }
  func.func @transform_2(%arg0: i32) -> (i32, i32) {
    %c0_i32 = arith.constant 0 : i32
    %c0_i32_0 = arith.constant 0 : i32
    return %arg0, %c0_i32 : i32, i32
  }
  func.func @transform_3(%arg0: i32) -> (i32, i32) {
    %c0_i32 = arith.constant 0 : i32
    %c0_i32_0 = arith.constant 0 : i32
    return %arg0, %c0_i32 : i32, i32
  }
  func.func @transform_4(%arg0: i32) -> (i32, i32) {
    %c0_i32 = arith.constant 0 : i32
    %c0_i32_0 = arith.constant 0 : i32
    return %arg0, %c0_i32 : i32, i32
  }
}

module attributes {stable_mosaic.version = 14 : i64} {
  func.func @_dense2_body(%arg0: i32, %arg1: memref<1x512x128xf32, #tpu.memory_space<vmem>>, %arg2: memref<1x512x128xf32, #tpu.memory_space<vmem>>, %arg3: memref<512x128xf32, #tpu.memory_space<vmem>>, %arg4: memref<512x128xf32, #tpu.memory_space<vmem>>, %arg5: memref<128x128xf32, #tpu.memory_space<vmem>>, %arg6: memref<1x128xf32, #tpu.memory_space<vmem>>, %arg7: memref<128x128xf32, #tpu.memory_space<vmem>>, %arg8: memref<512x128xf32, #tpu.memory_space<vmem>>) attributes {dimension_semantics = [#tpu.dimension_semantics<arbitrary>], iteration_bounds = array<i64: 25>, scalar_prefetch = 0 : i64, scratch_operands = 0 : i64, tpu.core_type = #tpu.core_type<tc>, window_params = [{transform_indices = @transform_0, window_bounds = array<i64: 1, 512, 128>}, {transform_indices = @transform_1, window_bounds = array<i64: 1, 512, 128>}, {transform_indices = @transform_2, window_bounds = array<i64: 512, 128>}, {transform_indices = @transform_3, window_bounds = array<i64: 512, 128>}, {pipeline_mode = #tpu.pipeline_mode<synchronous>, transform_indices = @transform_4, window_bounds = array<i64: 128, 128>}, {pipeline_mode = #tpu.pipeline_mode<synchronous>, transform_indices = @transform_5, window_bounds = array<i64: 1, 128>}, {pipeline_mode = #tpu.pipeline_mode<synchronous>, transform_indices = @transform_6, window_bounds = array<i64: 128, 128>}, {transform_indices = @transform_7, window_bounds = array<i64: 512, 128>}]} {
    %get3A = arith.constant 0 : index
    %get3A_0 = arith.constant 0 : index
    %get3A_1 = vector.load %arg4[%get3A, %get3A_0] : memref<512x128xf32, #tpu.memory_space<vmem>>, vector<512x128xf32>
    %get3A_2 = arith.constant 0 : index
    %get3A_3 = arith.constant 0 : index
    %get3A_4 = arith.constant 0 : index
    %get3A_5 = vector.load %arg1[%get3A_2, %get3A_3, %get3A_4] : memref<1x512x128xf32, #tpu.memory_space<vmem>>, vector<1x512x128xf32>
    %get3A_6 = vector.shape_cast %get3A_5 : vector<1x512x128xf32> to vector<512x128xf32>
    %get3A_7 = arith.constant 0 : index
    %get3A_8 = arith.constant 0 : index
    %get3A_9 = arith.constant 0 : index
    %get3A_10 = vector.load %arg2[%get3A_7, %get3A_8, %get3A_9] : memref<1x512x128xf32, #tpu.memory_space<vmem>>, vector<1x512x128xf32>
    %get3A_11 = vector.shape_cast %get3A_10 : vector<1x512x128xf32> to vector<512x128xf32>
    %add3A = arith.addf %get3A_6, %get3A_11 : vector<512x128xf32>
    %get3A_12 = arith.constant 0 : index
    %get3A_13 = arith.constant 0 : index
    %get3A_14 = vector.load %arg3[%get3A_12, %get3A_13] : memref<512x128xf32, #tpu.memory_space<vmem>>, vector<512x128xf32>
    %add3A_15 = arith.addf %add3A, %get3A_14 : vector<512x128xf32>
    %mul3A = arith.mulf %get3A_1, %add3A_15 : vector<512x128xf32>
    %get3A_16 = arith.constant 0 : index
    %get3A_17 = arith.constant 0 : index
    %get3A_18 = vector.load %arg5[%get3A_16, %get3A_17] : memref<128x128xf32, #tpu.memory_space<vmem>>, vector<128x128xf32>
    %dot_general3A = arith.constant dense<0.000000e+00> : vector<512x128xf32>
    %dot_general3A_19 = tpu.matmul %mul3A, %get3A_18, %dot_general3A {dimension_numbers = #tpu.dot_dimension_numbers<[1], [0], [0], [1], [0, 0, 1, 1], [], []>, transpose_lhs_hint = false} : vector<512x128xf32>, vector<128x128xf32>, vector<512x128xf32> -> vector<512x128xf32>
    %get3A_20 = arith.constant 0 : index
    %get3A_21 = arith.constant 0 : index
    %get3A_22 = vector.load %arg6[%get3A_20, %get3A_21] : memref<1x128xf32, #tpu.memory_space<vmem>>, vector<1x128xf32>
    %add3A_23 = vector.broadcast %get3A_22 : vector<1x128xf32> to vector<512x128xf32>
    %add3A_24 = arith.addf %dot_general3A_19, %add3A_23 : vector<512x128xf32>
    %max3A = arith.constant 0.000000e+00 : f32
    %max3A_25 = vector.broadcast %max3A : f32 to vector<512x128xf32>
    %max3A_26 = arith.maximumf %add3A_24, %max3A_25 : vector<512x128xf32>
    %get3A_27 = arith.constant 0 : index
    %get3A_28 = arith.constant 0 : index
    %get3A_29 = vector.load %arg7[%get3A_27, %get3A_28] : memref<128x128xf32, #tpu.memory_space<vmem>>, vector<128x128xf32>
    %dot_general3A_30 = arith.constant dense<0.000000e+00> : vector<512x128xf32>
    %dot_general3A_31 = tpu.matmul %max3A_26, %get3A_29, %dot_general3A_30 {dimension_numbers = #tpu.dot_dimension_numbers<[1], [0], [0], [1], [0, 0, 1, 1], [], []>, transpose_lhs_hint = false} : vector<512x128xf32>, vector<128x128xf32>, vector<512x128xf32> -> vector<512x128xf32>
    %mul3A_32 = arith.mulf %dot_general3A_31, %get3A_1 : vector<512x128xf32>
    %swap3A = arith.constant 0 : index
    %swap3A_33 = arith.constant 0 : index
    %swap3A_34 = vector.load %arg8[%swap3A, %swap3A_33] : memref<512x128xf32, #tpu.memory_space<vmem>>, vector<512x128xf32>
    tpu.vector_store %arg8[%swap3A, %swap3A_33], %mul3A_32 {strides = array<i32>} : memref<512x128xf32, #tpu.memory_space<vmem>>, vector<512x128xf32>,
    return
  }
  func.func @transform_0(%arg0: i32) -> (i32, i32, i32) {
    %c0_i32 = arith.constant 0 : i32
    %c0_i32_0 = arith.constant 0 : i32
    %c0_i32_1 = arith.constant 0 : i32
    return %c0_i32, %arg0, %c0_i32_0 : i32, i32, i32
  }
  func.func @transform_1(%arg0: i32) -> (i32, i32, i32) {
    %c1_i32 = arith.constant 1 : i32
    %c0_i32 = arith.constant 0 : i32
    %c0_i32_0 = arith.constant 0 : i32
    return %c1_i32, %arg0, %c0_i32 : i32, i32, i32
  }
  func.func @transform_2(%arg0: i32) -> (i32, i32) {
    %c0_i32 = arith.constant 0 : i32
    %c0_i32_0 = arith.constant 0 : i32
    return %arg0, %c0_i32 : i32, i32
  }
  func.func @transform_3(%arg0: i32) -> (i32, i32) {
    %c0_i32 = arith.constant 0 : i32
    %c0_i32_0 = arith.constant 0 : i32
    return %arg0, %c0_i32 : i32, i32
  }
  func.func @transform_4(%arg0: i32) -> (i32, i32) {
    %c0_i32 = arith.constant 0 : i32
    %c0_i32_0 = arith.constant 0 : i32
    %c0_i32_1 = arith.constant 0 : i32
    return %c0_i32, %c0_i32_0 : i32, i32
  }
  func.func @transform_5(%arg0: i32) -> (i32, i32) {
    %c0_i32 = arith.constant 0 : i32
    %c0_i32_0 = arith.constant 0 : i32
    %c0_i32_1 = arith.constant 0 : i32
    return %c0_i32, %c0_i32_0 : i32, i32
  }
  func.func @transform_6(%arg0: i32) -> (i32, i32) {
    %c0_i32 = arith.constant 0 : i32
    %c0_i32_0 = arith.constant 0 : i32
    %c0_i32_1 = arith.constant 0 : i32
    return %c0_i32, %c0_i32_0 : i32, i32
  }
  func.func @transform_7(%arg0: i32) -> (i32, i32) {
    %c0_i32 = arith.constant 0 : i32
    %c0_i32_0 = arith.constant 0 : i32
    return %arg0, %c0_i32 : i32, i32
  }
}

module attributes {stable_mosaic.version = 14 : i64} {
  func.func @_mid_body(%arg0: i32, %arg1: memref<1x512x128xf32, #tpu.memory_space<vmem>>, %arg2: memref<1x512x128xf32, #tpu.memory_space<vmem>>, %arg3: memref<512x128xf32, #tpu.memory_space<vmem>>, %arg4: memref<512x128xf32, #tpu.memory_space<vmem>>, %arg5: memref<1x128xf32, #tpu.memory_space<vmem>>, %arg6: memref<128x128xf32, #tpu.memory_space<vmem>>, %arg7: memref<512x128xf32, #tpu.memory_space<vmem>>) attributes {dimension_semantics = [#tpu.dimension_semantics<arbitrary>], iteration_bounds = array<i64: 25>, scalar_prefetch = 0 : i64, scratch_operands = 0 : i64, tpu.core_type = #tpu.core_type<tc>, window_params = [{transform_indices = @transform_0, window_bounds = array<i64: 1, 512, 128>}, {transform_indices = @transform_1, window_bounds = array<i64: 1, 512, 128>}, {transform_indices = @transform_2, window_bounds = array<i64: 512, 128>}, {transform_indices = @transform_3, window_bounds = array<i64: 512, 128>}, {pipeline_mode = #tpu.pipeline_mode<synchronous>, transform_indices = @transform_4, window_bounds = array<i64: 1, 128>}, {pipeline_mode = #tpu.pipeline_mode<synchronous>, transform_indices = @transform_5, window_bounds = array<i64: 128, 128>}, {transform_indices = @transform_6, window_bounds = array<i64: 512, 128>}]} {
    %get3A = arith.constant 0 : index
    %get3A_0 = arith.constant 0 : index
    %get3A_1 = vector.load %arg4[%get3A, %get3A_0] : memref<512x128xf32, #tpu.memory_space<vmem>>, vector<512x128xf32>
    %get3A_2 = arith.constant 0 : index
    %get3A_3 = arith.constant 0 : index
    %get3A_4 = arith.constant 0 : index
    %get3A_5 = vector.load %arg1[%get3A_2, %get3A_3, %get3A_4] : memref<1x512x128xf32, #tpu.memory_space<vmem>>, vector<1x512x128xf32>
    %get3A_6 = vector.shape_cast %get3A_5 : vector<1x512x128xf32> to vector<512x128xf32>
    %get3A_7 = arith.constant 0 : index
    %get3A_8 = arith.constant 0 : index
    %get3A_9 = arith.constant 0 : index
    %get3A_10 = vector.load %arg2[%get3A_7, %get3A_8, %get3A_9] : memref<1x512x128xf32, #tpu.memory_space<vmem>>, vector<1x512x128xf32>
    %get3A_11 = vector.shape_cast %get3A_10 : vector<1x512x128xf32> to vector<512x128xf32>
    %add3A = arith.addf %get3A_6, %get3A_11 : vector<512x128xf32>
    %get3A_12 = arith.constant 0 : index
    %get3A_13 = arith.constant 0 : index
    %get3A_14 = vector.load %arg3[%get3A_12, %get3A_13] : memref<512x128xf32, #tpu.memory_space<vmem>>, vector<512x128xf32>
    %add3A_15 = arith.addf %add3A, %get3A_14 : vector<512x128xf32>
    %mul3A = arith.mulf %get3A_1, %add3A_15 : vector<512x128xf32>
    %get3A_16 = arith.constant 0 : index
    %get3A_17 = arith.constant 0 : index
    %get3A_18 = vector.load %arg5[%get3A_16, %get3A_17] : memref<1x128xf32, #tpu.memory_space<vmem>>, vector<1x128xf32>
    %add3A_19 = vector.broadcast %get3A_18 : vector<1x128xf32> to vector<512x128xf32>
    %add3A_20 = arith.addf %mul3A, %add3A_19 : vector<512x128xf32>
    %max3A = arith.constant 0.000000e+00 : f32
    %max3A_21 = vector.broadcast %max3A : f32 to vector<512x128xf32>
    %max3A_22 = arith.maximumf %add3A_20, %max3A_21 : vector<512x128xf32>
    %get3A_23 = arith.constant 0 : index
    %get3A_24 = arith.constant 0 : index
    %get3A_25 = vector.load %arg6[%get3A_23, %get3A_24] : memref<128x128xf32, #tpu.memory_space<vmem>>, vector<128x128xf32>
    %dot_general3A = arith.constant dense<0.000000e+00> : vector<512x128xf32>
    %dot_general3A_26 = tpu.matmul %max3A_22, %get3A_25, %dot_general3A {dimension_numbers = #tpu.dot_dimension_numbers<[1], [0], [0], [1], [0, 0, 1, 1], [], []>, transpose_lhs_hint = false} : vector<512x128xf32>, vector<128x128xf32>, vector<512x128xf32> -> vector<512x128xf32>
    %mul3A_27 = arith.mulf %dot_general3A_26, %get3A_1 : vector<512x128xf32>
    %swap3A = arith.constant 0 : index
    %swap3A_28 = arith.constant 0 : index
    %swap3A_29 = vector.load %arg7[%swap3A, %swap3A_28] : memref<512x128xf32, #tpu.memory_space<vmem>>, vector<512x128xf32>
    tpu.vector_store %arg7[%swap3A, %swap3A_28], %mul3A_27 {strides = array<i32>} : memref<512x128xf32, #tpu.memory_space<vmem>>, vector<512x128xf32>,
    return
  }
  func.func @transform_0(%arg0: i32) -> (i32, i32, i32) {
    %c0_i32 = arith.constant 0 : i32
    %c0_i32_0 = arith.constant 0 : i32
    %c0_i32_1 = arith.constant 0 : i32
    return %c0_i32, %arg0, %c0_i32_0 : i32, i32, i32
  }
  func.func @transform_1(%arg0: i32) -> (i32, i32, i32) {
    %c1_i32 = arith.constant 1 : i32
    %c0_i32 = arith.constant 0 : i32
    %c0_i32_0 = arith.constant 0 : i32
    return %c1_i32, %arg0, %c0_i32 : i32, i32, i32
  }
  func.func @transform_2(%arg0: i32) -> (i32, i32) {
    %c0_i32 = arith.constant 0 : i32
    %c0_i32_0 = arith.constant 0 : i32
    return %arg0, %c0_i32 : i32, i32
  }
  func.func @transform_3(%arg0: i32) -> (i32, i32) {
    %c0_i32 = arith.constant 0 : i32
    %c0_i32_0 = arith.constant 0 : i32
    return %arg0, %c0_i32 : i32, i32
  }
  func.func @transform_4(%arg0: i32) -> (i32, i32) {
    %c0_i32 = arith.constant 0 : i32
    %c0_i32_0 = arith.constant 0 : i32
    %c0_i32_1 = arith.constant 0 : i32
    return %c0_i32, %c0_i32_0 : i32, i32
  }
  func.func @transform_5(%arg0: i32) -> (i32, i32) {
    %c0_i32 = arith.constant 0 : i32
    %c0_i32_0 = arith.constant 0 : i32
    %c0_i32_1 = arith.constant 0 : i32
    return %c0_i32, %c0_i32_0 : i32, i32
  }
  func.func @transform_6(%arg0: i32) -> (i32, i32) {
    %c0_i32 = arith.constant 0 : i32
    %c0_i32_0 = arith.constant 0 : i32
    return %arg0, %c0_i32 : i32, i32
  }
}

module attributes {stable_mosaic.version = 14 : i64} {
  func.func @_final_body(%arg0: i32, %arg1: memref<1x512x128xf32, #tpu.memory_space<vmem>>, %arg2: memref<1x512x128xf32, #tpu.memory_space<vmem>>, %arg3: memref<512x128xf32, #tpu.memory_space<vmem>>, %arg4: memref<512x128xf32, #tpu.memory_space<vmem>>, %arg5: memref<1x128xf32, #tpu.memory_space<vmem>>, %arg6: memref<128x128xf32, #tpu.memory_space<vmem>>, %arg7: memref<128x128xf32, #tpu.memory_space<vmem>>, %arg8: memref<512x128xf32, #tpu.memory_space<vmem>>) attributes {dimension_semantics = [#tpu.dimension_semantics<arbitrary>], iteration_bounds = array<i64: 25>, scalar_prefetch = 0 : i64, scratch_operands = 0 : i64, tpu.core_type = #tpu.core_type<tc>, window_params = [{transform_indices = @transform_0, window_bounds = array<i64: 1, 512, 128>}, {transform_indices = @transform_1, window_bounds = array<i64: 1, 512, 128>}, {transform_indices = @transform_2, window_bounds = array<i64: 512, 128>}, {transform_indices = @transform_3, window_bounds = array<i64: 512, 128>}, {pipeline_mode = #tpu.pipeline_mode<synchronous>, transform_indices = @transform_4, window_bounds = array<i64: 1, 128>}, {pipeline_mode = #tpu.pipeline_mode<synchronous>, transform_indices = @transform_5, window_bounds = array<i64: 128, 128>}, {pipeline_mode = #tpu.pipeline_mode<synchronous>, transform_indices = @transform_6, window_bounds = array<i64: 128, 128>}, {transform_indices = @transform_7, window_bounds = array<i64: 512, 128>}]} {
    %get3A = arith.constant 0 : index
    %get3A_0 = arith.constant 0 : index
    %get3A_1 = vector.load %arg4[%get3A, %get3A_0] : memref<512x128xf32, #tpu.memory_space<vmem>>, vector<512x128xf32>
    %get3A_2 = arith.constant 0 : index
    %get3A_3 = arith.constant 0 : index
    %get3A_4 = arith.constant 0 : index
    %get3A_5 = vector.load %arg1[%get3A_2, %get3A_3, %get3A_4] : memref<1x512x128xf32, #tpu.memory_space<vmem>>, vector<1x512x128xf32>
    %get3A_6 = vector.shape_cast %get3A_5 : vector<1x512x128xf32> to vector<512x128xf32>
    %get3A_7 = arith.constant 0 : index
    %get3A_8 = arith.constant 0 : index
    %get3A_9 = arith.constant 0 : index
    %get3A_10 = vector.load %arg2[%get3A_7, %get3A_8, %get3A_9] : memref<1x512x128xf32, #tpu.memory_space<vmem>>, vector<1x512x128xf32>
    %get3A_11 = vector.shape_cast %get3A_10 : vector<1x512x128xf32> to vector<512x128xf32>
    %add3A = arith.addf %get3A_6, %get3A_11 : vector<512x128xf32>
    %get3A_12 = arith.constant 0 : index
    %get3A_13 = arith.constant 0 : index
    %get3A_14 = vector.load %arg3[%get3A_12, %get3A_13] : memref<512x128xf32, #tpu.memory_space<vmem>>, vector<512x128xf32>
    %add3A_15 = arith.addf %add3A, %get3A_14 : vector<512x128xf32>
    %mul3A = arith.mulf %get3A_1, %add3A_15 : vector<512x128xf32>
    %get3A_16 = arith.constant 0 : index
    %get3A_17 = arith.constant 0 : index
    %get3A_18 = vector.load %arg5[%get3A_16, %get3A_17] : memref<1x128xf32, #tpu.memory_space<vmem>>, vector<1x128xf32>
    %add3A_19 = vector.broadcast %get3A_18 : vector<1x128xf32> to vector<512x128xf32>
    %add3A_20 = arith.addf %mul3A, %add3A_19 : vector<512x128xf32>
    %get3A_21 = arith.constant 0 : index
    %get3A_22 = arith.constant 0 : index
    %get3A_23 = vector.load %arg6[%get3A_21, %get3A_22] : memref<128x128xf32, #tpu.memory_space<vmem>>, vector<128x128xf32>
    %dot_general3A = arith.constant dense<0.000000e+00> : vector<512x128xf32>
    %dot_general3A_24 = tpu.matmul %add3A_20, %get3A_23, %dot_general3A {dimension_numbers = #tpu.dot_dimension_numbers<[1], [0], [0], [1], [0, 0, 1, 1], [], []>, transpose_lhs_hint = false} : vector<512x128xf32>, vector<128x128xf32>, vector<512x128xf32> -> vector<512x128xf32>
    %get3A_25 = arith.constant 0 : index
    %get3A_26 = arith.constant 0 : index
    %get3A_27 = vector.load %arg7[%get3A_25, %get3A_26] : memref<128x128xf32, #tpu.memory_space<vmem>>, vector<128x128xf32>
    %dot_general3A_28 = arith.constant dense<0.000000e+00> : vector<512x128xf32>
    %dot_general3A_29 = tpu.matmul %add3A_20, %get3A_27, %dot_general3A_28 {dimension_numbers = #tpu.dot_dimension_numbers<[1], [0], [0], [1], [0, 0, 1, 1], [], []>, transpose_lhs_hint = false} : vector<512x128xf32>, vector<128x128xf32>, vector<512x128xf32> -> vector<512x128xf32>
    %max3A = arith.maximumf %dot_general3A_24, %dot_general3A_29 : vector<512x128xf32>
    %sub3A = arith.subf %dot_general3A_24, %max3A : vector<512x128xf32>
    %exp3A = math.exp %sub3A : vector<512x128xf32>
    %sub3A_30 = arith.subf %dot_general3A_29, %max3A : vector<512x128xf32>
    %exp3A_31 = math.exp %sub3A_30 : vector<512x128xf32>
    %add3A_32 = arith.addf %exp3A, %exp3A_31 : vector<512x128xf32>
    %log3A = math.log %add3A_32 : vector<512x128xf32>
    %add3A_33 = arith.addf %max3A, %log3A : vector<512x128xf32>
    %sub3A_34 = arith.subf %add3A_20, %add3A_33 : vector<512x128xf32>
    %swap3A = arith.constant 0 : index
    %swap3A_35 = arith.constant 0 : index
    %swap3A_36 = vector.load %arg8[%swap3A, %swap3A_35] : memref<512x128xf32, #tpu.memory_space<vmem>>, vector<512x128xf32>
    tpu.vector_store %arg8[%swap3A, %swap3A_35], %sub3A_34 {strides = array<i32>} : memref<512x128xf32, #tpu.memory_space<vmem>>, vector<512x128xf32>,
    return
  }
  func.func @transform_0(%arg0: i32) -> (i32, i32, i32) {
    %c0_i32 = arith.constant 0 : i32
    %c0_i32_0 = arith.constant 0 : i32
    %c0_i32_1 = arith.constant 0 : i32
    return %c0_i32, %arg0, %c0_i32_0 : i32, i32, i32
  }
  func.func @transform_1(%arg0: i32) -> (i32, i32, i32) {
    %c1_i32 = arith.constant 1 : i32
    %c0_i32 = arith.constant 0 : i32
    %c0_i32_0 = arith.constant 0 : i32
    return %c1_i32, %arg0, %c0_i32 : i32, i32, i32
  }
  func.func @transform_2(%arg0: i32) -> (i32, i32) {
    %c0_i32 = arith.constant 0 : i32
    %c0_i32_0 = arith.constant 0 : i32
    return %arg0, %c0_i32 : i32, i32
  }
  func.func @transform_3(%arg0: i32) -> (i32, i32) {
    %c0_i32 = arith.constant 0 : i32
    %c0_i32_0 = arith.constant 0 : i32
    return %arg0, %c0_i32 : i32, i32
  }
  func.func @transform_4(%arg0: i32) -> (i32, i32) {
    %c0_i32 = arith.constant 0 : i32
    %c0_i32_0 = arith.constant 0 : i32
    %c0_i32_1 = arith.constant 0 : i32
    return %c0_i32, %c0_i32_0 : i32, i32
  }
  func.func @transform_5(%arg0: i32) -> (i32, i32) {
    %c0_i32 = arith.constant 0 : i32
    %c0_i32_0 = arith.constant 0 : i32
    %c0_i32_1 = arith.constant 0 : i32
    return %c0_i32, %c0_i32_0 : i32, i32
  }
  func.func @transform_6(%arg0: i32) -> (i32, i32) {
    %c0_i32 = arith.constant 0 : i32
    %c0_i32_0 = arith.constant 0 : i32
    %c0_i32_1 = arith.constant 0 : i32
    return %c0_i32, %c0_i32_0 : i32, i32
  }
  func.func @transform_7(%arg0: i32) -> (i32, i32) {
    %c0_i32 = arith.constant 0 : i32
    %c0_i32_0 = arith.constant 0 : i32
    return %arg0, %c0_i32 : i32, i32
  }
}

</mosaic_0001>

<sc_bundles>
// kernel: kernel.12.cloned.1.call-start
scs
__scs_entry_jumppad:
0x0: {  	(pc) =	sbr.rel $0x88, $3  }
0x1: {  	(tag) =	ssettag $0x0;
	lr =	simm.s32 $0x1  }
0x2: {  	[smem:$0x3F97] =	sst lr;
	_ =	strace $0xD0000000  }
0x3: {  	_ = 	snop  }
0x4: {  	_ = 	snop  }
0x5: {  	_ = 	snop  }
0x6: {  	_ = 	snop  }
0x7: {  	_ = 	snop  }
__scs_overlays_trampoline_lowered:
0x8: {  	[smem:$0x3FA6] =	sst s0  }
0x9: {  	[smem:$0x3FA7] =	sst s1  }
0xa: {  	[smem:$0x3FA8] =	sst s2  }
0xb: {  	[smem:$0x3FA9] =	sst s3  }
0xc: {  	[smem:$0x3FAA] =	sst s4  }
0xd: {  	[smem:$0x3FAB] =	sst s5  }
0xe: {  	[smem:$0x3FAC] =	sst s6  }
0xf: {  	[smem:$0x3FAD] =	sst s7  }
0x10: {  	[smem:$0x3FAE] =	sst s8  }
0x11: {  	[smem:$0x3FAF] =	sst s9;
	s0 =	simm.s32 @!p0 $0x0  }
0x12: {  	s1 =	sld [smem:$0x3F95];
	s0 =	simm.s32 @p0 $0x1  }
0x13: {  	[smem:$0x3FB0] =	sst s0;
	s0 =	simm.s32 @!p1 $0x0  }
0x14: {  	s2 =	sld [smem:$0x3F94];
	s0 =	simm.s32 @p1 $0x1  }
0x15: {  	[smem:$0x3FB1] =	sst s0;
	s0 =	simm.s32 @!p2 $0x0  }
0x16: {  	s3 =	sld [smem:$0x3FDB];
	s0 =	simm.s32 @p2 $0x1  }
0x17: {  	s4 =	simm.s32 $0x1BF5;
	[smem:$0x3FB3] =	sst s0  }
0x18: {  	s0 =	sld [smem:$0x3F96];
	_ =	swait.ge [sflag:s4], $0x0  }
0x19: {  	s7 =	sld [smem:$0x3F97]  }
0x1a: {  	s8 =	sadd.s32 $0xFFFFE003, lr  }
0x1b: {  	s9 =	sadd.s32 $0xFFFFFEF7, lr;
	s5 =	simm.s32 $0xFFFFFFFF;
	p2 =	slt.u32 s8, $0xFFFFF086  }
0x1c: {  	p1 =	slt.u32 s9, $0xF7A;
	s5 =	simm.s32 @!p2 $0x0  }
0x1d: {  	s5 =	simm.s32 @p1 $0x1;
	p0 =	seq.s32 s7, s2  }
0x1e: {  	s7 =	smul.u32 @!p0 $0xF7A, s2;
	p2 =	seq.s32 @!p0 s5, $0x0  }
0x1f: {  	s9 =	smul.u32 $0xF7A, s1;
	s8 =	simm.s32 @!p0 $0x1BF5;
	p2 =	por !p2, p0  }
0x20: {  	[sflag:s8] =	ssyncset.s32 @!p0 $0xFFFFF086;
	s6 =	sadd.s32 @!p0 s3, s7;
	s7 =	simm.s32 @!p0 $0x108  }
0x21: {  	s3 =	sadd.s32 s3, s9;
	s6 =	sadd.s32 @!p0 $0x88, s6;
	s7 =	simm.s32 @p2 $0x1082  }
0x22: {  	[simem:s7], [sflag:s8] =	dma.local @!p0 [hbm:s6], $0xF7A  }
0x23: {  	s9 =	sor.u32 $0xD0000000, s2;
	s6 =	simm.s32 $0x108;
	_ =	swait.ge @!p0 [sflag:s8], $0x0  }
0x24: {  	s3 =	sadd.s32 $0x88, s3;
	s6 =	simm.s32 @!p1 $0x1082;
	[sflag:s4] =	ssyncset.s32 $0xFFFFF086  }
0x25: {  	[simem:s6], [sflag:s4] =	dma.local [hbm:s3], $0xF7A  }
0x26: {  	[smem:$0x3F97] =	sst s1;
	(tag) =	ssettag s2;
	_ =	strace s9  }
0x27: {  	s1 =	sld [smem:$0x3FA7]  }
0x28: {  	s2 =	sld [smem:$0x3FA8]  }
0x29: {  	s4 =	sld [smem:$0x3FAA]  }
0x2a: {  	p0 =	seq.s32 s5, $0x0;
	s5 =	sld [smem:$0x3FAB]  }
0x2b: {  	s6 =	sld [smem:$0x3FAC]  }
0x2c: {  	s7 =	sld [smem:$0x3FAD]  }
0x2d: {  	s3 =	simm.s32 $0x108;
	s8 =	sld [smem:$0x3FAE]  }
0x2e: {  	s3 =	simm.s32 @!p0 $0x1082;
	s9 =	sld [smem:$0x3FAF]  }
0x2f: {  	lr =	sadd.s32 s0, s3;
	s0 =	sld [smem:$0x3FA6]  }
0x30: {  	s3 =	sld [smem:$0x3FA9]  }
0x31: {  	[smem:$0x3FB2] =	sst s10  }
0x32: {  	s10 =	sld [smem:$0x3FB0];
	_ =	sdelay $0x3  }
0x33: {  	p0 =	seq.s32 s10, $0x1;
	s10 =	sld [smem:$0x3FB2];
	_ =	sdelay $0x3  }
0x34: {  	[smem:$0x3FB2] =	sst s10  }
0x35: {  	s10 =	sld [smem:$0x3FB1];
	_ =	sdelay $0x3  }
0x36: {  	p1 =	seq.s32 s10, $0x1;
	s10 =	sld [smem:$0x3FB2];
	_ =	sdelay $0x3  }
0x37: {  	[smem:$0x3FB2] =	sst s10  }
0x38: {  	s10 =	sld [smem:$0x3FB3]  }
0x39: {  	_ = 	snop;
	(pc) =	sbr.ind lr, $3  }
0x3a: {  	_ = 	snop  }
0x3b: {  	_ = 	snop  }
0x3c: {  	p2 =	seq.s32 s10, $0x1;
	s10 =	sld [smem:$0x3FB2]  }
0x3d: {  	_ =	shalt  }
0x3e: {  	_ =	shalt  }
0x3f: {  	_ =	shalt  }
0x40: {  	_ =	shalt  }
0x41: {  	_ =	shalt  }
0x42: {  	_ =	shalt  }
0x43: {  	_ =	shalt  }
0x44: {  	_ =	shalt  }
0x45: {  	_ =	shalt  }
0x46: {  	_ =	shalt  }
0x47: {  	_ =	shalt  }
0x48: {  	_ =	shalt  }
0x49: {  	_ =	shalt  }
0x4a: {  	_ =	shalt  }
0x4b: {  	_ =	shalt  }
0x4c: {  	_ =	shalt  }
0x4d: {  	_ =	shalt  }
0x4e: {  	_ =	shalt  }
0x4f: {  	_ =	shalt  }
0x50: {  	_ =	shalt  }
0x51: {  	_ =	shalt  }
0x52: {  	_ =	shalt  }
0x53: {  	_ =	shalt  }
0x54: {  	_ =	shalt  }
0x55: {  	_ =	shalt  }
0x56: {  	_ =	shalt  }
0x57: {  	_ =	shalt  }
0x58: {  	_ =	shalt  }
0x59: {  	_ =	shalt  }
0x5a: {  	_ =	shalt  }
0x5b: {  	_ =	shalt  }
0x5c: {  	_ =	shalt  }
0x5d: {  	_ =	shalt  }
0x5e: {  	_ =	shalt  }
0x5f: {  	_ =	shalt  }
0x60: {  	_ =	shalt  }
0x61: {  	_ =	shalt  }
0x62: {  	_ =	shalt  }
0x63: {  	_ =	shalt  }
0x64: {  	_ =	shalt  }
0x65: {  	_ =	shalt  }
0x66: {  	_ =	shalt  }
0x67: {  	_ =	shalt  }
0x68: {  	_ =	shalt  }
0x69: {  	_ =	shalt  }
0x6a: {  	_ =	shalt  }
0x6b: {  	_ =	shalt  }
0x6c: {  	_ =	shalt  }
0x6d: {  	_ =	shalt  }
0x6e: {  	_ =	shalt  }
0x6f: {  	_ =	shalt  }
0x70: {  	_ =	shalt  }
0x71: {  	_ =	shalt  }
0x72: {  	_ =	shalt  }
0x73: {  	_ =	shalt  }
0x74: {  	_ =	shalt  }
0x75: {  	_ =	shalt  }
0x76: {  	_ =	shalt  }
0x77: {  	_ =	shalt  }
0x78: {  	_ =	shalt  }
0x79: {  	_ =	shalt  }
0x7a: {  	_ =	shalt  }
0x7b: {  	_ =	shalt  }
0x7c: {  	_ =	shalt  }
0x7d: {  	_ =	shalt  }
0x7e: {  	_ =	shalt  }
0x7f: {  	_ =	shalt  }
0x80: {  	_ =	shalt  }
0x81: {  	_ =	shalt  }
0x82: {  	_ =	shalt  }
0x83: {  	_ =	shalt  }
0x84: {  	_ =	shalt  }
0x85: {  	_ =	shalt  }
0x86: {  	_ =	shalt  }
0x87: {  	_ =	shalt  }
.Lfunc_end0:
.L_simem_size_0:
called_computation_lowered:
.L_overlay_start_0:
0x88: {  	s2 =	sld [smem:$0x3FD9]  }
0x89: {  	s3 =	sld [smem:$0x3FFE];
	_ =	sdelay $0x1  }
0x8a: {  	s1 =	srdreg.scid  }
0x8b: {  	s0 =	sand.u32 $0x1, s1  }
0x8c: {  	s17 =	sshll.u32 s0, $0xA;
	s2 =	sadd.s32 s3, s2  }
0x8d: {  	s2 =	sadd.s32 s2, s17  }
0x8e: {  	[smem:$0x3FBE] =	sst s2  }
0x8f: {  	_ = 	snop  }
0x90: {  	s2 =	sld [smem:$0x3FD0];
	(tm) =	ssettm $0x1  }
0x91: {  	s18 =	sld [smem:$0x3FFB];
	_ =	sdelay $0x3  }
0x92: {  	_ =	strace s18  }
0x93: {  	s3 =	sld [smem:$0x3FFC];
	_ =	sdelay $0x3  }
0x94: {  	_ =	strace s3  }
0x95: {  	s3 =	sld [smem:$0x3FFD];
	_ =	sdelay $0x3  }
0x96: {  	_ =	strace s3  }
0x97: {  	_ =	strace $0x8FFFFFFF  }
0x98: {  	s19 =	sld [smem:$0x3FDB];
	_ =	sdelay $0x1  }
0x99: {  	s4 =	simm.s32 $_scs_section_size  }
0x9a: {  	s5 =	simm.s32 $_size__tile_overlayer_lowered;
	s6 =	simm.s32 $_tile_overlayer_lowered  }
0x9b: {  	s22 =	simm.s32 $0x1BFF;
	s21 =	sshll.u32 s6, $0x1;
	s3 =	sadd.s32 s4, s19  }
0x9c: {  	s7 =	simm.s32 $0x0;
	s20 =	sshll.u32 s5, $0x1;
	s5 =	sadd.s32 s21, s3  }
0x9d: {  	[timem:s7], [sflag:s22] =	dma.local [hbm:s5], s20  }
0x9e: {  	_ =	swait.ge [sflag:s22], s20  }
0x9f: {  	s4 =	ssub.s32 $0x0, s20;
	[sflag:s22] =	ssyncset.done $0x0  }
0xa0: {  	[sflag:s22] =	ssyncadd.s32 s4;
	_ =	sdelay $0x1  }
0xa1: {  	s23 =	simm.s32 $0x1B8B  }
0xa2: {  	_ =	swait.ge [sflag:s23], $0x1  }
0xa3: {  	[sflag:s23] =	ssyncset.done $0x0  }
0xa4: {  	s25 =	simm.s32 $0x1B8E;
	s24 =	sld [smem:$0x3FFE];
	[sflag:s23] =	ssyncadd.s32 $0xFFFFFFFF  }
0xa5: {  	s26 =	simm.s32 $execute0_lowered;
	[smem:$0x3FD2] =	sst s25  }
0xa6: {  	s5 =	sshll.u32 s26, $0x1;
	_ =	strace $0x80000046;
	[dreg:$0x1] =	wrdreg $0xFFFFFFFF  }
0xa7: {  	s28 =	simm.s32 $_size_execute0_lowered;
	s3 =	sadd.s32 s3, s5;
	[dreg:$0x0] =	wrdreg $0x0  }
0xa8: {  	s5 =	sshll.u32 s28, $0x1;
	[dreg:$0x2] =	wrdreg s3  }
0xa9: {  	[dreg:$0x3] =	wrdreg s5  }
0xaa: {  	[dreg:$0x4] =	wrdreg $0xC0  }
0xab: {  	_ =	task [dreg:s7], $0x5FFFF  }
0xac: {  	[dreg:$0x1] =	wrdreg $0xFFFFFFFF  }
0xad: {  	[dreg:$0x0] =	wrdreg $0x60  }
0xae: {  	[dreg:$0x2] =	wrdreg s24  }
0xaf: {  	[dreg:$0x3] =	wrdreg s2  }
0xb0: {  	[dreg:$0x4] =	wrdreg $0x28000  }
0xb1: {  	[dreg:$0x5] =	wrdreg $0x9  }
0xb2: {  	_ =	task.clear_ibuf [dreg:s7], $0x6FFFF;
	_ =	strace $0x90000046  }
0xb3: {  	s29 =	simm.s32 $0x9;
	_ =	strace $0x80000048  }
0xb4: {  	_ =	swait.ge [sflag:s29], $0x1  }
0xb5: {  	[sflag:s29] =	ssyncadd.s32 $0xFFFFFFFF  }
0xb6: {  	_ =	strace $0x90000048  }
0xb7: {  	_ =	sfence  }
0xb8: {  	s30 =	sld [smem:$0x0];
	_ =	sdelay $0x2  }
0xb9: {  	s31 =	sshll.u32 s1, $0xD;
	s1 =	sshrl.u32 s1, $0x2  }
0xba: {  	s3 =	sand.u32 $0x4000, s31;
	s1 =	sadd.s32 s1, s30  }
0xbb: {  	s0 =	sor.u32 s3, s0;
	s1 =	sshll.u32 s1, $0x11  }
0xbc: {  	s0 =	sor.u32 s1, s0  }
0xbd: {  	s0 =	sadd.s32 $0x8F2B, s0  }
0xbe: {  	[sflag:s0] =	ssyncadd.remote.s32 $0x1  }
0xbf: {  	_ =	sfence.sel $0xFFFF  }
0xc0: {  	[dreg:$0x0] =	wrdreg $0xFFFFFFFF;
	(pc) =	sbr.abs _section_cstart, $3  }
0xc1: {  	[dreg:$0x1] =	wrdreg $0xFFFFFFFF  }
0xc2: {  	_ =	task.clear_ibuf [dreg:s7], $0x2FFFF;
	_ =	strace $0x9FFFFFFF  }
0xc3: {  	(tm) =	ssettm $0x7FFFFFFF  }
tec
execute0_lowered:
.L_overlay_start_1:
0x0: {  	(tag) =	ssettag $0x1  }
0x1: {  	s7 =	rddreg [dreg:$0x0]  }
0x2: {  	s2 =	rddreg [dreg:$0x1];
	s1 =	srdreg.scid  }
0x3: {  	s0 =	stileid.u32;
	s3 =	rddreg [dreg:$0x2]  }
0x4: {  	s4 =	simm.s32 $0x0;
	s15 =	simm.s32 $0x1;
	s16 =	simm.s32 $0x3  }
0x5: {  	s17 =	simm.s32 $0x4;
	s18 =	simm.s32 $0x5;
	s19 =	simm.s32 $0x0  }
0x6: {  	s8 =	sand.u32 $0x1, s1;
	s9 =	smul.u32 $0x18700, s0;
	s1 =	rddreg [dreg:$0x3]  }
0x7: {  	[smem:$0x7FF] =	sst s4;
	s5 =	sadd.s32 $0x4400, s7;
	s11 =	sshll.u32 s0, $0x1  }
0x8: {  	s6 =	smul.u32 $0x187000, s8;
	s30 =	ssub.s32 $0x2, s8;
	s8 =	sor.u32 s8, s11  }
0x9: {  	s12 =	sshll.u32 s0, $0x6;
	_ =	strace $0x80000047;
	s13 =	smul.u32 $0x3100, s8  }
0xa: {  	s31 =	sshrl.u32 s30, $0x1;
	s14 =	sadd.s32 s9, s3;
	s8 =	smul.u32 $0xC4, s8  }
0xb: {  	s10 =	sadd.s32 s9, s6;
	s6 =	sadd.s32 $0x66400, s7;
	s11 =	ssub.s32 s30, s31  }
0xc: {  	s10 =	sshrl.u32 s10, $0x3;
	s9 =	sadd.s32 s5, s13;
	s11 =	smax.u32 s11, $0x1  }
0xd: {  	s13 =	simm.s32 $0x6;
	s10 =	sadd.s32 s10, s7;
	s7 =	sor.u32 $0x1C06, s12  }
0xe: {  	s12 =	sshrl.u32 s14, $0x3;
	s14 =	simm.s32 $0x800;
	s10 =	sadd.s32 $0x69600, s10  }
.LBB2_1:
0xf: {  	[spmem:s12], [sflag:s7] =	dma.local [hbm:s6], $0x30E0  }
0x10: {  	_ =	swait.ge [sflag:s13], $0x30E0  }
0x11: {  	[sflag:s13] =	ssyncset.done $0x0  }
0x12: {  	[sflag:s13] =	ssyncadd.s32 $0xFFFFCF20  }
0x13: {  	[tilespmem:s14], [sflag:$0x6] =	stream.linear.gather [hbm4b:s2+s4], $0x2000, $0x38;
	[tilespmem:$0x1AF00] =	vst v63  }
0x14: {  	_ =	swait.ge [sflag:s13], $0x2000  }
0x15: {  	[sflag:s13] =	ssyncset.done $0x0  }
0x16: {  	[sflag:s13] =	ssyncadd.s32 $0xFFFFE000  }
0x17: {  	s20 =	simm.s32 $0x0;
	[bflag:$0x0] =	sbarrier.arrive $0xFFFF  }
0x18: {  	[tilespmem:s4], [sflag:$0x1] =	stream.linear.gather [hbm4b:s9+s4], $0x200, $0x38;
	[tilespmem:$0x1AF00] =	vst v63  }
.LBB2_2:
0x19: {  	s21 =	sand.u32 $0x3, s20  }
0x1a: {  	p0 =	sgt.s32 s21, $0x1  }
0x1b: {  	p1 =	seq.s32 @p0 s21, $0x2  }
0x1c: {  	p2 =	por !p1, !p0  }
0x1d: {  	p3 =	slt.u32 @!p2 s20, $0x3  }
0x1e: {  	p3 =	por @p0 p3, !p1  }
0x1f: {  	p3 =	por p3, !p0  }
0x20: {  	s22 =	simm.s32 @!p3 $0x5  }
0x21: {  	_ =	swait.ge @!p3 [sflag:s22], $0x2000  }
0x22: {  	[sflag:s22] =	ssyncset.done @!p3 $0x0  }
0x23: {  	[sflag:s22] =	ssyncadd.s32 @!p3 $0xFFFFE000;
	s22 =	simm.s32 @!p2 $0x1  }
0x24: {  	_ =	swait.ge @!p2 [sflag:s22], $0x200  }
0x25: {  	s23 =	simm.s32 @!p2 $0x400;
	[sflag:s22] =	ssyncset.done @!p2 $0x0  }
0x26: {  	s24 =	simm.s32 @!p2 $0x800;
	[sflag:s22] =	ssyncadd.s32 @!p2 $0xFFFFFE00;
	s22 =	simm.s32 @!p2 $0x200  }
0x27: {  	[spmem:s3] =	stream.indirect.scatter.add.f32 @!p2 [tilespmem:s24], [sflag:$0x4], $0x10, s23, s22, $0xb8;
	[tilespmem:$0x1AF00] =	vst v63  }
0x28: {  	p2 =	por p1, !p0  }
0x29: {  	p3 =	slt.u32 @!p2 s20, $0x3  }
0x2a: {  	p1 =	por @p0 p3, p1  }
0x2b: {  	p1 =	por p1, !p0  }
0x2c: {  	s22 =	simm.s32 @!p1 $0x2  }
0x2d: {  	_ =	swait.ge @!p1 [sflag:s22], $0x2000  }
0x2e: {  	[sflag:s22] =	ssyncset.done @!p1 $0x0  }
0x2f: {  	[sflag:s22] =	ssyncadd.s32 @!p1 $0xFFFFE000;
	s22 =	simm.s32 @!p2 $0x1  }
0x30: {  	_ =	swait.ge @!p2 [sflag:s22], $0x200  }
0x31: {  	s23 =	simm.s32 @!p2 $0x600;
	s24 =	simm.s32 @!p2 $0x800;
	[sflag:s22] =	ssyncset.done @!p2 $0x0  }
0x32: {  	p1 =	seq.s32 @!p0 s21, $0x0;
	[sflag:s22] =	ssyncadd.s32 @!p2 $0xFFFFFE00;
	s22 =	simm.s32 @!p2 $0x200  }
0x33: {  	[spmem:s3] =	stream.indirect.scatter.add.f32 @!p2 [tilespmem:s24], [sflag:$0x5], $0x10, s23, s22, $0xb8;
	[tilespmem:$0x1AF00] =	vst v63  }
0x34: {  	p2 =	por !p1, p0  }
0x35: {  	p3 =	slt.u32 @!p2 s20, $0x3  }
0x36: {  	p3 =	por @!p0 p3, !p1  }
0x37: {  	p3 =	por p3, p0  }
0x38: {  	s21 =	simm.s32 @!p3 $0x3  }
0x39: {  	_ =	swait.ge @!p3 [sflag:s21], $0x2000  }
0x3a: {  	[sflag:s21] =	ssyncset.done @!p3 $0x0  }
0x3b: {  	[sflag:s21] =	ssyncadd.s32 @!p3 $0xFFFFE000;
	s21 =	simm.s32 @!p2 $0x1  }
0x3c: {  	_ =	swait.ge @!p2 [sflag:s21], $0x200  }
0x3d: {  	s22 =	simm.s32 @!p2 $0x0;
	[sflag:s21] =	ssyncset.done @!p2 $0x0  }
0x3e: {  	s23 =	simm.s32 @!p2 $0x800;
	[sflag:s21] =	ssyncadd.s32 @!p2 $0xFFFFFE00;
	s21 =	simm.s32 @!p2 $0x200  }
0x3f: {  	[spmem:s3] =	stream.indirect.scatter.add.f32 @!p2 [tilespmem:s23], [sflag:$0x2], $0x10, s22, s21, $0xb8;
	[tilespmem:$0x1AF00] =	vst v63  }
0x40: {  	p2 =	por p1, p0  }
0x41: {  	p3 =	slt.u32 @!p2 s20, $0x3  }
0x42: {  	p1 =	por @!p0 p3, p1  }
0x43: {  	p0 =	por p1, p0  }
0x44: {  	s21 =	simm.s32 @!p0 $0x4  }
0x45: {  	_ =	swait.ge @!p0 [sflag:s21], $0x2000  }
0x46: {  	[sflag:s21] =	ssyncset.done @!p0 $0x0  }
0x47: {  	[sflag:s21] =	ssyncadd.s32 @!p0 $0xFFFFE000;
	s21 =	simm.s32 @!p2 $0x1  }
0x48: {  	s30 =	smin.u32 s20, $0xC2;
	_ =	swait.ge @!p2 [sflag:s21], $0x200  }
0x49: {  	s22 =	simm.s32 @!p2 $0x800;
	s20 =	sadd.s32 $0x1, s20;
	[sflag:s21] =	ssyncset.done @!p2 $0x0  }
0x4a: {  	p0 =	sne.s32 s20, $0xC4;
	[sflag:s21] =	ssyncadd.s32 @!p2 $0xFFFFFE00;
	s21 =	simm.s32 @!p2 $0x200  }
0x4b: {  	[spmem:s3] =	stream.indirect.scatter.add.f32 @!p2 [tilespmem:s22], [sflag:$0x3], $0x10, s21, s21, $0xb8;
	[tilespmem:$0x1AF00] =	vst v63  }
.Ltmp0:
0x4c: {  	s21 =	sadd.s32 $0x1, s30;
	(pc) =	sbr.rel @p0 .LBB2_2-.Ltmp0, $4  }
0x4d: {  	s31 =	sadd.s32 s8, s21  }
0x4e: {  	s21 =	sshll.u32 s21, $0x9;
	s22 =	sshll.u32 s31, $0x6  }
0x4f: {  	s21 =	sand.u32 $0x600, s21;
	s22 =	sadd.s32 s5, s22  }
0x50: {  	[tilespmem:s21], [sflag:$0x1] =	stream.linear.gather [hbm4b:s22+s4], $0x200, $0x38;
	[tilespmem:$0x1AF00] =	vst v63  }
0x51: {  	_ =	swait.ge [sflag:s15], $0x200  }
0x52: {  	[sflag:s15] =	ssyncset.done $0x0  }
0x53: {  	[sflag:s15] =	ssyncadd.s32 $0xFFFFFE00  }
0x54: {  	_ =	swait.ge [sflag:s16], $0x2000  }
0x55: {  	[sflag:s16] =	ssyncset.done $0x0  }
0x56: {  	[sflag:s16] =	ssyncadd.s32 $0xFFFFE000  }
0x57: {  	_ =	swait.ge [sflag:s17], $0x2000  }
0x58: {  	[sflag:s17] =	ssyncset.done $0x0  }
0x59: {  	[sflag:s17] =	ssyncadd.s32 $0xFFFFE000  }
0x5a: {  	_ =	swait.ge [sflag:s18], $0x2000  }
0x5b: {  	s19 =	sadd.s32 $0x1, s19;
	[sflag:s18] =	ssyncset.done $0x0  }
0x5c: {  	p0 =	sne.s32 s19, s11;
	[sflag:s18] =	ssyncadd.s32 $0xFFFFE000  }
.Ltmp1:
0x5d: {  	[bflag:$0x0] =	sbarrier.arrive $0xFFFF;
	(pc) =	sbr.rel @p0 .LBB2_1-.Ltmp1, $4  }
0x5e: {  	[hbm:s10], [sflag:s7] =	dma.local [spmem:s12], $0x30E0  }
0x5f: {  	_ =	swait.ge [sflag:s13], $0x30E0  }
0x60: {  	[sflag:s13] =	ssyncset.done $0x0  }
0x61: {  	[sflag:s13] =	ssyncadd.s32 $0xFFFFCF20  }
0x62: {  	_ =	sfence.sel $0x180000  }
0x63: {  	[bflag:$0x0] =	sbarrier.arrive $0xFFFF  }
0x64: {  	p0 =	sne.s32 s0, $0x0;
	_ =	strace $0x90000047  }
0x65: {  	s0 =	sadd.s32 @!p0 $0x100000, s1;
	[bflag:$0x2] =	sbarrier.arrive $0xFFFF  }
0x66: {  	[sflag:s0] =	ssyncadd.tile.s32 @!p0 $0x1;
	_ =	shalt  }
.Lfunc_end2:
_tile_overlayer_lowered:
.L_overlay_start_2:
0x67: {  	(tag) =	ssettag $0x2  }
0x68: {  	s0 =	rddreg [dreg:$0x0];
	s2 =	stileid.u32  }
0x69: {  	s1 =	rddreg [dreg:$0x1];
	p0 =	sne.s32 s2, $0x0  }
0x6a: {  	s3 =	rddreg [dreg:$0x2];
	[bflag:$0x3] =	sbarrier.arrive $0xFFFF;
	s2 =	simm.s32 @!p0 $0x1C06  }
0x6b: {  	[timem:s3], [sflag:s2] =	dma.local @!p0 [hbm:s0], s1  }
0x6c: {  	s0 =	simm.s32 @!p0 $0x6  }
0x6d: {  	_ =	swait.ge @!p0 [sflag:s0], s1  }
0x6e: {  	s1 =	ssub.s32 @!p0 $0x0, s1;
	[sflag:s0] =	ssyncset.done @!p0 $0x0  }
0x6f: {  	[sflag:s0] =	ssyncadd.s32 @!p0 s1  }
0x70: {  	[bflag:$0x3] =	sbarrier.arrive $0xFFFF  }
0x71: {  	_ =	shalt  }

// kernel: kernel.15.cloned.1.call-start
scs
__scs_entry_jumppad:
0x0: {  	(pc) =	sbr.rel $0x88, $3  }
0x1: {  	(tag) =	ssettag $0x0;
	lr =	simm.s32 $0x1  }
0x2: {  	[smem:$0x3F97] =	sst lr;
	_ =	strace $0xD0000000  }
0x3: {  	_ = 	snop  }
0x4: {  	_ = 	snop  }
0x5: {  	_ = 	snop  }
0x6: {  	_ = 	snop  }
0x7: {  	_ = 	snop  }
__scs_overlays_trampoline_lowered:
0x8: {  	[smem:$0x3FA6] =	sst s0  }
0x9: {  	[smem:$0x3FA7] =	sst s1  }
0xa: {  	[smem:$0x3FA8] =	sst s2  }
0xb: {  	[smem:$0x3FA9] =	sst s3  }
0xc: {  	[smem:$0x3FAA] =	sst s4  }
0xd: {  	[smem:$0x3FAB] =	sst s5  }
0xe: {  	[smem:$0x3FAC] =	sst s6  }
0xf: {  	[smem:$0x3FAD] =	sst s7  }
0x10: {  	[smem:$0x3FAE] =	sst s8  }
0x11: {  	[smem:$0x3FAF] =	sst s9;
	s0 =	simm.s32 @!p0 $0x0  }
0x12: {  	s1 =	sld [smem:$0x3F95];
	s0 =	simm.s32 @p0 $0x1  }
0x13: {  	[smem:$0x3FB0] =	sst s0;
	s0 =	simm.s32 @!p1 $0x0  }
0x14: {  	s2 =	sld [smem:$0x3F94];
	s0 =	simm.s32 @p1 $0x1  }
0x15: {  	[smem:$0x3FB1] =	sst s0;
	s0 =	simm.s32 @!p2 $0x0  }
0x16: {  	s3 =	sld [smem:$0x3FDB];
	s0 =	simm.s32 @p2 $0x1  }
0x17: {  	s4 =	simm.s32 $0x1BF5;
	[smem:$0x3FB3] =	sst s0  }
0x18: {  	s0 =	sld [smem:$0x3F96];
	_ =	swait.ge [sflag:s4], $0x0  }
0x19: {  	s7 =	sld [smem:$0x3F97]  }
0x1a: {  	s8 =	sadd.s32 $0xFFFFE003, lr  }
0x1b: {  	s9 =	sadd.s32 $0xFFFFFEF7, lr;
	s5 =	simm.s32 $0xFFFFFFFF;
	p2 =	slt.u32 s8, $0xFFFFF086  }
0x1c: {  	p1 =	slt.u32 s9, $0xF7A;
	s5 =	simm.s32 @!p2 $0x0  }
0x1d: {  	s5 =	simm.s32 @p1 $0x1;
	p0 =	seq.s32 s7, s2  }
0x1e: {  	s7 =	smul.u32 @!p0 $0xF7A, s2;
	p2 =	seq.s32 @!p0 s5, $0x0  }
0x1f: {  	s9 =	smul.u32 $0xF7A, s1;
	s8 =	simm.s32 @!p0 $0x1BF5;
	p2 =	por !p2, p0  }
0x20: {  	[sflag:s8] =	ssyncset.s32 @!p0 $0xFFFFF086;
	s6 =	sadd.s32 @!p0 s3, s7;
	s7 =	simm.s32 @!p0 $0x108  }
0x21: {  	s3 =	sadd.s32 s3, s9;
	s6 =	sadd.s32 @!p0 $0x88, s6;
	s7 =	simm.s32 @p2 $0x1082  }
0x22: {  	[simem:s7], [sflag:s8] =	dma.local @!p0 [hbm:s6], $0xF7A  }
0x23: {  	s9 =	sor.u32 $0xD0000000, s2;
	s6 =	simm.s32 $0x108;
	_ =	swait.ge @!p0 [sflag:s8], $0x0  }
0x24: {  	s3 =	sadd.s32 $0x88, s3;
	s6 =	simm.s32 @!p1 $0x1082;
	[sflag:s4] =	ssyncset.s32 $0xFFFFF086  }
0x25: {  	[simem:s6], [sflag:s4] =	dma.local [hbm:s3], $0xF7A  }
0x26: {  	[smem:$0x3F97] =	sst s1;
	(tag) =	ssettag s2;
	_ =	strace s9  }
0x27: {  	s1 =	sld [smem:$0x3FA7]  }
0x28: {  	s2 =	sld [smem:$0x3FA8]  }
0x29: {  	s4 =	sld [smem:$0x3FAA]  }
0x2a: {  	p0 =	seq.s32 s5, $0x0;
	s5 =	sld [smem:$0x3FAB]  }
0x2b: {  	s6 =	sld [smem:$0x3FAC]  }
0x2c: {  	s7 =	sld [smem:$0x3FAD]  }
0x2d: {  	s3 =	simm.s32 $0x108;
	s8 =	sld [smem:$0x3FAE]  }
0x2e: {  	s3 =	simm.s32 @!p0 $0x1082;
	s9 =	sld [smem:$0x3FAF]  }
0x2f: {  	lr =	sadd.s32 s0, s3;
	s0 =	sld [smem:$0x3FA6]  }
0x30: {  	s3 =	sld [smem:$0x3FA9]  }
0x31: {  	[smem:$0x3FB2] =	sst s10  }
0x32: {  	s10 =	sld [smem:$0x3FB0];
	_ =	sdelay $0x3  }
0x33: {  	p0 =	seq.s32 s10, $0x1;
	s10 =	sld [smem:$0x3FB2];
	_ =	sdelay $0x3  }
0x34: {  	[smem:$0x3FB2] =	sst s10  }
0x35: {  	s10 =	sld [smem:$0x3FB1];
	_ =	sdelay $0x3  }
0x36: {  	p1 =	seq.s32 s10, $0x1;
	s10 =	sld [smem:$0x3FB2];
	_ =	sdelay $0x3  }
0x37: {  	[smem:$0x3FB2] =	sst s10  }
0x38: {  	s10 =	sld [smem:$0x3FB3]  }
0x39: {  	_ = 	snop;
	(pc) =	sbr.ind lr, $3  }
0x3a: {  	_ = 	snop  }
0x3b: {  	_ = 	snop  }
0x3c: {  	p2 =	seq.s32 s10, $0x1;
	s10 =	sld [smem:$0x3FB2]  }
0x3d: {  	_ =	shalt  }
0x3e: {  	_ =	shalt  }
0x3f: {  	_ =	shalt  }
0x40: {  	_ =	shalt  }
0x41: {  	_ =	shalt  }
0x42: {  	_ =	shalt  }
0x43: {  	_ =	shalt  }
0x44: {  	_ =	shalt  }
0x45: {  	_ =	shalt  }
0x46: {  	_ =	shalt  }
0x47: {  	_ =	shalt  }
0x48: {  	_ =	shalt  }
0x49: {  	_ =	shalt  }
0x4a: {  	_ =	shalt  }
0x4b: {  	_ =	shalt  }
0x4c: {  	_ =	shalt  }
0x4d: {  	_ =	shalt  }
0x4e: {  	_ =	shalt  }
0x4f: {  	_ =	shalt  }
0x50: {  	_ =	shalt  }
0x51: {  	_ =	shalt  }
0x52: {  	_ =	shalt  }
0x53: {  	_ =	shalt  }
0x54: {  	_ =	shalt  }
0x55: {  	_ =	shalt  }
0x56: {  	_ =	shalt  }
0x57: {  	_ =	shalt  }
0x58: {  	_ =	shalt  }
0x59: {  	_ =	shalt  }
0x5a: {  	_ =	shalt  }
0x5b: {  	_ =	shalt  }
0x5c: {  	_ =	shalt  }
0x5d: {  	_ =	shalt  }
0x5e: {  	_ =	shalt  }
0x5f: {  	_ =	shalt  }
0x60: {  	_ =	shalt  }
0x61: {  	_ =	shalt  }
0x62: {  	_ =	shalt  }
0x63: {  	_ =	shalt  }
0x64: {  	_ =	shalt  }
0x65: {  	_ =	shalt  }
0x66: {  	_ =	shalt  }
0x67: {  	_ =	shalt  }
0x68: {  	_ =	shalt  }
0x69: {  	_ =	shalt  }
0x6a: {  	_ =	shalt  }
0x6b: {  	_ =	shalt  }
0x6c: {  	_ =	shalt  }
0x6d: {  	_ =	shalt  }
0x6e: {  	_ =	shalt  }
0x6f: {  	_ =	shalt  }
0x70: {  	_ =	shalt  }
0x71: {  	_ =	shalt  }
0x72: {  	_ =	shalt  }
0x73: {  	_ =	shalt  }
0x74: {  	_ =	shalt  }
0x75: {  	_ =	shalt  }
0x76: {  	_ =	shalt  }
0x77: {  	_ =	shalt  }
0x78: {  	_ =	shalt  }
0x79: {  	_ =	shalt  }
0x7a: {  	_ =	shalt  }
0x7b: {  	_ =	shalt  }
0x7c: {  	_ =	shalt  }
0x7d: {  	_ =	shalt  }
0x7e: {  	_ =	shalt  }
0x7f: {  	_ =	shalt  }
0x80: {  	_ =	shalt  }
0x81: {  	_ =	shalt  }
0x82: {  	_ =	shalt  }
0x83: {  	_ =	shalt  }
0x84: {  	_ =	shalt  }
0x85: {  	_ =	shalt  }
0x86: {  	_ =	shalt  }
0x87: {  	_ =	shalt  }
.Lfunc_end0:
.L_simem_size_0:
called_computation.1_lowered:
.L_overlay_start_0:
0x88: {  	s2 =	sld [smem:$0x3FD9]  }
0x89: {  	s3 =	sld [smem:$0x3FFE];
	_ =	sdelay $0x1  }
0x8a: {  	s1 =	srdreg.scid  }
0x8b: {  	s0 =	sand.u32 $0x1, s1  }
0x8c: {  	s16 =	sshll.u32 s0, $0xA;
	s2 =	sadd.s32 s3, s2  }
0x8d: {  	s2 =	sadd.s32 s2, s16  }
0x8e: {  	[smem:$0x3FBE] =	sst s2  }
0x8f: {  	_ = 	snop  }
0x90: {  	(tm) =	ssettm $0x1  }
0x91: {  	s17 =	sld [smem:$0x3FFB];
	_ =	sdelay $0x3  }
0x92: {  	_ =	strace s17  }
0x93: {  	s2 =	sld [smem:$0x3FFC];
	_ =	sdelay $0x3  }
0x94: {  	_ =	strace s2  }
0x95: {  	s2 =	sld [smem:$0x3FFD];
	_ =	sdelay $0x3  }
0x96: {  	_ =	strace s2  }
0x97: {  	_ =	strace $0x8FFFFFFF  }
0x98: {  	s18 =	sld [smem:$0x3FDB];
	_ =	sdelay $0x1  }
0x99: {  	s19 =	simm.s32 $_scs_section_size  }
0x9a: {  	s4 =	simm.s32 $_size__tile_overlayer_lowered;
	s5 =	simm.s32 $_tile_overlayer_lowered  }
0x9b: {  	s22 =	simm.s32 $0x1BFF;
	s21 =	sshll.u32 s5, $0x1;
	s2 =	sadd.s32 s19, s18  }
0x9c: {  	s6 =	simm.s32 $0x0;
	s20 =	sshll.u32 s4, $0x1;
	s4 =	sadd.s32 s21, s2  }
0x9d: {  	[timem:s6], [sflag:s22] =	dma.local [hbm:s4], s20  }
0x9e: {  	_ =	swait.ge [sflag:s22], s20  }
0x9f: {  	s3 =	ssub.s32 $0x0, s20;
	[sflag:s22] =	ssyncset.done $0x0  }
0xa0: {  	[sflag:s22] =	ssyncadd.s32 s3;
	_ =	sdelay $0x1  }
0xa1: {  	s23 =	simm.s32 $0x1B8B  }
0xa2: {  	_ =	swait.ge [sflag:s23], $0x1  }
0xa3: {  	[sflag:s23] =	ssyncset.done $0x0  }
0xa4: {  	s25 =	simm.s32 $0x1B8E;
	s24 =	sld [smem:$0x3FFE];
	[sflag:s23] =	ssyncadd.s32 $0xFFFFFFFF  }
0xa5: {  	s26 =	simm.s32 $execute0_lowered;
	[smem:$0x3FD2] =	sst s25  }
0xa6: {  	s4 =	sshll.u32 s26, $0x1;
	_ =	strace $0x80000049;
	[dreg:$0x1] =	wrdreg $0xFFFFFFFF  }
0xa7: {  	s28 =	simm.s32 $_size_execute0_lowered;
	s2 =	sadd.s32 s2, s4;
	[dreg:$0x0] =	wrdreg $0x0  }
0xa8: {  	s4 =	sshll.u32 s28, $0x1;
	[dreg:$0x2] =	wrdreg s2  }
0xa9: {  	[dreg:$0x3] =	wrdreg s4  }
0xaa: {  	[dreg:$0x4] =	wrdreg $0xC0  }
0xab: {  	_ =	task [dreg:s6], $0x5FFFF  }
0xac: {  	[dreg:$0x1] =	wrdreg $0xFFFFFFFF  }
0xad: {  	[dreg:$0x0] =	wrdreg $0x60  }
0xae: {  	[dreg:$0x2] =	wrdreg s24  }
0xaf: {  	[dreg:$0x3] =	wrdreg $0x70000  }
0xb0: {  	[dreg:$0x4] =	wrdreg $0x9  }
0xb1: {  	_ =	task.clear_ibuf [dreg:s6], $0x5FFFF;
	_ =	strace $0x90000049  }
0xb2: {  	s29 =	simm.s32 $0x9;
	_ =	strace $0x8000004B  }
0xb3: {  	_ =	swait.ge [sflag:s29], $0x1  }
0xb4: {  	[sflag:s29] =	ssyncadd.s32 $0xFFFFFFFF  }
0xb5: {  	_ =	strace $0x9000004B  }
0xb6: {  	_ =	sfence  }
0xb7: {  	s30 =	sld [smem:$0x0];
	_ =	sdelay $0x2  }
0xb8: {  	s31 =	sshll.u32 s1, $0xD;
	s1 =	sshrl.u32 s1, $0x2  }
0xb9: {  	s3 =	sand.u32 $0x4000, s31;
	s1 =	sadd.s32 s1, s30  }
0xba: {  	s0 =	sor.u32 s3, s0;
	s1 =	sshll.u32 s1, $0x11  }
0xbb: {  	s0 =	sor.u32 s1, s0  }
0xbc: {  	s0 =	sadd.s32 $0x8F2B, s0  }
0xbd: {  	[sflag:s0] =	ssyncadd.remote.s32 $0x1  }
0xbe: {  	_ =	sfence.sel $0xFFFF  }
0xbf: {  	[dreg:$0x0] =	wrdreg $0xFFFFFFFF;
	(pc) =	sbr.abs _section_cstart, $3  }
0xc0: {  	[dreg:$0x1] =	wrdreg $0xFFFFFFFF  }
0xc1: {  	_ =	task.clear_ibuf [dreg:s6], $0x2FFFF;
	_ =	strace $0x9FFFFFFF  }
0xc2: {  	(tm) =	ssettm $0x7FFFFFFF  }
0xc3: {  	_ =	shalt  }
tec
execute0_lowered:
.L_overlay_start_1:
0x0: {  	(tag) =	ssettag $0x1  }
0x1: {  	s0 =	rddreg [dreg:$0x0]  }
0x2: {  	s2 =	rddreg [dreg:$0x1];
	s3 =	simm.s32 $0x0;
	s4 =	srdreg.scid  }
0x3: {  	s1 =	stileid.u32;
	s17 =	simm.s32 $0x1;
	s18 =	simm.s32 $0x200  }
0x4: {  	s19 =	simm.s32 $0x5000;
	s20 =	simm.s32 $0x3;
	s21 =	simm.s32 $0x3000  }
0x5: {  	s22 =	simm.s32 $0x7;
	s23 =	simm.s32 $0x5;
	s24 =	simm.s32 $0x6  }
0x6: {  	s25 =	simm.s32 $0x2;
	s26 =	simm.s32 $0x1000;
	s28 =	simm.s32 $0x4  }
0x7: {  	s29 =	simm.s32 $0x0;
	[smem:$0x7FF] =	sst s3;
	s8 =	sand.u32 $0x1, s4  }
0x8: {  	s9 =	smul.u32 $0x18700, s1;
	s4 =	sadd.s32 $0x69600, s0;
	s5 =	sadd.s32 $0xCB200, s0  }
0x9: {  	s6 =	sadd.s32 $0x4400, s0;
	s7 =	sadd.s32 $0x66400, s0;
	s11 =	sshll.u32 s1, $0x1  }
0xa: {  	s31 =	sshll.u32 s1, $0x6;
	s10 =	smul.u32 $0x187000, s8;
	s11 =	sor.u32 s8, s11  }
0xb: {  	_ =	strace $0x8000004A;
	s12 =	ssub.s32 $0x2, s8;
	s13 =	smul.u32 $0x3100, s11  }
.Ltmp0:
0xc: {  	s8 =	sor.u32 $0x1C08, s31;
	s30 =	sshrl.u32 s12, $0x1;
	(pc) =	sbr.rel .LBB2_1-.Ltmp0, $4  }
0xd: {  	s15 =	sadd.s32 s9, s2;
	s10 =	sadd.s32 s9, s10;
	s14 =	ssub.s32 s12, s30  }
0xe: {  	s9 =	smul.u32 $0xC4, s11;
	s10 =	sshrl.u32 s10, $0x3;
	s11 =	sadd.s32 s6, s13  }
0xf: {  	s0 =	sadd.s32 s10, s0;
	s10 =	sadd.s32 s5, s13;
	s13 =	smax.u32 s14, $0x1  }
0x10: {  	s14 =	sshrl.u32 s15, $0x3;
	s15 =	simm.s32 $0x8;
	s12 =	sadd.s32 $0x12D200, s0  }
.LBB2_20:
0x11: {  	_ =	swait.ge [sflag:s17], $0x200  }
0x12: {  	[sflag:s17] =	ssyncset.done $0x0  }
0x13: {  	[sflag:s17] =	ssyncadd.s32 $0xFFFFFE00  }
0x14: {  	_ =	swait.ge [sflag:s17], $0x200  }
0x15: {  	[sflag:s17] =	ssyncset.done $0x0  }
0x16: {  	[sflag:s17] =	ssyncadd.s32 $0xFFFFFE00  }
0x17: {  	_ =	swait.ge [sflag:s23], $0x2000  }
0x18: {  	[sflag:s23] =	ssyncset.done $0x0  }
0x19: {  	[sflag:s23] =	ssyncadd.s32 $0xFFFFE000  }
0x1a: {  	_ =	swait.ge [sflag:s24], $0x2000  }
0x1b: {  	[sflag:s24] =	ssyncset.done $0x0  }
0x1c: {  	[sflag:s24] =	ssyncadd.s32 $0xFFFFE000  }
0x1d: {  	_ =	swait.ge [sflag:s22], $0x2000  }
0x1e: {  	s29 =	sadd.s32 $0x1, s29;
	[sflag:s22] =	ssyncset.done $0x0  }
0x1f: {  	p0 =	sne.s32 s29, s13;
	[sflag:s22] =	ssyncadd.s32 $0xFFFFE000  }
.Ltmp1:
0x20: {  	[bflag:$0x0] =	sbarrier.arrive $0xFFFF;
	(pc) =	sbr.rel @!p0 .LBB2_21-.Ltmp1, $4  }
0x21: {  	[hbm:s12], [sflag:s8] =	dma.local [spmem:s14], $0x30E0  }
0x22: {  	_ =	swait.ge [sflag:s15], $0x30E0  }
0x23: {  	[sflag:s15] =	ssyncset.done $0x0  }
0x24: {  	[sflag:s15] =	ssyncadd.s32 $0xFFFFCF20  }
.LBB2_1:
0x25: {  	[spmem:s14], [sflag:s8] =	dma.local [hbm:s7], $0x30E0  }
0x26: {  	_ =	swait.ge [sflag:s15], $0x30E0  }
0x27: {  	[sflag:s15] =	ssyncset.done $0x0  }
.Ltmp2:
0x28: {  	[sflag:s15] =	ssyncadd.s32 $0xFFFFCF20;
	(pc) =	sbr.rel .LBB2_2-.Ltmp2, $4  }
0x29: {  	[bflag:$0x0] =	sbarrier.arrive $0xFFFF  }
0x2a: {  	[tilespmem:s3], [sflag:$0x1] =	stream.linear.gather [hbm4b:s10+s3], $0x200, $0x38;
	[tilespmem:$0x1F700] =	vst v63  }
0x2b: {  	s0 =	simm.s32 $0x800;
	s30 =	simm.s32 $0x0;
	s31 =	simm.s32 $0x0  }
0x2c: {  	[tilespmem:s0], [sflag:$0x1] =	stream.linear.gather [hbm4b:s11+s3], $0x200, $0x38;
	[tilespmem:$0x1F700] =	vst v63  }
.LBB2_9:
0x2d: {  	p0 =	slt.u32 s31, $0x3  }
.Ltmp3:
0x2e: {  	_ = 	snop;
	(pc) =	sbr.rel @!p0 .LBB2_10-.Ltmp3, $1  }
0x2f: {  	_ =	sdelay $0x3  }
.LBB2_12:
0x30: {  	_ =	swait.ge [sflag:s17], $0x200  }
0x31: {  	[sflag:s17] =	ssyncset.done $0x0  }
0x32: {  	[sflag:s17] =	ssyncadd.s32 $0xFFFFFE00  }
0x33: {  	_ =	swait.ge [sflag:s17], $0x200  }
0x34: {  	s0 =	sand.u32 $0x1800, s30;
	[sflag:s17] =	ssyncset.done $0x0  }
0x35: {  	s16 =	smin.u32 s31, $0xC2;
	s0 =	sshrl.u32 s0, $0x2;
	[sflag:s17] =	ssyncadd.s32 $0xFFFFFE00  }
0x36: {  	[tilespmem:s21], [sflag:$0x3] =	stream.indirect.gather [hbm4b:s4+s18], $0x10, s0, s18, $0xb8;
	[tilespmem:$0x1F700] =	vst v63  }
0x37: {  	s0 =	sadd.s32 $0x1, s16  }
0x38: {  	s1 =	sadd.s32 s9, s0  }
0x39: {  	s0 =	sshll.u32 s0, $0x9;
	s1 =	sshll.u32 s1, $0x6  }
0x3a: {  	s0 =	sand.u32 $0x600, s0;
	s16 =	sadd.s32 s5, s1  }
0x3b: {  	[tilespmem:s0], [sflag:$0x1] =	stream.linear.gather [hbm4b:s16+s3], $0x200, $0x38;
	[tilespmem:$0x1F700] =	vst v63  }
0x3c: {  	s1 =	sadd.s32 s6, s1;
	s0 =	sor.u32 $0x800, s0  }
0x3d: {  	[tilespmem:s0], [sflag:$0x1] =	stream.linear.gather [hbm4b:s1+s3], $0x200, $0x38;
	[tilespmem:$0x1F700] =	vst v63  }
.LBB2_13:
0x3e: {  	s0 =	sadd.s32 $0x1800, s30  }
0x3f: {  	_ =	swait.ge [sflag:s25], $0x2000;
	s0 =	sand.u32 $0x1800, s0  }
0x40: {  	[sflag:s25] =	ssyncset.done $0x0;
	s0 =	sshrl.u32 s0, $0x2  }
0x41: {  	[sflag:s25] =	ssyncadd.s32 $0xFFFFE000;
	s0 =	sor.u32 $0x800, s0  }
0x42: {  	[spmem:s2] =	stream.indirect.scatter.add.f32 [tilespmem:s26], [sflag:$0x5], $0x10, s0, s18, $0xb8;
	[tilespmem:$0x1F700] =	vst v63  }
.LBB2_19:
0x43: {  	s30 =	sadd.s32 $0x800, s30  }
0x44: {  	p0 =	sne.s32 s30, $0x62800  }
.Ltmp4:
0x45: {  	_ = 	snop;
	(pc) =	sbr.rel @!p0 .LBB2_20-.Ltmp4, $2  }
0x46: {  	_ =	sdelay $0x2  }
0x47: {  	s31 =	sadd.s32 $0x1, s31  }
.LBB2_2:
0x48: {  	s0 =	smul.u32 $0xAB, s31;
	_ =	sdelay $0x1  }
0x49: {  	s0 =	sshrl.u32 s0, $0x9  }
0x4a: {  	s0 =	sand.u32 $0x7F, s0  }
0x4b: {  	s0 =	smul.u32 $0x3, s0;
	_ =	sdelay $0x1  }
0x4c: {  	s0 =	ssub.s32 s31, s0  }
0x4d: {  	s0 =	sand.u32 $0xFF, s0  }
0x4e: {  	p0 =	seq.s32 s0, $0x2  }
.Ltmp5:
0x4f: {  	_ = 	snop;
	(pc) =	sbr.rel @p0 .LBB2_14-.Ltmp5, $1  }
0x50: {  	_ =	sdelay $0x3  }
0x51: {  	p0 =	seq.s32 s0, $0x1  }
.Ltmp6:
0x52: {  	_ = 	snop;
	(pc) =	sbr.rel @p0 .LBB2_9-.Ltmp6, $1  }
0x53: {  	_ =	sdelay $0x3  }
0x54: {  	p0 =	slt.u32 s31, $0x3  }
.Ltmp7:
0x55: {  	_ = 	snop;
	(pc) =	sbr.rel @p0 .LBB2_7-.Ltmp7, $1  }
0x56: {  	_ =	sdelay $0x3  }
0x57: {  	p0 =	seq.s32 s31, $0xC4  }
.Ltmp8:
0x58: {  	_ = 	snop;
	(pc) =	sbr.rel @p0 .LBB2_8-.Ltmp8, $1  }
0x59: {  	_ =	sdelay $0x3  }
0x5a: {  	_ =	swait.ge [sflag:s23], $0x2000  }
0x5b: {  	[sflag:s23] =	ssyncset.done $0x0  }
0x5c: {  	[sflag:s23] =	ssyncadd.s32 $0xFFFFE000  }
.LBB2_7:
0x5d: {  	_ =	swait.ge [sflag:s17], $0x200  }
0x5e: {  	[sflag:s17] =	ssyncset.done $0x0  }
0x5f: {  	[sflag:s17] =	ssyncadd.s32 $0xFFFFFE00  }
0x60: {  	_ =	swait.ge [sflag:s17], $0x200  }
0x61: {  	s0 =	sand.u32 $0x1800, s30;
	[sflag:s17] =	ssyncset.done $0x0  }
0x62: {  	s16 =	smin.u32 s31, $0xC2;
	s0 =	sshrl.u32 s0, $0x2;
	[sflag:s17] =	ssyncadd.s32 $0xFFFFFE00  }
0x63: {  	[tilespmem:s26], [sflag:$0x2] =	stream.indirect.gather [hbm4b:s4+s18], $0x10, s0, s18, $0xb8;
	[tilespmem:$0x1F700] =	vst v63  }
0x64: {  	s0 =	sadd.s32 $0x1, s16  }
0x65: {  	p0 =	seq.s32 s30, $0x0;
	s1 =	sadd.s32 s9, s0  }
.Ltmp9:
0x66: {  	s0 =	sshll.u32 s0, $0x9;
	s1 =	sshll.u32 s1, $0x6;
	(pc) =	sbr.rel @p0 .LBB2_19-.Ltmp9, $4  }
0x67: {  	s0 =	sand.u32 $0x600, s0;
	s16 =	sadd.s32 s5, s1  }
0x68: {  	[tilespmem:s0], [sflag:$0x1] =	stream.linear.gather [hbm4b:s16+s3], $0x200, $0x38;
	[tilespmem:$0x1F700] =	vst v63  }
0x69: {  	s1 =	sadd.s32 s6, s1;
	s0 =	sor.u32 $0x800, s0  }
0x6a: {  	[tilespmem:s0], [sflag:$0x1] =	stream.linear.gather [hbm4b:s1+s3], $0x200, $0x38;
	[tilespmem:$0x1F700] =	vst v63  }
.LBB2_8:
.Ltmp10:
0x6b: {  	s0 =	sadd.s32 $0x1800, s30;
	(pc) =	sbr.rel .LBB2_19-.Ltmp10, $4  }
0x6c: {  	_ =	swait.ge [sflag:s28], $0x2000;
	s0 =	sand.u32 $0x1800, s0  }
0x6d: {  	[sflag:s28] =	ssyncset.done $0x0;
	s0 =	sshrl.u32 s0, $0x2  }
0x6e: {  	[sflag:s28] =	ssyncadd.s32 $0xFFFFE000;
	s0 =	sor.u32 $0x800, s0  }
0x6f: {  	[spmem:s2] =	stream.indirect.scatter.add.f32 [tilespmem:s19], [sflag:$0x7], $0x10, s0, s18, $0xb8;
	[tilespmem:$0x1F700] =	vst v63  }
.LBB2_14:
0x70: {  	p0 =	slt.u32 s31, $0x3  }
.Ltmp11:
0x71: {  	_ = 	snop;
	(pc) =	sbr.rel @p0 .LBB2_17-.Ltmp11, $1  }
0x72: {  	_ =	sdelay $0x3  }
0x73: {  	p0 =	seq.s32 s31, $0xC4  }
.Ltmp12:
0x74: {  	_ = 	snop;
	(pc) =	sbr.rel @p0 .LBB2_18-.Ltmp12, $1  }
0x75: {  	_ =	sdelay $0x3  }
0x76: {  	_ =	swait.ge [sflag:s22], $0x2000  }
0x77: {  	[sflag:s22] =	ssyncset.done $0x0  }
0x78: {  	[sflag:s22] =	ssyncadd.s32 $0xFFFFE000  }
.LBB2_17:
0x79: {  	_ =	swait.ge [sflag:s17], $0x200  }
0x7a: {  	[sflag:s17] =	ssyncset.done $0x0  }
0x7b: {  	[sflag:s17] =	ssyncadd.s32 $0xFFFFFE00  }
0x7c: {  	_ =	swait.ge [sflag:s17], $0x200  }
0x7d: {  	s0 =	sand.u32 $0x1800, s30;
	[sflag:s17] =	ssyncset.done $0x0  }
0x7e: {  	s16 =	smin.u32 s31, $0xC2;
	s0 =	sshrl.u32 s0, $0x2;
	[sflag:s17] =	ssyncadd.s32 $0xFFFFFE00  }
0x7f: {  	[tilespmem:s19], [sflag:$0x4] =	stream.indirect.gather [hbm4b:s4+s18], $0x10, s0, s18, $0xb8;
	[tilespmem:$0x1F700] =	vst v63  }
0x80: {  	s0 =	sadd.s32 $0x1, s16  }
0x81: {  	s1 =	sadd.s32 s9, s0  }
0x82: {  	s0 =	sshll.u32 s0, $0x9;
	s1 =	sshll.u32 s1, $0x6  }
0x83: {  	s0 =	sand.u32 $0x600, s0;
	s16 =	sadd.s32 s5, s1  }
0x84: {  	[tilespmem:s0], [sflag:$0x1] =	stream.linear.gather [hbm4b:s16+s3], $0x200, $0x38;
	[tilespmem:$0x1F700] =	vst v63  }
0x85: {  	s1 =	sadd.s32 s6, s1;
	s0 =	sor.u32 $0x800, s0  }
0x86: {  	[tilespmem:s0], [sflag:$0x1] =	stream.linear.gather [hbm4b:s1+s3], $0x200, $0x38;
	[tilespmem:$0x1F700] =	vst v63  }
.LBB2_18:
.Ltmp13:
0x87: {  	s0 =	sadd.s32 $0x1800, s30;
	(pc) =	sbr.rel .LBB2_19-.Ltmp13, $4  }
0x88: {  	_ =	swait.ge [sflag:s20], $0x2000;
	s0 =	sand.u32 $0x1800, s0  }
0x89: {  	[sflag:s20] =	ssyncset.done $0x0;
	s0 =	sshrl.u32 s0, $0x2  }
0x8a: {  	[sflag:s20] =	ssyncadd.s32 $0xFFFFE000;
	s0 =	sor.u32 $0x800, s0  }
0x8b: {  	[spmem:s2] =	stream.indirect.scatter.add.f32 [tilespmem:s21], [sflag:$0x6], $0x10, s0, s18, $0xb8;
	[tilespmem:$0x1F700] =	vst v63  }
.LBB2_10:
0x8c: {  	p0 =	seq.s32 s31, $0xC4  }
.Ltmp14:
0x8d: {  	_ = 	snop;
	(pc) =	sbr.rel @p0 .LBB2_13-.Ltmp14, $1  }
0x8e: {  	_ =	sdelay $0x3  }
.Ltmp15:
0x8f: {  	(pc) =	sbr.rel .LBB2_12-.Ltmp15, $4  }
0x90: {  	_ = 	snop  }
0x91: {  	_ =	swait.ge [sflag:s24], $0x2000  }
0x92: {  	[sflag:s24] =	ssyncset.done $0x0  }
0x93: {  	[sflag:s24] =	ssyncadd.s32 $0xFFFFE000  }
.LBB2_21:
0x94: {  	_ =	sfence.sel $0x180000  }
0x95: {  	[bflag:$0x0] =	sbarrier.arrive $0xFFFF  }
0x96: {  	_ =	strace $0x9000004A  }
0x97: {  	s0 =	stileid.u32;
	[bflag:$0x2] =	sbarrier.arrive $0xFFFF  }
0x98: {  	p0 =	sne.s32 s0, $0x0;
	s0 =	rddreg [dreg:$0x2]  }
0x99: {  	s0 =	sadd.s32 @!p0 $0x100000, s0  }
0x9a: {  	[sflag:s0] =	ssyncadd.tile.s32 @!p0 $0x1;
	_ =	shalt  }
.Lfunc_end2:
_tile_overlayer_lowered:
.L_overlay_start_2:
0x9b: {  	(tag) =	ssettag $0x2  }
0x9c: {  	s0 =	rddreg [dreg:$0x0];
	s2 =	stileid.u32  }
0x9d: {  	s1 =	rddreg [dreg:$0x1];
	p0 =	sne.s32 s2, $0x0  }
0x9e: {  	s3 =	rddreg [dreg:$0x2];
	[bflag:$0x3] =	sbarrier.arrive $0xFFFF;
	s2 =	simm.s32 @!p0 $0x1C08  }
0x9f: {  	[timem:s3], [sflag:s2] =	dma.local @!p0 [hbm:s0], s1  }
0xa0: {  	s0 =	simm.s32 @!p0 $0x8  }
0xa1: {  	_ =	swait.ge @!p0 [sflag:s0], s1  }
0xa2: {  	s1 =	ssub.s32 @!p0 $0x0, s1;
	[sflag:s0] =	ssyncset.done @!p0 $0x0  }
0xa3: {  	[sflag:s0] =	ssyncadd.s32 @!p0 s1  }
0xa4: {  	[bflag:$0x3] =	sbarrier.arrive $0xFFFF  }
0xa5: {  	_ =	shalt  }

// kernel: kernel.18.cloned.1.call-start
scs
__scs_entry_jumppad:
0x0: {  	(pc) =	sbr.rel $0x88, $3  }
0x1: {  	(tag) =	ssettag $0x0;
	lr =	simm.s32 $0x1  }
0x2: {  	[smem:$0x3F97] =	sst lr;
	_ =	strace $0xD0000000  }
0x3: {  	_ = 	snop  }
0x4: {  	_ = 	snop  }
0x5: {  	_ = 	snop  }
0x6: {  	_ = 	snop  }
0x7: {  	_ = 	snop  }
__scs_overlays_trampoline_lowered:
0x8: {  	[smem:$0x3FA6] =	sst s0  }
0x9: {  	[smem:$0x3FA7] =	sst s1  }
0xa: {  	[smem:$0x3FA8] =	sst s2  }
0xb: {  	[smem:$0x3FA9] =	sst s3  }
0xc: {  	[smem:$0x3FAA] =	sst s4  }
0xd: {  	[smem:$0x3FAB] =	sst s5  }
0xe: {  	[smem:$0x3FAC] =	sst s6  }
0xf: {  	[smem:$0x3FAD] =	sst s7  }
0x10: {  	[smem:$0x3FAE] =	sst s8  }
0x11: {  	[smem:$0x3FAF] =	sst s9;
	s0 =	simm.s32 @!p0 $0x0  }
0x12: {  	s1 =	sld [smem:$0x3F95];
	s0 =	simm.s32 @p0 $0x1  }
0x13: {  	[smem:$0x3FB0] =	sst s0;
	s0 =	simm.s32 @!p1 $0x0  }
0x14: {  	s2 =	sld [smem:$0x3F94];
	s0 =	simm.s32 @p1 $0x1  }
0x15: {  	[smem:$0x3FB1] =	sst s0;
	s0 =	simm.s32 @!p2 $0x0  }
0x16: {  	s3 =	sld [smem:$0x3FDB];
	s0 =	simm.s32 @p2 $0x1  }
0x17: {  	s4 =	simm.s32 $0x1BF5;
	[smem:$0x3FB3] =	sst s0  }
0x18: {  	s0 =	sld [smem:$0x3F96];
	_ =	swait.ge [sflag:s4], $0x0  }
0x19: {  	s7 =	sld [smem:$0x3F97]  }
0x1a: {  	s8 =	sadd.s32 $0xFFFFE003, lr  }
0x1b: {  	s9 =	sadd.s32 $0xFFFFFEF7, lr;
	s5 =	simm.s32 $0xFFFFFFFF;
	p2 =	slt.u32 s8, $0xFFFFF086  }
0x1c: {  	p1 =	slt.u32 s9, $0xF7A;
	s5 =	simm.s32 @!p2 $0x0  }
0x1d: {  	s5 =	simm.s32 @p1 $0x1;
	p0 =	seq.s32 s7, s2  }
0x1e: {  	s7 =	smul.u32 @!p0 $0xF7A, s2;
	p2 =	seq.s32 @!p0 s5, $0x0  }
0x1f: {  	s9 =	smul.u32 $0xF7A, s1;
	s8 =	simm.s32 @!p0 $0x1BF5;
	p2 =	por !p2, p0  }
0x20: {  	[sflag:s8] =	ssyncset.s32 @!p0 $0xFFFFF086;
	s6 =	sadd.s32 @!p0 s3, s7;
	s7 =	simm.s32 @!p0 $0x108  }
0x21: {  	s3 =	sadd.s32 s3, s9;
	s6 =	sadd.s32 @!p0 $0x88, s6;
	s7 =	simm.s32 @p2 $0x1082  }
0x22: {  	[simem:s7], [sflag:s8] =	dma.local @!p0 [hbm:s6], $0xF7A  }
0x23: {  	s9 =	sor.u32 $0xD0000000, s2;
	s6 =	simm.s32 $0x108;
	_ =	swait.ge @!p0 [sflag:s8], $0x0  }
0x24: {  	s3 =	sadd.s32 $0x88, s3;
	s6 =	simm.s32 @!p1 $0x1082;
	[sflag:s4] =	ssyncset.s32 $0xFFFFF086  }
0x25: {  	[simem:s6], [sflag:s4] =	dma.local [hbm:s3], $0xF7A  }
0x26: {  	[smem:$0x3F97] =	sst s1;
	(tag) =	ssettag s2;
	_ =	strace s9  }
0x27: {  	s1 =	sld [smem:$0x3FA7]  }
0x28: {  	s2 =	sld [smem:$0x3FA8]  }
0x29: {  	s4 =	sld [smem:$0x3FAA]  }
0x2a: {  	p0 =	seq.s32 s5, $0x0;
	s5 =	sld [smem:$0x3FAB]  }
0x2b: {  	s6 =	sld [smem:$0x3FAC]  }
0x2c: {  	s7 =	sld [smem:$0x3FAD]  }
0x2d: {  	s3 =	simm.s32 $0x108;
	s8 =	sld [smem:$0x3FAE]  }
0x2e: {  	s3 =	simm.s32 @!p0 $0x1082;
	s9 =	sld [smem:$0x3FAF]  }
0x2f: {  	lr =	sadd.s32 s0, s3;
	s0 =	sld [smem:$0x3FA6]  }
0x30: {  	s3 =	sld [smem:$0x3FA9]  }
0x31: {  	[smem:$0x3FB2] =	sst s10  }
0x32: {  	s10 =	sld [smem:$0x3FB0];
	_ =	sdelay $0x3  }
0x33: {  	p0 =	seq.s32 s10, $0x1;
	s10 =	sld [smem:$0x3FB2];
	_ =	sdelay $0x3  }
0x34: {  	[smem:$0x3FB2] =	sst s10  }
0x35: {  	s10 =	sld [smem:$0x3FB1];
	_ =	sdelay $0x3  }
0x36: {  	p1 =	seq.s32 s10, $0x1;
	s10 =	sld [smem:$0x3FB2];
	_ =	sdelay $0x3  }
0x37: {  	[smem:$0x3FB2] =	sst s10  }
0x38: {  	s10 =	sld [smem:$0x3FB3]  }
0x39: {  	_ = 	snop;
	(pc) =	sbr.ind lr, $3  }
0x3a: {  	_ = 	snop  }
0x3b: {  	_ = 	snop  }
0x3c: {  	p2 =	seq.s32 s10, $0x1;
	s10 =	sld [smem:$0x3FB2]  }
0x3d: {  	_ =	shalt  }
0x3e: {  	_ =	shalt  }
0x3f: {  	_ =	shalt  }
0x40: {  	_ =	shalt  }
0x41: {  	_ =	shalt  }
0x42: {  	_ =	shalt  }
0x43: {  	_ =	shalt  }
0x44: {  	_ =	shalt  }
0x45: {  	_ =	shalt  }
0x46: {  	_ =	shalt  }
0x47: {  	_ =	shalt  }
0x48: {  	_ =	shalt  }
0x49: {  	_ =	shalt  }
0x4a: {  	_ =	shalt  }
0x4b: {  	_ =	shalt  }
0x4c: {  	_ =	shalt  }
0x4d: {  	_ =	shalt  }
0x4e: {  	_ =	shalt  }
0x4f: {  	_ =	shalt  }
0x50: {  	_ =	shalt  }
0x51: {  	_ =	shalt  }
0x52: {  	_ =	shalt  }
0x53: {  	_ =	shalt  }
0x54: {  	_ =	shalt  }
0x55: {  	_ =	shalt  }
0x56: {  	_ =	shalt  }
0x57: {  	_ =	shalt  }
0x58: {  	_ =	shalt  }
0x59: {  	_ =	shalt  }
0x5a: {  	_ =	shalt  }
0x5b: {  	_ =	shalt  }
0x5c: {  	_ =	shalt  }
0x5d: {  	_ =	shalt  }
0x5e: {  	_ =	shalt  }
0x5f: {  	_ =	shalt  }
0x60: {  	_ =	shalt  }
0x61: {  	_ =	shalt  }
0x62: {  	_ =	shalt  }
0x63: {  	_ =	shalt  }
0x64: {  	_ =	shalt  }
0x65: {  	_ =	shalt  }
0x66: {  	_ =	shalt  }
0x67: {  	_ =	shalt  }
0x68: {  	_ =	shalt  }
0x69: {  	_ =	shalt  }
0x6a: {  	_ =	shalt  }
0x6b: {  	_ =	shalt  }
0x6c: {  	_ =	shalt  }
0x6d: {  	_ =	shalt  }
0x6e: {  	_ =	shalt  }
0x6f: {  	_ =	shalt  }
0x70: {  	_ =	shalt  }
0x71: {  	_ =	shalt  }
0x72: {  	_ =	shalt  }
0x73: {  	_ =	shalt  }
0x74: {  	_ =	shalt  }
0x75: {  	_ =	shalt  }
0x76: {  	_ =	shalt  }
0x77: {  	_ =	shalt  }
0x78: {  	_ =	shalt  }
0x79: {  	_ =	shalt  }
0x7a: {  	_ =	shalt  }
0x7b: {  	_ =	shalt  }
0x7c: {  	_ =	shalt  }
0x7d: {  	_ =	shalt  }
0x7e: {  	_ =	shalt  }
0x7f: {  	_ =	shalt  }
0x80: {  	_ =	shalt  }
0x81: {  	_ =	shalt  }
0x82: {  	_ =	shalt  }
0x83: {  	_ =	shalt  }
0x84: {  	_ =	shalt  }
0x85: {  	_ =	shalt  }
0x86: {  	_ =	shalt  }
0x87: {  	_ =	shalt  }
.Lfunc_end0:
.L_simem_size_0:
called_computation.2_lowered:
.L_overlay_start_0:
0x88: {  	s2 =	sld [smem:$0x3FD9]  }
0x89: {  	s3 =	sld [smem:$0x3FFE];
	_ =	sdelay $0x1  }
0x8a: {  	s1 =	srdreg.scid  }
0x8b: {  	s0 =	sand.u32 $0x1, s1  }
0x8c: {  	s16 =	sshll.u32 s0, $0xA;
	s2 =	sadd.s32 s3, s2  }
0x8d: {  	s2 =	sadd.s32 s2, s16  }
0x8e: {  	[smem:$0x3FBE] =	sst s2  }
0x8f: {  	_ = 	snop  }
0x90: {  	(tm) =	ssettm $0x1  }
0x91: {  	s17 =	sld [smem:$0x3FFB];
	_ =	sdelay $0x3  }
0x92: {  	_ =	strace s17  }
0x93: {  	s2 =	sld [smem:$0x3FFC];
	_ =	sdelay $0x3  }
0x94: {  	_ =	strace s2  }
0x95: {  	s2 =	sld [smem:$0x3FFD];
	_ =	sdelay $0x3  }
0x96: {  	_ =	strace s2  }
0x97: {  	_ =	strace $0x8FFFFFFF  }
0x98: {  	s18 =	sld [smem:$0x3FDB];
	_ =	sdelay $0x1  }
0x99: {  	s19 =	simm.s32 $_scs_section_size  }
0x9a: {  	s4 =	simm.s32 $_size__tile_overlayer_lowered;
	s5 =	simm.s32 $_tile_overlayer_lowered  }
0x9b: {  	s22 =	simm.s32 $0x1BFF;
	s21 =	sshll.u32 s5, $0x1;
	s2 =	sadd.s32 s19, s18  }
0x9c: {  	s6 =	simm.s32 $0x0;
	s20 =	sshll.u32 s4, $0x1;
	s4 =	sadd.s32 s21, s2  }
0x9d: {  	[timem:s6], [sflag:s22] =	dma.local [hbm:s4], s20  }
0x9e: {  	_ =	swait.ge [sflag:s22], s20  }
0x9f: {  	s3 =	ssub.s32 $0x0, s20;
	[sflag:s22] =	ssyncset.done $0x0  }
0xa0: {  	[sflag:s22] =	ssyncadd.s32 s3;
	_ =	sdelay $0x1  }
0xa1: {  	s23 =	simm.s32 $0x1B8B  }
0xa2: {  	_ =	swait.ge [sflag:s23], $0x1  }
0xa3: {  	[sflag:s23] =	ssyncset.done $0x0  }
0xa4: {  	s25 =	simm.s32 $0x1B8E;
	s24 =	sld [smem:$0x3FFE];
	[sflag:s23] =	ssyncadd.s32 $0xFFFFFFFF  }
0xa5: {  	s26 =	simm.s32 $execute0_lowered;
	[smem:$0x3FD2] =	sst s25  }
0xa6: {  	s4 =	sshll.u32 s26, $0x1;
	_ =	strace $0x8000004C;
	[dreg:$0x1] =	wrdreg $0xFFFFFFFF  }
0xa7: {  	s28 =	simm.s32 $_size_execute0_lowered;
	s2 =	sadd.s32 s2, s4;
	[dreg:$0x0] =	wrdreg $0x0  }
0xa8: {  	s4 =	sshll.u32 s28, $0x1;
	[dreg:$0x2] =	wrdreg s2  }
0xa9: {  	[dreg:$0x3] =	wrdreg s4  }
0xaa: {  	[dreg:$0x4] =	wrdreg $0xC0  }
0xab: {  	_ =	task [dreg:s6], $0x5FFFF  }
0xac: {  	[dreg:$0x1] =	wrdreg $0xFFFFFFFF  }
0xad: {  	[dreg:$0x0] =	wrdreg $0x60  }
0xae: {  	[dreg:$0x2] =	wrdreg s24  }
0xaf: {  	[dreg:$0x3] =	wrdreg $0x70000  }
0xb0: {  	[dreg:$0x4] =	wrdreg $0x9  }
0xb1: {  	_ =	task.clear_ibuf [dreg:s6], $0x5FFFF;
	_ =	strace $0x9000004C  }
0xb2: {  	s29 =	simm.s32 $0x9;
	_ =	strace $0x8000004E  }
0xb3: {  	_ =	swait.ge [sflag:s29], $0x1  }
0xb4: {  	[sflag:s29] =	ssyncadd.s32 $0xFFFFFFFF  }
0xb5: {  	_ =	strace $0x9000004E  }
0xb6: {  	_ =	sfence  }
0xb7: {  	s30 =	sld [smem:$0x0];
	_ =	sdelay $0x2  }
0xb8: {  	s31 =	sshll.u32 s1, $0xD;
	s1 =	sshrl.u32 s1, $0x2  }
0xb9: {  	s3 =	sand.u32 $0x4000, s31;
	s1 =	sadd.s32 s1, s30  }
0xba: {  	s0 =	sor.u32 s3, s0;
	s1 =	sshll.u32 s1, $0x11  }
0xbb: {  	s0 =	sor.u32 s1, s0  }
0xbc: {  	s0 =	sadd.s32 $0x8F2B, s0  }
0xbd: {  	[sflag:s0] =	ssyncadd.remote.s32 $0x1  }
0xbe: {  	_ =	sfence.sel $0xFFFF  }
0xbf: {  	[dreg:$0x0] =	wrdreg $0xFFFFFFFF;
	(pc) =	sbr.abs _section_cstart, $3  }
0xc0: {  	[dreg:$0x1] =	wrdreg $0xFFFFFFFF  }
0xc1: {  	_ =	task.clear_ibuf [dreg:s6], $0x2FFFF;
	_ =	strace $0x9FFFFFFF  }
0xc2: {  	(tm) =	ssettm $0x7FFFFFFF  }
0xc3: {  	_ =	shalt  }
tec
execute0_lowered:
.L_overlay_start_1:
0x0: {  	(tag) =	ssettag $0x1  }
0x1: {  	s0 =	rddreg [dreg:$0x0]  }
0x2: {  	s2 =	rddreg [dreg:$0x1];
	s3 =	simm.s32 $0x0;
	s4 =	srdreg.scid  }
0x3: {  	s1 =	stileid.u32;
	s17 =	simm.s32 $0x1;
	s18 =	simm.s32 $0x200  }
0x4: {  	s19 =	simm.s32 $0x5000;
	s20 =	simm.s32 $0x3;
	s21 =	simm.s32 $0x3000  }
0x5: {  	s22 =	simm.s32 $0x7;
	s23 =	simm.s32 $0x5;
	s24 =	simm.s32 $0x6  }
0x6: {  	s25 =	simm.s32 $0x2;
	s26 =	simm.s32 $0x1000;
	s28 =	simm.s32 $0x4  }
0x7: {  	s29 =	simm.s32 $0x0;
	[smem:$0x7FF] =	sst s3;
	s8 =	sand.u32 $0x1, s4  }
0x8: {  	s9 =	smul.u32 $0x18700, s1;
	s4 =	sadd.s32 $0x69600, s0;
	s5 =	sadd.s32 $0xCB200, s0  }
0x9: {  	s6 =	sadd.s32 $0x4400, s0;
	s7 =	sadd.s32 $0x66400, s0;
	s11 =	sshll.u32 s1, $0x1  }
0xa: {  	s31 =	sshll.u32 s1, $0x6;
	s10 =	smul.u32 $0x187000, s8;
	s11 =	sor.u32 s8, s11  }
0xb: {  	_ =	strace $0x8000004D;
	s12 =	ssub.s32 $0x2, s8;
	s13 =	smul.u32 $0x3100, s11  }
.Ltmp0:
0xc: {  	s8 =	sor.u32 $0x1C08, s31;
	s30 =	sshrl.u32 s12, $0x1;
	(pc) =	sbr.rel .LBB2_1-.Ltmp0, $4  }
0xd: {  	s15 =	sadd.s32 s9, s2;
	s10 =	sadd.s32 s9, s10;
	s14 =	ssub.s32 s12, s30  }
0xe: {  	s9 =	smul.u32 $0xC4, s11;
	s10 =	sshrl.u32 s10, $0x3;
	s11 =	sadd.s32 s6, s13  }
0xf: {  	s0 =	sadd.s32 s10, s0;
	s10 =	sadd.s32 s5, s13;
	s13 =	smax.u32 s14, $0x1  }
0x10: {  	s14 =	sshrl.u32 s15, $0x3;
	s15 =	simm.s32 $0x8;
	s12 =	sadd.s32 $0x12D200, s0  }
.LBB2_20:
0x11: {  	_ =	swait.ge [sflag:s17], $0x200  }
0x12: {  	[sflag:s17] =	ssyncset.done $0x0  }
0x13: {  	[sflag:s17] =	ssyncadd.s32 $0xFFFFFE00  }
0x14: {  	_ =	swait.ge [sflag:s17], $0x200  }
0x15: {  	[sflag:s17] =	ssyncset.done $0x0  }
0x16: {  	[sflag:s17] =	ssyncadd.s32 $0xFFFFFE00  }
0x17: {  	_ =	swait.ge [sflag:s23], $0x2000  }
0x18: {  	[sflag:s23] =	ssyncset.done $0x0  }
0x19: {  	[sflag:s23] =	ssyncadd.s32 $0xFFFFE000  }
0x1a: {  	_ =	swait.ge [sflag:s24], $0x2000  }
0x1b: {  	[sflag:s24] =	ssyncset.done $0x0  }
0x1c: {  	[sflag:s24] =	ssyncadd.s32 $0xFFFFE000  }
0x1d: {  	_ =	swait.ge [sflag:s22], $0x2000  }
0x1e: {  	s29 =	sadd.s32 $0x1, s29;
	[sflag:s22] =	ssyncset.done $0x0  }
0x1f: {  	p0 =	sne.s32 s29, s13;
	[sflag:s22] =	ssyncadd.s32 $0xFFFFE000  }
.Ltmp1:
0x20: {  	[bflag:$0x0] =	sbarrier.arrive $0xFFFF;
	(pc) =	sbr.rel @!p0 .LBB2_21-.Ltmp1, $4  }
0x21: {  	[hbm:s12], [sflag:s8] =	dma.local [spmem:s14], $0x30E0  }
0x22: {  	_ =	swait.ge [sflag:s15], $0x30E0  }
0x23: {  	[sflag:s15] =	ssyncset.done $0x0  }
0x24: {  	[sflag:s15] =	ssyncadd.s32 $0xFFFFCF20  }
.LBB2_1:
0x25: {  	[spmem:s14], [sflag:s8] =	dma.local [hbm:s7], $0x30E0  }
0x26: {  	_ =	swait.ge [sflag:s15], $0x30E0  }
0x27: {  	[sflag:s15] =	ssyncset.done $0x0  }
.Ltmp2:
0x28: {  	[sflag:s15] =	ssyncadd.s32 $0xFFFFCF20;
	(pc) =	sbr.rel .LBB2_2-.Ltmp2, $4  }
0x29: {  	[bflag:$0x0] =	sbarrier.arrive $0xFFFF  }
0x2a: {  	[tilespmem:s3], [sflag:$0x1] =	stream.linear.gather [hbm4b:s10+s3], $0x200, $0x38;
	[tilespmem:$0x1F700] =	vst v63  }
0x2b: {  	s0 =	simm.s32 $0x800;
	s30 =	simm.s32 $0x0;
	s31 =	simm.s32 $0x0  }
0x2c: {  	[tilespmem:s0], [sflag:$0x1] =	stream.linear.gather [hbm4b:s11+s3], $0x200, $0x38;
	[tilespmem:$0x1F700] =	vst v63  }
.LBB2_9:
0x2d: {  	p0 =	slt.u32 s31, $0x3  }
.Ltmp3:
0x2e: {  	_ = 	snop;
	(pc) =	sbr.rel @!p0 .LBB2_10-.Ltmp3, $1  }
0x2f: {  	_ =	sdelay $0x3  }
.LBB2_12:
0x30: {  	_ =	swait.ge [sflag:s17], $0x200  }
0x31: {  	[sflag:s17] =	ssyncset.done $0x0  }
0x32: {  	[sflag:s17] =	ssyncadd.s32 $0xFFFFFE00  }
0x33: {  	_ =	swait.ge [sflag:s17], $0x200  }
0x34: {  	s0 =	sand.u32 $0x1800, s30;
	[sflag:s17] =	ssyncset.done $0x0  }
0x35: {  	s16 =	smin.u32 s31, $0xC2;
	s0 =	sshrl.u32 s0, $0x2;
	[sflag:s17] =	ssyncadd.s32 $0xFFFFFE00  }
0x36: {  	[tilespmem:s21], [sflag:$0x3] =	stream.indirect.gather [hbm4b:s4+s18], $0x10, s0, s18, $0xb8;
	[tilespmem:$0x1F700] =	vst v63  }
0x37: {  	s0 =	sadd.s32 $0x1, s16  }
0x38: {  	s1 =	sadd.s32 s9, s0  }
0x39: {  	s0 =	sshll.u32 s0, $0x9;
	s1 =	sshll.u32 s1, $0x6  }
0x3a: {  	s0 =	sand.u32 $0x600, s0;
	s16 =	sadd.s32 s5, s1  }
0x3b: {  	[tilespmem:s0], [sflag:$0x1] =	stream.linear.gather [hbm4b:s16+s3], $0x200, $0x38;
	[tilespmem:$0x1F700] =	vst v63  }
0x3c: {  	s1 =	sadd.s32 s6, s1;
	s0 =	sor.u32 $0x800, s0  }
0x3d: {  	[tilespmem:s0], [sflag:$0x1] =	stream.linear.gather [hbm4b:s1+s3], $0x200, $0x38;
	[tilespmem:$0x1F700] =	vst v63  }
.LBB2_13:
0x3e: {  	s0 =	sadd.s32 $0x1800, s30  }
0x3f: {  	_ =	swait.ge [sflag:s25], $0x2000;
	s0 =	sand.u32 $0x1800, s0  }
0x40: {  	[sflag:s25] =	ssyncset.done $0x0;
	s0 =	sshrl.u32 s0, $0x2  }
0x41: {  	[sflag:s25] =	ssyncadd.s32 $0xFFFFE000;
	s0 =	sor.u32 $0x800, s0  }
0x42: {  	[spmem:s2] =	stream.indirect.scatter.add.f32 [tilespmem:s26], [sflag:$0x5], $0x10, s0, s18, $0xb8;
	[tilespmem:$0x1F700] =	vst v63  }
.LBB2_19:
0x43: {  	s30 =	sadd.s32 $0x800, s30  }
0x44: {  	p0 =	sne.s32 s30, $0x62800  }
.Ltmp4:
0x45: {  	_ = 	snop;
	(pc) =	sbr.rel @!p0 .LBB2_20-.Ltmp4, $2  }
0x46: {  	_ =	sdelay $0x2  }
0x47: {  	s31 =	sadd.s32 $0x1, s31  }
.LBB2_2:
0x48: {  	s0 =	smul.u32 $0xAB, s31;
	_ =	sdelay $0x1  }
0x49: {  	s0 =	sshrl.u32 s0, $0x9  }
0x4a: {  	s0 =	sand.u32 $0x7F, s0  }
0x4b: {  	s0 =	smul.u32 $0x3, s0;
	_ =	sdelay $0x1  }
0x4c: {  	s0 =	ssub.s32 s31, s0  }
0x4d: {  	s0 =	sand.u32 $0xFF, s0  }
0x4e: {  	p0 =	seq.s32 s0, $0x2  }
.Ltmp5:
0x4f: {  	_ = 	snop;
	(pc) =	sbr.rel @p0 .LBB2_14-.Ltmp5, $1  }
0x50: {  	_ =	sdelay $0x3  }
0x51: {  	p0 =	seq.s32 s0, $0x1  }
.Ltmp6:
0x52: {  	_ = 	snop;
	(pc) =	sbr.rel @p0 .LBB2_9-.Ltmp6, $1  }
0x53: {  	_ =	sdelay $0x3  }
0x54: {  	p0 =	slt.u32 s31, $0x3  }
.Ltmp7:
0x55: {  	_ = 	snop;
	(pc) =	sbr.rel @p0 .LBB2_7-.Ltmp7, $1  }
0x56: {  	_ =	sdelay $0x3  }
0x57: {  	p0 =	seq.s32 s31, $0xC4  }
.Ltmp8:
0x58: {  	_ = 	snop;
	(pc) =	sbr.rel @p0 .LBB2_8-.Ltmp8, $1  }
0x59: {  	_ =	sdelay $0x3  }
0x5a: {  	_ =	swait.ge [sflag:s23], $0x2000  }
0x5b: {  	[sflag:s23] =	ssyncset.done $0x0  }
0x5c: {  	[sflag:s23] =	ssyncadd.s32 $0xFFFFE000  }
.LBB2_7:
0x5d: {  	_ =	swait.ge [sflag:s17], $0x200  }
0x5e: {  	[sflag:s17] =	ssyncset.done $0x0  }
0x5f: {  	[sflag:s17] =	ssyncadd.s32 $0xFFFFFE00  }
0x60: {  	_ =	swait.ge [sflag:s17], $0x200  }
0x61: {  	s0 =	sand.u32 $0x1800, s30;
	[sflag:s17] =	ssyncset.done $0x0  }
0x62: {  	s16 =	smin.u32 s31, $0xC2;
	s0 =	sshrl.u32 s0, $0x2;
	[sflag:s17] =	ssyncadd.s32 $0xFFFFFE00  }
0x63: {  	[tilespmem:s26], [sflag:$0x2] =	stream.indirect.gather [hbm4b:s4+s18], $0x10, s0, s18, $0xb8;
	[tilespmem:$0x1F700] =	vst v63  }
0x64: {  	s0 =	sadd.s32 $0x1, s16  }
0x65: {  	p0 =	seq.s32 s30, $0x0;
	s1 =	sadd.s32 s9, s0  }
.Ltmp9:
0x66: {  	s0 =	sshll.u32 s0, $0x9;
	s1 =	sshll.u32 s1, $0x6;
	(pc) =	sbr.rel @p0 .LBB2_19-.Ltmp9, $4  }
0x67: {  	s0 =	sand.u32 $0x600, s0;
	s16 =	sadd.s32 s5, s1  }
0x68: {  	[tilespmem:s0], [sflag:$0x1] =	stream.linear.gather [hbm4b:s16+s3], $0x200, $0x38;
	[tilespmem:$0x1F700] =	vst v63  }
0x69: {  	s1 =	sadd.s32 s6, s1;
	s0 =	sor.u32 $0x800, s0  }
0x6a: {  	[tilespmem:s0], [sflag:$0x1] =	stream.linear.gather [hbm4b:s1+s3], $0x200, $0x38;
	[tilespmem:$0x1F700] =	vst v63  }
.LBB2_8:
.Ltmp10:
0x6b: {  	s0 =	sadd.s32 $0x1800, s30;
	(pc) =	sbr.rel .LBB2_19-.Ltmp10, $4  }
0x6c: {  	_ =	swait.ge [sflag:s28], $0x2000;
	s0 =	sand.u32 $0x1800, s0  }
0x6d: {  	[sflag:s28] =	ssyncset.done $0x0;
	s0 =	sshrl.u32 s0, $0x2  }
0x6e: {  	[sflag:s28] =	ssyncadd.s32 $0xFFFFE000;
	s0 =	sor.u32 $0x800, s0  }
0x6f: {  	[spmem:s2] =	stream.indirect.scatter.add.f32 [tilespmem:s19], [sflag:$0x7], $0x10, s0, s18, $0xb8;
	[tilespmem:$0x1F700] =	vst v63  }
.LBB2_14:
0x70: {  	p0 =	slt.u32 s31, $0x3  }
.Ltmp11:
0x71: {  	_ = 	snop;
	(pc) =	sbr.rel @p0 .LBB2_17-.Ltmp11, $1  }
0x72: {  	_ =	sdelay $0x3  }
0x73: {  	p0 =	seq.s32 s31, $0xC4  }
.Ltmp12:
0x74: {  	_ = 	snop;
	(pc) =	sbr.rel @p0 .LBB2_18-.Ltmp12, $1  }
0x75: {  	_ =	sdelay $0x3  }
0x76: {  	_ =	swait.ge [sflag:s22], $0x2000  }
0x77: {  	[sflag:s22] =	ssyncset.done $0x0  }
0x78: {  	[sflag:s22] =	ssyncadd.s32 $0xFFFFE000  }
.LBB2_17:
0x79: {  	_ =	swait.ge [sflag:s17], $0x200  }
0x7a: {  	[sflag:s17] =	ssyncset.done $0x0  }
0x7b: {  	[sflag:s17] =	ssyncadd.s32 $0xFFFFFE00  }
0x7c: {  	_ =	swait.ge [sflag:s17], $0x200  }
0x7d: {  	s0 =	sand.u32 $0x1800, s30;
	[sflag:s17] =	ssyncset.done $0x0  }
0x7e: {  	s16 =	smin.u32 s31, $0xC2;
	s0 =	sshrl.u32 s0, $0x2;
	[sflag:s17] =	ssyncadd.s32 $0xFFFFFE00  }
0x7f: {  	[tilespmem:s19], [sflag:$0x4] =	stream.indirect.gather [hbm4b:s4+s18], $0x10, s0, s18, $0xb8;
	[tilespmem:$0x1F700] =	vst v63  }
0x80: {  	s0 =	sadd.s32 $0x1, s16  }
0x81: {  	s1 =	sadd.s32 s9, s0  }
0x82: {  	s0 =	sshll.u32 s0, $0x9;
	s1 =	sshll.u32 s1, $0x6  }
0x83: {  	s0 =	sand.u32 $0x600, s0;
	s16 =	sadd.s32 s5, s1  }
0x84: {  	[tilespmem:s0], [sflag:$0x1] =	stream.linear.gather [hbm4b:s16+s3], $0x200, $0x38;
	[tilespmem:$0x1F700] =	vst v63  }
0x85: {  	s1 =	sadd.s32 s6, s1;
	s0 =	sor.u32 $0x800, s0  }
0x86: {  	[tilespmem:s0], [sflag:$0x1] =	stream.linear.gather [hbm4b:s1+s3], $0x200, $0x38;
	[tilespmem:$0x1F700] =	vst v63  }
.LBB2_18:
.Ltmp13:
0x87: {  	s0 =	sadd.s32 $0x1800, s30;
	(pc) =	sbr.rel .LBB2_19-.Ltmp13, $4  }
0x88: {  	_ =	swait.ge [sflag:s20], $0x2000;
	s0 =	sand.u32 $0x1800, s0  }
0x89: {  	[sflag:s20] =	ssyncset.done $0x0;
	s0 =	sshrl.u32 s0, $0x2  }
0x8a: {  	[sflag:s20] =	ssyncadd.s32 $0xFFFFE000;
	s0 =	sor.u32 $0x800, s0  }
0x8b: {  	[spmem:s2] =	stream.indirect.scatter.add.f32 [tilespmem:s21], [sflag:$0x6], $0x10, s0, s18, $0xb8;
	[tilespmem:$0x1F700] =	vst v63  }
.LBB2_10:
0x8c: {  	p0 =	seq.s32 s31, $0xC4  }
.Ltmp14:
0x8d: {  	_ = 	snop;
	(pc) =	sbr.rel @p0 .LBB2_13-.Ltmp14, $1  }
0x8e: {  	_ =	sdelay $0x3  }
.Ltmp15:
0x8f: {  	(pc) =	sbr.rel .LBB2_12-.Ltmp15, $4  }
0x90: {  	_ = 	snop  }
0x91: {  	_ =	swait.ge [sflag:s24], $0x2000  }
0x92: {  	[sflag:s24] =	ssyncset.done $0x0  }
0x93: {  	[sflag:s24] =	ssyncadd.s32 $0xFFFFE000  }
.LBB2_21:
0x94: {  	_ =	sfence.sel $0x180000  }
0x95: {  	[bflag:$0x0] =	sbarrier.arrive $0xFFFF  }
0x96: {  	_ =	strace $0x9000004D  }
0x97: {  	s0 =	stileid.u32;
	[bflag:$0x2] =	sbarrier.arrive $0xFFFF  }
0x98: {  	p0 =	sne.s32 s0, $0x0;
	s0 =	rddreg [dreg:$0x2]  }
0x99: {  	s0 =	sadd.s32 @!p0 $0x100000, s0  }
0x9a: {  	[sflag:s0] =	ssyncadd.tile.s32 @!p0 $0x1;
	_ =	shalt  }
.Lfunc_end2:
_tile_overlayer_lowered:
.L_overlay_start_2:
0x9b: {  	(tag) =	ssettag $0x2  }
0x9c: {  	s0 =	rddreg [dreg:$0x0];
	s2 =	stileid.u32  }
0x9d: {  	s1 =	rddreg [dreg:$0x1];
	p0 =	sne.s32 s2, $0x0  }
0x9e: {  	s3 =	rddreg [dreg:$0x2];
	[bflag:$0x3] =	sbarrier.arrive $0xFFFF;
	s2 =	simm.s32 @!p0 $0x1C08  }
0x9f: {  	[timem:s3], [sflag:s2] =	dma.local @!p0 [hbm:s0], s1  }
0xa0: {  	s0 =	simm.s32 @!p0 $0x8  }
0xa1: {  	_ =	swait.ge @!p0 [sflag:s0], s1  }
0xa2: {  	s1 =	ssub.s32 @!p0 $0x0, s1;
	[sflag:s0] =	ssyncset.done @!p0 $0x0  }
0xa3: {  	[sflag:s0] =	ssyncadd.s32 @!p0 s1  }
0xa4: {  	[bflag:$0x3] =	sbarrier.arrive $0xFFFF  }
0xa5: {  	_ =	shalt  }

// kernel: kernel.21.cloned.1.call-start
scs
__scs_entry_jumppad:
0x0: {  	(pc) =	sbr.rel $0x88, $3  }
0x1: {  	(tag) =	ssettag $0x0;
	lr =	simm.s32 $0x1  }
0x2: {  	[smem:$0x3F97] =	sst lr;
	_ =	strace $0xD0000000  }
0x3: {  	_ = 	snop  }
0x4: {  	_ = 	snop  }
0x5: {  	_ = 	snop  }
0x6: {  	_ = 	snop  }
0x7: {  	_ = 	snop  }
__scs_overlays_trampoline_lowered:
0x8: {  	[smem:$0x3FA6] =	sst s0  }
0x9: {  	[smem:$0x3FA7] =	sst s1  }
0xa: {  	[smem:$0x3FA8] =	sst s2  }
0xb: {  	[smem:$0x3FA9] =	sst s3  }
0xc: {  	[smem:$0x3FAA] =	sst s4  }
0xd: {  	[smem:$0x3FAB] =	sst s5  }
0xe: {  	[smem:$0x3FAC] =	sst s6  }
0xf: {  	[smem:$0x3FAD] =	sst s7  }
0x10: {  	[smem:$0x3FAE] =	sst s8  }
0x11: {  	[smem:$0x3FAF] =	sst s9;
	s0 =	simm.s32 @!p0 $0x0  }
0x12: {  	s1 =	sld [smem:$0x3F95];
	s0 =	simm.s32 @p0 $0x1  }
0x13: {  	[smem:$0x3FB0] =	sst s0;
	s0 =	simm.s32 @!p1 $0x0  }
0x14: {  	s2 =	sld [smem:$0x3F94];
	s0 =	simm.s32 @p1 $0x1  }
0x15: {  	[smem:$0x3FB1] =	sst s0;
	s0 =	simm.s32 @!p2 $0x0  }
0x16: {  	s3 =	sld [smem:$0x3FDB];
	s0 =	simm.s32 @p2 $0x1  }
0x17: {  	s4 =	simm.s32 $0x1BF5;
	[smem:$0x3FB3] =	sst s0  }
0x18: {  	s0 =	sld [smem:$0x3F96];
	_ =	swait.ge [sflag:s4], $0x0  }
0x19: {  	s7 =	sld [smem:$0x3F97]  }
0x1a: {  	s8 =	sadd.s32 $0xFFFFE003, lr  }
0x1b: {  	s9 =	sadd.s32 $0xFFFFFEF7, lr;
	s5 =	simm.s32 $0xFFFFFFFF;
	p2 =	slt.u32 s8, $0xFFFFF086  }
0x1c: {  	p1 =	slt.u32 s9, $0xF7A;
	s5 =	simm.s32 @!p2 $0x0  }
0x1d: {  	s5 =	simm.s32 @p1 $0x1;
	p0 =	seq.s32 s7, s2  }
0x1e: {  	s7 =	smul.u32 @!p0 $0xF7A, s2;
	p2 =	seq.s32 @!p0 s5, $0x0  }
0x1f: {  	s9 =	smul.u32 $0xF7A, s1;
	s8 =	simm.s32 @!p0 $0x1BF5;
	p2 =	por !p2, p0  }
0x20: {  	[sflag:s8] =	ssyncset.s32 @!p0 $0xFFFFF086;
	s6 =	sadd.s32 @!p0 s3, s7;
	s7 =	simm.s32 @!p0 $0x108  }
0x21: {  	s3 =	sadd.s32 s3, s9;
	s6 =	sadd.s32 @!p0 $0x88, s6;
	s7 =	simm.s32 @p2 $0x1082  }
0x22: {  	[simem:s7], [sflag:s8] =	dma.local @!p0 [hbm:s6], $0xF7A  }
0x23: {  	s9 =	sor.u32 $0xD0000000, s2;
	s6 =	simm.s32 $0x108;
	_ =	swait.ge @!p0 [sflag:s8], $0x0  }
0x24: {  	s3 =	sadd.s32 $0x88, s3;
	s6 =	simm.s32 @!p1 $0x1082;
	[sflag:s4] =	ssyncset.s32 $0xFFFFF086  }
0x25: {  	[simem:s6], [sflag:s4] =	dma.local [hbm:s3], $0xF7A  }
0x26: {  	[smem:$0x3F97] =	sst s1;
	(tag) =	ssettag s2;
	_ =	strace s9  }
0x27: {  	s1 =	sld [smem:$0x3FA7]  }
0x28: {  	s2 =	sld [smem:$0x3FA8]  }
0x29: {  	s4 =	sld [smem:$0x3FAA]  }
0x2a: {  	p0 =	seq.s32 s5, $0x0;
	s5 =	sld [smem:$0x3FAB]  }
0x2b: {  	s6 =	sld [smem:$0x3FAC]  }
0x2c: {  	s7 =	sld [smem:$0x3FAD]  }
0x2d: {  	s3 =	simm.s32 $0x108;
	s8 =	sld [smem:$0x3FAE]  }
0x2e: {  	s3 =	simm.s32 @!p0 $0x1082;
	s9 =	sld [smem:$0x3FAF]  }
0x2f: {  	lr =	sadd.s32 s0, s3;
	s0 =	sld [smem:$0x3FA6]  }
0x30: {  	s3 =	sld [smem:$0x3FA9]  }
0x31: {  	[smem:$0x3FB2] =	sst s10  }
0x32: {  	s10 =	sld [smem:$0x3FB0];
	_ =	sdelay $0x3  }
0x33: {  	p0 =	seq.s32 s10, $0x1;
	s10 =	sld [smem:$0x3FB2];
	_ =	sdelay $0x3  }
0x34: {  	[smem:$0x3FB2] =	sst s10  }
0x35: {  	s10 =	sld [smem:$0x3FB1];
	_ =	sdelay $0x3  }
0x36: {  	p1 =	seq.s32 s10, $0x1;
	s10 =	sld [smem:$0x3FB2];
	_ =	sdelay $0x3  }
0x37: {  	[smem:$0x3FB2] =	sst s10  }
0x38: {  	s10 =	sld [smem:$0x3FB3]  }
0x39: {  	_ = 	snop;
	(pc) =	sbr.ind lr, $3  }
0x3a: {  	_ = 	snop  }
0x3b: {  	_ = 	snop  }
0x3c: {  	p2 =	seq.s32 s10, $0x1;
	s10 =	sld [smem:$0x3FB2]  }
0x3d: {  	_ =	shalt  }
0x3e: {  	_ =	shalt  }
0x3f: {  	_ =	shalt  }
0x40: {  	_ =	shalt  }
0x41: {  	_ =	shalt  }
0x42: {  	_ =	shalt  }
0x43: {  	_ =	shalt  }
0x44: {  	_ =	shalt  }
0x45: {  	_ =	shalt  }
0x46: {  	_ =	shalt  }
0x47: {  	_ =	shalt  }
0x48: {  	_ =	shalt  }
0x49: {  	_ =	shalt  }
0x4a: {  	_ =	shalt  }
0x4b: {  	_ =	shalt  }
0x4c: {  	_ =	shalt  }
0x4d: {  	_ =	shalt  }
0x4e: {  	_ =	shalt  }
0x4f: {  	_ =	shalt  }
0x50: {  	_ =	shalt  }
0x51: {  	_ =	shalt  }
0x52: {  	_ =	shalt  }
0x53: {  	_ =	shalt  }
0x54: {  	_ =	shalt  }
0x55: {  	_ =	shalt  }
0x56: {  	_ =	shalt  }
0x57: {  	_ =	shalt  }
0x58: {  	_ =	shalt  }
0x59: {  	_ =	shalt  }
0x5a: {  	_ =	shalt  }
0x5b: {  	_ =	shalt  }
0x5c: {  	_ =	shalt  }
0x5d: {  	_ =	shalt  }
0x5e: {  	_ =	shalt  }
0x5f: {  	_ =	shalt  }
0x60: {  	_ =	shalt  }
0x61: {  	_ =	shalt  }
0x62: {  	_ =	shalt  }
0x63: {  	_ =	shalt  }
0x64: {  	_ =	shalt  }
0x65: {  	_ =	shalt  }
0x66: {  	_ =	shalt  }
0x67: {  	_ =	shalt  }
0x68: {  	_ =	shalt  }
0x69: {  	_ =	shalt  }
0x6a: {  	_ =	shalt  }
0x6b: {  	_ =	shalt  }
0x6c: {  	_ =	shalt  }
0x6d: {  	_ =	shalt  }
0x6e: {  	_ =	shalt  }
0x6f: {  	_ =	shalt  }
0x70: {  	_ =	shalt  }
0x71: {  	_ =	shalt  }
0x72: {  	_ =	shalt  }
0x73: {  	_ =	shalt  }
0x74: {  	_ =	shalt  }
0x75: {  	_ =	shalt  }
0x76: {  	_ =	shalt  }
0x77: {  	_ =	shalt  }
0x78: {  	_ =	shalt  }
0x79: {  	_ =	shalt  }
0x7a: {  	_ =	shalt  }
0x7b: {  	_ =	shalt  }
0x7c: {  	_ =	shalt  }
0x7d: {  	_ =	shalt  }
0x7e: {  	_ =	shalt  }
0x7f: {  	_ =	shalt  }
0x80: {  	_ =	shalt  }
0x81: {  	_ =	shalt  }
0x82: {  	_ =	shalt  }
0x83: {  	_ =	shalt  }
0x84: {  	_ =	shalt  }
0x85: {  	_ =	shalt  }
0x86: {  	_ =	shalt  }
0x87: {  	_ =	shalt  }
.Lfunc_end0:
.L_simem_size_0:
called_computation.3_lowered:
.L_overlay_start_0:
0x88: {  	s2 =	sld [smem:$0x3FD9]  }
0x89: {  	s3 =	sld [smem:$0x3FFE];
	_ =	sdelay $0x1  }
0x8a: {  	s1 =	srdreg.scid  }
0x8b: {  	s0 =	sand.u32 $0x1, s1  }
0x8c: {  	s16 =	sshll.u32 s0, $0xA;
	s2 =	sadd.s32 s3, s2  }
0x8d: {  	s2 =	sadd.s32 s2, s16  }
0x8e: {  	[smem:$0x3FBE] =	sst s2  }
0x8f: {  	_ = 	snop  }
0x90: {  	(tm) =	ssettm $0x1  }
0x91: {  	s17 =	sld [smem:$0x3FFB];
	_ =	sdelay $0x3  }
0x92: {  	_ =	strace s17  }
0x93: {  	s2 =	sld [smem:$0x3FFC];
	_ =	sdelay $0x3  }
0x94: {  	_ =	strace s2  }
0x95: {  	s2 =	sld [smem:$0x3FFD];
	_ =	sdelay $0x3  }
0x96: {  	_ =	strace s2  }
0x97: {  	_ =	strace $0x8FFFFFFF  }
0x98: {  	s18 =	sld [smem:$0x3FDB];
	_ =	sdelay $0x1  }
0x99: {  	s19 =	simm.s32 $_scs_section_size  }
0x9a: {  	s4 =	simm.s32 $_size__tile_overlayer_lowered;
	s5 =	simm.s32 $_tile_overlayer_lowered  }
0x9b: {  	s22 =	simm.s32 $0x1BFF;
	s21 =	sshll.u32 s5, $0x1;
	s2 =	sadd.s32 s19, s18  }
0x9c: {  	s6 =	simm.s32 $0x0;
	s20 =	sshll.u32 s4, $0x1;
	s4 =	sadd.s32 s21, s2  }
0x9d: {  	[timem:s6], [sflag:s22] =	dma.local [hbm:s4], s20  }
0x9e: {  	_ =	swait.ge [sflag:s22], s20  }
0x9f: {  	s3 =	ssub.s32 $0x0, s20;
	[sflag:s22] =	ssyncset.done $0x0  }
0xa0: {  	[sflag:s22] =	ssyncadd.s32 s3;
	_ =	sdelay $0x1  }
0xa1: {  	s23 =	simm.s32 $0x1B8B  }
0xa2: {  	_ =	swait.ge [sflag:s23], $0x1  }
0xa3: {  	[sflag:s23] =	ssyncset.done $0x0  }
0xa4: {  	s25 =	simm.s32 $0x1B8E;
	s24 =	sld [smem:$0x3FFE];
	[sflag:s23] =	ssyncadd.s32 $0xFFFFFFFF  }
0xa5: {  	s26 =	simm.s32 $execute0_lowered;
	[smem:$0x3FD2] =	sst s25  }
0xa6: {  	s4 =	sshll.u32 s26, $0x1;
	_ =	strace $0x8000004F;
	[dreg:$0x1] =	wrdreg $0xFFFFFFFF  }
0xa7: {  	s28 =	simm.s32 $_size_execute0_lowered;
	s2 =	sadd.s32 s2, s4;
	[dreg:$0x0] =	wrdreg $0x0  }
0xa8: {  	s4 =	sshll.u32 s28, $0x1;
	[dreg:$0x2] =	wrdreg s2  }
0xa9: {  	[dreg:$0x3] =	wrdreg s4  }
0xaa: {  	[dreg:$0x4] =	wrdreg $0xC0  }
0xab: {  	_ =	task [dreg:s6], $0x5FFFF  }
0xac: {  	[dreg:$0x1] =	wrdreg $0xFFFFFFFF  }
0xad: {  	[dreg:$0x0] =	wrdreg $0x60  }
0xae: {  	[dreg:$0x2] =	wrdreg s24  }
0xaf: {  	[dreg:$0x3] =	wrdreg $0x70000  }
0xb0: {  	[dreg:$0x4] =	wrdreg $0x9  }
0xb1: {  	_ =	task.clear_ibuf [dreg:s6], $0x5FFFF;
	_ =	strace $0x9000004F  }
0xb2: {  	s29 =	simm.s32 $0x9;
	_ =	strace $0x80000051  }
0xb3: {  	_ =	swait.ge [sflag:s29], $0x1  }
0xb4: {  	[sflag:s29] =	ssyncadd.s32 $0xFFFFFFFF  }
0xb5: {  	_ =	strace $0x90000051  }
0xb6: {  	_ =	sfence  }
0xb7: {  	s30 =	sld [smem:$0x0];
	_ =	sdelay $0x2  }
0xb8: {  	s31 =	sshll.u32 s1, $0xD;
	s1 =	sshrl.u32 s1, $0x2  }
0xb9: {  	s3 =	sand.u32 $0x4000, s31;
	s1 =	sadd.s32 s1, s30  }
0xba: {  	s0 =	sor.u32 s3, s0;
	s1 =	sshll.u32 s1, $0x11  }
0xbb: {  	s0 =	sor.u32 s1, s0  }
0xbc: {  	s0 =	sadd.s32 $0x8F2B, s0  }
0xbd: {  	[sflag:s0] =	ssyncadd.remote.s32 $0x1  }
0xbe: {  	_ =	sfence.sel $0xFFFF  }
0xbf: {  	[dreg:$0x0] =	wrdreg $0xFFFFFFFF;
	(pc) =	sbr.abs _section_cstart, $3  }
0xc0: {  	[dreg:$0x1] =	wrdreg $0xFFFFFFFF  }
0xc1: {  	_ =	task.clear_ibuf [dreg:s6], $0x2FFFF;
	_ =	strace $0x9FFFFFFF  }
0xc2: {  	(tm) =	ssettm $0x7FFFFFFF  }
0xc3: {  	_ =	shalt  }
tec
execute0_lowered:
.L_overlay_start_1:
0x0: {  	(tag) =	ssettag $0x1  }
0x1: {  	s0 =	rddreg [dreg:$0x0]  }
0x2: {  	s2 =	rddreg [dreg:$0x1];
	s3 =	simm.s32 $0x0;
	s4 =	srdreg.scid  }
0x3: {  	s1 =	stileid.u32;
	s17 =	simm.s32 $0x1;
	s18 =	simm.s32 $0x200  }
0x4: {  	s19 =	simm.s32 $0x5000;
	s20 =	simm.s32 $0x3;
	s21 =	simm.s32 $0x3000  }
0x5: {  	s22 =	simm.s32 $0x7;
	s23 =	simm.s32 $0x5;
	s24 =	simm.s32 $0x6  }
0x6: {  	s25 =	simm.s32 $0x2;
	s26 =	simm.s32 $0x1000;
	s28 =	simm.s32 $0x4  }
0x7: {  	s29 =	simm.s32 $0x0;
	[smem:$0x7FF] =	sst s3;
	s8 =	sand.u32 $0x1, s4  }
0x8: {  	s9 =	smul.u32 $0x18700, s1;
	s4 =	sadd.s32 $0x69600, s0;
	s5 =	sadd.s32 $0xCB200, s0  }
0x9: {  	s6 =	sadd.s32 $0x4400, s0;
	s7 =	sadd.s32 $0x66400, s0;
	s11 =	sshll.u32 s1, $0x1  }
0xa: {  	s31 =	sshll.u32 s1, $0x6;
	s10 =	smul.u32 $0x187000, s8;
	s11 =	sor.u32 s8, s11  }
0xb: {  	_ =	strace $0x80000050;
	s12 =	ssub.s32 $0x2, s8;
	s13 =	smul.u32 $0x3100, s11  }
.Ltmp0:
0xc: {  	s8 =	sor.u32 $0x1C08, s31;
	s30 =	sshrl.u32 s12, $0x1;
	(pc) =	sbr.rel .LBB2_1-.Ltmp0, $4  }
0xd: {  	s15 =	sadd.s32 s9, s2;
	s10 =	sadd.s32 s9, s10;
	s14 =	ssub.s32 s12, s30  }
0xe: {  	s9 =	smul.u32 $0xC4, s11;
	s10 =	sshrl.u32 s10, $0x3;
	s11 =	sadd.s32 s6, s13  }
0xf: {  	s0 =	sadd.s32 s10, s0;
	s10 =	sadd.s32 s5, s13;
	s13 =	smax.u32 s14, $0x1  }
0x10: {  	s14 =	sshrl.u32 s15, $0x3;
	s15 =	simm.s32 $0x8;
	s12 =	sadd.s32 $0x12D200, s0  }
.LBB2_20:
0x11: {  	_ =	swait.ge [sflag:s17], $0x200  }
0x12: {  	[sflag:s17] =	ssyncset.done $0x0  }
0x13: {  	[sflag:s17] =	ssyncadd.s32 $0xFFFFFE00  }
0x14: {  	_ =	swait.ge [sflag:s17], $0x200  }
0x15: {  	[sflag:s17] =	ssyncset.done $0x0  }
0x16: {  	[sflag:s17] =	ssyncadd.s32 $0xFFFFFE00  }
0x17: {  	_ =	swait.ge [sflag:s23], $0x2000  }
0x18: {  	[sflag:s23] =	ssyncset.done $0x0  }
0x19: {  	[sflag:s23] =	ssyncadd.s32 $0xFFFFE000  }
0x1a: {  	_ =	swait.ge [sflag:s24], $0x2000  }
0x1b: {  	[sflag:s24] =	ssyncset.done $0x0  }
0x1c: {  	[sflag:s24] =	ssyncadd.s32 $0xFFFFE000  }
0x1d: {  	_ =	swait.ge [sflag:s22], $0x2000  }
0x1e: {  	s29 =	sadd.s32 $0x1, s29;
	[sflag:s22] =	ssyncset.done $0x0  }
0x1f: {  	p0 =	sne.s32 s29, s13;
	[sflag:s22] =	ssyncadd.s32 $0xFFFFE000  }
.Ltmp1:
0x20: {  	[bflag:$0x0] =	sbarrier.arrive $0xFFFF;
	(pc) =	sbr.rel @!p0 .LBB2_21-.Ltmp1, $4  }
0x21: {  	[hbm:s12], [sflag:s8] =	dma.local [spmem:s14], $0x30E0  }
0x22: {  	_ =	swait.ge [sflag:s15], $0x30E0  }
0x23: {  	[sflag:s15] =	ssyncset.done $0x0  }
0x24: {  	[sflag:s15] =	ssyncadd.s32 $0xFFFFCF20  }
.LBB2_1:
0x25: {  	[spmem:s14], [sflag:s8] =	dma.local [hbm:s7], $0x30E0  }
0x26: {  	_ =	swait.ge [sflag:s15], $0x30E0  }
0x27: {  	[sflag:s15] =	ssyncset.done $0x0  }
.Ltmp2:
0x28: {  	[sflag:s15] =	ssyncadd.s32 $0xFFFFCF20;
	(pc) =	sbr.rel .LBB2_2-.Ltmp2, $4  }
0x29: {  	[bflag:$0x0] =	sbarrier.arrive $0xFFFF  }
0x2a: {  	[tilespmem:s3], [sflag:$0x1] =	stream.linear.gather [hbm4b:s10+s3], $0x200, $0x38;
	[tilespmem:$0x1F700] =	vst v63  }
0x2b: {  	s0 =	simm.s32 $0x800;
	s30 =	simm.s32 $0x0;
	s31 =	simm.s32 $0x0  }
0x2c: {  	[tilespmem:s0], [sflag:$0x1] =	stream.linear.gather [hbm4b:s11+s3], $0x200, $0x38;
	[tilespmem:$0x1F700] =	vst v63  }
.LBB2_9:
0x2d: {  	p0 =	slt.u32 s31, $0x3  }
.Ltmp3:
0x2e: {  	_ = 	snop;
	(pc) =	sbr.rel @!p0 .LBB2_10-.Ltmp3, $1  }
0x2f: {  	_ =	sdelay $0x3  }
.LBB2_12:
0x30: {  	_ =	swait.ge [sflag:s17], $0x200  }
0x31: {  	[sflag:s17] =	ssyncset.done $0x0  }
0x32: {  	[sflag:s17] =	ssyncadd.s32 $0xFFFFFE00  }
0x33: {  	_ =	swait.ge [sflag:s17], $0x200  }
0x34: {  	s0 =	sand.u32 $0x1800, s30;
	[sflag:s17] =	ssyncset.done $0x0  }
0x35: {  	s16 =	smin.u32 s31, $0xC2;
	s0 =	sshrl.u32 s0, $0x2;
	[sflag:s17] =	ssyncadd.s32 $0xFFFFFE00  }
0x36: {  	[tilespmem:s21], [sflag:$0x3] =	stream.indirect.gather [hbm4b:s4+s18], $0x10, s0, s18, $0xb8;
	[tilespmem:$0x1F700] =	vst v63  }
0x37: {  	s0 =	sadd.s32 $0x1, s16  }
0x38: {  	s1 =	sadd.s32 s9, s0  }
0x39: {  	s0 =	sshll.u32 s0, $0x9;
	s1 =	sshll.u32 s1, $0x6  }
0x3a: {  	s0 =	sand.u32 $0x600, s0;
	s16 =	sadd.s32 s5, s1  }
0x3b: {  	[tilespmem:s0], [sflag:$0x1] =	stream.linear.gather [hbm4b:s16+s3], $0x200, $0x38;
	[tilespmem:$0x1F700] =	vst v63  }
0x3c: {  	s1 =	sadd.s32 s6, s1;
	s0 =	sor.u32 $0x800, s0  }
0x3d: {  	[tilespmem:s0], [sflag:$0x1] =	stream.linear.gather [hbm4b:s1+s3], $0x200, $0x38;
	[tilespmem:$0x1F700] =	vst v63  }
.LBB2_13:
0x3e: {  	s0 =	sadd.s32 $0x1800, s30  }
0x3f: {  	_ =	swait.ge [sflag:s25], $0x2000;
	s0 =	sand.u32 $0x1800, s0  }
0x40: {  	[sflag:s25] =	ssyncset.done $0x0;
	s0 =	sshrl.u32 s0, $0x2  }
0x41: {  	[sflag:s25] =	ssyncadd.s32 $0xFFFFE000;
	s0 =	sor.u32 $0x800, s0  }
0x42: {  	[spmem:s2] =	stream.indirect.scatter.add.f32 [tilespmem:s26], [sflag:$0x5], $0x10, s0, s18, $0xb8;
	[tilespmem:$0x1F700] =	vst v63  }
.LBB2_19:
0x43: {  	s30 =	sadd.s32 $0x800, s30  }
0x44: {  	p0 =	sne.s32 s30, $0x62800  }
.Ltmp4:
0x45: {  	_ = 	snop;
	(pc) =	sbr.rel @!p0 .LBB2_20-.Ltmp4, $2  }
0x46: {  	_ =	sdelay $0x2  }
0x47: {  	s31 =	sadd.s32 $0x1, s31  }
.LBB2_2:
0x48: {  	s0 =	smul.u32 $0xAB, s31;
	_ =	sdelay $0x1  }
0x49: {  	s0 =	sshrl.u32 s0, $0x9  }
0x4a: {  	s0 =	sand.u32 $0x7F, s0  }
0x4b: {  	s0 =	smul.u32 $0x3, s0;
	_ =	sdelay $0x1  }
0x4c: {  	s0 =	ssub.s32 s31, s0  }
0x4d: {  	s0 =	sand.u32 $0xFF, s0  }
0x4e: {  	p0 =	seq.s32 s0, $0x2  }
.Ltmp5:
0x4f: {  	_ = 	snop;
	(pc) =	sbr.rel @p0 .LBB2_14-.Ltmp5, $1  }
0x50: {  	_ =	sdelay $0x3  }
0x51: {  	p0 =	seq.s32 s0, $0x1  }
.Ltmp6:
0x52: {  	_ = 	snop;
	(pc) =	sbr.rel @p0 .LBB2_9-.Ltmp6, $1  }
0x53: {  	_ =	sdelay $0x3  }
0x54: {  	p0 =	slt.u32 s31, $0x3  }
.Ltmp7:
0x55: {  	_ = 	snop;
	(pc) =	sbr.rel @p0 .LBB2_7-.Ltmp7, $1  }
0x56: {  	_ =	sdelay $0x3  }
0x57: {  	p0 =	seq.s32 s31, $0xC4  }
.Ltmp8:
0x58: {  	_ = 	snop;
	(pc) =	sbr.rel @p0 .LBB2_8-.Ltmp8, $1  }
0x59: {  	_ =	sdelay $0x3  }
0x5a: {  	_ =	swait.ge [sflag:s23], $0x2000  }
0x5b: {  	[sflag:s23] =	ssyncset.done $0x0  }
0x5c: {  	[sflag:s23] =	ssyncadd.s32 $0xFFFFE000  }
.LBB2_7:
0x5d: {  	_ =	swait.ge [sflag:s17], $0x200  }
0x5e: {  	[sflag:s17] =	ssyncset.done $0x0  }
0x5f: {  	[sflag:s17] =	ssyncadd.s32 $0xFFFFFE00  }
0x60: {  	_ =	swait.ge [sflag:s17], $0x200  }
0x61: {  	s0 =	sand.u32 $0x1800, s30;
	[sflag:s17] =	ssyncset.done $0x0  }
0x62: {  	s16 =	smin.u32 s31, $0xC2;
	s0 =	sshrl.u32 s0, $0x2;
	[sflag:s17] =	ssyncadd.s32 $0xFFFFFE00  }
0x63: {  	[tilespmem:s26], [sflag:$0x2] =	stream.indirect.gather [hbm4b:s4+s18], $0x10, s0, s18, $0xb8;
	[tilespmem:$0x1F700] =	vst v63  }
0x64: {  	s0 =	sadd.s32 $0x1, s16  }
0x65: {  	p0 =	seq.s32 s30, $0x0;
	s1 =	sadd.s32 s9, s0  }
.Ltmp9:
0x66: {  	s0 =	sshll.u32 s0, $0x9;
	s1 =	sshll.u32 s1, $0x6;
	(pc) =	sbr.rel @p0 .LBB2_19-.Ltmp9, $4  }
0x67: {  	s0 =	sand.u32 $0x600, s0;
	s16 =	sadd.s32 s5, s1  }
0x68: {  	[tilespmem:s0], [sflag:$0x1] =	stream.linear.gather [hbm4b:s16+s3], $0x200, $0x38;
	[tilespmem:$0x1F700] =	vst v63  }
0x69: {  	s1 =	sadd.s32 s6, s1;
	s0 =	sor.u32 $0x800, s0  }
0x6a: {  	[tilespmem:s0], [sflag:$0x1] =	stream.linear.gather [hbm4b:s1+s3], $0x200, $0x38;
	[tilespmem:$0x1F700] =	vst v63  }
.LBB2_8:
.Ltmp10:
0x6b: {  	s0 =	sadd.s32 $0x1800, s30;
	(pc) =	sbr.rel .LBB2_19-.Ltmp10, $4  }
0x6c: {  	_ =	swait.ge [sflag:s28], $0x2000;
	s0 =	sand.u32 $0x1800, s0  }
0x6d: {  	[sflag:s28] =	ssyncset.done $0x0;
	s0 =	sshrl.u32 s0, $0x2  }
0x6e: {  	[sflag:s28] =	ssyncadd.s32 $0xFFFFE000;
	s0 =	sor.u32 $0x800, s0  }
0x6f: {  	[spmem:s2] =	stream.indirect.scatter.add.f32 [tilespmem:s19], [sflag:$0x7], $0x10, s0, s18, $0xb8;
	[tilespmem:$0x1F700] =	vst v63  }
.LBB2_14:
0x70: {  	p0 =	slt.u32 s31, $0x3  }
.Ltmp11:
0x71: {  	_ = 	snop;
	(pc) =	sbr.rel @p0 .LBB2_17-.Ltmp11, $1  }
0x72: {  	_ =	sdelay $0x3  }
0x73: {  	p0 =	seq.s32 s31, $0xC4  }
.Ltmp12:
0x74: {  	_ = 	snop;
	(pc) =	sbr.rel @p0 .LBB2_18-.Ltmp12, $1  }
0x75: {  	_ =	sdelay $0x3  }
0x76: {  	_ =	swait.ge [sflag:s22], $0x2000  }
0x77: {  	[sflag:s22] =	ssyncset.done $0x0  }
0x78: {  	[sflag:s22] =	ssyncadd.s32 $0xFFFFE000  }
.LBB2_17:
0x79: {  	_ =	swait.ge [sflag:s17], $0x200  }
0x7a: {  	[sflag:s17] =	ssyncset.done $0x0  }
0x7b: {  	[sflag:s17] =	ssyncadd.s32 $0xFFFFFE00  }
0x7c: {  	_ =	swait.ge [sflag:s17], $0x200  }
0x7d: {  	s0 =	sand.u32 $0x1800, s30;
	[sflag:s17] =	ssyncset.done $0x0  }
0x7e: {  	s16 =	smin.u32 s31, $0xC2;
	s0 =	sshrl.u32 s0, $0x2;
	[sflag:s17] =	ssyncadd.s32 $0xFFFFFE00  }
0x7f: {  	[tilespmem:s19], [sflag:$0x4] =	stream.indirect.gather [hbm4b:s4+s18], $0x10, s0, s18, $0xb8;
	[tilespmem:$0x1F700] =	vst v63  }
0x80: {  	s0 =	sadd.s32 $0x1, s16  }
0x81: {  	s1 =	sadd.s32 s9, s0  }
0x82: {  	s0 =	sshll.u32 s0, $0x9;
	s1 =	sshll.u32 s1, $0x6  }
0x83: {  	s0 =	sand.u32 $0x600, s0;
	s16 =	sadd.s32 s5, s1  }
0x84: {  	[tilespmem:s0], [sflag:$0x1] =	stream.linear.gather [hbm4b:s16+s3], $0x200, $0x38;
	[tilespmem:$0x1F700] =	vst v63  }
0x85: {  	s1 =	sadd.s32 s6, s1;
	s0 =	sor.u32 $0x800, s0  }
0x86: {  	[tilespmem:s0], [sflag:$0x1] =	stream.linear.gather [hbm4b:s1+s3], $0x200, $0x38;
	[tilespmem:$0x1F700] =	vst v63  }
.LBB2_18:
.Ltmp13:
0x87: {  	s0 =	sadd.s32 $0x1800, s30;
	(pc) =	sbr.rel .LBB2_19-.Ltmp13, $4  }
0x88: {  	_ =	swait.ge [sflag:s20], $0x2000;
	s0 =	sand.u32 $0x1800, s0  }
0x89: {  	[sflag:s20] =	ssyncset.done $0x0;
	s0 =	sshrl.u32 s0, $0x2  }
0x8a: {  	[sflag:s20] =	ssyncadd.s32 $0xFFFFE000;
	s0 =	sor.u32 $0x800, s0  }
0x8b: {  	[spmem:s2] =	stream.indirect.scatter.add.f32 [tilespmem:s21], [sflag:$0x6], $0x10, s0, s18, $0xb8;
	[tilespmem:$0x1F700] =	vst v63  }
.LBB2_10:
0x8c: {  	p0 =	seq.s32 s31, $0xC4  }
.Ltmp14:
0x8d: {  	_ = 	snop;
	(pc) =	sbr.rel @p0 .LBB2_13-.Ltmp14, $1  }
0x8e: {  	_ =	sdelay $0x3  }
.Ltmp15:
0x8f: {  	(pc) =	sbr.rel .LBB2_12-.Ltmp15, $4  }
0x90: {  	_ = 	snop  }
0x91: {  	_ =	swait.ge [sflag:s24], $0x2000  }
0x92: {  	[sflag:s24] =	ssyncset.done $0x0  }
0x93: {  	[sflag:s24] =	ssyncadd.s32 $0xFFFFE000  }
.LBB2_21:
0x94: {  	_ =	sfence.sel $0x180000  }
0x95: {  	[bflag:$0x0] =	sbarrier.arrive $0xFFFF  }
0x96: {  	_ =	strace $0x90000050  }
0x97: {  	s0 =	stileid.u32;
	[bflag:$0x2] =	sbarrier.arrive $0xFFFF  }
0x98: {  	p0 =	sne.s32 s0, $0x0;
	s0 =	rddreg [dreg:$0x2]  }
0x99: {  	s0 =	sadd.s32 @!p0 $0x100000, s0  }
0x9a: {  	[sflag:s0] =	ssyncadd.tile.s32 @!p0 $0x1;
	_ =	shalt  }
.Lfunc_end2:
_tile_overlayer_lowered:
.L_overlay_start_2:
0x9b: {  	(tag) =	ssettag $0x2  }
0x9c: {  	s0 =	rddreg [dreg:$0x0];
	s2 =	stileid.u32  }
0x9d: {  	s1 =	rddreg [dreg:$0x1];
	p0 =	sne.s32 s2, $0x0  }
0x9e: {  	s3 =	rddreg [dreg:$0x2];
	[bflag:$0x3] =	sbarrier.arrive $0xFFFF;
	s2 =	simm.s32 @!p0 $0x1C08  }
0x9f: {  	[timem:s3], [sflag:s2] =	dma.local @!p0 [hbm:s0], s1  }
0xa0: {  	s0 =	simm.s32 @!p0 $0x8  }
0xa1: {  	_ =	swait.ge @!p0 [sflag:s0], s1  }
0xa2: {  	s1 =	ssub.s32 @!p0 $0x0, s1;
	[sflag:s0] =	ssyncset.done @!p0 $0x0  }
0xa3: {  	[sflag:s0] =	ssyncadd.s32 @!p0 s1  }
0xa4: {  	[bflag:$0x3] =	sbarrier.arrive $0xFFFF  }
0xa5: {  	_ =	shalt  }

// kernel: kernel.24.cloned.1.call-start
scs
__scs_entry_jumppad:
0x0: {  	(pc) =	sbr.rel $0x88, $3  }
0x1: {  	(tag) =	ssettag $0x0;
	lr =	simm.s32 $0x1  }
0x2: {  	[smem:$0x3F97] =	sst lr;
	_ =	strace $0xD0000000  }
0x3: {  	_ = 	snop  }
0x4: {  	_ = 	snop  }
0x5: {  	_ = 	snop  }
0x6: {  	_ = 	snop  }
0x7: {  	_ = 	snop  }
__scs_overlays_trampoline_lowered:
0x8: {  	[smem:$0x3FA6] =	sst s0  }
0x9: {  	[smem:$0x3FA7] =	sst s1  }
0xa: {  	[smem:$0x3FA8] =	sst s2  }
0xb: {  	[smem:$0x3FA9] =	sst s3  }
0xc: {  	[smem:$0x3FAA] =	sst s4  }
0xd: {  	[smem:$0x3FAB] =	sst s5  }
0xe: {  	[smem:$0x3FAC] =	sst s6  }
0xf: {  	[smem:$0x3FAD] =	sst s7  }
0x10: {  	[smem:$0x3FAE] =	sst s8  }
0x11: {  	[smem:$0x3FAF] =	sst s9;
	s0 =	simm.s32 @!p0 $0x0  }
0x12: {  	s1 =	sld [smem:$0x3F95];
	s0 =	simm.s32 @p0 $0x1  }
0x13: {  	[smem:$0x3FB0] =	sst s0;
	s0 =	simm.s32 @!p1 $0x0  }
0x14: {  	s2 =	sld [smem:$0x3F94];
	s0 =	simm.s32 @p1 $0x1  }
0x15: {  	[smem:$0x3FB1] =	sst s0;
	s0 =	simm.s32 @!p2 $0x0  }
0x16: {  	s3 =	sld [smem:$0x3FDB];
	s0 =	simm.s32 @p2 $0x1  }
0x17: {  	s4 =	simm.s32 $0x1BF5;
	[smem:$0x3FB3] =	sst s0  }
0x18: {  	s0 =	sld [smem:$0x3F96];
	_ =	swait.ge [sflag:s4], $0x0  }
0x19: {  	s7 =	sld [smem:$0x3F97]  }
0x1a: {  	s8 =	sadd.s32 $0xFFFFE003, lr  }
0x1b: {  	s9 =	sadd.s32 $0xFFFFFEF7, lr;
	s5 =	simm.s32 $0xFFFFFFFF;
	p2 =	slt.u32 s8, $0xFFFFF086  }
0x1c: {  	p1 =	slt.u32 s9, $0xF7A;
	s5 =	simm.s32 @!p2 $0x0  }
0x1d: {  	s5 =	simm.s32 @p1 $0x1;
	p0 =	seq.s32 s7, s2  }
0x1e: {  	s7 =	smul.u32 @!p0 $0xF7A, s2;
	p2 =	seq.s32 @!p0 s5, $0x0  }
0x1f: {  	s9 =	smul.u32 $0xF7A, s1;
	s8 =	simm.s32 @!p0 $0x1BF5;
	p2 =	por !p2, p0  }
0x20: {  	[sflag:s8] =	ssyncset.s32 @!p0 $0xFFFFF086;
	s6 =	sadd.s32 @!p0 s3, s7;
	s7 =	simm.s32 @!p0 $0x108  }
0x21: {  	s3 =	sadd.s32 s3, s9;
	s6 =	sadd.s32 @!p0 $0x88, s6;
	s7 =	simm.s32 @p2 $0x1082  }
0x22: {  	[simem:s7], [sflag:s8] =	dma.local @!p0 [hbm:s6], $0xF7A  }
0x23: {  	s9 =	sor.u32 $0xD0000000, s2;
	s6 =	simm.s32 $0x108;
	_ =	swait.ge @!p0 [sflag:s8], $0x0  }
0x24: {  	s3 =	sadd.s32 $0x88, s3;
	s6 =	simm.s32 @!p1 $0x1082;
	[sflag:s4] =	ssyncset.s32 $0xFFFFF086  }
0x25: {  	[simem:s6], [sflag:s4] =	dma.local [hbm:s3], $0xF7A  }
0x26: {  	[smem:$0x3F97] =	sst s1;
	(tag) =	ssettag s2;
	_ =	strace s9  }
0x27: {  	s1 =	sld [smem:$0x3FA7]  }
0x28: {  	s2 =	sld [smem:$0x3FA8]  }
0x29: {  	s4 =	sld [smem:$0x3FAA]  }
0x2a: {  	p0 =	seq.s32 s5, $0x0;
	s5 =	sld [smem:$0x3FAB]  }
0x2b: {  	s6 =	sld [smem:$0x3FAC]  }
0x2c: {  	s7 =	sld [smem:$0x3FAD]  }
0x2d: {  	s3 =	simm.s32 $0x108;
	s8 =	sld [smem:$0x3FAE]  }
0x2e: {  	s3 =	simm.s32 @!p0 $0x1082;
	s9 =	sld [smem:$0x3FAF]  }
0x2f: {  	lr =	sadd.s32 s0, s3;
	s0 =	sld [smem:$0x3FA6]  }
0x30: {  	s3 =	sld [smem:$0x3FA9]  }
0x31: {  	[smem:$0x3FB2] =	sst s10  }
0x32: {  	s10 =	sld [smem:$0x3FB0];
	_ =	sdelay $0x3  }
0x33: {  	p0 =	seq.s32 s10, $0x1;
	s10 =	sld [smem:$0x3FB2];
	_ =	sdelay $0x3  }
0x34: {  	[smem:$0x3FB2] =	sst s10  }
0x35: {  	s10 =	sld [smem:$0x3FB1];
	_ =	sdelay $0x3  }
0x36: {  	p1 =	seq.s32 s10, $0x1;
	s10 =	sld [smem:$0x3FB2];
	_ =	sdelay $0x3  }
0x37: {  	[smem:$0x3FB2] =	sst s10  }
0x38: {  	s10 =	sld [smem:$0x3FB3]  }
0x39: {  	_ = 	snop;
	(pc) =	sbr.ind lr, $3  }
0x3a: {  	_ = 	snop  }
0x3b: {  	_ = 	snop  }
0x3c: {  	p2 =	seq.s32 s10, $0x1;
	s10 =	sld [smem:$0x3FB2]  }
0x3d: {  	_ =	shalt  }
0x3e: {  	_ =	shalt  }
0x3f: {  	_ =	shalt  }
0x40: {  	_ =	shalt  }
0x41: {  	_ =	shalt  }
0x42: {  	_ =	shalt  }
0x43: {  	_ =	shalt  }
0x44: {  	_ =	shalt  }
0x45: {  	_ =	shalt  }
0x46: {  	_ =	shalt  }
0x47: {  	_ =	shalt  }
0x48: {  	_ =	shalt  }
0x49: {  	_ =	shalt  }
0x4a: {  	_ =	shalt  }
0x4b: {  	_ =	shalt  }
0x4c: {  	_ =	shalt  }
0x4d: {  	_ =	shalt  }
0x4e: {  	_ =	shalt  }
0x4f: {  	_ =	shalt  }
0x50: {  	_ =	shalt  }
0x51: {  	_ =	shalt  }
0x52: {  	_ =	shalt  }
0x53: {  	_ =	shalt  }
0x54: {  	_ =	shalt  }
0x55: {  	_ =	shalt  }
0x56: {  	_ =	shalt  }
0x57: {  	_ =	shalt  }
0x58: {  	_ =	shalt  }
0x59: {  	_ =	shalt  }
0x5a: {  	_ =	shalt  }
0x5b: {  	_ =	shalt  }
0x5c: {  	_ =	shalt  }
0x5d: {  	_ =	shalt  }
0x5e: {  	_ =	shalt  }
0x5f: {  	_ =	shalt  }
0x60: {  	_ =	shalt  }
0x61: {  	_ =	shalt  }
0x62: {  	_ =	shalt  }
0x63: {  	_ =	shalt  }
0x64: {  	_ =	shalt  }
0x65: {  	_ =	shalt  }
0x66: {  	_ =	shalt  }
0x67: {  	_ =	shalt  }
0x68: {  	_ =	shalt  }
0x69: {  	_ =	shalt  }
0x6a: {  	_ =	shalt  }
0x6b: {  	_ =	shalt  }
0x6c: {  	_ =	shalt  }
0x6d: {  	_ =	shalt  }
0x6e: {  	_ =	shalt  }
0x6f: {  	_ =	shalt  }
0x70: {  	_ =	shalt  }
0x71: {  	_ =	shalt  }
0x72: {  	_ =	shalt  }
0x73: {  	_ =	shalt  }
0x74: {  	_ =	shalt  }
0x75: {  	_ =	shalt  }
0x76: {  	_ =	shalt  }
0x77: {  	_ =	shalt  }
0x78: {  	_ =	shalt  }
0x79: {  	_ =	shalt  }
0x7a: {  	_ =	shalt  }
0x7b: {  	_ =	shalt  }
0x7c: {  	_ =	shalt  }
0x7d: {  	_ =	shalt  }
0x7e: {  	_ =	shalt  }
0x7f: {  	_ =	shalt  }
0x80: {  	_ =	shalt  }
0x81: {  	_ =	shalt  }
0x82: {  	_ =	shalt  }
0x83: {  	_ =	shalt  }
0x84: {  	_ =	shalt  }
0x85: {  	_ =	shalt  }
0x86: {  	_ =	shalt  }
0x87: {  	_ =	shalt  }
.Lfunc_end0:
.L_simem_size_0:
called_computation.4_lowered:
.L_overlay_start_0:
0x88: {  	s2 =	sld [smem:$0x3FD9]  }
0x89: {  	s3 =	sld [smem:$0x3FFE];
	_ =	sdelay $0x1  }
0x8a: {  	s1 =	srdreg.scid  }
0x8b: {  	s0 =	sand.u32 $0x1, s1  }
0x8c: {  	s16 =	sshll.u32 s0, $0xA;
	s2 =	sadd.s32 s3, s2  }
0x8d: {  	s2 =	sadd.s32 s2, s16  }
0x8e: {  	[smem:$0x3FBE] =	sst s2  }
0x8f: {  	_ = 	snop  }
0x90: {  	(tm) =	ssettm $0x1  }
0x91: {  	s17 =	sld [smem:$0x3FFB];
	_ =	sdelay $0x3  }
0x92: {  	_ =	strace s17  }
0x93: {  	s2 =	sld [smem:$0x3FFC];
	_ =	sdelay $0x3  }
0x94: {  	_ =	strace s2  }
0x95: {  	s2 =	sld [smem:$0x3FFD];
	_ =	sdelay $0x3  }
0x96: {  	_ =	strace s2  }
0x97: {  	_ =	strace $0x8FFFFFFF  }
0x98: {  	s18 =	sld [smem:$0x3FDB];
	_ =	sdelay $0x1  }
0x99: {  	s19 =	simm.s32 $_scs_section_size  }
0x9a: {  	s4 =	simm.s32 $_size__tile_overlayer_lowered;
	s5 =	simm.s32 $_tile_overlayer_lowered  }
0x9b: {  	s22 =	simm.s32 $0x1BFF;
	s21 =	sshll.u32 s5, $0x1;
	s2 =	sadd.s32 s19, s18  }
0x9c: {  	s6 =	simm.s32 $0x0;
	s20 =	sshll.u32 s4, $0x1;
	s4 =	sadd.s32 s21, s2  }
0x9d: {  	[timem:s6], [sflag:s22] =	dma.local [hbm:s4], s20  }
0x9e: {  	_ =	swait.ge [sflag:s22], s20  }
0x9f: {  	s3 =	ssub.s32 $0x0, s20;
	[sflag:s22] =	ssyncset.done $0x0  }
0xa0: {  	[sflag:s22] =	ssyncadd.s32 s3;
	_ =	sdelay $0x1  }
0xa1: {  	s23 =	simm.s32 $0x1B8B  }
0xa2: {  	_ =	swait.ge [sflag:s23], $0x1  }
0xa3: {  	[sflag:s23] =	ssyncset.done $0x0  }
0xa4: {  	s25 =	simm.s32 $0x1B8E;
	s24 =	sld [smem:$0x3FFE];
	[sflag:s23] =	ssyncadd.s32 $0xFFFFFFFF  }
0xa5: {  	s26 =	simm.s32 $execute0_lowered;
	[smem:$0x3FD2] =	sst s25  }
0xa6: {  	s4 =	sshll.u32 s26, $0x1;
	_ =	strace $0x80000052;
	[dreg:$0x1] =	wrdreg $0xFFFFFFFF  }
0xa7: {  	s28 =	simm.s32 $_size_execute0_lowered;
	s2 =	sadd.s32 s2, s4;
	[dreg:$0x0] =	wrdreg $0x0  }
0xa8: {  	s4 =	sshll.u32 s28, $0x1;
	[dreg:$0x2] =	wrdreg s2  }
0xa9: {  	[dreg:$0x3] =	wrdreg s4  }
0xaa: {  	[dreg:$0x4] =	wrdreg $0xC0  }
0xab: {  	_ =	task [dreg:s6], $0x5FFFF  }
0xac: {  	[dreg:$0x1] =	wrdreg $0xFFFFFFFF  }
0xad: {  	[dreg:$0x0] =	wrdreg $0x60  }
0xae: {  	[dreg:$0x2] =	wrdreg s24  }
0xaf: {  	[dreg:$0x3] =	wrdreg $0x70000  }
0xb0: {  	[dreg:$0x4] =	wrdreg $0x9  }
0xb1: {  	_ =	task.clear_ibuf [dreg:s6], $0x5FFFF;
	_ =	strace $0x90000052  }
0xb2: {  	s29 =	simm.s32 $0x9;
	_ =	strace $0x80000054  }
0xb3: {  	_ =	swait.ge [sflag:s29], $0x1  }
0xb4: {  	[sflag:s29] =	ssyncadd.s32 $0xFFFFFFFF  }
0xb5: {  	_ =	strace $0x90000054  }
0xb6: {  	_ =	sfence  }
0xb7: {  	s30 =	sld [smem:$0x0];
	_ =	sdelay $0x2  }
0xb8: {  	s31 =	sshll.u32 s1, $0xD;
	s1 =	sshrl.u32 s1, $0x2  }
0xb9: {  	s3 =	sand.u32 $0x4000, s31;
	s1 =	sadd.s32 s1, s30  }
0xba: {  	s0 =	sor.u32 s3, s0;
	s1 =	sshll.u32 s1, $0x11  }
0xbb: {  	s0 =	sor.u32 s1, s0  }
0xbc: {  	s0 =	sadd.s32 $0x8F2B, s0  }
0xbd: {  	[sflag:s0] =	ssyncadd.remote.s32 $0x1  }
0xbe: {  	_ =	sfence.sel $0xFFFF  }
0xbf: {  	[dreg:$0x0] =	wrdreg $0xFFFFFFFF;
	(pc) =	sbr.abs _section_cstart, $3  }
0xc0: {  	[dreg:$0x1] =	wrdreg $0xFFFFFFFF  }
0xc1: {  	_ =	task.clear_ibuf [dreg:s6], $0x2FFFF;
	_ =	strace $0x9FFFFFFF  }
0xc2: {  	(tm) =	ssettm $0x7FFFFFFF  }
0xc3: {  	_ =	shalt  }
tec
execute0_lowered:
.L_overlay_start_1:
0x0: {  	(tag) =	ssettag $0x1  }
0x1: {  	s0 =	rddreg [dreg:$0x0]  }
0x2: {  	s2 =	rddreg [dreg:$0x1];
	s3 =	simm.s32 $0x0;
	s4 =	srdreg.scid  }
0x3: {  	s1 =	stileid.u32;
	s17 =	simm.s32 $0x1;
	s18 =	simm.s32 $0x200  }
0x4: {  	s19 =	simm.s32 $0x5000;
	s20 =	simm.s32 $0x3;
	s21 =	simm.s32 $0x3000  }
0x5: {  	s22 =	simm.s32 $0x7;
	s23 =	simm.s32 $0x5;
	s24 =	simm.s32 $0x6  }
0x6: {  	s25 =	simm.s32 $0x2;
	s26 =	simm.s32 $0x1000;
	s28 =	simm.s32 $0x4  }
0x7: {  	s29 =	simm.s32 $0x0;
	[smem:$0x7FF] =	sst s3;
	s8 =	sand.u32 $0x1, s4  }
0x8: {  	s9 =	smul.u32 $0x18700, s1;
	s4 =	sadd.s32 $0x69600, s0;
	s5 =	sadd.s32 $0xCB200, s0  }
0x9: {  	s6 =	sadd.s32 $0x4400, s0;
	s7 =	sadd.s32 $0x66400, s0;
	s11 =	sshll.u32 s1, $0x1  }
0xa: {  	s31 =	sshll.u32 s1, $0x6;
	s10 =	smul.u32 $0x187000, s8;
	s11 =	sor.u32 s8, s11  }
0xb: {  	_ =	strace $0x80000053;
	s12 =	ssub.s32 $0x2, s8;
	s13 =	smul.u32 $0x3100, s11  }
.Ltmp0:
0xc: {  	s8 =	sor.u32 $0x1C08, s31;
	s30 =	sshrl.u32 s12, $0x1;
	(pc) =	sbr.rel .LBB2_1-.Ltmp0, $4  }
0xd: {  	s15 =	sadd.s32 s9, s2;
	s10 =	sadd.s32 s9, s10;
	s14 =	ssub.s32 s12, s30  }
0xe: {  	s9 =	smul.u32 $0xC4, s11;
	s10 =	sshrl.u32 s10, $0x3;
	s11 =	sadd.s32 s6, s13  }
0xf: {  	s0 =	sadd.s32 s10, s0;
	s10 =	sadd.s32 s5, s13;
	s13 =	smax.u32 s14, $0x1  }
0x10: {  	s14 =	sshrl.u32 s15, $0x3;
	s15 =	simm.s32 $0x8;
	s12 =	sadd.s32 $0x12D200, s0  }
.LBB2_20:
0x11: {  	_ =	swait.ge [sflag:s17], $0x200  }
0x12: {  	[sflag:s17] =	ssyncset.done $0x0  }
0x13: {  	[sflag:s17] =	ssyncadd.s32 $0xFFFFFE00  }
0x14: {  	_ =	swait.ge [sflag:s17], $0x200  }
0x15: {  	[sflag:s17] =	ssyncset.done $0x0  }
0x16: {  	[sflag:s17] =	ssyncadd.s32 $0xFFFFFE00  }
0x17: {  	_ =	swait.ge [sflag:s23], $0x2000  }
0x18: {  	[sflag:s23] =	ssyncset.done $0x0  }
0x19: {  	[sflag:s23] =	ssyncadd.s32 $0xFFFFE000  }
0x1a: {  	_ =	swait.ge [sflag:s24], $0x2000  }
0x1b: {  	[sflag:s24] =	ssyncset.done $0x0  }
0x1c: {  	[sflag:s24] =	ssyncadd.s32 $0xFFFFE000  }
0x1d: {  	_ =	swait.ge [sflag:s22], $0x2000  }
0x1e: {  	s29 =	sadd.s32 $0x1, s29;
	[sflag:s22] =	ssyncset.done $0x0  }
0x1f: {  	p0 =	sne.s32 s29, s13;
	[sflag:s22] =	ssyncadd.s32 $0xFFFFE000  }
.Ltmp1:
0x20: {  	[bflag:$0x0] =	sbarrier.arrive $0xFFFF;
	(pc) =	sbr.rel @!p0 .LBB2_21-.Ltmp1, $4  }
0x21: {  	[hbm:s12], [sflag:s8] =	dma.local [spmem:s14], $0x30E0  }
0x22: {  	_ =	swait.ge [sflag:s15], $0x30E0  }
0x23: {  	[sflag:s15] =	ssyncset.done $0x0  }
0x24: {  	[sflag:s15] =	ssyncadd.s32 $0xFFFFCF20  }
.LBB2_1:
0x25: {  	[spmem:s14], [sflag:s8] =	dma.local [hbm:s7], $0x30E0  }
0x26: {  	_ =	swait.ge [sflag:s15], $0x30E0  }
0x27: {  	[sflag:s15] =	ssyncset.done $0x0  }
.Ltmp2:
0x28: {  	[sflag:s15] =	ssyncadd.s32 $0xFFFFCF20;
	(pc) =	sbr.rel .LBB2_2-.Ltmp2, $4  }
0x29: {  	[bflag:$0x0] =	sbarrier.arrive $0xFFFF  }
0x2a: {  	[tilespmem:s3], [sflag:$0x1] =	stream.linear.gather [hbm4b:s10+s3], $0x200, $0x38;
	[tilespmem:$0x1F700] =	vst v63  }
0x2b: {  	s0 =	simm.s32 $0x800;
	s30 =	simm.s32 $0x0;
	s31 =	simm.s32 $0x0  }
0x2c: {  	[tilespmem:s0], [sflag:$0x1] =	stream.linear.gather [hbm4b:s11+s3], $0x200, $0x38;
	[tilespmem:$0x1F700] =	vst v63  }
.LBB2_9:
0x2d: {  	p0 =	slt.u32 s31, $0x3  }
.Ltmp3:
0x2e: {  	_ = 	snop;
	(pc) =	sbr.rel @!p0 .LBB2_10-.Ltmp3, $1  }
0x2f: {  	_ =	sdelay $0x3  }
.LBB2_12:
0x30: {  	_ =	swait.ge [sflag:s17], $0x200  }
0x31: {  	[sflag:s17] =	ssyncset.done $0x0  }
0x32: {  	[sflag:s17] =	ssyncadd.s32 $0xFFFFFE00  }
0x33: {  	_ =	swait.ge [sflag:s17], $0x200  }
0x34: {  	s0 =	sand.u32 $0x1800, s30;
	[sflag:s17] =	ssyncset.done $0x0  }
0x35: {  	s16 =	smin.u32 s31, $0xC2;
	s0 =	sshrl.u32 s0, $0x2;
	[sflag:s17] =	ssyncadd.s32 $0xFFFFFE00  }
0x36: {  	[tilespmem:s21], [sflag:$0x3] =	stream.indirect.gather [hbm4b:s4+s18], $0x10, s0, s18, $0xb8;
	[tilespmem:$0x1F700] =	vst v63  }
0x37: {  	s0 =	sadd.s32 $0x1, s16  }
0x38: {  	s1 =	sadd.s32 s9, s0  }
0x39: {  	s0 =	sshll.u32 s0, $0x9;
	s1 =	sshll.u32 s1, $0x6  }
0x3a: {  	s0 =	sand.u32 $0x600, s0;
	s16 =	sadd.s32 s5, s1  }
0x3b: {  	[tilespmem:s0], [sflag:$0x1] =	stream.linear.gather [hbm4b:s16+s3], $0x200, $0x38;
	[tilespmem:$0x1F700] =	vst v63  }
0x3c: {  	s1 =	sadd.s32 s6, s1;
	s0 =	sor.u32 $0x800, s0  }
0x3d: {  	[tilespmem:s0], [sflag:$0x1] =	stream.linear.gather [hbm4b:s1+s3], $0x200, $0x38;
	[tilespmem:$0x1F700] =	vst v63  }
.LBB2_13:
0x3e: {  	s0 =	sadd.s32 $0x1800, s30  }
0x3f: {  	_ =	swait.ge [sflag:s25], $0x2000;
	s0 =	sand.u32 $0x1800, s0  }
0x40: {  	[sflag:s25] =	ssyncset.done $0x0;
	s0 =	sshrl.u32 s0, $0x2  }
0x41: {  	[sflag:s25] =	ssyncadd.s32 $0xFFFFE000;
	s0 =	sor.u32 $0x800, s0  }
0x42: {  	[spmem:s2] =	stream.indirect.scatter.add.f32 [tilespmem:s26], [sflag:$0x5], $0x10, s0, s18, $0xb8;
	[tilespmem:$0x1F700] =	vst v63  }
.LBB2_19:
0x43: {  	s30 =	sadd.s32 $0x800, s30  }
0x44: {  	p0 =	sne.s32 s30, $0x62800  }
.Ltmp4:
0x45: {  	_ = 	snop;
	(pc) =	sbr.rel @!p0 .LBB2_20-.Ltmp4, $2  }
0x46: {  	_ =	sdelay $0x2  }
0x47: {  	s31 =	sadd.s32 $0x1, s31  }
.LBB2_2:
0x48: {  	s0 =	smul.u32 $0xAB, s31;
	_ =	sdelay $0x1  }
0x49: {  	s0 =	sshrl.u32 s0, $0x9  }
0x4a: {  	s0 =	sand.u32 $0x7F, s0  }
0x4b: {  	s0 =	smul.u32 $0x3, s0;
	_ =	sdelay $0x1  }
0x4c: {  	s0 =	ssub.s32 s31, s0  }
0x4d: {  	s0 =	sand.u32 $0xFF, s0  }
0x4e: {  	p0 =	seq.s32 s0, $0x2  }
.Ltmp5:
0x4f: {  	_ = 	snop;
	(pc) =	sbr.rel @p0 .LBB2_14-.Ltmp5, $1  }
0x50: {  	_ =	sdelay $0x3  }
0x51: {  	p0 =	seq.s32 s0, $0x1  }
.Ltmp6:
0x52: {  	_ = 	snop;
	(pc) =	sbr.rel @p0 .LBB2_9-.Ltmp6, $1  }
0x53: {  	_ =	sdelay $0x3  }
0x54: {  	p0 =	slt.u32 s31, $0x3  }
.Ltmp7:
0x55: {  	_ = 	snop;
	(pc) =	sbr.rel @p0 .LBB2_7-.Ltmp7, $1  }
0x56: {  	_ =	sdelay $0x3  }
0x57: {  	p0 =	seq.s32 s31, $0xC4  }
.Ltmp8:
0x58: {  	_ = 	snop;
	(pc) =	sbr.rel @p0 .LBB2_8-.Ltmp8, $1  }
0x59: {  	_ =	sdelay $0x3  }
0x5a: {  	_ =	swait.ge [sflag:s23], $0x2000  }
0x5b: {  	[sflag:s23] =	ssyncset.done $0x0  }
0x5c: {  	[sflag:s23] =	ssyncadd.s32 $0xFFFFE000  }
.LBB2_7:
0x5d: {  	_ =	swait.ge [sflag:s17], $0x200  }
0x5e: {  	[sflag:s17] =	ssyncset.done $0x0  }
0x5f: {  	[sflag:s17] =	ssyncadd.s32 $0xFFFFFE00  }
0x60: {  	_ =	swait.ge [sflag:s17], $0x200  }
0x61: {  	s0 =	sand.u32 $0x1800, s30;
	[sflag:s17] =	ssyncset.done $0x0  }
0x62: {  	s16 =	smin.u32 s31, $0xC2;
	s0 =	sshrl.u32 s0, $0x2;
	[sflag:s17] =	ssyncadd.s32 $0xFFFFFE00  }
0x63: {  	[tilespmem:s26], [sflag:$0x2] =	stream.indirect.gather [hbm4b:s4+s18], $0x10, s0, s18, $0xb8;
	[tilespmem:$0x1F700] =	vst v63  }
0x64: {  	s0 =	sadd.s32 $0x1, s16  }
0x65: {  	p0 =	seq.s32 s30, $0x0;
	s1 =	sadd.s32 s9, s0  }
.Ltmp9:
0x66: {  	s0 =	sshll.u32 s0, $0x9;
	s1 =	sshll.u32 s1, $0x6;
	(pc) =	sbr.rel @p0 .LBB2_19-.Ltmp9, $4  }
0x67: {  	s0 =	sand.u32 $0x600, s0;
	s16 =	sadd.s32 s5, s1  }
0x68: {  	[tilespmem:s0], [sflag:$0x1] =	stream.linear.gather [hbm4b:s16+s3], $0x200, $0x38;
	[tilespmem:$0x1F700] =	vst v63  }
0x69: {  	s1 =	sadd.s32 s6, s1;
	s0 =	sor.u32 $0x800, s0  }
0x6a: {  	[tilespmem:s0], [sflag:$0x1] =	stream.linear.gather [hbm4b:s1+s3], $0x200, $0x38;
	[tilespmem:$0x1F700] =	vst v63  }
.LBB2_8:
.Ltmp10:
0x6b: {  	s0 =	sadd.s32 $0x1800, s30;
	(pc) =	sbr.rel .LBB2_19-.Ltmp10, $4  }
0x6c: {  	_ =	swait.ge [sflag:s28], $0x2000;
	s0 =	sand.u32 $0x1800, s0  }
0x6d: {  	[sflag:s28] =	ssyncset.done $0x0;
	s0 =	sshrl.u32 s0, $0x2  }
0x6e: {  	[sflag:s28] =	ssyncadd.s32 $0xFFFFE000;
	s0 =	sor.u32 $0x800, s0  }
0x6f: {  	[spmem:s2] =	stream.indirect.scatter.add.f32 [tilespmem:s19], [sflag:$0x7], $0x10, s0, s18, $0xb8;
	[tilespmem:$0x1F700] =	vst v63  }
.LBB2_14:
0x70: {  	p0 =	slt.u32 s31, $0x3  }
.Ltmp11:
0x71: {  	_ = 	snop;
	(pc) =	sbr.rel @p0 .LBB2_17-.Ltmp11, $1  }
0x72: {  	_ =	sdelay $0x3  }
0x73: {  	p0 =	seq.s32 s31, $0xC4  }
.Ltmp12:
0x74: {  	_ = 	snop;
	(pc) =	sbr.rel @p0 .LBB2_18-.Ltmp12, $1  }
0x75: {  	_ =	sdelay $0x3  }
0x76: {  	_ =	swait.ge [sflag:s22], $0x2000  }
0x77: {  	[sflag:s22] =	ssyncset.done $0x0  }
0x78: {  	[sflag:s22] =	ssyncadd.s32 $0xFFFFE000  }
.LBB2_17:
0x79: {  	_ =	swait.ge [sflag:s17], $0x200  }
0x7a: {  	[sflag:s17] =	ssyncset.done $0x0  }
0x7b: {  	[sflag:s17] =	ssyncadd.s32 $0xFFFFFE00  }
0x7c: {  	_ =	swait.ge [sflag:s17], $0x200  }
0x7d: {  	s0 =	sand.u32 $0x1800, s30;
	[sflag:s17] =	ssyncset.done $0x0  }
0x7e: {  	s16 =	smin.u32 s31, $0xC2;
	s0 =	sshrl.u32 s0, $0x2;
	[sflag:s17] =	ssyncadd.s32 $0xFFFFFE00  }
0x7f: {  	[tilespmem:s19], [sflag:$0x4] =	stream.indirect.gather [hbm4b:s4+s18], $0x10, s0, s18, $0xb8;
	[tilespmem:$0x1F700] =	vst v63  }
0x80: {  	s0 =	sadd.s32 $0x1, s16  }
0x81: {  	s1 =	sadd.s32 s9, s0  }
0x82: {  	s0 =	sshll.u32 s0, $0x9;
	s1 =	sshll.u32 s1, $0x6  }
0x83: {  	s0 =	sand.u32 $0x600, s0;
	s16 =	sadd.s32 s5, s1  }
0x84: {  	[tilespmem:s0], [sflag:$0x1] =	stream.linear.gather [hbm4b:s16+s3], $0x200, $0x38;
	[tilespmem:$0x1F700] =	vst v63  }
0x85: {  	s1 =	sadd.s32 s6, s1;
	s0 =	sor.u32 $0x800, s0  }
0x86: {  	[tilespmem:s0], [sflag:$0x1] =	stream.linear.gather [hbm4b:s1+s3], $0x200, $0x38;
	[tilespmem:$0x1F700] =	vst v63  }
.LBB2_18:
.Ltmp13:
0x87: {  	s0 =	sadd.s32 $0x1800, s30;
	(pc) =	sbr.rel .LBB2_19-.Ltmp13, $4  }
0x88: {  	_ =	swait.ge [sflag:s20], $0x2000;
	s0 =	sand.u32 $0x1800, s0  }
0x89: {  	[sflag:s20] =	ssyncset.done $0x0;
	s0 =	sshrl.u32 s0, $0x2  }
0x8a: {  	[sflag:s20] =	ssyncadd.s32 $0xFFFFE000;
	s0 =	sor.u32 $0x800, s0  }
0x8b: {  	[spmem:s2] =	stream.indirect.scatter.add.f32 [tilespmem:s21], [sflag:$0x6], $0x10, s0, s18, $0xb8;
	[tilespmem:$0x1F700] =	vst v63  }
.LBB2_10:
0x8c: {  	p0 =	seq.s32 s31, $0xC4  }
.Ltmp14:
0x8d: {  	_ = 	snop;
	(pc) =	sbr.rel @p0 .LBB2_13-.Ltmp14, $1  }
0x8e: {  	_ =	sdelay $0x3  }
.Ltmp15:
0x8f: {  	(pc) =	sbr.rel .LBB2_12-.Ltmp15, $4  }
0x90: {  	_ = 	snop  }
0x91: {  	_ =	swait.ge [sflag:s24], $0x2000  }
0x92: {  	[sflag:s24] =	ssyncset.done $0x0  }
0x93: {  	[sflag:s24] =	ssyncadd.s32 $0xFFFFE000  }
.LBB2_21:
0x94: {  	_ =	sfence.sel $0x180000  }
0x95: {  	[bflag:$0x0] =	sbarrier.arrive $0xFFFF  }
0x96: {  	_ =	strace $0x90000053  }
0x97: {  	s0 =	stileid.u32;
	[bflag:$0x2] =	sbarrier.arrive $0xFFFF  }
0x98: {  	p0 =	sne.s32 s0, $0x0;
	s0 =	rddreg [dreg:$0x2]  }
0x99: {  	s0 =	sadd.s32 @!p0 $0x100000, s0  }
0x9a: {  	[sflag:s0] =	ssyncadd.tile.s32 @!p0 $0x1;
	_ =	shalt  }
.Lfunc_end2:
_tile_overlayer_lowered:
.L_overlay_start_2:
0x9b: {  	(tag) =	ssettag $0x2  }
0x9c: {  	s0 =	rddreg [dreg:$0x0];
	s2 =	stileid.u32  }
0x9d: {  	s1 =	rddreg [dreg:$0x1];
	p0 =	sne.s32 s2, $0x0  }
0x9e: {  	s3 =	rddreg [dreg:$0x2];
	[bflag:$0x3] =	sbarrier.arrive $0xFFFF;
	s2 =	simm.s32 @!p0 $0x1C08  }
0x9f: {  	[timem:s3], [sflag:s2] =	dma.local @!p0 [hbm:s0], s1  }
0xa0: {  	s0 =	simm.s32 @!p0 $0x8  }
0xa1: {  	_ =	swait.ge @!p0 [sflag:s0], s1  }
0xa2: {  	s1 =	ssub.s32 @!p0 $0x0, s1;
	[sflag:s0] =	ssyncset.done @!p0 $0x0  }
0xa3: {  	[sflag:s0] =	ssyncadd.s32 @!p0 s1  }
0xa4: {  	[bflag:$0x3] =	sbarrier.arrive $0xFFFF  }
0xa5: {  	_ =	shalt  }

</sc_bundles>
